<compile_context>
chip_gen: v7x
topology: tpu7x:2x2x1
jax: 0.10.2.dev20260603
libtpu: 0.0.44.dev20260713+nightly
codegen_flags: <defaults>
</compile_context>

<pallas_src>
import functools

import jax
import jax.numpy as jnp
from jax import lax
from jax.experimental import pallas as pl
from jax.experimental.pallas import tpu as pltpu
from jax.experimental.pallas import tpu_sc as plsc

_B, _C, _H, _W = 8, 19, 512, 512
_HW = _H * _W
_NW = 32
_L = 16
_TS = 8192
_VECS = _TS // _L

_KSC = 8
_B0 = _B - _KSC
_PER_W = _KSC * _HW // _NW
_NT = _PER_W // _TS

_BH = 128


def _sc_body(z_hbm, l_hbm, lt_hbm, cm_hbm, out_hbm,
             l_v0, l_v1, lt_v0, lt_v1, cm_v0, cm_v1,
             ig_v0, ig_v1, ib_v0, ib_v1, vg_v0, vg_v1, vb_v0, vb_v1,
             acc_v,
             sem_i0, sem_i1, sem_g0, sem_g1, sem_b0, sem_b1):
  lv = (l_v0, l_v1)
  ltv = (lt_v0, lt_v1)
  cmv = (cm_v0, cm_v1)
  igv = (ig_v0, ig_v1)
  ibv = (ib_v0, ib_v1)
  vgv = (vg_v0, vg_v1)
  vbv = (vb_v0, vb_v1)
  sin = (sem_i0, sem_i1)
  sg = (sem_g0, sem_g1)
  sb = (sem_b0, sem_b1)

  cid = lax.axis_index("c")
  sid = lax.axis_index("s")
  wid = sid * 2 + cid
  base = _B0 * _HW + wid * _PER_W

  def in_copies(t, s):
    st = base + t * _TS
    return (
        pltpu.make_async_copy(l_hbm.at[pl.ds(st, _TS)], lv[s], sin[s]),
        pltpu.make_async_copy(lt_hbm.at[pl.ds(st, _TS)], ltv[s], sin[s]),
        pltpu.make_async_copy(cm_hbm.at[pl.ds(st, _TS)], cmv[s], sin[s]),
    )

  def gather_copies(s):
    return (
        pltpu.make_async_copy(z_hbm.at[igv[s]], vgv[s], sg[s]),
        pltpu.make_async_copy(z_hbm.at[ibv[s]], vbv[s], sb[s]),
    )

  def build(t, s):
    g0 = base + t * _TS
    b = g0 // _HW
    tilebase = g0 + b * (_C - 1) * _HW
    l_r, lt_r, cm_r, ig_r, ib_r = lv[s], ltv[s], cmv[s], igv[s], ibv[s]

    def vec(j, c):
      off = j * _L
      qv = lax.iota(jnp.int32, _L) + (tilebase + off)
      ib = lt_r[pl.ds(off, _L)] * _HW + qv
      ig = l_r[pl.ds(off, _L)] * _HW + qv
      m = cm_r[pl.ds(off, _L)] != 0
      ig_r[pl.ds(off, _L)] = jnp.where(m, ig, ib)
      ib_r[pl.ds(off, _L)] = ib
      return c
    lax.fori_loop(0, _VECS, vec, 0, unroll=8)

  def accum(s, acc):
    vg_r, vb_r = vgv[s], vbv[s]

    def vec(j, a):
      off = j * _L
      return a + (vg_r[pl.ds(off, _L)] - vb_r[pl.ds(off, _L)])
    return lax.fori_loop(0, _VECS, vec, acc, unroll=8)

  for c in in_copies(0, 0):
    c.start()
  if _NT > 1:
    for c in in_copies(1, 1):
      c.start()

  acc = jnp.zeros((_L,), jnp.float32)
  for t in range(_NT):
    s = t % 2
    for c in in_copies(t, s):
      c.wait()
    build(t, s)
    for c in gather_copies(s):
      c.start()
    if t + 2 < _NT:
      for c in in_copies(t + 2, s):
        c.start()
    if t >= 1:
      for c in gather_copies(1 - s):
        c.wait()
      acc = accum(1 - s, acc)
  s_last = (_NT - 1) % 2
  for c in gather_copies(s_last):
    c.wait()
  acc = accum(s_last, acc)

  acc_v[...] = acc
  pltpu.sync_copy(acc_v, out_hbm.at[wid])


def _make_sc_kernel():
  mesh = plsc.VectorSubcoreMesh(core_axis_name="c", subcore_axis_name="s")
  buf_i32 = pltpu.VMEM((_TS,), jnp.int32)
  buf_f32 = pltpu.VMEM((_TS,), jnp.float32)
  return pl.kernel(
      _sc_body,
      out_type=jax.ShapeDtypeStruct((_NW, _L), jnp.float32),
      mesh=mesh,
      scratch_types=[
          buf_i32, buf_i32,
          buf_i32, buf_i32,
          buf_i32, buf_i32,
          buf_i32, buf_i32,
          buf_i32, buf_i32,
          buf_f32, buf_f32,
          buf_f32, buf_f32,
          pltpu.VMEM((_L,), jnp.float32),
          pltpu.SemaphoreType.DMA,
          pltpu.SemaphoreType.DMA,
          pltpu.SemaphoreType.DMA,
          pltpu.SemaphoreType.DMA,
          pltpu.SemaphoreType.DMA,
          pltpu.SemaphoreType.DMA,
      ],
  )


_TCR = 16
_TCW = 4096


def _tc_body(z_ref, l_ref, lt_ref, cm_ref, out_ref):
  @pl.when((pl.program_id(0) == 0) & (pl.program_id(1) == 0))
  def _init():
    out_ref[...] = jnp.zeros_like(out_ref)

  m = cm_ref[0] != 0
  ln = jnp.where(m, l_ref[0], -1)
  ltn = jnp.where(m, lt_ref[0], -1)
  acc = jnp.zeros((_TCR, _TCW), jnp.float32)
  for c in range(_C):
    zc = z_ref[0, c]
    acc = acc + jnp.where(ln == c, zc, 0.0) - jnp.where(ltn == c, zc, 0.0)
  part = jnp.sum(acc.reshape(_TCR // 8, 8, _TCW), axis=0)
  part = jnp.sum(part.reshape(8, _TCW // 128, 128), axis=1)
  out_ref[...] += part


def _make_tc_kernel():
  nbh = _HW // (_TCR * _TCW)
  return pl.pallas_call(
      _tc_body,
      grid=(_B0, nbh),
      in_specs=[
          pl.BlockSpec((1, _C, _TCR, _TCW), lambda i, j: (i, 0, j, 0)),
          pl.BlockSpec((1, _TCR, _TCW), lambda i, j: (i, j, 0)),
          pl.BlockSpec((1, _TCR, _TCW), lambda i, j: (i, j, 0)),
          pl.BlockSpec((1, _TCR, _TCW), lambda i, j: (i, j, 0)),
      ],
      out_specs=pl.BlockSpec((8, 128), lambda i, j: (0, 0)),
      out_shape=jax.ShapeDtypeStruct((8, 128), jnp.float32),
  )


def _flat_tiled_plane(x):
  return x.reshape(8, 64, 8, 4, 128).transpose(0, 1, 3, 2, 4).reshape(-1)


def _flat_tiled_z(z):
  return z.reshape(8, 19, 64, 8, 4, 128).transpose(0, 1, 2, 4, 3, 5).reshape(-1)


def kernel(z, condition, l, l_target):
  zf = _flat_tiled_z(z)
  lf = _flat_tiled_plane(l.astype(jnp.int32))
  ltf = _flat_tiled_plane(l_target.astype(jnp.int32))
  cmf = _flat_tiled_plane(condition.astype(jnp.int32))
  sc_partials = _make_sc_kernel()(zf, lf, ltf, cmf)
  total = jnp.sum(sc_partials)
  if _B0 > 0:
    tc_partials = _make_tc_kernel()(
        zf.reshape(_B, _C, 64, 4096),
        lf.reshape(_B, 64, 4096),
        ltf.reshape(_B, 64, 4096),
        cmf.reshape(_B, 64, 4096),
    )
    total = total + jnp.sum(tc_partials)
  return total

# --- scband reference (transcript-rebuilt; emitter-appended) ---
"""Pipeline reference for scband-targeted-loss-22402549416096 (READ-ONLY COPY).

The authoritative reference and input builder live on the scoring server;
editing this copy changes nothing except your own understanding.
"""

import jax, jax.numpy as jnp
import numpy as np


def setup_inputs(seed: int = 0) -> dict:
    key = jax.random.key(seed)
    k1, k2, k3, k4 = jax.random.split(key, 4)
    B, C, H, W = 8, 19, 512, 512
    z = jax.random.normal(k1, (B, C, H, W), dtype=jnp.float32)
    condition = jax.random.randint(k2, (B, H, W), 0, 2).astype(jnp.bool_)
    l = jax.random.randint(k3, (B, H, W), 0, C).astype(jnp.int64)
    l_target = jax.random.randint(k4, (B, H, W), 0, C).astype(jnp.int64)
    return {"z": z, "condition": condition, "l": l, "l_target": l_target}


def reference(z, condition, l, l_target):
    # z[b, l[b,h,w], h, w] for every (b, h, w): gather along channel axis
    z_good = jnp.take_along_axis(z, l[:, None, :, :], axis=1)[:, 0]
    z_bad = jnp.take_along_axis(z, l_target[:, None, :, :], axis=1)[:, 0]
    diff = z_good - z_bad
    loss = jnp.sum(jnp.where(condition, diff, jnp.zeros_like(diff)))
    return loss

if __name__ == "__main__":
    import jax
    _d = setup_inputs()
    print(jax.jit(kernel)(*tuple(_d.values())))

</pallas_src>

<mosaic_0001>
#map = affine_map<(d0, d1) -> (0)>
#map1 = affine_map<(d0, d1) -> (0, 0)>
module attributes {stable_mosaic.version = 14 : i64} {
  func.func @_sc_body(%arg0: i32, %arg1: i32, %arg2: memref<39845888xf32, #tpu.memory_space<hbm>>, %arg3: memref<2097152xi32, #tpu.memory_space<hbm>>, %arg4: memref<2097152xi32, #tpu.memory_space<hbm>>, %arg5: memref<2097152xi32, #tpu.memory_space<hbm>>, %arg6: memref<32x16xf32, #tpu.memory_space<hbm>>, %arg7: memref<8192xi32, #tpu.memory_space<vmem>>, %arg8: memref<8192xi32, #tpu.memory_space<vmem>>, %arg9: memref<8192xi32, #tpu.memory_space<vmem>>, %arg10: memref<8192xi32, #tpu.memory_space<vmem>>, %arg11: memref<8192xi32, #tpu.memory_space<vmem>>, %arg12: memref<8192xi32, #tpu.memory_space<vmem>>, %arg13: memref<8192xi32, #tpu.memory_space<vmem>>, %arg14: memref<8192xi32, #tpu.memory_space<vmem>>, %arg15: memref<8192xi32, #tpu.memory_space<vmem>>, %arg16: memref<8192xi32, #tpu.memory_space<vmem>>, %arg17: memref<8192xf32, #tpu.memory_space<vmem>>, %arg18: memref<8192xf32, #tpu.memory_space<vmem>>, %arg19: memref<8192xf32, #tpu.memory_space<vmem>>, %arg20: memref<8192xf32, #tpu.memory_space<vmem>>, %arg21: memref<16xf32, #tpu.memory_space<vmem>>, %arg22: memref<!tpu.dma_semaphore, #tpu.memory_space<semaphore_mem>>, %arg23: memref<!tpu.dma_semaphore, #tpu.memory_space<semaphore_mem>>, %arg24: memref<!tpu.dma_semaphore, #tpu.memory_space<semaphore_mem>>, %arg25: memref<!tpu.dma_semaphore, #tpu.memory_space<semaphore_mem>>, %arg26: memref<!tpu.dma_semaphore, #tpu.memory_space<semaphore_mem>>, %arg27: memref<!tpu.dma_semaphore, #tpu.memory_space<semaphore_mem>>) attributes {dimension_semantics = [#tpu.dimension_semantics<core_parallel>, #tpu.dimension_semantics<subcore_parallel>], iteration_bounds = array<i64: 2, 16>, scalar_prefetch = 0 : i64, scratch_operands = 21 : i64, tpu.core_type = #tpu.core_type<sc_vector_subcore>, window_params = [{transform_indices = #map}, {transform_indices = #map}, {transform_indices = #map}, {transform_indices = #map}, {transform_indices = #map1}]} {
    %mul3A = arith.constant 2 : i32
    %mul3A_0 = arith.muli %arg1, %mul3A : i32
    %add3A = arith.addi %mul3A_0, %arg0 : i32
    %mul3A_1 = arith.constant 65536 : i32
    %mul3A_2 = arith.muli %add3A, %mul3A_1 : i32
    %add3A_3 = arith.constant 0 : i32
    %add3A_4 = arith.addi %add3A_3, %mul3A_2 : i32
    %add3A_5 = arith.constant 0 : i32
    %add3A_6 = arith.addi %add3A_4, %add3A_5 : i32
    %dma_start3A = tpu.memref_slice %arg3[%add3A_6] : memref<2097152xi32, #tpu.memory_space<hbm>> -> memref<8192xi32, #tpu.memory_space<hbm>>
    %dma_start3A_7 = tpu.memref_slice %arg3[%add3A_6] : memref<2097152xi32, #tpu.memory_space<hbm>> -> memref<8192xi32, #tpu.memory_space<hbm>>
    tpu.enqueue_dma source(%dma_start3A_7 : memref<8192xi32, #tpu.memory_space<hbm>>) target(%arg7 : memref<8192xi32, #tpu.memory_space<vmem>>) target_semaphore(%arg22 : memref<!tpu.dma_semaphore, #tpu.memory_space<semaphore_mem>>)
    %dma_start3A_8 = tpu.memref_slice %arg4[%add3A_6] : memref<2097152xi32, #tpu.memory_space<hbm>> -> memref<8192xi32, #tpu.memory_space<hbm>>
    %dma_start3A_9 = tpu.memref_slice %arg4[%add3A_6] : memref<2097152xi32, #tpu.memory_space<hbm>> -> memref<8192xi32, #tpu.memory_space<hbm>>
    tpu.enqueue_dma source(%dma_start3A_9 : memref<8192xi32, #tpu.memory_space<hbm>>) target(%arg9 : memref<8192xi32, #tpu.memory_space<vmem>>) target_semaphore(%arg22 : memref<!tpu.dma_semaphore, #tpu.memory_space<semaphore_mem>>)
    %dma_start3A_10 = tpu.memref_slice %arg5[%add3A_6] : memref<2097152xi32, #tpu.memory_space<hbm>> -> memref<8192xi32, #tpu.memory_space<hbm>>
    %dma_start3A_11 = tpu.memref_slice %arg5[%add3A_6] : memref<2097152xi32, #tpu.memory_space<hbm>> -> memref<8192xi32, #tpu.memory_space<hbm>>
    tpu.enqueue_dma source(%dma_start3A_11 : memref<8192xi32, #tpu.memory_space<hbm>>) target(%arg11 : memref<8192xi32, #tpu.memory_space<vmem>>) target_semaphore(%arg22 : memref<!tpu.dma_semaphore, #tpu.memory_space<semaphore_mem>>)
    %add3A_12 = arith.constant 8192 : i32
    %add3A_13 = arith.addi %add3A_4, %add3A_12 : i32
    %dma_start3A_14 = tpu.memref_slice %arg3[%add3A_13] : memref<2097152xi32, #tpu.memory_space<hbm>> -> memref<8192xi32, #tpu.memory_space<hbm>>
    %dma_start3A_15 = tpu.memref_slice %arg3[%add3A_13] : memref<2097152xi32, #tpu.memory_space<hbm>> -> memref<8192xi32, #tpu.memory_space<hbm>>
    tpu.enqueue_dma source(%dma_start3A_15 : memref<8192xi32, #tpu.memory_space<hbm>>) target(%arg8 : memref<8192xi32, #tpu.memory_space<vmem>>) target_semaphore(%arg23 : memref<!tpu.dma_semaphore, #tpu.memory_space<semaphore_mem>>)
    %dma_start3A_16 = tpu.memref_slice %arg4[%add3A_13] : memref<2097152xi32, #tpu.memory_space<hbm>> -> memref<8192xi32, #tpu.memory_space<hbm>>
    %dma_start3A_17 = tpu.memref_slice %arg4[%add3A_13] : memref<2097152xi32, #tpu.memory_space<hbm>> -> memref<8192xi32, #tpu.memory_space<hbm>>
    tpu.enqueue_dma source(%dma_start3A_17 : memref<8192xi32, #tpu.memory_space<hbm>>) target(%arg10 : memref<8192xi32, #tpu.memory_space<vmem>>) target_semaphore(%arg23 : memref<!tpu.dma_semaphore, #tpu.memory_space<semaphore_mem>>)
    %dma_start3A_18 = tpu.memref_slice %arg5[%add3A_13] : memref<2097152xi32, #tpu.memory_space<hbm>> -> memref<8192xi32, #tpu.memory_space<hbm>>
    %dma_start3A_19 = tpu.memref_slice %arg5[%add3A_13] : memref<2097152xi32, #tpu.memory_space<hbm>> -> memref<8192xi32, #tpu.memory_space<hbm>>
    tpu.enqueue_dma source(%dma_start3A_19 : memref<8192xi32, #tpu.memory_space<hbm>>) target(%arg12 : memref<8192xi32, #tpu.memory_space<vmem>>) target_semaphore(%arg23 : memref<!tpu.dma_semaphore, #tpu.memory_space<semaphore_mem>>)
    %broadcast_in_dim3A = arith.constant 0.000000e+00 : f32
    %broadcast_in_dim3A_20 = vector.broadcast %broadcast_in_dim3A : f32 to vector<16xf32>
    %add3A_21 = arith.constant 0 : i32
    %add3A_22 = arith.addi %add3A_4, %add3A_21 : i32
    %dma_wait3A = tpu.memref_slice %arg3[%add3A_22] : memref<2097152xi32, #tpu.memory_space<hbm>> -> memref<8192xi32, #tpu.memory_space<hbm>>
    %dma_wait3A_23 = tpu.memref_slice %arg3[%add3A_22] : memref<2097152xi32, #tpu.memory_space<hbm>> -> memref<8192xi32, #tpu.memory_space<hbm>>
    tpu.wait_dma2 semaphore(%arg22 : memref<!tpu.dma_semaphore, #tpu.memory_space<semaphore_mem>>) src(%dma_wait3A_23 : memref<8192xi32, #tpu.memory_space<hbm>>) dst(%arg7 : memref<8192xi32, #tpu.memory_space<vmem>>)
    %dma_wait3A_24 = tpu.memref_slice %arg4[%add3A_22] : memref<2097152xi32, #tpu.memory_space<hbm>> -> memref<8192xi32, #tpu.memory_space<hbm>>
    %dma_wait3A_25 = tpu.memref_slice %arg4[%add3A_22] : memref<2097152xi32, #tpu.memory_space<hbm>> -> memref<8192xi32, #tpu.memory_space<hbm>>
    tpu.wait_dma2 semaphore(%arg22 : memref<!tpu.dma_semaphore, #tpu.memory_space<semaphore_mem>>) src(%dma_wait3A_25 : memref<8192xi32, #tpu.memory_space<hbm>>) dst(%arg9 : memref<8192xi32, #tpu.memory_space<vmem>>)
    %dma_wait3A_26 = tpu.memref_slice %arg5[%add3A_22] : memref<2097152xi32, #tpu.memory_space<hbm>> -> memref<8192xi32, #tpu.memory_space<hbm>>
    %dma_wait3A_27 = tpu.memref_slice %arg5[%add3A_22] : memref<2097152xi32, #tpu.memory_space<hbm>> -> memref<8192xi32, #tpu.memory_space<hbm>>
    tpu.wait_dma2 semaphore(%arg22 : memref<!tpu.dma_semaphore, #tpu.memory_space<semaphore_mem>>) src(%dma_wait3A_27 : memref<8192xi32, #tpu.memory_space<hbm>>) dst(%arg11 : memref<8192xi32, #tpu.memory_space<vmem>>)
    %add3A_28 = arith.constant 0 : i32
    %add3A_29 = arith.addi %add3A_4, %add3A_28 : i32
    %jit3A = arith.constant 262144 : i32
    %div3A = arith.divsi %add3A_29, %jit3A : i32
    %sign3A = arith.constant 0 : i32
    %sign3A_30 = arith.cmpi sgt, %add3A_29, %sign3A : i32
    %sign3A_31 = arith.extui %sign3A_30 : i1 to i32
    %sign3A_32 = arith.constant 0 : i32
    %sign3A_33 = arith.cmpi slt, %add3A_29, %sign3A_32 : i32
    %sign3A_34 = arith.extui %sign3A_33 : i1 to i32
    %sign3A_35 = arith.subi %sign3A_31, %sign3A_34 : i32
    %sign3A_36 = arith.constant 0 : i32
    %sign3A_37 = arith.cmpi sgt, %jit3A, %sign3A_36 : i32
    %sign3A_38 = arith.extui %sign3A_37 : i1 to i32
    %sign3A_39 = arith.constant 0 : i32
    %sign3A_40 = arith.cmpi slt, %jit3A, %sign3A_39 : i32
    %sign3A_41 = arith.extui %sign3A_40 : i1 to i32
    %sign3A_42 = arith.subi %sign3A_38, %sign3A_41 : i32
    %ne3A = arith.cmpi ne, %sign3A_35, %sign3A_42 : i32
    %rem3A = arith.remsi %add3A_29, %jit3A : i32
    %ne3A_43 = arith.constant 0 : i32
    %ne3A_44 = arith.cmpi ne, %rem3A, %ne3A_43 : i32
    %and3A = arith.andi %ne3A, %ne3A_44 : i1
    %sub3A = arith.constant 1 : i32
    %sub3A_45 = arith.subi %div3A, %sub3A : i32
    %select_n3A = arith.select %and3A, %sub3A_45, %div3A : i32
    %mul3A_46 = arith.constant 18 : i32
    %mul3A_47 = arith.muli %select_n3A, %mul3A_46 : i32
    %mul3A_48 = arith.constant 262144 : i32
    %mul3A_49 = arith.muli %mul3A_47, %mul3A_48 : i32
    %add3A_50 = arith.addi %add3A_29, %mul3A_49 : i32
    %scan3A = arith.constant 0 : i32
    %scan3A_51 = arith.constant 0 : i32
    %scan3A_52 = arith.constant 512 : i32
    %scan3A_53 = arith.addi %scan3A_51, %scan3A_52 : i32
    %scan3A_54 = arith.constant 8 : i32
    scf.for %scan3A_534 = %scan3A_51 to %scan3A_53 step %scan3A_54  : i32 {
      %mul3A_535 = arith.constant 16 : i32
      %mul3A_536 = arith.muli %scan3A_534, %mul3A_535 : i32
      %iota3A = tpu.iota {dimensions = array<i32: 0>} : vector<16xi32>
      %add3A_537 = arith.addi %add3A_50, %mul3A_536 : i32
      %add3A_538 = vector.broadcast %add3A_537 : i32 to vector<16xi32>
      %add3A_539 = arith.addi %iota3A, %add3A_538 : vector<16xi32>
      %get3A = arith.index_cast %mul3A_536 : i32 to index
      %get3A_540 = tpu.vector_load %arg9[%get3A] {strides = array<i32>} : memref<8192xi32, #tpu.memory_space<vmem>>, vector<16xi32>,
      %get3A_541 = vector.shape_cast %get3A_540 : vector<16xi32> to vector<16xi32>
      %mul3A_542 = arith.constant 262144 : i32
      %mul3A_543 = vector.broadcast %mul3A_542 : i32 to vector<16xi32>
      %mul3A_544 = arith.muli %get3A_541, %mul3A_543 : vector<16xi32>
      %add3A_545 = arith.addi %mul3A_544, %add3A_539 : vector<16xi32>
      %get3A_546 = arith.index_cast %mul3A_536 : i32 to index
      %get3A_547 = tpu.vector_load %arg7[%get3A_546] {strides = array<i32>} : memref<8192xi32, #tpu.memory_space<vmem>>, vector<16xi32>,
      %get3A_548 = vector.shape_cast %get3A_547 : vector<16xi32> to vector<16xi32>
      %mul3A_549 = arith.constant 262144 : i32
      %mul3A_550 = vector.broadcast %mul3A_549 : i32 to vector<16xi32>
      %mul3A_551 = arith.muli %get3A_548, %mul3A_550 : vector<16xi32>
      %add3A_552 = arith.addi %mul3A_551, %add3A_539 : vector<16xi32>
      %get3A_553 = arith.index_cast %mul3A_536 : i32 to index
      %get3A_554 = tpu.vector_load %arg11[%get3A_553] {strides = array<i32>} : memref<8192xi32, #tpu.memory_space<vmem>>, vector<16xi32>,
      %get3A_555 = vector.shape_cast %get3A_554 : vector<16xi32> to vector<16xi32>
      %ne3A_556 = arith.constant 0 : i32
      %ne3A_557 = vector.broadcast %ne3A_556 : i32 to vector<16xi32>
      %ne3A_558 = arith.cmpi ne, %get3A_555, %ne3A_557 : vector<16xi32>
      %select_n3A_559 = arith.select %ne3A_558, %add3A_552, %add3A_545 : vector<16xi1>, vector<16xi32>
      %swap3A_560 = arith.index_cast %mul3A_536 : i32 to index
      %swap3A_561 = tpu.vector_load %arg13[%swap3A_560] {strides = array<i32>} : memref<8192xi32, #tpu.memory_space<vmem>>, vector<16xi32>,
      %swap3A_562 = vector.shape_cast %swap3A_561 : vector<16xi32> to vector<16xi32>
      %swap3A_563 = vector.shape_cast %select_n3A_559 : vector<16xi32> to vector<16xi32>
      tpu.vector_store %arg13[%swap3A_560], %swap3A_563 {strides = array<i32>} : memref<8192xi32, #tpu.memory_space<vmem>>, vector<16xi32>,
      %swap3A_564 = arith.index_cast %mul3A_536 : i32 to index
      %swap3A_565 = tpu.vector_load %arg15[%swap3A_564] {strides = array<i32>} : memref<8192xi32, #tpu.memory_space<vmem>>, vector<16xi32>,
      %swap3A_566 = vector.shape_cast %swap3A_565 : vector<16xi32> to vector<16xi32>
      %swap3A_567 = vector.shape_cast %add3A_545 : vector<16xi32> to vector<16xi32>
      tpu.vector_store %arg15[%swap3A_564], %swap3A_567 {strides = array<i32>} : memref<8192xi32, #tpu.memory_space<vmem>>, vector<16xi32>,
      %scan3A_568 = arith.constant 1 : i32
      %scan3A_569 = arith.addi %scan3A_534, %scan3A_568 : i32
      %mul3A_570 = arith.constant 16 : i32
      %mul3A_571 = arith.muli %scan3A_569, %mul3A_570 : i32
      %iota3A_572 = tpu.iota {dimensions = array<i32: 0>} : vector<16xi32>
      %add3A_573 = arith.addi %add3A_50, %mul3A_571 : i32
      %add3A_574 = vector.broadcast %add3A_573 : i32 to vector<16xi32>
      %add3A_575 = arith.addi %iota3A_572, %add3A_574 : vector<16xi32>
      %get3A_576 = arith.index_cast %mul3A_571 : i32 to index
      %get3A_577 = tpu.vector_load %arg9[%get3A_576] {strides = array<i32>} : memref<8192xi32, #tpu.memory_space<vmem>>, vector<16xi32>,
      %get3A_578 = vector.shape_cast %get3A_577 : vector<16xi32> to vector<16xi32>
      %mul3A_579 = arith.constant 262144 : i32
      %mul3A_580 = vector.broadcast %mul3A_579 : i32 to vector<16xi32>
      %mul3A_581 = arith.muli %get3A_578, %mul3A_580 : vector<16xi32>
      %add3A_582 = arith.addi %mul3A_581, %add3A_575 : vector<16xi32>
      %get3A_583 = arith.index_cast %mul3A_571 : i32 to index
      %get3A_584 = tpu.vector_load %arg7[%get3A_583] {strides = array<i32>} : memref<8192xi32, #tpu.memory_space<vmem>>, vector<16xi32>,
      %get3A_585 = vector.shape_cast %get3A_584 : vector<16xi32> to vector<16xi32>
      %mul3A_586 = arith.constant 262144 : i32
      %mul3A_587 = vector.broadcast %mul3A_586 : i32 to vector<16xi32>
      %mul3A_588 = arith.muli %get3A_585, %mul3A_587 : vector<16xi32>
      %add3A_589 = arith.addi %mul3A_588, %add3A_575 : vector<16xi32>
      %get3A_590 = arith.index_cast %mul3A_571 : i32 to index
      %get3A_591 = tpu.vector_load %arg11[%get3A_590] {strides = array<i32>} : memref<8192xi32, #tpu.memory_space<vmem>>, vector<16xi32>,
      %get3A_592 = vector.shape_cast %get3A_591 : vector<16xi32> to vector<16xi32>
      %ne3A_593 = arith.constant 0 : i32
      %ne3A_594 = vector.broadcast %ne3A_593 : i32 to vector<16xi32>
      %ne3A_595 = arith.cmpi ne, %get3A_592, %ne3A_594 : vector<16xi32>
      %select_n3A_596 = arith.select %ne3A_595, %add3A_589, %add3A_582 : vector<16xi1>, vector<16xi32>
      %swap3A_597 = arith.index_cast %mul3A_571 : i32 to index
      %swap3A_598 = tpu.vector_load %arg13[%swap3A_597] {strides = array<i32>} : memref<8192xi32, #tpu.memory_space<vmem>>, vector<16xi32>,
      %swap3A_599 = vector.shape_cast %swap3A_598 : vector<16xi32> to vector<16xi32>
      %swap3A_600 = vector.shape_cast %select_n3A_596 : vector<16xi32> to vector<16xi32>
      tpu.vector_store %arg13[%swap3A_597], %swap3A_600 {strides = array<i32>} : memref<8192xi32, #tpu.memory_space<vmem>>, vector<16xi32>,
      %swap3A_601 = arith.index_cast %mul3A_571 : i32 to index
      %swap3A_602 = tpu.vector_load %arg15[%swap3A_601] {strides = array<i32>} : memref<8192xi32, #tpu.memory_space<vmem>>, vector<16xi32>,
      %swap3A_603 = vector.shape_cast %swap3A_602 : vector<16xi32> to vector<16xi32>
      %swap3A_604 = vector.shape_cast %add3A_582 : vector<16xi32> to vector<16xi32>
      tpu.vector_store %arg15[%swap3A_601], %swap3A_604 {strides = array<i32>} : memref<8192xi32, #tpu.memory_space<vmem>>, vector<16xi32>,
      %scan3A_605 = arith.constant 2 : i32
      %scan3A_606 = arith.addi %scan3A_534, %scan3A_605 : i32
      %mul3A_607 = arith.constant 16 : i32
      %mul3A_608 = arith.muli %scan3A_606, %mul3A_607 : i32
      %iota3A_609 = tpu.iota {dimensions = array<i32: 0>} : vector<16xi32>
      %add3A_610 = arith.addi %add3A_50, %mul3A_608 : i32
      %add3A_611 = vector.broadcast %add3A_610 : i32 to vector<16xi32>
      %add3A_612 = arith.addi %iota3A_609, %add3A_611 : vector<16xi32>
      %get3A_613 = arith.index_cast %mul3A_608 : i32 to index
      %get3A_614 = tpu.vector_load %arg9[%get3A_613] {strides = array<i32>} : memref<8192xi32, #tpu.memory_space<vmem>>, vector<16xi32>,
      %get3A_615 = vector.shape_cast %get3A_614 : vector<16xi32> to vector<16xi32>
      %mul3A_616 = arith.constant 262144 : i32
      %mul3A_617 = vector.broadcast %mul3A_616 : i32 to vector<16xi32>
      %mul3A_618 = arith.muli %get3A_615, %mul3A_617 : vector<16xi32>
      %add3A_619 = arith.addi %mul3A_618, %add3A_612 : vector<16xi32>
      %get3A_620 = arith.index_cast %mul3A_608 : i32 to index
      %get3A_621 = tpu.vector_load %arg7[%get3A_620] {strides = array<i32>} : memref<8192xi32, #tpu.memory_space<vmem>>, vector<16xi32>,
      %get3A_622 = vector.shape_cast %get3A_621 : vector<16xi32> to vector<16xi32>
      %mul3A_623 = arith.constant 262144 : i32
      %mul3A_624 = vector.broadcast %mul3A_623 : i32 to vector<16xi32>
      %mul3A_625 = arith.muli %get3A_622, %mul3A_624 : vector<16xi32>
      %add3A_626 = arith.addi %mul3A_625, %add3A_612 : vector<16xi32>
      %get3A_627 = arith.index_cast %mul3A_608 : i32 to index
      %get3A_628 = tpu.vector_load %arg11[%get3A_627] {strides = array<i32>} : memref<8192xi32, #tpu.memory_space<vmem>>, vector<16xi32>,
      %get3A_629 = vector.shape_cast %get3A_628 : vector<16xi32> to vector<16xi32>
      %ne3A_630 = arith.constant 0 : i32
      %ne3A_631 = vector.broadcast %ne3A_630 : i32 to vector<16xi32>
      %ne3A_632 = arith.cmpi ne, %get3A_629, %ne3A_631 : vector<16xi32>
      %select_n3A_633 = arith.select %ne3A_632, %add3A_626, %add3A_619 : vector<16xi1>, vector<16xi32>
      %swap3A_634 = arith.index_cast %mul3A_608 : i32 to index
      %swap3A_635 = tpu.vector_load %arg13[%swap3A_634] {strides = array<i32>} : memref<8192xi32, #tpu.memory_space<vmem>>, vector<16xi32>,
      %swap3A_636 = vector.shape_cast %swap3A_635 : vector<16xi32> to vector<16xi32>
      %swap3A_637 = vector.shape_cast %select_n3A_633 : vector<16xi32> to vector<16xi32>
      tpu.vector_store %arg13[%swap3A_634], %swap3A_637 {strides = array<i32>} : memref<8192xi32, #tpu.memory_space<vmem>>, vector<16xi32>,
      %swap3A_638 = arith.index_cast %mul3A_608 : i32 to index
      %swap3A_639 = tpu.vector_load %arg15[%swap3A_638] {strides = array<i32>} : memref<8192xi32, #tpu.memory_space<vmem>>, vector<16xi32>,
      %swap3A_640 = vector.shape_cast %swap3A_639 : vector<16xi32> to vector<16xi32>
      %swap3A_641 = vector.shape_cast %add3A_619 : vector<16xi32> to vector<16xi32>
      tpu.vector_store %arg15[%swap3A_638], %swap3A_641 {strides = array<i32>} : memref<8192xi32, #tpu.memory_space<vmem>>, vector<16xi32>,
      %scan3A_642 = arith.constant 3 : i32
      %scan3A_643 = arith.addi %scan3A_534, %scan3A_642 : i32
      %mul3A_644 = arith.constant 16 : i32
      %mul3A_645 = arith.muli %scan3A_643, %mul3A_644 : i32
      %iota3A_646 = tpu.iota {dimensions = array<i32: 0>} : vector<16xi32>
      %add3A_647 = arith.addi %add3A_50, %mul3A_645 : i32
      %add3A_648 = vector.broadcast %add3A_647 : i32 to vector<16xi32>
      %add3A_649 = arith.addi %iota3A_646, %add3A_648 : vector<16xi32>
      %get3A_650 = arith.index_cast %mul3A_645 : i32 to index
      %get3A_651 = tpu.vector_load %arg9[%get3A_650] {strides = array<i32>} : memref<8192xi32, #tpu.memory_space<vmem>>, vector<16xi32>,
      %get3A_652 = vector.shape_cast %get3A_651 : vector<16xi32> to vector<16xi32>
      %mul3A_653 = arith.constant 262144 : i32
      %mul3A_654 = vector.broadcast %mul3A_653 : i32 to vector<16xi32>
      %mul3A_655 = arith.muli %get3A_652, %mul3A_654 : vector<16xi32>
      %add3A_656 = arith.addi %mul3A_655, %add3A_649 : vector<16xi32>
      %get3A_657 = arith.index_cast %mul3A_645 : i32 to index
      %get3A_658 = tpu.vector_load %arg7[%get3A_657] {strides = array<i32>} : memref<8192xi32, #tpu.memory_space<vmem>>, vector<16xi32>,
      %get3A_659 = vector.shape_cast %get3A_658 : vector<16xi32> to vector<16xi32>
      %mul3A_660 = arith.constant 262144 : i32
      %mul3A_661 = vector.broadcast %mul3A_660 : i32 to vector<16xi32>
      %mul3A_662 = arith.muli %get3A_659, %mul3A_661 : vector<16xi32>
      %add3A_663 = arith.addi %mul3A_662, %add3A_649 : vector<16xi32>
      %get3A_664 = arith.index_cast %mul3A_645 : i32 to index
      %get3A_665 = tpu.vector_load %arg11[%get3A_664] {strides = array<i32>} : memref<8192xi32, #tpu.memory_space<vmem>>, vector<16xi32>,
      %get3A_666 = vector.shape_cast %get3A_665 : vector<16xi32> to vector<16xi32>
      %ne3A_667 = arith.constant 0 : i32
      %ne3A_668 = vector.broadcast %ne3A_667 : i32 to vector<16xi32>
      %ne3A_669 = arith.cmpi ne, %get3A_666, %ne3A_668 : vector<16xi32>
      %select_n3A_670 = arith.select %ne3A_669, %add3A_663, %add3A_656 : vector<16xi1>, vector<16xi32>
      %swap3A_671 = arith.index_cast %mul3A_645 : i32 to index
      %swap3A_672 = tpu.vector_load %arg13[%swap3A_671] {strides = array<i32>} : memref<8192xi32, #tpu.memory_space<vmem>>, vector<16xi32>,
      %swap3A_673 = vector.shape_cast %swap3A_672 : vector<16xi32> to vector<16xi32>
      %swap3A_674 = vector.shape_cast %select_n3A_670 : vector<16xi32> to vector<16xi32>
      tpu.vector_store %arg13[%swap3A_671], %swap3A_674 {strides = array<i32>} : memref<8192xi32, #tpu.memory_space<vmem>>, vector<16xi32>,
      %swap3A_675 = arith.index_cast %mul3A_645 : i32 to index
      %swap3A_676 = tpu.vector_load %arg15[%swap3A_675] {strides = array<i32>} : memref<8192xi32, #tpu.memory_space<vmem>>, vector<16xi32>,
      %swap3A_677 = vector.shape_cast %swap3A_676 : vector<16xi32> to vector<16xi32>
      %swap3A_678 = vector.shape_cast %add3A_656 : vector<16xi32> to vector<16xi32>
      tpu.vector_store %arg15[%swap3A_675], %swap3A_678 {strides = array<i32>} : memref<8192xi32, #tpu.memory_space<vmem>>, vector<16xi32>,
      %scan3A_679 = arith.constant 4 : i32
      %scan3A_680 = arith.addi %scan3A_534, %scan3A_679 : i32
      %mul3A_681 = arith.constant 16 : i32
      %mul3A_682 = arith.muli %scan3A_680, %mul3A_681 : i32
      %iota3A_683 = tpu.iota {dimensions = array<i32: 0>} : vector<16xi32>
      %add3A_684 = arith.addi %add3A_50, %mul3A_682 : i32
      %add3A_685 = vector.broadcast %add3A_684 : i32 to vector<16xi32>
      %add3A_686 = arith.addi %iota3A_683, %add3A_685 : vector<16xi32>
      %get3A_687 = arith.index_cast %mul3A_682 : i32 to index
      %get3A_688 = tpu.vector_load %arg9[%get3A_687] {strides = array<i32>} : memref<8192xi32, #tpu.memory_space<vmem>>, vector<16xi32>,
      %get3A_689 = vector.shape_cast %get3A_688 : vector<16xi32> to vector<16xi32>
      %mul3A_690 = arith.constant 262144 : i32
      %mul3A_691 = vector.broadcast %mul3A_690 : i32 to vector<16xi32>
      %mul3A_692 = arith.muli %get3A_689, %mul3A_691 : vector<16xi32>
      %add3A_693 = arith.addi %mul3A_692, %add3A_686 : vector<16xi32>
      %get3A_694 = arith.index_cast %mul3A_682 : i32 to index
      %get3A_695 = tpu.vector_load %arg7[%get3A_694] {strides = array<i32>} : memref<8192xi32, #tpu.memory_space<vmem>>, vector<16xi32>,
      %get3A_696 = vector.shape_cast %get3A_695 : vector<16xi32> to vector<16xi32>
      %mul3A_697 = arith.constant 262144 : i32
      %mul3A_698 = vector.broadcast %mul3A_697 : i32 to vector<16xi32>
      %mul3A_699 = arith.muli %get3A_696, %mul3A_698 : vector<16xi32>
      %add3A_700 = arith.addi %mul3A_699, %add3A_686 : vector<16xi32>
      %get3A_701 = arith.index_cast %mul3A_682 : i32 to index
      %get3A_702 = tpu.vector_load %arg11[%get3A_701] {strides = array<i32>} : memref<8192xi32, #tpu.memory_space<vmem>>, vector<16xi32>,
      %get3A_703 = vector.shape_cast %get3A_702 : vector<16xi32> to vector<16xi32>
      %ne3A_704 = arith.constant 0 : i32
      %ne3A_705 = vector.broadcast %ne3A_704 : i32 to vector<16xi32>
      %ne3A_706 = arith.cmpi ne, %get3A_703, %ne3A_705 : vector<16xi32>
      %select_n3A_707 = arith.select %ne3A_706, %add3A_700, %add3A_693 : vector<16xi1>, vector<16xi32>
      %swap3A_708 = arith.index_cast %mul3A_682 : i32 to index
      %swap3A_709 = tpu.vector_load %arg13[%swap3A_708] {strides = array<i32>} : memref<8192xi32, #tpu.memory_space<vmem>>, vector<16xi32>,
      %swap3A_710 = vector.shape_cast %swap3A_709 : vector<16xi32> to vector<16xi32>
      %swap3A_711 = vector.shape_cast %select_n3A_707 : vector<16xi32> to vector<16xi32>
      tpu.vector_store %arg13[%swap3A_708], %swap3A_711 {strides = array<i32>} : memref<8192xi32, #tpu.memory_space<vmem>>, vector<16xi32>,
      %swap3A_712 = arith.index_cast %mul3A_682 : i32 to index
      %swap3A_713 = tpu.vector_load %arg15[%swap3A_712] {strides = array<i32>} : memref<8192xi32, #tpu.memory_space<vmem>>, vector<16xi32>,
      %swap3A_714 = vector.shape_cast %swap3A_713 : vector<16xi32> to vector<16xi32>
      %swap3A_715 = vector.shape_cast %add3A_693 : vector<16xi32> to vector<16xi32>
      tpu.vector_store %arg15[%swap3A_712], %swap3A_715 {strides = array<i32>} : memref<8192xi32, #tpu.memory_space<vmem>>, vector<16xi32>,
      %scan3A_716 = arith.constant 5 : i32
      %scan3A_717 = arith.addi %scan3A_534, %scan3A_716 : i32
      %mul3A_718 = arith.constant 16 : i32
      %mul3A_719 = arith.muli %scan3A_717, %mul3A_718 : i32
      %iota3A_720 = tpu.iota {dimensions = array<i32: 0>} : vector<16xi32>
      %add3A_721 = arith.addi %add3A_50, %mul3A_719 : i32
      %add3A_722 = vector.broadcast %add3A_721 : i32 to vector<16xi32>
      %add3A_723 = arith.addi %iota3A_720, %add3A_722 : vector<16xi32>
      %get3A_724 = arith.index_cast %mul3A_719 : i32 to index
      %get3A_725 = tpu.vector_load %arg9[%get3A_724] {strides = array<i32>} : memref<8192xi32, #tpu.memory_space<vmem>>, vector<16xi32>,
      %get3A_726 = vector.shape_cast %get3A_725 : vector<16xi32> to vector<16xi32>
      %mul3A_727 = arith.constant 262144 : i32
      %mul3A_728 = vector.broadcast %mul3A_727 : i32 to vector<16xi32>
      %mul3A_729 = arith.muli %get3A_726, %mul3A_728 : vector<16xi32>
      %add3A_730 = arith.addi %mul3A_729, %add3A_723 : vector<16xi32>
      %get3A_731 = arith.index_cast %mul3A_719 : i32 to index
      %get3A_732 = tpu.vector_load %arg7[%get3A_731] {strides = array<i32>} : memref<8192xi32, #tpu.memory_space<vmem>>, vector<16xi32>,
      %get3A_733 = vector.shape_cast %get3A_732 : vector<16xi32> to vector<16xi32>
      %mul3A_734 = arith.constant 262144 : i32
      %mul3A_735 = vector.broadcast %mul3A_734 : i32 to vector<16xi32>
      %mul3A_736 = arith.muli %get3A_733, %mul3A_735 : vector<16xi32>
      %add3A_737 = arith.addi %mul3A_736, %add3A_723 : vector<16xi32>
      %get3A_738 = arith.index_cast %mul3A_719 : i32 to index
      %get3A_739 = tpu.vector_load %arg11[%get3A_738] {strides = array<i32>} : memref<8192xi32, #tpu.memory_space<vmem>>, vector<16xi32>,
      %get3A_740 = vector.shape_cast %get3A_739 : vector<16xi32> to vector<16xi32>
      %ne3A_741 = arith.constant 0 : i32
      %ne3A_742 = vector.broadcast %ne3A_741 : i32 to vector<16xi32>
      %ne3A_743 = arith.cmpi ne, %get3A_740, %ne3A_742 : vector<16xi32>
      %select_n3A_744 = arith.select %ne3A_743, %add3A_737, %add3A_730 : vector<16xi1>, vector<16xi32>
      %swap3A_745 = arith.index_cast %mul3A_719 : i32 to index
      %swap3A_746 = tpu.vector_load %arg13[%swap3A_745] {strides = array<i32>} : memref<8192xi32, #tpu.memory_space<vmem>>, vector<16xi32>,
      %swap3A_747 = vector.shape_cast %swap3A_746 : vector<16xi32> to vector<16xi32>
      %swap3A_748 = vector.shape_cast %select_n3A_744 : vector<16xi32> to vector<16xi32>
      tpu.vector_store %arg13[%swap3A_745], %swap3A_748 {strides = array<i32>} : memref<8192xi32, #tpu.memory_space<vmem>>, vector<16xi32>,
      %swap3A_749 = arith.index_cast %mul3A_719 : i32 to index
      %swap3A_750 = tpu.vector_load %arg15[%swap3A_749] {strides = array<i32>} : memref<8192xi32, #tpu.memory_space<vmem>>, vector<16xi32>,
      %swap3A_751 = vector.shape_cast %swap3A_750 : vector<16xi32> to vector<16xi32>
      %swap3A_752 = vector.shape_cast %add3A_730 : vector<16xi32> to vector<16xi32>
      tpu.vector_store %arg15[%swap3A_749], %swap3A_752 {strides = array<i32>} : memref<8192xi32, #tpu.memory_space<vmem>>, vector<16xi32>,
      %scan3A_753 = arith.constant 6 : i32
      %scan3A_754 = arith.addi %scan3A_534, %scan3A_753 : i32
      %mul3A_755 = arith.constant 16 : i32
      %mul3A_756 = arith.muli %scan3A_754, %mul3A_755 : i32
      %iota3A_757 = tpu.iota {dimensions = array<i32: 0>} : vector<16xi32>
      %add3A_758 = arith.addi %add3A_50, %mul3A_756 : i32
      %add3A_759 = vector.broadcast %add3A_758 : i32 to vector<16xi32>
      %add3A_760 = arith.addi %iota3A_757, %add3A_759 : vector<16xi32>
      %get3A_761 = arith.index_cast %mul3A_756 : i32 to index
      %get3A_762 = tpu.vector_load %arg9[%get3A_761] {strides = array<i32>} : memref<8192xi32, #tpu.memory_space<vmem>>, vector<16xi32>,
      %get3A_763 = vector.shape_cast %get3A_762 : vector<16xi32> to vector<16xi32>
      %mul3A_764 = arith.constant 262144 : i32
      %mul3A_765 = vector.broadcast %mul3A_764 : i32 to vector<16xi32>
      %mul3A_766 = arith.muli %get3A_763, %mul3A_765 : vector<16xi32>
      %add3A_767 = arith.addi %mul3A_766, %add3A_760 : vector<16xi32>
      %get3A_768 = arith.index_cast %mul3A_756 : i32 to index
      %get3A_769 = tpu.vector_load %arg7[%get3A_768] {strides = array<i32>} : memref<8192xi32, #tpu.memory_space<vmem>>, vector<16xi32>,
      %get3A_770 = vector.shape_cast %get3A_769 : vector<16xi32> to vector<16xi32>
      %mul3A_771 = arith.constant 262144 : i32
      %mul3A_772 = vector.broadcast %mul3A_771 : i32 to vector<16xi32>
      %mul3A_773 = arith.muli %get3A_770, %mul3A_772 : vector<16xi32>
      %add3A_774 = arith.addi %mul3A_773, %add3A_760 : vector<16xi32>
      %get3A_775 = arith.index_cast %mul3A_756 : i32 to index
      %get3A_776 = tpu.vector_load %arg11[%get3A_775] {strides = array<i32>} : memref<8192xi32, #tpu.memory_space<vmem>>, vector<16xi32>,
      %get3A_777 = vector.shape_cast %get3A_776 : vector<16xi32> to vector<16xi32>
      %ne3A_778 = arith.constant 0 : i32
      %ne3A_779 = vector.broadcast %ne3A_778 : i32 to vector<16xi32>
      %ne3A_780 = arith.cmpi ne, %get3A_777, %ne3A_779 : vector<16xi32>
      %select_n3A_781 = arith.select %ne3A_780, %add3A_774, %add3A_767 : vector<16xi1>, vector<16xi32>
      %swap3A_782 = arith.index_cast %mul3A_756 : i32 to index
      %swap3A_783 = tpu.vector_load %arg13[%swap3A_782] {strides = array<i32>} : memref<8192xi32, #tpu.memory_space<vmem>>, vector<16xi32>,
      %swap3A_784 = vector.shape_cast %swap3A_783 : vector<16xi32> to vector<16xi32>
      %swap3A_785 = vector.shape_cast %select_n3A_781 : vector<16xi32> to vector<16xi32>
      tpu.vector_store %arg13[%swap3A_782], %swap3A_785 {strides = array<i32>} : memref<8192xi32, #tpu.memory_space<vmem>>, vector<16xi32>,
      %swap3A_786 = arith.index_cast %mul3A_756 : i32 to index
      %swap3A_787 = tpu.vector_load %arg15[%swap3A_786] {strides = array<i32>} : memref<8192xi32, #tpu.memory_space<vmem>>, vector<16xi32>,
      %swap3A_788 = vector.shape_cast %swap3A_787 : vector<16xi32> to vector<16xi32>
      %swap3A_789 = vector.shape_cast %add3A_767 : vector<16xi32> to vector<16xi32>
      tpu.vector_store %arg15[%swap3A_786], %swap3A_789 {strides = array<i32>} : memref<8192xi32, #tpu.memory_space<vmem>>, vector<16xi32>,
      %scan3A_790 = arith.constant 7 : i32
      %scan3A_791 = arith.addi %scan3A_534, %scan3A_790 : i32
      %mul3A_792 = arith.constant 16 : i32
      %mul3A_793 = arith.muli %scan3A_791, %mul3A_792 : i32
      %iota3A_794 = tpu.iota {dimensions = array<i32: 0>} : vector<16xi32>
      %add3A_795 = arith.addi %add3A_50, %mul3A_793 : i32
      %add3A_796 = vector.broadcast %add3A_795 : i32 to vector<16xi32>
      %add3A_797 = arith.addi %iota3A_794, %add3A_796 : vector<16xi32>
      %get3A_798 = arith.index_cast %mul3A_793 : i32 to index
      %get3A_799 = tpu.vector_load %arg9[%get3A_798] {strides = array<i32>} : memref<8192xi32, #tpu.memory_space<vmem>>, vector<16xi32>,
      %get3A_800 = vector.shape_cast %get3A_799 : vector<16xi32> to vector<16xi32>
      %mul3A_801 = arith.constant 262144 : i32
      %mul3A_802 = vector.broadcast %mul3A_801 : i32 to vector<16xi32>
      %mul3A_803 = arith.muli %get3A_800, %mul3A_802 : vector<16xi32>
      %add3A_804 = arith.addi %mul3A_803, %add3A_797 : vector<16xi32>
      %get3A_805 = arith.index_cast %mul3A_793 : i32 to index
      %get3A_806 = tpu.vector_load %arg7[%get3A_805] {strides = array<i32>} : memref<8192xi32, #tpu.memory_space<vmem>>, vector<16xi32>,
      %get3A_807 = vector.shape_cast %get3A_806 : vector<16xi32> to vector<16xi32>
      %mul3A_808 = arith.constant 262144 : i32
      %mul3A_809 = vector.broadcast %mul3A_808 : i32 to vector<16xi32>
      %mul3A_810 = arith.muli %get3A_807, %mul3A_809 : vector<16xi32>
      %add3A_811 = arith.addi %mul3A_810, %add3A_797 : vector<16xi32>
      %get3A_812 = arith.index_cast %mul3A_793 : i32 to index
      %get3A_813 = tpu.vector_load %arg11[%get3A_812] {strides = array<i32>} : memref<8192xi32, #tpu.memory_space<vmem>>, vector<16xi32>,
      %get3A_814 = vector.shape_cast %get3A_813 : vector<16xi32> to vector<16xi32>
      %ne3A_815 = arith.constant 0 : i32
      %ne3A_816 = vector.broadcast %ne3A_815 : i32 to vector<16xi32>
      %ne3A_817 = arith.cmpi ne, %get3A_814, %ne3A_816 : vector<16xi32>
      %select_n3A_818 = arith.select %ne3A_817, %add3A_811, %add3A_804 : vector<16xi1>, vector<16xi32>
      %swap3A_819 = arith.index_cast %mul3A_793 : i32 to index
      %swap3A_820 = tpu.vector_load %arg13[%swap3A_819] {strides = array<i32>} : memref<8192xi32, #tpu.memory_space<vmem>>, vector<16xi32>,
      %swap3A_821 = vector.shape_cast %swap3A_820 : vector<16xi32> to vector<16xi32>
      %swap3A_822 = vector.shape_cast %select_n3A_818 : vector<16xi32> to vector<16xi32>
      tpu.vector_store %arg13[%swap3A_819], %swap3A_822 {strides = array<i32>} : memref<8192xi32, #tpu.memory_space<vmem>>, vector<16xi32>,
      %swap3A_823 = arith.index_cast %mul3A_793 : i32 to index
      %swap3A_824 = tpu.vector_load %arg15[%swap3A_823] {strides = array<i32>} : memref<8192xi32, #tpu.memory_space<vmem>>, vector<16xi32>,
      %swap3A_825 = vector.shape_cast %swap3A_824 : vector<16xi32> to vector<16xi32>
      %swap3A_826 = vector.shape_cast %add3A_804 : vector<16xi32> to vector<16xi32>
      tpu.vector_store %arg15[%swap3A_823], %swap3A_826 {strides = array<i32>} : memref<8192xi32, #tpu.memory_space<vmem>>, vector<16xi32>,
    }
    %scan3A_55 = arith.constant 512 : i32
    %dma_start3A_56 = arith.constant 0 : i32
    %dma_start3A_57 = tpu.memref_slice %arg2[%dma_start3A_56] : memref<39845888xf32, #tpu.memory_space<hbm>> -> memref<39845888xf32, #tpu.memory_space<hbm>>
    tpu.enqueue_indirect_dma source(%dma_start3A_57 : memref<39845888xf32, #tpu.memory_space<hbm>>) target(%arg17 : memref<8192xf32, #tpu.memory_space<vmem>>) offsets(%arg13 : memref<8192xi32, #tpu.memory_space<vmem>>) semaphore(%arg24 : memref<!tpu.dma_semaphore, #tpu.memory_space<semaphore_mem>>)
    %dma_start3A_58 = arith.constant 0 : i32
    %dma_start3A_59 = tpu.memref_slice %arg2[%dma_start3A_58] : memref<39845888xf32, #tpu.memory_space<hbm>> -> memref<39845888xf32, #tpu.memory_space<hbm>>
    tpu.enqueue_indirect_dma source(%dma_start3A_59 : memref<39845888xf32, #tpu.memory_space<hbm>>) target(%arg19 : memref<8192xf32, #tpu.memory_space<vmem>>) offsets(%arg15 : memref<8192xi32, #tpu.memory_space<vmem>>) semaphore(%arg26 : memref<!tpu.dma_semaphore, #tpu.memory_space<semaphore_mem>>)
    %add3A_60 = arith.constant 16384 : i32
    %add3A_61 = arith.addi %add3A_4, %add3A_60 : i32
    %dma_start3A_62 = tpu.memref_slice %arg3[%add3A_61] : memref<2097152xi32, #tpu.memory_space<hbm>> -> memref<8192xi32, #tpu.memory_space<hbm>>
    %dma_start3A_63 = tpu.memref_slice %arg3[%add3A_61] : memref<2097152xi32, #tpu.memory_space<hbm>> -> memref<8192xi32, #tpu.memory_space<hbm>>
    tpu.enqueue_dma source(%dma_start3A_63 : memref<8192xi32, #tpu.memory_space<hbm>>) target(%arg7 : memref<8192xi32, #tpu.memory_space<vmem>>) target_semaphore(%arg22 : memref<!tpu.dma_semaphore, #tpu.memory_space<semaphore_mem>>)
    %dma_start3A_64 = tpu.memref_slice %arg4[%add3A_61] : memref<2097152xi32, #tpu.memory_space<hbm>> -> memref<8192xi32, #tpu.memory_space<hbm>>
    %dma_start3A_65 = tpu.memref_slice %arg4[%add3A_61] : memref<2097152xi32, #tpu.memory_space<hbm>> -> memref<8192xi32, #tpu.memory_space<hbm>>
    tpu.enqueue_dma source(%dma_start3A_65 : memref<8192xi32, #tpu.memory_space<hbm>>) target(%arg9 : memref<8192xi32, #tpu.memory_space<vmem>>) target_semaphore(%arg22 : memref<!tpu.dma_semaphore, #tpu.memory_space<semaphore_mem>>)
    %dma_start3A_66 = tpu.memref_slice %arg5[%add3A_61] : memref<2097152xi32, #tpu.memory_space<hbm>> -> memref<8192xi32, #tpu.memory_space<hbm>>
    %dma_start3A_67 = tpu.memref_slice %arg5[%add3A_61] : memref<2097152xi32, #tpu.memory_space<hbm>> -> memref<8192xi32, #tpu.memory_space<hbm>>
    tpu.enqueue_dma source(%dma_start3A_67 : memref<8192xi32, #tpu.memory_space<hbm>>) target(%arg11 : memref<8192xi32, #tpu.memory_space<vmem>>) target_semaphore(%arg22 : memref<!tpu.dma_semaphore, #tpu.memory_space<semaphore_mem>>)
    %add3A_68 = arith.constant 8192 : i32
    %add3A_69 = arith.addi %add3A_4, %add3A_68 : i32
    %dma_wait3A_70 = tpu.memref_slice %arg3[%add3A_69] : memref<2097152xi32, #tpu.memory_space<hbm>> -> memref<8192xi32, #tpu.memory_space<hbm>>
    %dma_wait3A_71 = tpu.memref_slice %arg3[%add3A_69] : memref<2097152xi32, #tpu.memory_space<hbm>> -> memref<8192xi32, #tpu.memory_space<hbm>>
    tpu.wait_dma2 semaphore(%arg23 : memref<!tpu.dma_semaphore, #tpu.memory_space<semaphore_mem>>) src(%dma_wait3A_71 : memref<8192xi32, #tpu.memory_space<hbm>>) dst(%arg8 : memref<8192xi32, #tpu.memory_space<vmem>>)
    %dma_wait3A_72 = tpu.memref_slice %arg4[%add3A_69] : memref<2097152xi32, #tpu.memory_space<hbm>> -> memref<8192xi32, #tpu.memory_space<hbm>>
    %dma_wait3A_73 = tpu.memref_slice %arg4[%add3A_69] : memref<2097152xi32, #tpu.memory_space<hbm>> -> memref<8192xi32, #tpu.memory_space<hbm>>
    tpu.wait_dma2 semaphore(%arg23 : memref<!tpu.dma_semaphore, #tpu.memory_space<semaphore_mem>>) src(%dma_wait3A_73 : memref<8192xi32, #tpu.memory_space<hbm>>) dst(%arg10 : memref<8192xi32, #tpu.memory_space<vmem>>)
    %dma_wait3A_74 = tpu.memref_slice %arg5[%add3A_69] : memref<2097152xi32, #tpu.memory_space<hbm>> -> memref<8192xi32, #tpu.memory_space<hbm>>
    %dma_wait3A_75 = tpu.memref_slice %arg5[%add3A_69] : memref<2097152xi32, #tpu.memory_space<hbm>> -> memref<8192xi32, #tpu.memory_space<hbm>>
    tpu.wait_dma2 semaphore(%arg23 : memref<!tpu.dma_semaphore, #tpu.memory_space<semaphore_mem>>) src(%dma_wait3A_75 : memref<8192xi32, #tpu.memory_space<hbm>>) dst(%arg12 : memref<8192xi32, #tpu.memory_space<vmem>>)
    %add3A_76 = arith.constant 8192 : i32
    %add3A_77 = arith.addi %add3A_4, %add3A_76 : i32
    %jit3A_78 = arith.constant 262144 : i32
    %div3A_79 = arith.divsi %add3A_77, %jit3A_78 : i32
    %sign3A_80 = arith.constant 0 : i32
    %sign3A_81 = arith.cmpi sgt, %add3A_77, %sign3A_80 : i32
    %sign3A_82 = arith.extui %sign3A_81 : i1 to i32
    %sign3A_83 = arith.constant 0 : i32
    %sign3A_84 = arith.cmpi slt, %add3A_77, %sign3A_83 : i32
    %sign3A_85 = arith.extui %sign3A_84 : i1 to i32
    %sign3A_86 = arith.subi %sign3A_82, %sign3A_85 : i32
    %sign3A_87 = arith.constant 0 : i32
    %sign3A_88 = arith.cmpi sgt, %jit3A_78, %sign3A_87 : i32
    %sign3A_89 = arith.extui %sign3A_88 : i1 to i32
    %sign3A_90 = arith.constant 0 : i32
    %sign3A_91 = arith.cmpi slt, %jit3A_78, %sign3A_90 : i32
    %sign3A_92 = arith.extui %sign3A_91 : i1 to i32
    %sign3A_93 = arith.subi %sign3A_89, %sign3A_92 : i32
    %ne3A_94 = arith.cmpi ne, %sign3A_86, %sign3A_93 : i32
    %rem3A_95 = arith.remsi %add3A_77, %jit3A_78 : i32
    %ne3A_96 = arith.constant 0 : i32
    %ne3A_97 = arith.cmpi ne, %rem3A_95, %ne3A_96 : i32
    %and3A_98 = arith.andi %ne3A_94, %ne3A_97 : i1
    %sub3A_99 = arith.constant 1 : i32
    %sub3A_100 = arith.subi %div3A_79, %sub3A_99 : i32
    %select_n3A_101 = arith.select %and3A_98, %sub3A_100, %div3A_79 : i32
    %mul3A_102 = arith.constant 18 : i32
    %mul3A_103 = arith.muli %select_n3A_101, %mul3A_102 : i32
    %mul3A_104 = arith.constant 262144 : i32
    %mul3A_105 = arith.muli %mul3A_103, %mul3A_104 : i32
    %add3A_106 = arith.addi %add3A_77, %mul3A_105 : i32
    %scan3A_107 = arith.constant 0 : i32
    %scan3A_108 = arith.constant 0 : i32
    %scan3A_109 = arith.constant 512 : i32
    %scan3A_110 = arith.addi %scan3A_108, %scan3A_109 : i32
    %scan3A_111 = arith.constant 8 : i32
    scf.for %scan3A_534 = %scan3A_108 to %scan3A_110 step %scan3A_111  : i32 {
      %mul3A_535 = arith.constant 16 : i32
      %mul3A_536 = arith.muli %scan3A_534, %mul3A_535 : i32
      %iota3A = tpu.iota {dimensions = array<i32: 0>} : vector<16xi32>
      %add3A_537 = arith.addi %add3A_106, %mul3A_536 : i32
      %add3A_538 = vector.broadcast %add3A_537 : i32 to vector<16xi32>
      %add3A_539 = arith.addi %iota3A, %add3A_538 : vector<16xi32>
      %get3A = arith.index_cast %mul3A_536 : i32 to index
      %get3A_540 = tpu.vector_load %arg10[%get3A] {strides = array<i32>} : memref<8192xi32, #tpu.memory_space<vmem>>, vector<16xi32>,
      %get3A_541 = vector.shape_cast %get3A_540 : vector<16xi32> to vector<16xi32>
      %mul3A_542 = arith.constant 262144 : i32
      %mul3A_543 = vector.broadcast %mul3A_542 : i32 to vector<16xi32>
      %mul3A_544 = arith.muli %get3A_541, %mul3A_543 : vector<16xi32>
      %add3A_545 = arith.addi %mul3A_544, %add3A_539 : vector<16xi32>
      %get3A_546 = arith.index_cast %mul3A_536 : i32 to index
      %get3A_547 = tpu.vector_load %arg8[%get3A_546] {strides = array<i32>} : memref<8192xi32, #tpu.memory_space<vmem>>, vector<16xi32>,
      %get3A_548 = vector.shape_cast %get3A_547 : vector<16xi32> to vector<16xi32>
      %mul3A_549 = arith.constant 262144 : i32
      %mul3A_550 = vector.broadcast %mul3A_549 : i32 to vector<16xi32>
      %mul3A_551 = arith.muli %get3A_548, %mul3A_550 : vector<16xi32>
      %add3A_552 = arith.addi %mul3A_551, %add3A_539 : vector<16xi32>
      %get3A_553 = arith.index_cast %mul3A_536 : i32 to index
      %get3A_554 = tpu.vector_load %arg12[%get3A_553] {strides = array<i32>} : memref<8192xi32, #tpu.memory_space<vmem>>, vector<16xi32>,
      %get3A_555 = vector.shape_cast %get3A_554 : vector<16xi32> to vector<16xi32>
      %ne3A_556 = arith.constant 0 : i32
      %ne3A_557 = vector.broadcast %ne3A_556 : i32 to vector<16xi32>
      %ne3A_558 = arith.cmpi ne, %get3A_555, %ne3A_557 : vector<16xi32>
      %select_n3A_559 = arith.select %ne3A_558, %add3A_552, %add3A_545 : vector<16xi1>, vector<16xi32>
      %swap3A_560 = arith.index_cast %mul3A_536 : i32 to index
      %swap3A_561 = tpu.vector_load %arg14[%swap3A_560] {strides = array<i32>} : memref<8192xi32, #tpu.memory_space<vmem>>, vector<16xi32>,
      %swap3A_562 = vector.shape_cast %swap3A_561 : vector<16xi32> to vector<16xi32>
      %swap3A_563 = vector.shape_cast %select_n3A_559 : vector<16xi32> to vector<16xi32>
      tpu.vector_store %arg14[%swap3A_560], %swap3A_563 {strides = array<i32>} : memref<8192xi32, #tpu.memory_space<vmem>>, vector<16xi32>,
      %swap3A_564 = arith.index_cast %mul3A_536 : i32 to index
      %swap3A_565 = tpu.vector_load %arg16[%swap3A_564] {strides = array<i32>} : memref<8192xi32, #tpu.memory_space<vmem>>, vector<16xi32>,
      %swap3A_566 = vector.shape_cast %swap3A_565 : vector<16xi32> to vector<16xi32>
      %swap3A_567 = vector.shape_cast %add3A_545 : vector<16xi32> to vector<16xi32>
      tpu.vector_store %arg16[%swap3A_564], %swap3A_567 {strides = array<i32>} : memref<8192xi32, #tpu.memory_space<vmem>>, vector<16xi32>,
      %scan3A_568 = arith.constant 1 : i32
      %scan3A_569 = arith.addi %scan3A_534, %scan3A_568 : i32
      %mul3A_570 = arith.constant 16 : i32
      %mul3A_571 = arith.muli %scan3A_569, %mul3A_570 : i32
      %iota3A_572 = tpu.iota {dimensions = array<i32: 0>} : vector<16xi32>
      %add3A_573 = arith.addi %add3A_106, %mul3A_571 : i32
      %add3A_574 = vector.broadcast %add3A_573 : i32 to vector<16xi32>
      %add3A_575 = arith.addi %iota3A_572, %add3A_574 : vector<16xi32>
      %get3A_576 = arith.index_cast %mul3A_571 : i32 to index
      %get3A_577 = tpu.vector_load %arg10[%get3A_576] {strides = array<i32>} : memref<8192xi32, #tpu.memory_space<vmem>>, vector<16xi32>,
      %get3A_578 = vector.shape_cast %get3A_577 : vector<16xi32> to vector<16xi32>
      %mul3A_579 = arith.constant 262144 : i32
      %mul3A_580 = vector.broadcast %mul3A_579 : i32 to vector<16xi32>
      %mul3A_581 = arith.muli %get3A_578, %mul3A_580 : vector<16xi32>
      %add3A_582 = arith.addi %mul3A_581, %add3A_575 : vector<16xi32>
      %get3A_583 = arith.index_cast %mul3A_571 : i32 to index
      %get3A_584 = tpu.vector_load %arg8[%get3A_583] {strides = array<i32>} : memref<8192xi32, #tpu.memory_space<vmem>>, vector<16xi32>,
      %get3A_585 = vector.shape_cast %get3A_584 : vector<16xi32> to vector<16xi32>
      %mul3A_586 = arith.constant 262144 : i32
      %mul3A_587 = vector.broadcast %mul3A_586 : i32 to vector<16xi32>
      %mul3A_588 = arith.muli %get3A_585, %mul3A_587 : vector<16xi32>
      %add3A_589 = arith.addi %mul3A_588, %add3A_575 : vector<16xi32>
      %get3A_590 = arith.index_cast %mul3A_571 : i32 to index
      %get3A_591 = tpu.vector_load %arg12[%get3A_590] {strides = array<i32>} : memref<8192xi32, #tpu.memory_space<vmem>>, vector<16xi32>,
      %get3A_592 = vector.shape_cast %get3A_591 : vector<16xi32> to vector<16xi32>
      %ne3A_593 = arith.constant 0 : i32
      %ne3A_594 = vector.broadcast %ne3A_593 : i32 to vector<16xi32>
      %ne3A_595 = arith.cmpi ne, %get3A_592, %ne3A_594 : vector<16xi32>
      %select_n3A_596 = arith.select %ne3A_595, %add3A_589, %add3A_582 : vector<16xi1>, vector<16xi32>
      %swap3A_597 = arith.index_cast %mul3A_571 : i32 to index
      %swap3A_598 = tpu.vector_load %arg14[%swap3A_597] {strides = array<i32>} : memref<8192xi32, #tpu.memory_space<vmem>>, vector<16xi32>,
      %swap3A_599 = vector.shape_cast %swap3A_598 : vector<16xi32> to vector<16xi32>
      %swap3A_600 = vector.shape_cast %select_n3A_596 : vector<16xi32> to vector<16xi32>
      tpu.vector_store %arg14[%swap3A_597], %swap3A_600 {strides = array<i32>} : memref<8192xi32, #tpu.memory_space<vmem>>, vector<16xi32>,
      %swap3A_601 = arith.index_cast %mul3A_571 : i32 to index
      %swap3A_602 = tpu.vector_load %arg16[%swap3A_601] {strides = array<i32>} : memref<8192xi32, #tpu.memory_space<vmem>>, vector<16xi32>,
      %swap3A_603 = vector.shape_cast %swap3A_602 : vector<16xi32> to vector<16xi32>
      %swap3A_604 = vector.shape_cast %add3A_582 : vector<16xi32> to vector<16xi32>
      tpu.vector_store %arg16[%swap3A_601], %swap3A_604 {strides = array<i32>} : memref<8192xi32, #tpu.memory_space<vmem>>, vector<16xi32>,
      %scan3A_605 = arith.constant 2 : i32
      %scan3A_606 = arith.addi %scan3A_534, %scan3A_605 : i32
      %mul3A_607 = arith.constant 16 : i32
      %mul3A_608 = arith.muli %scan3A_606, %mul3A_607 : i32
      %iota3A_609 = tpu.iota {dimensions = array<i32: 0>} : vector<16xi32>
      %add3A_610 = arith.addi %add3A_106, %mul3A_608 : i32
      %add3A_611 = vector.broadcast %add3A_610 : i32 to vector<16xi32>
      %add3A_612 = arith.addi %iota3A_609, %add3A_611 : vector<16xi32>
      %get3A_613 = arith.index_cast %mul3A_608 : i32 to index
      %get3A_614 = tpu.vector_load %arg10[%get3A_613] {strides = array<i32>} : memref<8192xi32, #tpu.memory_space<vmem>>, vector<16xi32>,
      %get3A_615 = vector.shape_cast %get3A_614 : vector<16xi32> to vector<16xi32>
      %mul3A_616 = arith.constant 262144 : i32
      %mul3A_617 = vector.broadcast %mul3A_616 : i32 to vector<16xi32>
      %mul3A_618 = arith.muli %get3A_615, %mul3A_617 : vector<16xi32>
      %add3A_619 = arith.addi %mul3A_618, %add3A_612 : vector<16xi32>
      %get3A_620 = arith.index_cast %mul3A_608 : i32 to index
      %get3A_621 = tpu.vector_load %arg8[%get3A_620] {strides = array<i32>} : memref<8192xi32, #tpu.memory_space<vmem>>, vector<16xi32>,
      %get3A_622 = vector.shape_cast %get3A_621 : vector<16xi32> to vector<16xi32>
      %mul3A_623 = arith.constant 262144 : i32
      %mul3A_624 = vector.broadcast %mul3A_623 : i32 to vector<16xi32>
      %mul3A_625 = arith.muli %get3A_622, %mul3A_624 : vector<16xi32>
      %add3A_626 = arith.addi %mul3A_625, %add3A_612 : vector<16xi32>
      %get3A_627 = arith.index_cast %mul3A_608 : i32 to index
      %get3A_628 = tpu.vector_load %arg12[%get3A_627] {strides = array<i32>} : memref<8192xi32, #tpu.memory_space<vmem>>, vector<16xi32>,
      %get3A_629 = vector.shape_cast %get3A_628 : vector<16xi32> to vector<16xi32>
      %ne3A_630 = arith.constant 0 : i32
      %ne3A_631 = vector.broadcast %ne3A_630 : i32 to vector<16xi32>
      %ne3A_632 = arith.cmpi ne, %get3A_629, %ne3A_631 : vector<16xi32>
      %select_n3A_633 = arith.select %ne3A_632, %add3A_626, %add3A_619 : vector<16xi1>, vector<16xi32>
      %swap3A_634 = arith.index_cast %mul3A_608 : i32 to index
      %swap3A_635 = tpu.vector_load %arg14[%swap3A_634] {strides = array<i32>} : memref<8192xi32, #tpu.memory_space<vmem>>, vector<16xi32>,
      %swap3A_636 = vector.shape_cast %swap3A_635 : vector<16xi32> to vector<16xi32>
      %swap3A_637 = vector.shape_cast %select_n3A_633 : vector<16xi32> to vector<16xi32>
      tpu.vector_store %arg14[%swap3A_634], %swap3A_637 {strides = array<i32>} : memref<8192xi32, #tpu.memory_space<vmem>>, vector<16xi32>,
      %swap3A_638 = arith.index_cast %mul3A_608 : i32 to index
      %swap3A_639 = tpu.vector_load %arg16[%swap3A_638] {strides = array<i32>} : memref<8192xi32, #tpu.memory_space<vmem>>, vector<16xi32>,
      %swap3A_640 = vector.shape_cast %swap3A_639 : vector<16xi32> to vector<16xi32>
      %swap3A_641 = vector.shape_cast %add3A_619 : vector<16xi32> to vector<16xi32>
      tpu.vector_store %arg16[%swap3A_638], %swap3A_641 {strides = array<i32>} : memref<8192xi32, #tpu.memory_space<vmem>>, vector<16xi32>,
      %scan3A_642 = arith.constant 3 : i32
      %scan3A_643 = arith.addi %scan3A_534, %scan3A_642 : i32
      %mul3A_644 = arith.constant 16 : i32
      %mul3A_645 = arith.muli %scan3A_643, %mul3A_644 : i32
      %iota3A_646 = tpu.iota {dimensions = array<i32: 0>} : vector<16xi32>
      %add3A_647 = arith.addi %add3A_106, %mul3A_645 : i32
      %add3A_648 = vector.broadcast %add3A_647 : i32 to vector<16xi32>
      %add3A_649 = arith.addi %iota3A_646, %add3A_648 : vector<16xi32>
      %get3A_650 = arith.index_cast %mul3A_645 : i32 to index
      %get3A_651 = tpu.vector_load %arg10[%get3A_650] {strides = array<i32>} : memref<8192xi32, #tpu.memory_space<vmem>>, vector<16xi32>,
      %get3A_652 = vector.shape_cast %get3A_651 : vector<16xi32> to vector<16xi32>
      %mul3A_653 = arith.constant 262144 : i32
      %mul3A_654 = vector.broadcast %mul3A_653 : i32 to vector<16xi32>
      %mul3A_655 = arith.muli %get3A_652, %mul3A_654 : vector<16xi32>
      %add3A_656 = arith.addi %mul3A_655, %add3A_649 : vector<16xi32>
      %get3A_657 = arith.index_cast %mul3A_645 : i32 to index
      %get3A_658 = tpu.vector_load %arg8[%get3A_657] {strides = array<i32>} : memref<8192xi32, #tpu.memory_space<vmem>>, vector<16xi32>,
      %get3A_659 = vector.shape_cast %get3A_658 : vector<16xi32> to vector<16xi32>
      %mul3A_660 = arith.constant 262144 : i32
      %mul3A_661 = vector.broadcast %mul3A_660 : i32 to vector<16xi32>
      %mul3A_662 = arith.muli %get3A_659, %mul3A_661 : vector<16xi32>
      %add3A_663 = arith.addi %mul3A_662, %add3A_649 : vector<16xi32>
      %get3A_664 = arith.index_cast %mul3A_645 : i32 to index
      %get3A_665 = tpu.vector_load %arg12[%get3A_664] {strides = array<i32>} : memref<8192xi32, #tpu.memory_space<vmem>>, vector<16xi32>,
      %get3A_666 = vector.shape_cast %get3A_665 : vector<16xi32> to vector<16xi32>
      %ne3A_667 = arith.constant 0 : i32
      %ne3A_668 = vector.broadcast %ne3A_667 : i32 to vector<16xi32>
      %ne3A_669 = arith.cmpi ne, %get3A_666, %ne3A_668 : vector<16xi32>
      %select_n3A_670 = arith.select %ne3A_669, %add3A_663, %add3A_656 : vector<16xi1>, vector<16xi32>
      %swap3A_671 = arith.index_cast %mul3A_645 : i32 to index
      %swap3A_672 = tpu.vector_load %arg14[%swap3A_671] {strides = array<i32>} : memref<8192xi32, #tpu.memory_space<vmem>>, vector<16xi32>,
      %swap3A_673 = vector.shape_cast %swap3A_672 : vector<16xi32> to vector<16xi32>
      %swap3A_674 = vector.shape_cast %select_n3A_670 : vector<16xi32> to vector<16xi32>
      tpu.vector_store %arg14[%swap3A_671], %swap3A_674 {strides = array<i32>} : memref<8192xi32, #tpu.memory_space<vmem>>, vector<16xi32>,
      %swap3A_675 = arith.index_cast %mul3A_645 : i32 to index
      %swap3A_676 = tpu.vector_load %arg16[%swap3A_675] {strides = array<i32>} : memref<8192xi32, #tpu.memory_space<vmem>>, vector<16xi32>,
      %swap3A_677 = vector.shape_cast %swap3A_676 : vector<16xi32> to vector<16xi32>
      %swap3A_678 = vector.shape_cast %add3A_656 : vector<16xi32> to vector<16xi32>
      tpu.vector_store %arg16[%swap3A_675], %swap3A_678 {strides = array<i32>} : memref<8192xi32, #tpu.memory_space<vmem>>, vector<16xi32>,
      %scan3A_679 = arith.constant 4 : i32
      %scan3A_680 = arith.addi %scan3A_534, %scan3A_679 : i32
      %mul3A_681 = arith.constant 16 : i32
      %mul3A_682 = arith.muli %scan3A_680, %mul3A_681 : i32
      %iota3A_683 = tpu.iota {dimensions = array<i32: 0>} : vector<16xi32>
      %add3A_684 = arith.addi %add3A_106, %mul3A_682 : i32
      %add3A_685 = vector.broadcast %add3A_684 : i32 to vector<16xi32>
      %add3A_686 = arith.addi %iota3A_683, %add3A_685 : vector<16xi32>
      %get3A_687 = arith.index_cast %mul3A_682 : i32 to index
      %get3A_688 = tpu.vector_load %arg10[%get3A_687] {strides = array<i32>} : memref<8192xi32, #tpu.memory_space<vmem>>, vector<16xi32>,
      %get3A_689 = vector.shape_cast %get3A_688 : vector<16xi32> to vector<16xi32>
      %mul3A_690 = arith.constant 262144 : i32
      %mul3A_691 = vector.broadcast %mul3A_690 : i32 to vector<16xi32>
      %mul3A_692 = arith.muli %get3A_689, %mul3A_691 : vector<16xi32>
      %add3A_693 = arith.addi %mul3A_692, %add3A_686 : vector<16xi32>
      %get3A_694 = arith.index_cast %mul3A_682 : i32 to index
      %get3A_695 = tpu.vector_load %arg8[%get3A_694] {strides = array<i32>} : memref<8192xi32, #tpu.memory_space<vmem>>, vector<16xi32>,
      %get3A_696 = vector.shape_cast %get3A_695 : vector<16xi32> to vector<16xi32>
      %mul3A_697 = arith.constant 262144 : i32
      %mul3A_698 = vector.broadcast %mul3A_697 : i32 to vector<16xi32>
      %mul3A_699 = arith.muli %get3A_696, %mul3A_698 : vector<16xi32>
      %add3A_700 = arith.addi %mul3A_699, %add3A_686 : vector<16xi32>
      %get3A_701 = arith.index_cast %mul3A_682 : i32 to index
      %get3A_702 = tpu.vector_load %arg12[%get3A_701] {strides = array<i32>} : memref<8192xi32, #tpu.memory_space<vmem>>, vector<16xi32>,
      %get3A_703 = vector.shape_cast %get3A_702 : vector<16xi32> to vector<16xi32>
      %ne3A_704 = arith.constant 0 : i32
      %ne3A_705 = vector.broadcast %ne3A_704 : i32 to vector<16xi32>
      %ne3A_706 = arith.cmpi ne, %get3A_703, %ne3A_705 : vector<16xi32>
      %select_n3A_707 = arith.select %ne3A_706, %add3A_700, %add3A_693 : vector<16xi1>, vector<16xi32>
      %swap3A_708 = arith.index_cast %mul3A_682 : i32 to index
      %swap3A_709 = tpu.vector_load %arg14[%swap3A_708] {strides = array<i32>} : memref<8192xi32, #tpu.memory_space<vmem>>, vector<16xi32>,
      %swap3A_710 = vector.shape_cast %swap3A_709 : vector<16xi32> to vector<16xi32>
      %swap3A_711 = vector.shape_cast %select_n3A_707 : vector<16xi32> to vector<16xi32>
      tpu.vector_store %arg14[%swap3A_708], %swap3A_711 {strides = array<i32>} : memref<8192xi32, #tpu.memory_space<vmem>>, vector<16xi32>,
      %swap3A_712 = arith.index_cast %mul3A_682 : i32 to index
      %swap3A_713 = tpu.vector_load %arg16[%swap3A_712] {strides = array<i32>} : memref<8192xi32, #tpu.memory_space<vmem>>, vector<16xi32>,
      %swap3A_714 = vector.shape_cast %swap3A_713 : vector<16xi32> to vector<16xi32>
      %swap3A_715 = vector.shape_cast %add3A_693 : vector<16xi32> to vector<16xi32>
      tpu.vector_store %arg16[%swap3A_712], %swap3A_715 {strides = array<i32>} : memref<8192xi32, #tpu.memory_space<vmem>>, vector<16xi32>,
      %scan3A_716 = arith.constant 5 : i32
      %scan3A_717 = arith.addi %scan3A_534, %scan3A_716 : i32
      %mul3A_718 = arith.constant 16 : i32
      %mul3A_719 = arith.muli %scan3A_717, %mul3A_718 : i32
      %iota3A_720 = tpu.iota {dimensions = array<i32: 0>} : vector<16xi32>
      %add3A_721 = arith.addi %add3A_106, %mul3A_719 : i32
      %add3A_722 = vector.broadcast %add3A_721 : i32 to vector<16xi32>
      %add3A_723 = arith.addi %iota3A_720, %add3A_722 : vector<16xi32>
      %get3A_724 = arith.index_cast %mul3A_719 : i32 to index
      %get3A_725 = tpu.vector_load %arg10[%get3A_724] {strides = array<i32>} : memref<8192xi32, #tpu.memory_space<vmem>>, vector<16xi32>,
      %get3A_726 = vector.shape_cast %get3A_725 : vector<16xi32> to vector<16xi32>
      %mul3A_727 = arith.constant 262144 : i32
      %mul3A_728 = vector.broadcast %mul3A_727 : i32 to vector<16xi32>
      %mul3A_729 = arith.muli %get3A_726, %mul3A_728 : vector<16xi32>
      %add3A_730 = arith.addi %mul3A_729, %add3A_723 : vector<16xi32>
      %get3A_731 = arith.index_cast %mul3A_719 : i32 to index
      %get3A_732 = tpu.vector_load %arg8[%get3A_731] {strides = array<i32>} : memref<8192xi32, #tpu.memory_space<vmem>>, vector<16xi32>,
      %get3A_733 = vector.shape_cast %get3A_732 : vector<16xi32> to vector<16xi32>
      %mul3A_734 = arith.constant 262144 : i32
      %mul3A_735 = vector.broadcast %mul3A_734 : i32 to vector<16xi32>
      %mul3A_736 = arith.muli %get3A_733, %mul3A_735 : vector<16xi32>
      %add3A_737 = arith.addi %mul3A_736, %add3A_723 : vector<16xi32>
      %get3A_738 = arith.index_cast %mul3A_719 : i32 to index
      %get3A_739 = tpu.vector_load %arg12[%get3A_738] {strides = array<i32>} : memref<8192xi32, #tpu.memory_space<vmem>>, vector<16xi32>,
      %get3A_740 = vector.shape_cast %get3A_739 : vector<16xi32> to vector<16xi32>
      %ne3A_741 = arith.constant 0 : i32
      %ne3A_742 = vector.broadcast %ne3A_741 : i32 to vector<16xi32>
      %ne3A_743 = arith.cmpi ne, %get3A_740, %ne3A_742 : vector<16xi32>
      %select_n3A_744 = arith.select %ne3A_743, %add3A_737, %add3A_730 : vector<16xi1>, vector<16xi32>
      %swap3A_745 = arith.index_cast %mul3A_719 : i32 to index
      %swap3A_746 = tpu.vector_load %arg14[%swap3A_745] {strides = array<i32>} : memref<8192xi32, #tpu.memory_space<vmem>>, vector<16xi32>,
      %swap3A_747 = vector.shape_cast %swap3A_746 : vector<16xi32> to vector<16xi32>
      %swap3A_748 = vector.shape_cast %select_n3A_744 : vector<16xi32> to vector<16xi32>
      tpu.vector_store %arg14[%swap3A_745], %swap3A_748 {strides = array<i32>} : memref<8192xi32, #tpu.memory_space<vmem>>, vector<16xi32>,
      %swap3A_749 = arith.index_cast %mul3A_719 : i32 to index
      %swap3A_750 = tpu.vector_load %arg16[%swap3A_749] {strides = array<i32>} : memref<8192xi32, #tpu.memory_space<vmem>>, vector<16xi32>,
      %swap3A_751 = vector.shape_cast %swap3A_750 : vector<16xi32> to vector<16xi32>
      %swap3A_752 = vector.shape_cast %add3A_730 : vector<16xi32> to vector<16xi32>
      tpu.vector_store %arg16[%swap3A_749], %swap3A_752 {strides = array<i32>} : memref<8192xi32, #tpu.memory_space<vmem>>, vector<16xi32>,
      %scan3A_753 = arith.constant 6 : i32
      %scan3A_754 = arith.addi %scan3A_534, %scan3A_753 : i32
      %mul3A_755 = arith.constant 16 : i32
      %mul3A_756 = arith.muli %scan3A_754, %mul3A_755 : i32
      %iota3A_757 = tpu.iota {dimensions = array<i32: 0>} : vector<16xi32>
      %add3A_758 = arith.addi %add3A_106, %mul3A_756 : i32
      %add3A_759 = vector.broadcast %add3A_758 : i32 to vector<16xi32>
      %add3A_760 = arith.addi %iota3A_757, %add3A_759 : vector<16xi32>
      %get3A_761 = arith.index_cast %mul3A_756 : i32 to index
      %get3A_762 = tpu.vector_load %arg10[%get3A_761] {strides = array<i32>} : memref<8192xi32, #tpu.memory_space<vmem>>, vector<16xi32>,
      %get3A_763 = vector.shape_cast %get3A_762 : vector<16xi32> to vector<16xi32>
      %mul3A_764 = arith.constant 262144 : i32
      %mul3A_765 = vector.broadcast %mul3A_764 : i32 to vector<16xi32>
      %mul3A_766 = arith.muli %get3A_763, %mul3A_765 : vector<16xi32>
      %add3A_767 = arith.addi %mul3A_766, %add3A_760 : vector<16xi32>
      %get3A_768 = arith.index_cast %mul3A_756 : i32 to index
      %get3A_769 = tpu.vector_load %arg8[%get3A_768] {strides = array<i32>} : memref<8192xi32, #tpu.memory_space<vmem>>, vector<16xi32>,
      %get3A_770 = vector.shape_cast %get3A_769 : vector<16xi32> to vector<16xi32>
      %mul3A_771 = arith.constant 262144 : i32
      %mul3A_772 = vector.broadcast %mul3A_771 : i32 to vector<16xi32>
      %mul3A_773 = arith.muli %get3A_770, %mul3A_772 : vector<16xi32>
      %add3A_774 = arith.addi %mul3A_773, %add3A_760 : vector<16xi32>
      %get3A_775 = arith.index_cast %mul3A_756 : i32 to index
      %get3A_776 = tpu.vector_load %arg12[%get3A_775] {strides = array<i32>} : memref<8192xi32, #tpu.memory_space<vmem>>, vector<16xi32>,
      %get3A_777 = vector.shape_cast %get3A_776 : vector<16xi32> to vector<16xi32>
      %ne3A_778 = arith.constant 0 : i32
      %ne3A_779 = vector.broadcast %ne3A_778 : i32 to vector<16xi32>
      %ne3A_780 = arith.cmpi ne, %get3A_777, %ne3A_779 : vector<16xi32>
      %select_n3A_781 = arith.select %ne3A_780, %add3A_774, %add3A_767 : vector<16xi1>, vector<16xi32>
      %swap3A_782 = arith.index_cast %mul3A_756 : i32 to index
      %swap3A_783 = tpu.vector_load %arg14[%swap3A_782] {strides = array<i32>} : memref<8192xi32, #tpu.memory_space<vmem>>, vector<16xi32>,
      %swap3A_784 = vector.shape_cast %swap3A_783 : vector<16xi32> to vector<16xi32>
      %swap3A_785 = vector.shape_cast %select_n3A_781 : vector<16xi32> to vector<16xi32>
      tpu.vector_store %arg14[%swap3A_782], %swap3A_785 {strides = array<i32>} : memref<8192xi32, #tpu.memory_space<vmem>>, vector<16xi32>,
      %swap3A_786 = arith.index_cast %mul3A_756 : i32 to index
      %swap3A_787 = tpu.vector_load %arg16[%swap3A_786] {strides = array<i32>} : memref<8192xi32, #tpu.memory_space<vmem>>, vector<16xi32>,
      %swap3A_788 = vector.shape_cast %swap3A_787 : vector<16xi32> to vector<16xi32>
      %swap3A_789 = vector.shape_cast %add3A_767 : vector<16xi32> to vector<16xi32>
      tpu.vector_store %arg16[%swap3A_786], %swap3A_789 {strides = array<i32>} : memref<8192xi32, #tpu.memory_space<vmem>>, vector<16xi32>,
      %scan3A_790 = arith.constant 7 : i32
      %scan3A_791 = arith.addi %scan3A_534, %scan3A_790 : i32
      %mul3A_792 = arith.constant 16 : i32
      %mul3A_793 = arith.muli %scan3A_791, %mul3A_792 : i32
      %iota3A_794 = tpu.iota {dimensions = array<i32: 0>} : vector<16xi32>
      %add3A_795 = arith.addi %add3A_106, %mul3A_793 : i32
      %add3A_796 = vector.broadcast %add3A_795 : i32 to vector<16xi32>
      %add3A_797 = arith.addi %iota3A_794, %add3A_796 : vector<16xi32>
      %get3A_798 = arith.index_cast %mul3A_793 : i32 to index
      %get3A_799 = tpu.vector_load %arg10[%get3A_798] {strides = array<i32>} : memref<8192xi32, #tpu.memory_space<vmem>>, vector<16xi32>,
      %get3A_800 = vector.shape_cast %get3A_799 : vector<16xi32> to vector<16xi32>
      %mul3A_801 = arith.constant 262144 : i32
      %mul3A_802 = vector.broadcast %mul3A_801 : i32 to vector<16xi32>
      %mul3A_803 = arith.muli %get3A_800, %mul3A_802 : vector<16xi32>
      %add3A_804 = arith.addi %mul3A_803, %add3A_797 : vector<16xi32>
      %get3A_805 = arith.index_cast %mul3A_793 : i32 to index
      %get3A_806 = tpu.vector_load %arg8[%get3A_805] {strides = array<i32>} : memref<8192xi32, #tpu.memory_space<vmem>>, vector<16xi32>,
      %get3A_807 = vector.shape_cast %get3A_806 : vector<16xi32> to vector<16xi32>
      %mul3A_808 = arith.constant 262144 : i32
      %mul3A_809 = vector.broadcast %mul3A_808 : i32 to vector<16xi32>
      %mul3A_810 = arith.muli %get3A_807, %mul3A_809 : vector<16xi32>
      %add3A_811 = arith.addi %mul3A_810, %add3A_797 : vector<16xi32>
      %get3A_812 = arith.index_cast %mul3A_793 : i32 to index
      %get3A_813 = tpu.vector_load %arg12[%get3A_812] {strides = array<i32>} : memref<8192xi32, #tpu.memory_space<vmem>>, vector<16xi32>,
      %get3A_814 = vector.shape_cast %get3A_813 : vector<16xi32> to vector<16xi32>
      %ne3A_815 = arith.constant 0 : i32
      %ne3A_816 = vector.broadcast %ne3A_815 : i32 to vector<16xi32>
      %ne3A_817 = arith.cmpi ne, %get3A_814, %ne3A_816 : vector<16xi32>
      %select_n3A_818 = arith.select %ne3A_817, %add3A_811, %add3A_804 : vector<16xi1>, vector<16xi32>
      %swap3A_819 = arith.index_cast %mul3A_793 : i32 to index
      %swap3A_820 = tpu.vector_load %arg14[%swap3A_819] {strides = array<i32>} : memref<8192xi32, #tpu.memory_space<vmem>>, vector<16xi32>,
      %swap3A_821 = vector.shape_cast %swap3A_820 : vector<16xi32> to vector<16xi32>
      %swap3A_822 = vector.shape_cast %select_n3A_818 : vector<16xi32> to vector<16xi32>
      tpu.vector_store %arg14[%swap3A_819], %swap3A_822 {strides = array<i32>} : memref<8192xi32, #tpu.memory_space<vmem>>, vector<16xi32>,
      %swap3A_823 = arith.index_cast %mul3A_793 : i32 to index
      %swap3A_824 = tpu.vector_load %arg16[%swap3A_823] {strides = array<i32>} : memref<8192xi32, #tpu.memory_space<vmem>>, vector<16xi32>,
      %swap3A_825 = vector.shape_cast %swap3A_824 : vector<16xi32> to vector<16xi32>
      %swap3A_826 = vector.shape_cast %add3A_804 : vector<16xi32> to vector<16xi32>
      tpu.vector_store %arg16[%swap3A_823], %swap3A_826 {strides = array<i32>} : memref<8192xi32, #tpu.memory_space<vmem>>, vector<16xi32>,
    }
    %scan3A_112 = arith.constant 512 : i32
    %dma_start3A_113 = arith.constant 0 : i32
    %dma_start3A_114 = tpu.memref_slice %arg2[%dma_start3A_113] : memref<39845888xf32, #tpu.memory_space<hbm>> -> memref<39845888xf32, #tpu.memory_space<hbm>>
    tpu.enqueue_indirect_dma source(%dma_start3A_114 : memref<39845888xf32, #tpu.memory_space<hbm>>) target(%arg18 : memref<8192xf32, #tpu.memory_space<vmem>>) offsets(%arg14 : memref<8192xi32, #tpu.memory_space<vmem>>) semaphore(%arg25 : memref<!tpu.dma_semaphore, #tpu.memory_space<semaphore_mem>>)
    %dma_start3A_115 = arith.constant 0 : i32
    %dma_start3A_116 = tpu.memref_slice %arg2[%dma_start3A_115] : memref<39845888xf32, #tpu.memory_space<hbm>> -> memref<39845888xf32, #tpu.memory_space<hbm>>
    tpu.enqueue_indirect_dma source(%dma_start3A_116 : memref<39845888xf32, #tpu.memory_space<hbm>>) target(%arg20 : memref<8192xf32, #tpu.memory_space<vmem>>) offsets(%arg16 : memref<8192xi32, #tpu.memory_space<vmem>>) semaphore(%arg27 : memref<!tpu.dma_semaphore, #tpu.memory_space<semaphore_mem>>)
    %add3A_117 = arith.constant 24576 : i32
    %add3A_118 = arith.addi %add3A_4, %add3A_117 : i32
    %dma_start3A_119 = tpu.memref_slice %arg3[%add3A_118] : memref<2097152xi32, #tpu.memory_space<hbm>> -> memref<8192xi32, #tpu.memory_space<hbm>>
    %dma_start3A_120 = tpu.memref_slice %arg3[%add3A_118] : memref<2097152xi32, #tpu.memory_space<hbm>> -> memref<8192xi32, #tpu.memory_space<hbm>>
    tpu.enqueue_dma source(%dma_start3A_120 : memref<8192xi32, #tpu.memory_space<hbm>>) target(%arg8 : memref<8192xi32, #tpu.memory_space<vmem>>) target_semaphore(%arg23 : memref<!tpu.dma_semaphore, #tpu.memory_space<semaphore_mem>>)
    %dma_start3A_121 = tpu.memref_slice %arg4[%add3A_118] : memref<2097152xi32, #tpu.memory_space<hbm>> -> memref<8192xi32, #tpu.memory_space<hbm>>
    %dma_start3A_122 = tpu.memref_slice %arg4[%add3A_118] : memref<2097152xi32, #tpu.memory_space<hbm>> -> memref<8192xi32, #tpu.memory_space<hbm>>
    tpu.enqueue_dma source(%dma_start3A_122 : memref<8192xi32, #tpu.memory_space<hbm>>) target(%arg10 : memref<8192xi32, #tpu.memory_space<vmem>>) target_semaphore(%arg23 : memref<!tpu.dma_semaphore, #tpu.memory_space<semaphore_mem>>)
    %dma_start3A_123 = tpu.memref_slice %arg5[%add3A_118] : memref<2097152xi32, #tpu.memory_space<hbm>> -> memref<8192xi32, #tpu.memory_space<hbm>>
    %dma_start3A_124 = tpu.memref_slice %arg5[%add3A_118] : memref<2097152xi32, #tpu.memory_space<hbm>> -> memref<8192xi32, #tpu.memory_space<hbm>>
    tpu.enqueue_dma source(%dma_start3A_124 : memref<8192xi32, #tpu.memory_space<hbm>>) target(%arg12 : memref<8192xi32, #tpu.memory_space<vmem>>) target_semaphore(%arg23 : memref<!tpu.dma_semaphore, #tpu.memory_space<semaphore_mem>>)
    %dma_wait3A_125 = arith.constant 0 : i32
    %dma_wait3A_126 = tpu.memref_slice %arg2[%dma_wait3A_125] : memref<39845888xf32, #tpu.memory_space<hbm>> -> memref<39845888xf32, #tpu.memory_space<hbm>>
    tpu.wait_indirect_dma semaphore(%arg24 : memref<!tpu.dma_semaphore, #tpu.memory_space<semaphore_mem>>) src(%dma_wait3A_126 : memref<39845888xf32, #tpu.memory_space<hbm>>) dst(%arg17 : memref<8192xf32, #tpu.memory_space<vmem>>)
    %dma_wait3A_127 = arith.constant 0 : i32
    %dma_wait3A_128 = tpu.memref_slice %arg2[%dma_wait3A_127] : memref<39845888xf32, #tpu.memory_space<hbm>> -> memref<39845888xf32, #tpu.memory_space<hbm>>
    tpu.wait_indirect_dma semaphore(%arg26 : memref<!tpu.dma_semaphore, #tpu.memory_space<semaphore_mem>>) src(%dma_wait3A_128 : memref<39845888xf32, #tpu.memory_space<hbm>>) dst(%arg19 : memref<8192xf32, #tpu.memory_space<vmem>>)
    %scan3A_129 = arith.constant 0 : i32
    %scan3A_130 = arith.constant 512 : i32
    %scan3A_131 = arith.addi %scan3A_129, %scan3A_130 : i32
    %scan3A_132 = arith.constant 8 : i32
    %scan3A_133 = scf.for %scan3A_534 = %scan3A_129 to %scan3A_131 step %scan3A_132 iter_args(%scan3A_535 = %broadcast_in_dim3A_20) -> (vector<16xf32>)  : i32 {
      %mul3A_536 = arith.constant 16 : i32
      %mul3A_537 = arith.muli %scan3A_534, %mul3A_536 : i32
      %get3A = arith.index_cast %mul3A_537 : i32 to index
      %get3A_538 = tpu.vector_load %arg17[%get3A] {strides = array<i32>} : memref<8192xf32, #tpu.memory_space<vmem>>, vector<16xf32>,
      %get3A_539 = vector.shape_cast %get3A_538 : vector<16xf32> to vector<16xf32>
      %get3A_540 = arith.index_cast %mul3A_537 : i32 to index
      %get3A_541 = tpu.vector_load %arg19[%get3A_540] {strides = array<i32>} : memref<8192xf32, #tpu.memory_space<vmem>>, vector<16xf32>,
      %get3A_542 = vector.shape_cast %get3A_541 : vector<16xf32> to vector<16xf32>
      %sub3A_543 = arith.subf %get3A_539, %get3A_542 : vector<16xf32>
      %add3A_544 = arith.addf %scan3A_535, %sub3A_543 : vector<16xf32>
      %scan3A_545 = arith.constant 1 : i32
      %scan3A_546 = arith.addi %scan3A_534, %scan3A_545 : i32
      %mul3A_547 = arith.constant 16 : i32
      %mul3A_548 = arith.muli %scan3A_546, %mul3A_547 : i32
      %get3A_549 = arith.index_cast %mul3A_548 : i32 to index
      %get3A_550 = tpu.vector_load %arg17[%get3A_549] {strides = array<i32>} : memref<8192xf32, #tpu.memory_space<vmem>>, vector<16xf32>,
      %get3A_551 = vector.shape_cast %get3A_550 : vector<16xf32> to vector<16xf32>
      %get3A_552 = arith.index_cast %mul3A_548 : i32 to index
      %get3A_553 = tpu.vector_load %arg19[%get3A_552] {strides = array<i32>} : memref<8192xf32, #tpu.memory_space<vmem>>, vector<16xf32>,
      %get3A_554 = vector.shape_cast %get3A_553 : vector<16xf32> to vector<16xf32>
      %sub3A_555 = arith.subf %get3A_551, %get3A_554 : vector<16xf32>
      %add3A_556 = arith.addf %add3A_544, %sub3A_555 : vector<16xf32>
      %scan3A_557 = arith.constant 2 : i32
      %scan3A_558 = arith.addi %scan3A_534, %scan3A_557 : i32
      %mul3A_559 = arith.constant 16 : i32
      %mul3A_560 = arith.muli %scan3A_558, %mul3A_559 : i32
      %get3A_561 = arith.index_cast %mul3A_560 : i32 to index
      %get3A_562 = tpu.vector_load %arg17[%get3A_561] {strides = array<i32>} : memref<8192xf32, #tpu.memory_space<vmem>>, vector<16xf32>,
      %get3A_563 = vector.shape_cast %get3A_562 : vector<16xf32> to vector<16xf32>
      %get3A_564 = arith.index_cast %mul3A_560 : i32 to index
      %get3A_565 = tpu.vector_load %arg19[%get3A_564] {strides = array<i32>} : memref<8192xf32, #tpu.memory_space<vmem>>, vector<16xf32>,
      %get3A_566 = vector.shape_cast %get3A_565 : vector<16xf32> to vector<16xf32>
      %sub3A_567 = arith.subf %get3A_563, %get3A_566 : vector<16xf32>
      %add3A_568 = arith.addf %add3A_556, %sub3A_567 : vector<16xf32>
      %scan3A_569 = arith.constant 3 : i32
      %scan3A_570 = arith.addi %scan3A_534, %scan3A_569 : i32
      %mul3A_571 = arith.constant 16 : i32
      %mul3A_572 = arith.muli %scan3A_570, %mul3A_571 : i32
      %get3A_573 = arith.index_cast %mul3A_572 : i32 to index
      %get3A_574 = tpu.vector_load %arg17[%get3A_573] {strides = array<i32>} : memref<8192xf32, #tpu.memory_space<vmem>>, vector<16xf32>,
      %get3A_575 = vector.shape_cast %get3A_574 : vector<16xf32> to vector<16xf32>
      %get3A_576 = arith.index_cast %mul3A_572 : i32 to index
      %get3A_577 = tpu.vector_load %arg19[%get3A_576] {strides = array<i32>} : memref<8192xf32, #tpu.memory_space<vmem>>, vector<16xf32>,
      %get3A_578 = vector.shape_cast %get3A_577 : vector<16xf32> to vector<16xf32>
      %sub3A_579 = arith.subf %get3A_575, %get3A_578 : vector<16xf32>
      %add3A_580 = arith.addf %add3A_568, %sub3A_579 : vector<16xf32>
      %scan3A_581 = arith.constant 4 : i32
      %scan3A_582 = arith.addi %scan3A_534, %scan3A_581 : i32
      %mul3A_583 = arith.constant 16 : i32
      %mul3A_584 = arith.muli %scan3A_582, %mul3A_583 : i32
      %get3A_585 = arith.index_cast %mul3A_584 : i32 to index
      %get3A_586 = tpu.vector_load %arg17[%get3A_585] {strides = array<i32>} : memref<8192xf32, #tpu.memory_space<vmem>>, vector<16xf32>,
      %get3A_587 = vector.shape_cast %get3A_586 : vector<16xf32> to vector<16xf32>
      %get3A_588 = arith.index_cast %mul3A_584 : i32 to index
      %get3A_589 = tpu.vector_load %arg19[%get3A_588] {strides = array<i32>} : memref<8192xf32, #tpu.memory_space<vmem>>, vector<16xf32>,
      %get3A_590 = vector.shape_cast %get3A_589 : vector<16xf32> to vector<16xf32>
      %sub3A_591 = arith.subf %get3A_587, %get3A_590 : vector<16xf32>
      %add3A_592 = arith.addf %add3A_580, %sub3A_591 : vector<16xf32>
      %scan3A_593 = arith.constant 5 : i32
      %scan3A_594 = arith.addi %scan3A_534, %scan3A_593 : i32
      %mul3A_595 = arith.constant 16 : i32
      %mul3A_596 = arith.muli %scan3A_594, %mul3A_595 : i32
      %get3A_597 = arith.index_cast %mul3A_596 : i32 to index
      %get3A_598 = tpu.vector_load %arg17[%get3A_597] {strides = array<i32>} : memref<8192xf32, #tpu.memory_space<vmem>>, vector<16xf32>,
      %get3A_599 = vector.shape_cast %get3A_598 : vector<16xf32> to vector<16xf32>
      %get3A_600 = arith.index_cast %mul3A_596 : i32 to index
      %get3A_601 = tpu.vector_load %arg19[%get3A_600] {strides = array<i32>} : memref<8192xf32, #tpu.memory_space<vmem>>, vector<16xf32>,
      %get3A_602 = vector.shape_cast %get3A_601 : vector<16xf32> to vector<16xf32>
      %sub3A_603 = arith.subf %get3A_599, %get3A_602 : vector<16xf32>
      %add3A_604 = arith.addf %add3A_592, %sub3A_603 : vector<16xf32>
      %scan3A_605 = arith.constant 6 : i32
      %scan3A_606 = arith.addi %scan3A_534, %scan3A_605 : i32
      %mul3A_607 = arith.constant 16 : i32
      %mul3A_608 = arith.muli %scan3A_606, %mul3A_607 : i32
      %get3A_609 = arith.index_cast %mul3A_608 : i32 to index
      %get3A_610 = tpu.vector_load %arg17[%get3A_609] {strides = array<i32>} : memref<8192xf32, #tpu.memory_space<vmem>>, vector<16xf32>,
      %get3A_611 = vector.shape_cast %get3A_610 : vector<16xf32> to vector<16xf32>
      %get3A_612 = arith.index_cast %mul3A_608 : i32 to index
      %get3A_613 = tpu.vector_load %arg19[%get3A_612] {strides = array<i32>} : memref<8192xf32, #tpu.memory_space<vmem>>, vector<16xf32>,
      %get3A_614 = vector.shape_cast %get3A_613 : vector<16xf32> to vector<16xf32>
      %sub3A_615 = arith.subf %get3A_611, %get3A_614 : vector<16xf32>
      %add3A_616 = arith.addf %add3A_604, %sub3A_615 : vector<16xf32>
      %scan3A_617 = arith.constant 7 : i32
      %scan3A_618 = arith.addi %scan3A_534, %scan3A_617 : i32
      %mul3A_619 = arith.constant 16 : i32
      %mul3A_620 = arith.muli %scan3A_618, %mul3A_619 : i32
      %get3A_621 = arith.index_cast %mul3A_620 : i32 to index
      %get3A_622 = tpu.vector_load %arg17[%get3A_621] {strides = array<i32>} : memref<8192xf32, #tpu.memory_space<vmem>>, vector<16xf32>,
      %get3A_623 = vector.shape_cast %get3A_622 : vector<16xf32> to vector<16xf32>
      %get3A_624 = arith.index_cast %mul3A_620 : i32 to index
      %get3A_625 = tpu.vector_load %arg19[%get3A_624] {strides = array<i32>} : memref<8192xf32, #tpu.memory_space<vmem>>, vector<16xf32>,
      %get3A_626 = vector.shape_cast %get3A_625 : vector<16xf32> to vector<16xf32>
      %sub3A_627 = arith.subf %get3A_623, %get3A_626 : vector<16xf32>
      %add3A_628 = arith.addf %add3A_616, %sub3A_627 : vector<16xf32>
      scf.yield %add3A_628 : vector<16xf32>
    }
    %scan3A_134 = arith.constant 512 : i32
    %add3A_135 = arith.constant 16384 : i32
    %add3A_136 = arith.addi %add3A_4, %add3A_135 : i32
    %dma_wait3A_137 = tpu.memref_slice %arg3[%add3A_136] : memref<2097152xi32, #tpu.memory_space<hbm>> -> memref<8192xi32, #tpu.memory_space<hbm>>
    %dma_wait3A_138 = tpu.memref_slice %arg3[%add3A_136] : memref<2097152xi32, #tpu.memory_space<hbm>> -> memref<8192xi32, #tpu.memory_space<hbm>>
    tpu.wait_dma2 semaphore(%arg22 : memref<!tpu.dma_semaphore, #tpu.memory_space<semaphore_mem>>) src(%dma_wait3A_138 : memref<8192xi32, #tpu.memory_space<hbm>>) dst(%arg7 : memref<8192xi32, #tpu.memory_space<vmem>>)
    %dma_wait3A_139 = tpu.memref_slice %arg4[%add3A_136] : memref<2097152xi32, #tpu.memory_space<hbm>> -> memref<8192xi32, #tpu.memory_space<hbm>>
    %dma_wait3A_140 = tpu.memref_slice %arg4[%add3A_136] : memref<2097152xi32, #tpu.memory_space<hbm>> -> memref<8192xi32, #tpu.memory_space<hbm>>
    tpu.wait_dma2 semaphore(%arg22 : memref<!tpu.dma_semaphore, #tpu.memory_space<semaphore_mem>>) src(%dma_wait3A_140 : memref<8192xi32, #tpu.memory_space<hbm>>) dst(%arg9 : memref<8192xi32, #tpu.memory_space<vmem>>)
    %dma_wait3A_141 = tpu.memref_slice %arg5[%add3A_136] : memref<2097152xi32, #tpu.memory_space<hbm>> -> memref<8192xi32, #tpu.memory_space<hbm>>
    %dma_wait3A_142 = tpu.memref_slice %arg5[%add3A_136] : memref<2097152xi32, #tpu.memory_space<hbm>> -> memref<8192xi32, #tpu.memory_space<hbm>>
    tpu.wait_dma2 semaphore(%arg22 : memref<!tpu.dma_semaphore, #tpu.memory_space<semaphore_mem>>) src(%dma_wait3A_142 : memref<8192xi32, #tpu.memory_space<hbm>>) dst(%arg11 : memref<8192xi32, #tpu.memory_space<vmem>>)
    %add3A_143 = arith.constant 16384 : i32
    %add3A_144 = arith.addi %add3A_4, %add3A_143 : i32
    %jit3A_145 = arith.constant 262144 : i32
    %div3A_146 = arith.divsi %add3A_144, %jit3A_145 : i32
    %sign3A_147 = arith.constant 0 : i32
    %sign3A_148 = arith.cmpi sgt, %add3A_144, %sign3A_147 : i32
    %sign3A_149 = arith.extui %sign3A_148 : i1 to i32
    %sign3A_150 = arith.constant 0 : i32
    %sign3A_151 = arith.cmpi slt, %add3A_144, %sign3A_150 : i32
    %sign3A_152 = arith.extui %sign3A_151 : i1 to i32
    %sign3A_153 = arith.subi %sign3A_149, %sign3A_152 : i32
    %sign3A_154 = arith.constant 0 : i32
    %sign3A_155 = arith.cmpi sgt, %jit3A_145, %sign3A_154 : i32
    %sign3A_156 = arith.extui %sign3A_155 : i1 to i32
    %sign3A_157 = arith.constant 0 : i32
    %sign3A_158 = arith.cmpi slt, %jit3A_145, %sign3A_157 : i32
    %sign3A_159 = arith.extui %sign3A_158 : i1 to i32
    %sign3A_160 = arith.subi %sign3A_156, %sign3A_159 : i32
    %ne3A_161 = arith.cmpi ne, %sign3A_153, %sign3A_160 : i32
    %rem3A_162 = arith.remsi %add3A_144, %jit3A_145 : i32
    %ne3A_163 = arith.constant 0 : i32
    %ne3A_164 = arith.cmpi ne, %rem3A_162, %ne3A_163 : i32
    %and3A_165 = arith.andi %ne3A_161, %ne3A_164 : i1
    %sub3A_166 = arith.constant 1 : i32
    %sub3A_167 = arith.subi %div3A_146, %sub3A_166 : i32
    %select_n3A_168 = arith.select %and3A_165, %sub3A_167, %div3A_146 : i32
    %mul3A_169 = arith.constant 18 : i32
    %mul3A_170 = arith.muli %select_n3A_168, %mul3A_169 : i32
    %mul3A_171 = arith.constant 262144 : i32
    %mul3A_172 = arith.muli %mul3A_170, %mul3A_171 : i32
    %add3A_173 = arith.addi %add3A_144, %mul3A_172 : i32
    %scan3A_174 = arith.constant 0 : i32
    %scan3A_175 = arith.constant 0 : i32
    %scan3A_176 = arith.constant 512 : i32
    %scan3A_177 = arith.addi %scan3A_175, %scan3A_176 : i32
    %scan3A_178 = arith.constant 8 : i32
    scf.for %scan3A_534 = %scan3A_175 to %scan3A_177 step %scan3A_178  : i32 {
      %mul3A_535 = arith.constant 16 : i32
      %mul3A_536 = arith.muli %scan3A_534, %mul3A_535 : i32
      %iota3A = tpu.iota {dimensions = array<i32: 0>} : vector<16xi32>
      %add3A_537 = arith.addi %add3A_173, %mul3A_536 : i32
      %add3A_538 = vector.broadcast %add3A_537 : i32 to vector<16xi32>
      %add3A_539 = arith.addi %iota3A, %add3A_538 : vector<16xi32>
      %get3A = arith.index_cast %mul3A_536 : i32 to index
      %get3A_540 = tpu.vector_load %arg9[%get3A] {strides = array<i32>} : memref<8192xi32, #tpu.memory_space<vmem>>, vector<16xi32>,
      %get3A_541 = vector.shape_cast %get3A_540 : vector<16xi32> to vector<16xi32>
      %mul3A_542 = arith.constant 262144 : i32
      %mul3A_543 = vector.broadcast %mul3A_542 : i32 to vector<16xi32>
      %mul3A_544 = arith.muli %get3A_541, %mul3A_543 : vector<16xi32>
      %add3A_545 = arith.addi %mul3A_544, %add3A_539 : vector<16xi32>
      %get3A_546 = arith.index_cast %mul3A_536 : i32 to index
      %get3A_547 = tpu.vector_load %arg7[%get3A_546] {strides = array<i32>} : memref<8192xi32, #tpu.memory_space<vmem>>, vector<16xi32>,
      %get3A_548 = vector.shape_cast %get3A_547 : vector<16xi32> to vector<16xi32>
      %mul3A_549 = arith.constant 262144 : i32
      %mul3A_550 = vector.broadcast %mul3A_549 : i32 to vector<16xi32>
      %mul3A_551 = arith.muli %get3A_548, %mul3A_550 : vector<16xi32>
      %add3A_552 = arith.addi %mul3A_551, %add3A_539 : vector<16xi32>
      %get3A_553 = arith.index_cast %mul3A_536 : i32 to index
      %get3A_554 = tpu.vector_load %arg11[%get3A_553] {strides = array<i32>} : memref<8192xi32, #tpu.memory_space<vmem>>, vector<16xi32>,
      %get3A_555 = vector.shape_cast %get3A_554 : vector<16xi32> to vector<16xi32>
      %ne3A_556 = arith.constant 0 : i32
      %ne3A_557 = vector.broadcast %ne3A_556 : i32 to vector<16xi32>
      %ne3A_558 = arith.cmpi ne, %get3A_555, %ne3A_557 : vector<16xi32>
      %select_n3A_559 = arith.select %ne3A_558, %add3A_552, %add3A_545 : vector<16xi1>, vector<16xi32>
      %swap3A_560 = arith.index_cast %mul3A_536 : i32 to index
      %swap3A_561 = tpu.vector_load %arg13[%swap3A_560] {strides = array<i32>} : memref<8192xi32, #tpu.memory_space<vmem>>, vector<16xi32>,
      %swap3A_562 = vector.shape_cast %swap3A_561 : vector<16xi32> to vector<16xi32>
      %swap3A_563 = vector.shape_cast %select_n3A_559 : vector<16xi32> to vector<16xi32>
      tpu.vector_store %arg13[%swap3A_560], %swap3A_563 {strides = array<i32>} : memref<8192xi32, #tpu.memory_space<vmem>>, vector<16xi32>,
      %swap3A_564 = arith.index_cast %mul3A_536 : i32 to index
      %swap3A_565 = tpu.vector_load %arg15[%swap3A_564] {strides = array<i32>} : memref<8192xi32, #tpu.memory_space<vmem>>, vector<16xi32>,
      %swap3A_566 = vector.shape_cast %swap3A_565 : vector<16xi32> to vector<16xi32>
      %swap3A_567 = vector.shape_cast %add3A_545 : vector<16xi32> to vector<16xi32>
      tpu.vector_store %arg15[%swap3A_564], %swap3A_567 {strides = array<i32>} : memref<8192xi32, #tpu.memory_space<vmem>>, vector<16xi32>,
      %scan3A_568 = arith.constant 1 : i32
      %scan3A_569 = arith.addi %scan3A_534, %scan3A_568 : i32
      %mul3A_570 = arith.constant 16 : i32
      %mul3A_571 = arith.muli %scan3A_569, %mul3A_570 : i32
      %iota3A_572 = tpu.iota {dimensions = array<i32: 0>} : vector<16xi32>
      %add3A_573 = arith.addi %add3A_173, %mul3A_571 : i32
      %add3A_574 = vector.broadcast %add3A_573 : i32 to vector<16xi32>
      %add3A_575 = arith.addi %iota3A_572, %add3A_574 : vector<16xi32>
      %get3A_576 = arith.index_cast %mul3A_571 : i32 to index
      %get3A_577 = tpu.vector_load %arg9[%get3A_576] {strides = array<i32>} : memref<8192xi32, #tpu.memory_space<vmem>>, vector<16xi32>,
      %get3A_578 = vector.shape_cast %get3A_577 : vector<16xi32> to vector<16xi32>
      %mul3A_579 = arith.constant 262144 : i32
      %mul3A_580 = vector.broadcast %mul3A_579 : i32 to vector<16xi32>
      %mul3A_581 = arith.muli %get3A_578, %mul3A_580 : vector<16xi32>
      %add3A_582 = arith.addi %mul3A_581, %add3A_575 : vector<16xi32>
      %get3A_583 = arith.index_cast %mul3A_571 : i32 to index
      %get3A_584 = tpu.vector_load %arg7[%get3A_583] {strides = array<i32>} : memref<8192xi32, #tpu.memory_space<vmem>>, vector<16xi32>,
      %get3A_585 = vector.shape_cast %get3A_584 : vector<16xi32> to vector<16xi32>
      %mul3A_586 = arith.constant 262144 : i32
      %mul3A_587 = vector.broadcast %mul3A_586 : i32 to vector<16xi32>
      %mul3A_588 = arith.muli %get3A_585, %mul3A_587 : vector<16xi32>
      %add3A_589 = arith.addi %mul3A_588, %add3A_575 : vector<16xi32>
      %get3A_590 = arith.index_cast %mul3A_571 : i32 to index
      %get3A_591 = tpu.vector_load %arg11[%get3A_590] {strides = array<i32>} : memref<8192xi32, #tpu.memory_space<vmem>>, vector<16xi32>,
      %get3A_592 = vector.shape_cast %get3A_591 : vector<16xi32> to vector<16xi32>
      %ne3A_593 = arith.constant 0 : i32
      %ne3A_594 = vector.broadcast %ne3A_593 : i32 to vector<16xi32>
      %ne3A_595 = arith.cmpi ne, %get3A_592, %ne3A_594 : vector<16xi32>
      %select_n3A_596 = arith.select %ne3A_595, %add3A_589, %add3A_582 : vector<16xi1>, vector<16xi32>
      %swap3A_597 = arith.index_cast %mul3A_571 : i32 to index
      %swap3A_598 = tpu.vector_load %arg13[%swap3A_597] {strides = array<i32>} : memref<8192xi32, #tpu.memory_space<vmem>>, vector<16xi32>,
      %swap3A_599 = vector.shape_cast %swap3A_598 : vector<16xi32> to vector<16xi32>
      %swap3A_600 = vector.shape_cast %select_n3A_596 : vector<16xi32> to vector<16xi32>
      tpu.vector_store %arg13[%swap3A_597], %swap3A_600 {strides = array<i32>} : memref<8192xi32, #tpu.memory_space<vmem>>, vector<16xi32>,
      %swap3A_601 = arith.index_cast %mul3A_571 : i32 to index
      %swap3A_602 = tpu.vector_load %arg15[%swap3A_601] {strides = array<i32>} : memref<8192xi32, #tpu.memory_space<vmem>>, vector<16xi32>,
      %swap3A_603 = vector.shape_cast %swap3A_602 : vector<16xi32> to vector<16xi32>
      %swap3A_604 = vector.shape_cast %add3A_582 : vector<16xi32> to vector<16xi32>
      tpu.vector_store %arg15[%swap3A_601], %swap3A_604 {strides = array<i32>} : memref<8192xi32, #tpu.memory_space<vmem>>, vector<16xi32>,
      %scan3A_605 = arith.constant 2 : i32
      %scan3A_606 = arith.addi %scan3A_534, %scan3A_605 : i32
      %mul3A_607 = arith.constant 16 : i32
      %mul3A_608 = arith.muli %scan3A_606, %mul3A_607 : i32
      %iota3A_609 = tpu.iota {dimensions = array<i32: 0>} : vector<16xi32>
      %add3A_610 = arith.addi %add3A_173, %mul3A_608 : i32
      %add3A_611 = vector.broadcast %add3A_610 : i32 to vector<16xi32>
      %add3A_612 = arith.addi %iota3A_609, %add3A_611 : vector<16xi32>
      %get3A_613 = arith.index_cast %mul3A_608 : i32 to index
      %get3A_614 = tpu.vector_load %arg9[%get3A_613] {strides = array<i32>} : memref<8192xi32, #tpu.memory_space<vmem>>, vector<16xi32>,
      %get3A_615 = vector.shape_cast %get3A_614 : vector<16xi32> to vector<16xi32>
      %mul3A_616 = arith.constant 262144 : i32
      %mul3A_617 = vector.broadcast %mul3A_616 : i32 to vector<16xi32>
      %mul3A_618 = arith.muli %get3A_615, %mul3A_617 : vector<16xi32>
      %add3A_619 = arith.addi %mul3A_618, %add3A_612 : vector<16xi32>
      %get3A_620 = arith.index_cast %mul3A_608 : i32 to index
      %get3A_621 = tpu.vector_load %arg7[%get3A_620] {strides = array<i32>} : memref<8192xi32, #tpu.memory_space<vmem>>, vector<16xi32>,
      %get3A_622 = vector.shape_cast %get3A_621 : vector<16xi32> to vector<16xi32>
      %mul3A_623 = arith.constant 262144 : i32
      %mul3A_624 = vector.broadcast %mul3A_623 : i32 to vector<16xi32>
      %mul3A_625 = arith.muli %get3A_622, %mul3A_624 : vector<16xi32>
      %add3A_626 = arith.addi %mul3A_625, %add3A_612 : vector<16xi32>
      %get3A_627 = arith.index_cast %mul3A_608 : i32 to index
      %get3A_628 = tpu.vector_load %arg11[%get3A_627] {strides = array<i32>} : memref<8192xi32, #tpu.memory_space<vmem>>, vector<16xi32>,
      %get3A_629 = vector.shape_cast %get3A_628 : vector<16xi32> to vector<16xi32>
      %ne3A_630 = arith.constant 0 : i32
      %ne3A_631 = vector.broadcast %ne3A_630 : i32 to vector<16xi32>
      %ne3A_632 = arith.cmpi ne, %get3A_629, %ne3A_631 : vector<16xi32>
      %select_n3A_633 = arith.select %ne3A_632, %add3A_626, %add3A_619 : vector<16xi1>, vector<16xi32>
      %swap3A_634 = arith.index_cast %mul3A_608 : i32 to index
      %swap3A_635 = tpu.vector_load %arg13[%swap3A_634] {strides = array<i32>} : memref<8192xi32, #tpu.memory_space<vmem>>, vector<16xi32>,
      %swap3A_636 = vector.shape_cast %swap3A_635 : vector<16xi32> to vector<16xi32>
      %swap3A_637 = vector.shape_cast %select_n3A_633 : vector<16xi32> to vector<16xi32>
      tpu.vector_store %arg13[%swap3A_634], %swap3A_637 {strides = array<i32>} : memref<8192xi32, #tpu.memory_space<vmem>>, vector<16xi32>,
      %swap3A_638 = arith.index_cast %mul3A_608 : i32 to index
      %swap3A_639 = tpu.vector_load %arg15[%swap3A_638] {strides = array<i32>} : memref<8192xi32, #tpu.memory_space<vmem>>, vector<16xi32>,
      %swap3A_640 = vector.shape_cast %swap3A_639 : vector<16xi32> to vector<16xi32>
      %swap3A_641 = vector.shape_cast %add3A_619 : vector<16xi32> to vector<16xi32>
      tpu.vector_store %arg15[%swap3A_638], %swap3A_641 {strides = array<i32>} : memref<8192xi32, #tpu.memory_space<vmem>>, vector<16xi32>,
      %scan3A_642 = arith.constant 3 : i32
      %scan3A_643 = arith.addi %scan3A_534, %scan3A_642 : i32
      %mul3A_644 = arith.constant 16 : i32
      %mul3A_645 = arith.muli %scan3A_643, %mul3A_644 : i32
      %iota3A_646 = tpu.iota {dimensions = array<i32: 0>} : vector<16xi32>
      %add3A_647 = arith.addi %add3A_173, %mul3A_645 : i32
      %add3A_648 = vector.broadcast %add3A_647 : i32 to vector<16xi32>
      %add3A_649 = arith.addi %iota3A_646, %add3A_648 : vector<16xi32>
      %get3A_650 = arith.index_cast %mul3A_645 : i32 to index
      %get3A_651 = tpu.vector_load %arg9[%get3A_650] {strides = array<i32>} : memref<8192xi32, #tpu.memory_space<vmem>>, vector<16xi32>,
      %get3A_652 = vector.shape_cast %get3A_651 : vector<16xi32> to vector<16xi32>
      %mul3A_653 = arith.constant 262144 : i32
      %mul3A_654 = vector.broadcast %mul3A_653 : i32 to vector<16xi32>
      %mul3A_655 = arith.muli %get3A_652, %mul3A_654 : vector<16xi32>
      %add3A_656 = arith.addi %mul3A_655, %add3A_649 : vector<16xi32>
      %get3A_657 = arith.index_cast %mul3A_645 : i32 to index
      %get3A_658 = tpu.vector_load %arg7[%get3A_657] {strides = array<i32>} : memref<8192xi32, #tpu.memory_space<vmem>>, vector<16xi32>,
      %get3A_659 = vector.shape_cast %get3A_658 : vector<16xi32> to vector<16xi32>
      %mul3A_660 = arith.constant 262144 : i32
      %mul3A_661 = vector.broadcast %mul3A_660 : i32 to vector<16xi32>
      %mul3A_662 = arith.muli %get3A_659, %mul3A_661 : vector<16xi32>
      %add3A_663 = arith.addi %mul3A_662, %add3A_649 : vector<16xi32>
      %get3A_664 = arith.index_cast %mul3A_645 : i32 to index
      %get3A_665 = tpu.vector_load %arg11[%get3A_664] {strides = array<i32>} : memref<8192xi32, #tpu.memory_space<vmem>>, vector<16xi32>,
      %get3A_666 = vector.shape_cast %get3A_665 : vector<16xi32> to vector<16xi32>
      %ne3A_667 = arith.constant 0 : i32
      %ne3A_668 = vector.broadcast %ne3A_667 : i32 to vector<16xi32>
      %ne3A_669 = arith.cmpi ne, %get3A_666, %ne3A_668 : vector<16xi32>
      %select_n3A_670 = arith.select %ne3A_669, %add3A_663, %add3A_656 : vector<16xi1>, vector<16xi32>
      %swap3A_671 = arith.index_cast %mul3A_645 : i32 to index
      %swap3A_672 = tpu.vector_load %arg13[%swap3A_671] {strides = array<i32>} : memref<8192xi32, #tpu.memory_space<vmem>>, vector<16xi32>,
      %swap3A_673 = vector.shape_cast %swap3A_672 : vector<16xi32> to vector<16xi32>
      %swap3A_674 = vector.shape_cast %select_n3A_670 : vector<16xi32> to vector<16xi32>
      tpu.vector_store %arg13[%swap3A_671], %swap3A_674 {strides = array<i32>} : memref<8192xi32, #tpu.memory_space<vmem>>, vector<16xi32>,
      %swap3A_675 = arith.index_cast %mul3A_645 : i32 to index
      %swap3A_676 = tpu.vector_load %arg15[%swap3A_675] {strides = array<i32>} : memref<8192xi32, #tpu.memory_space<vmem>>, vector<16xi32>,
      %swap3A_677 = vector.shape_cast %swap3A_676 : vector<16xi32> to vector<16xi32>
      %swap3A_678 = vector.shape_cast %add3A_656 : vector<16xi32> to vector<16xi32>
      tpu.vector_store %arg15[%swap3A_675], %swap3A_678 {strides = array<i32>} : memref<8192xi32, #tpu.memory_space<vmem>>, vector<16xi32>,
      %scan3A_679 = arith.constant 4 : i32
      %scan3A_680 = arith.addi %scan3A_534, %scan3A_679 : i32
      %mul3A_681 = arith.constant 16 : i32
      %mul3A_682 = arith.muli %scan3A_680, %mul3A_681 : i32
      %iota3A_683 = tpu.iota {dimensions = array<i32: 0>} : vector<16xi32>
      %add3A_684 = arith.addi %add3A_173, %mul3A_682 : i32
      %add3A_685 = vector.broadcast %add3A_684 : i32 to vector<16xi32>
      %add3A_686 = arith.addi %iota3A_683, %add3A_685 : vector<16xi32>
      %get3A_687 = arith.index_cast %mul3A_682 : i32 to index
      %get3A_688 = tpu.vector_load %arg9[%get3A_687] {strides = array<i32>} : memref<8192xi32, #tpu.memory_space<vmem>>, vector<16xi32>,
      %get3A_689 = vector.shape_cast %get3A_688 : vector<16xi32> to vector<16xi32>
      %mul3A_690 = arith.constant 262144 : i32
      %mul3A_691 = vector.broadcast %mul3A_690 : i32 to vector<16xi32>
      %mul3A_692 = arith.muli %get3A_689, %mul3A_691 : vector<16xi32>
      %add3A_693 = arith.addi %mul3A_692, %add3A_686 : vector<16xi32>
      %get3A_694 = arith.index_cast %mul3A_682 : i32 to index
      %get3A_695 = tpu.vector_load %arg7[%get3A_694] {strides = array<i32>} : memref<8192xi32, #tpu.memory_space<vmem>>, vector<16xi32>,
      %get3A_696 = vector.shape_cast %get3A_695 : vector<16xi32> to vector<16xi32>
      %mul3A_697 = arith.constant 262144 : i32
      %mul3A_698 = vector.broadcast %mul3A_697 : i32 to vector<16xi32>
      %mul3A_699 = arith.muli %get3A_696, %mul3A_698 : vector<16xi32>
      %add3A_700 = arith.addi %mul3A_699, %add3A_686 : vector<16xi32>
      %get3A_701 = arith.index_cast %mul3A_682 : i32 to index
      %get3A_702 = tpu.vector_load %arg11[%get3A_701] {strides = array<i32>} : memref<8192xi32, #tpu.memory_space<vmem>>, vector<16xi32>,
      %get3A_703 = vector.shape_cast %get3A_702 : vector<16xi32> to vector<16xi32>
      %ne3A_704 = arith.constant 0 : i32
      %ne3A_705 = vector.broadcast %ne3A_704 : i32 to vector<16xi32>
      %ne3A_706 = arith.cmpi ne, %get3A_703, %ne3A_705 : vector<16xi32>
      %select_n3A_707 = arith.select %ne3A_706, %add3A_700, %add3A_693 : vector<16xi1>, vector<16xi32>
      %swap3A_708 = arith.index_cast %mul3A_682 : i32 to index
      %swap3A_709 = tpu.vector_load %arg13[%swap3A_708] {strides = array<i32>} : memref<8192xi32, #tpu.memory_space<vmem>>, vector<16xi32>,
      %swap3A_710 = vector.shape_cast %swap3A_709 : vector<16xi32> to vector<16xi32>
      %swap3A_711 = vector.shape_cast %select_n3A_707 : vector<16xi32> to vector<16xi32>
      tpu.vector_store %arg13[%swap3A_708], %swap3A_711 {strides = array<i32>} : memref<8192xi32, #tpu.memory_space<vmem>>, vector<16xi32>,
      %swap3A_712 = arith.index_cast %mul3A_682 : i32 to index
      %swap3A_713 = tpu.vector_load %arg15[%swap3A_712] {strides = array<i32>} : memref<8192xi32, #tpu.memory_space<vmem>>, vector<16xi32>,
      %swap3A_714 = vector.shape_cast %swap3A_713 : vector<16xi32> to vector<16xi32>
      %swap3A_715 = vector.shape_cast %add3A_693 : vector<16xi32> to vector<16xi32>
      tpu.vector_store %arg15[%swap3A_712], %swap3A_715 {strides = array<i32>} : memref<8192xi32, #tpu.memory_space<vmem>>, vector<16xi32>,
      %scan3A_716 = arith.constant 5 : i32
      %scan3A_717 = arith.addi %scan3A_534, %scan3A_716 : i32
      %mul3A_718 = arith.constant 16 : i32
      %mul3A_719 = arith.muli %scan3A_717, %mul3A_718 : i32
      %iota3A_720 = tpu.iota {dimensions = array<i32: 0>} : vector<16xi32>
      %add3A_721 = arith.addi %add3A_173, %mul3A_719 : i32
      %add3A_722 = vector.broadcast %add3A_721 : i32 to vector<16xi32>
      %add3A_723 = arith.addi %iota3A_720, %add3A_722 : vector<16xi32>
      %get3A_724 = arith.index_cast %mul3A_719 : i32 to index
      %get3A_725 = tpu.vector_load %arg9[%get3A_724] {strides = array<i32>} : memref<8192xi32, #tpu.memory_space<vmem>>, vector<16xi32>,
      %get3A_726 = vector.shape_cast %get3A_725 : vector<16xi32> to vector<16xi32>
      %mul3A_727 = arith.constant 262144 : i32
      %mul3A_728 = vector.broadcast %mul3A_727 : i32 to vector<16xi32>
      %mul3A_729 = arith.muli %get3A_726, %mul3A_728 : vector<16xi32>
      %add3A_730 = arith.addi %mul3A_729, %add3A_723 : vector<16xi32>
      %get3A_731 = arith.index_cast %mul3A_719 : i32 to index
      %get3A_732 = tpu.vector_load %arg7[%get3A_731] {strides = array<i32>} : memref<8192xi32, #tpu.memory_space<vmem>>, vector<16xi32>,
      %get3A_733 = vector.shape_cast %get3A_732 : vector<16xi32> to vector<16xi32>
      %mul3A_734 = arith.constant 262144 : i32
      %mul3A_735 = vector.broadcast %mul3A_734 : i32 to vector<16xi32>
      %mul3A_736 = arith.muli %get3A_733, %mul3A_735 : vector<16xi32>
      %add3A_737 = arith.addi %mul3A_736, %add3A_723 : vector<16xi32>
      %get3A_738 = arith.index_cast %mul3A_719 : i32 to index
      %get3A_739 = tpu.vector_load %arg11[%get3A_738] {strides = array<i32>} : memref<8192xi32, #tpu.memory_space<vmem>>, vector<16xi32>,
      %get3A_740 = vector.shape_cast %get3A_739 : vector<16xi32> to vector<16xi32>
      %ne3A_741 = arith.constant 0 : i32
      %ne3A_742 = vector.broadcast %ne3A_741 : i32 to vector<16xi32>
      %ne3A_743 = arith.cmpi ne, %get3A_740, %ne3A_742 : vector<16xi32>
      %select_n3A_744 = arith.select %ne3A_743, %add3A_737, %add3A_730 : vector<16xi1>, vector<16xi32>
      %swap3A_745 = arith.index_cast %mul3A_719 : i32 to index
      %swap3A_746 = tpu.vector_load %arg13[%swap3A_745] {strides = array<i32>} : memref<8192xi32, #tpu.memory_space<vmem>>, vector<16xi32>,
      %swap3A_747 = vector.shape_cast %swap3A_746 : vector<16xi32> to vector<16xi32>
      %swap3A_748 = vector.shape_cast %select_n3A_744 : vector<16xi32> to vector<16xi32>
      tpu.vector_store %arg13[%swap3A_745], %swap3A_748 {strides = array<i32>} : memref<8192xi32, #tpu.memory_space<vmem>>, vector<16xi32>,
      %swap3A_749 = arith.index_cast %mul3A_719 : i32 to index
      %swap3A_750 = tpu.vector_load %arg15[%swap3A_749] {strides = array<i32>} : memref<8192xi32, #tpu.memory_space<vmem>>, vector<16xi32>,
      %swap3A_751 = vector.shape_cast %swap3A_750 : vector<16xi32> to vector<16xi32>
      %swap3A_752 = vector.shape_cast %add3A_730 : vector<16xi32> to vector<16xi32>
      tpu.vector_store %arg15[%swap3A_749], %swap3A_752 {strides = array<i32>} : memref<8192xi32, #tpu.memory_space<vmem>>, vector<16xi32>,
      %scan3A_753 = arith.constant 6 : i32
      %scan3A_754 = arith.addi %scan3A_534, %scan3A_753 : i32
      %mul3A_755 = arith.constant 16 : i32
      %mul3A_756 = arith.muli %scan3A_754, %mul3A_755 : i32
      %iota3A_757 = tpu.iota {dimensions = array<i32: 0>} : vector<16xi32>
      %add3A_758 = arith.addi %add3A_173, %mul3A_756 : i32
      %add3A_759 = vector.broadcast %add3A_758 : i32 to vector<16xi32>
      %add3A_760 = arith.addi %iota3A_757, %add3A_759 : vector<16xi32>
      %get3A_761 = arith.index_cast %mul3A_756 : i32 to index
      %get3A_762 = tpu.vector_load %arg9[%get3A_761] {strides = array<i32>} : memref<8192xi32, #tpu.memory_space<vmem>>, vector<16xi32>,
      %get3A_763 = vector.shape_cast %get3A_762 : vector<16xi32> to vector<16xi32>
      %mul3A_764 = arith.constant 262144 : i32
      %mul3A_765 = vector.broadcast %mul3A_764 : i32 to vector<16xi32>
      %mul3A_766 = arith.muli %get3A_763, %mul3A_765 : vector<16xi32>
      %add3A_767 = arith.addi %mul3A_766, %add3A_760 : vector<16xi32>
      %get3A_768 = arith.index_cast %mul3A_756 : i32 to index
      %get3A_769 = tpu.vector_load %arg7[%get3A_768] {strides = array<i32>} : memref<8192xi32, #tpu.memory_space<vmem>>, vector<16xi32>,
      %get3A_770 = vector.shape_cast %get3A_769 : vector<16xi32> to vector<16xi32>
      %mul3A_771 = arith.constant 262144 : i32
      %mul3A_772 = vector.broadcast %mul3A_771 : i32 to vector<16xi32>
      %mul3A_773 = arith.muli %get3A_770, %mul3A_772 : vector<16xi32>
      %add3A_774 = arith.addi %mul3A_773, %add3A_760 : vector<16xi32>
      %get3A_775 = arith.index_cast %mul3A_756 : i32 to index
      %get3A_776 = tpu.vector_load %arg11[%get3A_775] {strides = array<i32>} : memref<8192xi32, #tpu.memory_space<vmem>>, vector<16xi32>,
      %get3A_777 = vector.shape_cast %get3A_776 : vector<16xi32> to vector<16xi32>
      %ne3A_778 = arith.constant 0 : i32
      %ne3A_779 = vector.broadcast %ne3A_778 : i32 to vector<16xi32>
      %ne3A_780 = arith.cmpi ne, %get3A_777, %ne3A_779 : vector<16xi32>
      %select_n3A_781 = arith.select %ne3A_780, %add3A_774, %add3A_767 : vector<16xi1>, vector<16xi32>
      %swap3A_782 = arith.index_cast %mul3A_756 : i32 to index
      %swap3A_783 = tpu.vector_load %arg13[%swap3A_782] {strides = array<i32>} : memref<8192xi32, #tpu.memory_space<vmem>>, vector<16xi32>,
      %swap3A_784 = vector.shape_cast %swap3A_783 : vector<16xi32> to vector<16xi32>
      %swap3A_785 = vector.shape_cast %select_n3A_781 : vector<16xi32> to vector<16xi32>
      tpu.vector_store %arg13[%swap3A_782], %swap3A_785 {strides = array<i32>} : memref<8192xi32, #tpu.memory_space<vmem>>, vector<16xi32>,
      %swap3A_786 = arith.index_cast %mul3A_756 : i32 to index
      %swap3A_787 = tpu.vector_load %arg15[%swap3A_786] {strides = array<i32>} : memref<8192xi32, #tpu.memory_space<vmem>>, vector<16xi32>,
      %swap3A_788 = vector.shape_cast %swap3A_787 : vector<16xi32> to vector<16xi32>
      %swap3A_789 = vector.shape_cast %add3A_767 : vector<16xi32> to vector<16xi32>
      tpu.vector_store %arg15[%swap3A_786], %swap3A_789 {strides = array<i32>} : memref<8192xi32, #tpu.memory_space<vmem>>, vector<16xi32>,
      %scan3A_790 = arith.constant 7 : i32
      %scan3A_791 = arith.addi %scan3A_534, %scan3A_790 : i32
      %mul3A_792 = arith.constant 16 : i32
      %mul3A_793 = arith.muli %scan3A_791, %mul3A_792 : i32
      %iota3A_794 = tpu.iota {dimensions = array<i32: 0>} : vector<16xi32>
      %add3A_795 = arith.addi %add3A_173, %mul3A_793 : i32
      %add3A_796 = vector.broadcast %add3A_795 : i32 to vector<16xi32>
      %add3A_797 = arith.addi %iota3A_794, %add3A_796 : vector<16xi32>
      %get3A_798 = arith.index_cast %mul3A_793 : i32 to index
      %get3A_799 = tpu.vector_load %arg9[%get3A_798] {strides = array<i32>} : memref<8192xi32, #tpu.memory_space<vmem>>, vector<16xi32>,
      %get3A_800 = vector.shape_cast %get3A_799 : vector<16xi32> to vector<16xi32>
      %mul3A_801 = arith.constant 262144 : i32
      %mul3A_802 = vector.broadcast %mul3A_801 : i32 to vector<16xi32>
      %mul3A_803 = arith.muli %get3A_800, %mul3A_802 : vector<16xi32>
      %add3A_804 = arith.addi %mul3A_803, %add3A_797 : vector<16xi32>
      %get3A_805 = arith.index_cast %mul3A_793 : i32 to index
      %get3A_806 = tpu.vector_load %arg7[%get3A_805] {strides = array<i32>} : memref<8192xi32, #tpu.memory_space<vmem>>, vector<16xi32>,
      %get3A_807 = vector.shape_cast %get3A_806 : vector<16xi32> to vector<16xi32>
      %mul3A_808 = arith.constant 262144 : i32
      %mul3A_809 = vector.broadcast %mul3A_808 : i32 to vector<16xi32>
      %mul3A_810 = arith.muli %get3A_807, %mul3A_809 : vector<16xi32>
      %add3A_811 = arith.addi %mul3A_810, %add3A_797 : vector<16xi32>
      %get3A_812 = arith.index_cast %mul3A_793 : i32 to index
      %get3A_813 = tpu.vector_load %arg11[%get3A_812] {strides = array<i32>} : memref<8192xi32, #tpu.memory_space<vmem>>, vector<16xi32>,
      %get3A_814 = vector.shape_cast %get3A_813 : vector<16xi32> to vector<16xi32>
      %ne3A_815 = arith.constant 0 : i32
      %ne3A_816 = vector.broadcast %ne3A_815 : i32 to vector<16xi32>
      %ne3A_817 = arith.cmpi ne, %get3A_814, %ne3A_816 : vector<16xi32>
      %select_n3A_818 = arith.select %ne3A_817, %add3A_811, %add3A_804 : vector<16xi1>, vector<16xi32>
      %swap3A_819 = arith.index_cast %mul3A_793 : i32 to index
      %swap3A_820 = tpu.vector_load %arg13[%swap3A_819] {strides = array<i32>} : memref<8192xi32, #tpu.memory_space<vmem>>, vector<16xi32>,
      %swap3A_821 = vector.shape_cast %swap3A_820 : vector<16xi32> to vector<16xi32>
      %swap3A_822 = vector.shape_cast %select_n3A_818 : vector<16xi32> to vector<16xi32>
      tpu.vector_store %arg13[%swap3A_819], %swap3A_822 {strides = array<i32>} : memref<8192xi32, #tpu.memory_space<vmem>>, vector<16xi32>,
      %swap3A_823 = arith.index_cast %mul3A_793 : i32 to index
      %swap3A_824 = tpu.vector_load %arg15[%swap3A_823] {strides = array<i32>} : memref<8192xi32, #tpu.memory_space<vmem>>, vector<16xi32>,
      %swap3A_825 = vector.shape_cast %swap3A_824 : vector<16xi32> to vector<16xi32>
      %swap3A_826 = vector.shape_cast %add3A_804 : vector<16xi32> to vector<16xi32>
      tpu.vector_store %arg15[%swap3A_823], %swap3A_826 {strides = array<i32>} : memref<8192xi32, #tpu.memory_space<vmem>>, vector<16xi32>,
    }
    %scan3A_179 = arith.constant 512 : i32
    %dma_start3A_180 = arith.constant 0 : i32
    %dma_start3A_181 = tpu.memref_slice %arg2[%dma_start3A_180] : memref<39845888xf32, #tpu.memory_space<hbm>> -> memref<39845888xf32, #tpu.memory_space<hbm>>
    tpu.enqueue_indirect_dma source(%dma_start3A_181 : memref<39845888xf32, #tpu.memory_space<hbm>>) target(%arg17 : memref<8192xf32, #tpu.memory_space<vmem>>) offsets(%arg13 : memref<8192xi32, #tpu.memory_space<vmem>>) semaphore(%arg24 : memref<!tpu.dma_semaphore, #tpu.memory_space<semaphore_mem>>)
    %dma_start3A_182 = arith.constant 0 : i32
    %dma_start3A_183 = tpu.memref_slice %arg2[%dma_start3A_182] : memref<39845888xf32, #tpu.memory_space<hbm>> -> memref<39845888xf32, #tpu.memory_space<hbm>>
    tpu.enqueue_indirect_dma source(%dma_start3A_183 : memref<39845888xf32, #tpu.memory_space<hbm>>) target(%arg19 : memref<8192xf32, #tpu.memory_space<vmem>>) offsets(%arg15 : memref<8192xi32, #tpu.memory_space<vmem>>) semaphore(%arg26 : memref<!tpu.dma_semaphore, #tpu.memory_space<semaphore_mem>>)
    %add3A_184 = arith.constant 32768 : i32
    %add3A_185 = arith.addi %add3A_4, %add3A_184 : i32
    %dma_start3A_186 = tpu.memref_slice %arg3[%add3A_185] : memref<2097152xi32, #tpu.memory_space<hbm>> -> memref<8192xi32, #tpu.memory_space<hbm>>
    %dma_start3A_187 = tpu.memref_slice %arg3[%add3A_185] : memref<2097152xi32, #tpu.memory_space<hbm>> -> memref<8192xi32, #tpu.memory_space<hbm>>
    tpu.enqueue_dma source(%dma_start3A_187 : memref<8192xi32, #tpu.memory_space<hbm>>) target(%arg7 : memref<8192xi32, #tpu.memory_space<vmem>>) target_semaphore(%arg22 : memref<!tpu.dma_semaphore, #tpu.memory_space<semaphore_mem>>)
    %dma_start3A_188 = tpu.memref_slice %arg4[%add3A_185] : memref<2097152xi32, #tpu.memory_space<hbm>> -> memref<8192xi32, #tpu.memory_space<hbm>>
    %dma_start3A_189 = tpu.memref_slice %arg4[%add3A_185] : memref<2097152xi32, #tpu.memory_space<hbm>> -> memref<8192xi32, #tpu.memory_space<hbm>>
    tpu.enqueue_dma source(%dma_start3A_189 : memref<8192xi32, #tpu.memory_space<hbm>>) target(%arg9 : memref<8192xi32, #tpu.memory_space<vmem>>) target_semaphore(%arg22 : memref<!tpu.dma_semaphore, #tpu.memory_space<semaphore_mem>>)
    %dma_start3A_190 = tpu.memref_slice %arg5[%add3A_185] : memref<2097152xi32, #tpu.memory_space<hbm>> -> memref<8192xi32, #tpu.memory_space<hbm>>
    %dma_start3A_191 = tpu.memref_slice %arg5[%add3A_185] : memref<2097152xi32, #tpu.memory_space<hbm>> -> memref<8192xi32, #tpu.memory_space<hbm>>
    tpu.enqueue_dma source(%dma_start3A_191 : memref<8192xi32, #tpu.memory_space<hbm>>) target(%arg11 : memref<8192xi32, #tpu.memory_space<vmem>>) target_semaphore(%arg22 : memref<!tpu.dma_semaphore, #tpu.memory_space<semaphore_mem>>)
    %dma_wait3A_192 = arith.constant 0 : i32
    %dma_wait3A_193 = tpu.memref_slice %arg2[%dma_wait3A_192] : memref<39845888xf32, #tpu.memory_space<hbm>> -> memref<39845888xf32, #tpu.memory_space<hbm>>
    tpu.wait_indirect_dma semaphore(%arg25 : memref<!tpu.dma_semaphore, #tpu.memory_space<semaphore_mem>>) src(%dma_wait3A_193 : memref<39845888xf32, #tpu.memory_space<hbm>>) dst(%arg18 : memref<8192xf32, #tpu.memory_space<vmem>>)
    %dma_wait3A_194 = arith.constant 0 : i32
    %dma_wait3A_195 = tpu.memref_slice %arg2[%dma_wait3A_194] : memref<39845888xf32, #tpu.memory_space<hbm>> -> memref<39845888xf32, #tpu.memory_space<hbm>>
    tpu.wait_indirect_dma semaphore(%arg27 : memref<!tpu.dma_semaphore, #tpu.memory_space<semaphore_mem>>) src(%dma_wait3A_195 : memref<39845888xf32, #tpu.memory_space<hbm>>) dst(%arg20 : memref<8192xf32, #tpu.memory_space<vmem>>)
    %scan3A_196 = arith.constant 0 : i32
    %scan3A_197 = arith.constant 512 : i32
    %scan3A_198 = arith.addi %scan3A_196, %scan3A_197 : i32
    %scan3A_199 = arith.constant 8 : i32
    %scan3A_200 = scf.for %scan3A_534 = %scan3A_196 to %scan3A_198 step %scan3A_199 iter_args(%scan3A_535 = %scan3A_133) -> (vector<16xf32>)  : i32 {
      %mul3A_536 = arith.constant 16 : i32
      %mul3A_537 = arith.muli %scan3A_534, %mul3A_536 : i32
      %get3A = arith.index_cast %mul3A_537 : i32 to index
      %get3A_538 = tpu.vector_load %arg18[%get3A] {strides = array<i32>} : memref<8192xf32, #tpu.memory_space<vmem>>, vector<16xf32>,
      %get3A_539 = vector.shape_cast %get3A_538 : vector<16xf32> to vector<16xf32>
      %get3A_540 = arith.index_cast %mul3A_537 : i32 to index
      %get3A_541 = tpu.vector_load %arg20[%get3A_540] {strides = array<i32>} : memref<8192xf32, #tpu.memory_space<vmem>>, vector<16xf32>,
      %get3A_542 = vector.shape_cast %get3A_541 : vector<16xf32> to vector<16xf32>
      %sub3A_543 = arith.subf %get3A_539, %get3A_542 : vector<16xf32>
      %add3A_544 = arith.addf %scan3A_535, %sub3A_543 : vector<16xf32>
      %scan3A_545 = arith.constant 1 : i32
      %scan3A_546 = arith.addi %scan3A_534, %scan3A_545 : i32
      %mul3A_547 = arith.constant 16 : i32
      %mul3A_548 = arith.muli %scan3A_546, %mul3A_547 : i32
      %get3A_549 = arith.index_cast %mul3A_548 : i32 to index
      %get3A_550 = tpu.vector_load %arg18[%get3A_549] {strides = array<i32>} : memref<8192xf32, #tpu.memory_space<vmem>>, vector<16xf32>,
      %get3A_551 = vector.shape_cast %get3A_550 : vector<16xf32> to vector<16xf32>
      %get3A_552 = arith.index_cast %mul3A_548 : i32 to index
      %get3A_553 = tpu.vector_load %arg20[%get3A_552] {strides = array<i32>} : memref<8192xf32, #tpu.memory_space<vmem>>, vector<16xf32>,
      %get3A_554 = vector.shape_cast %get3A_553 : vector<16xf32> to vector<16xf32>
      %sub3A_555 = arith.subf %get3A_551, %get3A_554 : vector<16xf32>
      %add3A_556 = arith.addf %add3A_544, %sub3A_555 : vector<16xf32>
      %scan3A_557 = arith.constant 2 : i32
      %scan3A_558 = arith.addi %scan3A_534, %scan3A_557 : i32
      %mul3A_559 = arith.constant 16 : i32
      %mul3A_560 = arith.muli %scan3A_558, %mul3A_559 : i32
      %get3A_561 = arith.index_cast %mul3A_560 : i32 to index
      %get3A_562 = tpu.vector_load %arg18[%get3A_561] {strides = array<i32>} : memref<8192xf32, #tpu.memory_space<vmem>>, vector<16xf32>,
      %get3A_563 = vector.shape_cast %get3A_562 : vector<16xf32> to vector<16xf32>
      %get3A_564 = arith.index_cast %mul3A_560 : i32 to index
      %get3A_565 = tpu.vector_load %arg20[%get3A_564] {strides = array<i32>} : memref<8192xf32, #tpu.memory_space<vmem>>, vector<16xf32>,
      %get3A_566 = vector.shape_cast %get3A_565 : vector<16xf32> to vector<16xf32>
      %sub3A_567 = arith.subf %get3A_563, %get3A_566 : vector<16xf32>
      %add3A_568 = arith.addf %add3A_556, %sub3A_567 : vector<16xf32>
      %scan3A_569 = arith.constant 3 : i32
      %scan3A_570 = arith.addi %scan3A_534, %scan3A_569 : i32
      %mul3A_571 = arith.constant 16 : i32
      %mul3A_572 = arith.muli %scan3A_570, %mul3A_571 : i32
      %get3A_573 = arith.index_cast %mul3A_572 : i32 to index
      %get3A_574 = tpu.vector_load %arg18[%get3A_573] {strides = array<i32>} : memref<8192xf32, #tpu.memory_space<vmem>>, vector<16xf32>,
      %get3A_575 = vector.shape_cast %get3A_574 : vector<16xf32> to vector<16xf32>
      %get3A_576 = arith.index_cast %mul3A_572 : i32 to index
      %get3A_577 = tpu.vector_load %arg20[%get3A_576] {strides = array<i32>} : memref<8192xf32, #tpu.memory_space<vmem>>, vector<16xf32>,
      %get3A_578 = vector.shape_cast %get3A_577 : vector<16xf32> to vector<16xf32>
      %sub3A_579 = arith.subf %get3A_575, %get3A_578 : vector<16xf32>
      %add3A_580 = arith.addf %add3A_568, %sub3A_579 : vector<16xf32>
      %scan3A_581 = arith.constant 4 : i32
      %scan3A_582 = arith.addi %scan3A_534, %scan3A_581 : i32
      %mul3A_583 = arith.constant 16 : i32
      %mul3A_584 = arith.muli %scan3A_582, %mul3A_583 : i32
      %get3A_585 = arith.index_cast %mul3A_584 : i32 to index
      %get3A_586 = tpu.vector_load %arg18[%get3A_585] {strides = array<i32>} : memref<8192xf32, #tpu.memory_space<vmem>>, vector<16xf32>,
      %get3A_587 = vector.shape_cast %get3A_586 : vector<16xf32> to vector<16xf32>
      %get3A_588 = arith.index_cast %mul3A_584 : i32 to index
      %get3A_589 = tpu.vector_load %arg20[%get3A_588] {strides = array<i32>} : memref<8192xf32, #tpu.memory_space<vmem>>, vector<16xf32>,
      %get3A_590 = vector.shape_cast %get3A_589 : vector<16xf32> to vector<16xf32>
      %sub3A_591 = arith.subf %get3A_587, %get3A_590 : vector<16xf32>
      %add3A_592 = arith.addf %add3A_580, %sub3A_591 : vector<16xf32>
      %scan3A_593 = arith.constant 5 : i32
      %scan3A_594 = arith.addi %scan3A_534, %scan3A_593 : i32
      %mul3A_595 = arith.constant 16 : i32
      %mul3A_596 = arith.muli %scan3A_594, %mul3A_595 : i32
      %get3A_597 = arith.index_cast %mul3A_596 : i32 to index
      %get3A_598 = tpu.vector_load %arg18[%get3A_597] {strides = array<i32>} : memref<8192xf32, #tpu.memory_space<vmem>>, vector<16xf32>,
      %get3A_599 = vector.shape_cast %get3A_598 : vector<16xf32> to vector<16xf32>
      %get3A_600 = arith.index_cast %mul3A_596 : i32 to index
      %get3A_601 = tpu.vector_load %arg20[%get3A_600] {strides = array<i32>} : memref<8192xf32, #tpu.memory_space<vmem>>, vector<16xf32>,
      %get3A_602 = vector.shape_cast %get3A_601 : vector<16xf32> to vector<16xf32>
      %sub3A_603 = arith.subf %get3A_599, %get3A_602 : vector<16xf32>
      %add3A_604 = arith.addf %add3A_592, %sub3A_603 : vector<16xf32>
      %scan3A_605 = arith.constant 6 : i32
      %scan3A_606 = arith.addi %scan3A_534, %scan3A_605 : i32
      %mul3A_607 = arith.constant 16 : i32
      %mul3A_608 = arith.muli %scan3A_606, %mul3A_607 : i32
      %get3A_609 = arith.index_cast %mul3A_608 : i32 to index
      %get3A_610 = tpu.vector_load %arg18[%get3A_609] {strides = array<i32>} : memref<8192xf32, #tpu.memory_space<vmem>>, vector<16xf32>,
      %get3A_611 = vector.shape_cast %get3A_610 : vector<16xf32> to vector<16xf32>
      %get3A_612 = arith.index_cast %mul3A_608 : i32 to index
      %get3A_613 = tpu.vector_load %arg20[%get3A_612] {strides = array<i32>} : memref<8192xf32, #tpu.memory_space<vmem>>, vector<16xf32>,
      %get3A_614 = vector.shape_cast %get3A_613 : vector<16xf32> to vector<16xf32>
      %sub3A_615 = arith.subf %get3A_611, %get3A_614 : vector<16xf32>
      %add3A_616 = arith.addf %add3A_604, %sub3A_615 : vector<16xf32>
      %scan3A_617 = arith.constant 7 : i32
      %scan3A_618 = arith.addi %scan3A_534, %scan3A_617 : i32
      %mul3A_619 = arith.constant 16 : i32
      %mul3A_620 = arith.muli %scan3A_618, %mul3A_619 : i32
      %get3A_621 = arith.index_cast %mul3A_620 : i32 to index
      %get3A_622 = tpu.vector_load %arg18[%get3A_621] {strides = array<i32>} : memref<8192xf32, #tpu.memory_space<vmem>>, vector<16xf32>,
      %get3A_623 = vector.shape_cast %get3A_622 : vector<16xf32> to vector<16xf32>
      %get3A_624 = arith.index_cast %mul3A_620 : i32 to index
      %get3A_625 = tpu.vector_load %arg20[%get3A_624] {strides = array<i32>} : memref<8192xf32, #tpu.memory_space<vmem>>, vector<16xf32>,
      %get3A_626 = vector.shape_cast %get3A_625 : vector<16xf32> to vector<16xf32>
      %sub3A_627 = arith.subf %get3A_623, %get3A_626 : vector<16xf32>
      %add3A_628 = arith.addf %add3A_616, %sub3A_627 : vector<16xf32>
      scf.yield %add3A_628 : vector<16xf32>
    }
    %scan3A_201 = arith.constant 512 : i32
    %add3A_202 = arith.constant 24576 : i32
    %add3A_203 = arith.addi %add3A_4, %add3A_202 : i32
    %dma_wait3A_204 = tpu.memref_slice %arg3[%add3A_203] : memref<2097152xi32, #tpu.memory_space<hbm>> -> memref<8192xi32, #tpu.memory_space<hbm>>
    %dma_wait3A_205 = tpu.memref_slice %arg3[%add3A_203] : memref<2097152xi32, #tpu.memory_space<hbm>> -> memref<8192xi32, #tpu.memory_space<hbm>>
    tpu.wait_dma2 semaphore(%arg23 : memref<!tpu.dma_semaphore, #tpu.memory_space<semaphore_mem>>) src(%dma_wait3A_205 : memref<8192xi32, #tpu.memory_space<hbm>>) dst(%arg8 : memref<8192xi32, #tpu.memory_space<vmem>>)
    %dma_wait3A_206 = tpu.memref_slice %arg4[%add3A_203] : memref<2097152xi32, #tpu.memory_space<hbm>> -> memref<8192xi32, #tpu.memory_space<hbm>>
    %dma_wait3A_207 = tpu.memref_slice %arg4[%add3A_203] : memref<2097152xi32, #tpu.memory_space<hbm>> -> memref<8192xi32, #tpu.memory_space<hbm>>
    tpu.wait_dma2 semaphore(%arg23 : memref<!tpu.dma_semaphore, #tpu.memory_space<semaphore_mem>>) src(%dma_wait3A_207 : memref<8192xi32, #tpu.memory_space<hbm>>) dst(%arg10 : memref<8192xi32, #tpu.memory_space<vmem>>)
    %dma_wait3A_208 = tpu.memref_slice %arg5[%add3A_203] : memref<2097152xi32, #tpu.memory_space<hbm>> -> memref<8192xi32, #tpu.memory_space<hbm>>
    %dma_wait3A_209 = tpu.memref_slice %arg5[%add3A_203] : memref<2097152xi32, #tpu.memory_space<hbm>> -> memref<8192xi32, #tpu.memory_space<hbm>>
    tpu.wait_dma2 semaphore(%arg23 : memref<!tpu.dma_semaphore, #tpu.memory_space<semaphore_mem>>) src(%dma_wait3A_209 : memref<8192xi32, #tpu.memory_space<hbm>>) dst(%arg12 : memref<8192xi32, #tpu.memory_space<vmem>>)
    %add3A_210 = arith.constant 24576 : i32
    %add3A_211 = arith.addi %add3A_4, %add3A_210 : i32
    %jit3A_212 = arith.constant 262144 : i32
    %div3A_213 = arith.divsi %add3A_211, %jit3A_212 : i32
    %sign3A_214 = arith.constant 0 : i32
    %sign3A_215 = arith.cmpi sgt, %add3A_211, %sign3A_214 : i32
    %sign3A_216 = arith.extui %sign3A_215 : i1 to i32
    %sign3A_217 = arith.constant 0 : i32
    %sign3A_218 = arith.cmpi slt, %add3A_211, %sign3A_217 : i32
    %sign3A_219 = arith.extui %sign3A_218 : i1 to i32
    %sign3A_220 = arith.subi %sign3A_216, %sign3A_219 : i32
    %sign3A_221 = arith.constant 0 : i32
    %sign3A_222 = arith.cmpi sgt, %jit3A_212, %sign3A_221 : i32
    %sign3A_223 = arith.extui %sign3A_222 : i1 to i32
    %sign3A_224 = arith.constant 0 : i32
    %sign3A_225 = arith.cmpi slt, %jit3A_212, %sign3A_224 : i32
    %sign3A_226 = arith.extui %sign3A_225 : i1 to i32
    %sign3A_227 = arith.subi %sign3A_223, %sign3A_226 : i32
    %ne3A_228 = arith.cmpi ne, %sign3A_220, %sign3A_227 : i32
    %rem3A_229 = arith.remsi %add3A_211, %jit3A_212 : i32
    %ne3A_230 = arith.constant 0 : i32
    %ne3A_231 = arith.cmpi ne, %rem3A_229, %ne3A_230 : i32
    %and3A_232 = arith.andi %ne3A_228, %ne3A_231 : i1
    %sub3A_233 = arith.constant 1 : i32
    %sub3A_234 = arith.subi %div3A_213, %sub3A_233 : i32
    %select_n3A_235 = arith.select %and3A_232, %sub3A_234, %div3A_213 : i32
    %mul3A_236 = arith.constant 18 : i32
    %mul3A_237 = arith.muli %select_n3A_235, %mul3A_236 : i32
    %mul3A_238 = arith.constant 262144 : i32
    %mul3A_239 = arith.muli %mul3A_237, %mul3A_238 : i32
    %add3A_240 = arith.addi %add3A_211, %mul3A_239 : i32
    %scan3A_241 = arith.constant 0 : i32
    %scan3A_242 = arith.constant 0 : i32
    %scan3A_243 = arith.constant 512 : i32
    %scan3A_244 = arith.addi %scan3A_242, %scan3A_243 : i32
    %scan3A_245 = arith.constant 8 : i32
    scf.for %scan3A_534 = %scan3A_242 to %scan3A_244 step %scan3A_245  : i32 {
      %mul3A_535 = arith.constant 16 : i32
      %mul3A_536 = arith.muli %scan3A_534, %mul3A_535 : i32
      %iota3A = tpu.iota {dimensions = array<i32: 0>} : vector<16xi32>
      %add3A_537 = arith.addi %add3A_240, %mul3A_536 : i32
      %add3A_538 = vector.broadcast %add3A_537 : i32 to vector<16xi32>
      %add3A_539 = arith.addi %iota3A, %add3A_538 : vector<16xi32>
      %get3A = arith.index_cast %mul3A_536 : i32 to index
      %get3A_540 = tpu.vector_load %arg10[%get3A] {strides = array<i32>} : memref<8192xi32, #tpu.memory_space<vmem>>, vector<16xi32>,
      %get3A_541 = vector.shape_cast %get3A_540 : vector<16xi32> to vector<16xi32>
      %mul3A_542 = arith.constant 262144 : i32
      %mul3A_543 = vector.broadcast %mul3A_542 : i32 to vector<16xi32>
      %mul3A_544 = arith.muli %get3A_541, %mul3A_543 : vector<16xi32>
      %add3A_545 = arith.addi %mul3A_544, %add3A_539 : vector<16xi32>
      %get3A_546 = arith.index_cast %mul3A_536 : i32 to index
      %get3A_547 = tpu.vector_load %arg8[%get3A_546] {strides = array<i32>} : memref<8192xi32, #tpu.memory_space<vmem>>, vector<16xi32>,
      %get3A_548 = vector.shape_cast %get3A_547 : vector<16xi32> to vector<16xi32>
      %mul3A_549 = arith.constant 262144 : i32
      %mul3A_550 = vector.broadcast %mul3A_549 : i32 to vector<16xi32>
      %mul3A_551 = arith.muli %get3A_548, %mul3A_550 : vector<16xi32>
      %add3A_552 = arith.addi %mul3A_551, %add3A_539 : vector<16xi32>
      %get3A_553 = arith.index_cast %mul3A_536 : i32 to index
      %get3A_554 = tpu.vector_load %arg12[%get3A_553] {strides = array<i32>} : memref<8192xi32, #tpu.memory_space<vmem>>, vector<16xi32>,
      %get3A_555 = vector.shape_cast %get3A_554 : vector<16xi32> to vector<16xi32>
      %ne3A_556 = arith.constant 0 : i32
      %ne3A_557 = vector.broadcast %ne3A_556 : i32 to vector<16xi32>
      %ne3A_558 = arith.cmpi ne, %get3A_555, %ne3A_557 : vector<16xi32>
      %select_n3A_559 = arith.select %ne3A_558, %add3A_552, %add3A_545 : vector<16xi1>, vector<16xi32>
      %swap3A_560 = arith.index_cast %mul3A_536 : i32 to index
      %swap3A_561 = tpu.vector_load %arg14[%swap3A_560] {strides = array<i32>} : memref<8192xi32, #tpu.memory_space<vmem>>, vector<16xi32>,
      %swap3A_562 = vector.shape_cast %swap3A_561 : vector<16xi32> to vector<16xi32>
      %swap3A_563 = vector.shape_cast %select_n3A_559 : vector<16xi32> to vector<16xi32>
      tpu.vector_store %arg14[%swap3A_560], %swap3A_563 {strides = array<i32>} : memref<8192xi32, #tpu.memory_space<vmem>>, vector<16xi32>,
      %swap3A_564 = arith.index_cast %mul3A_536 : i32 to index
      %swap3A_565 = tpu.vector_load %arg16[%swap3A_564] {strides = array<i32>} : memref<8192xi32, #tpu.memory_space<vmem>>, vector<16xi32>,
      %swap3A_566 = vector.shape_cast %swap3A_565 : vector<16xi32> to vector<16xi32>
      %swap3A_567 = vector.shape_cast %add3A_545 : vector<16xi32> to vector<16xi32>
      tpu.vector_store %arg16[%swap3A_564], %swap3A_567 {strides = array<i32>} : memref<8192xi32, #tpu.memory_space<vmem>>, vector<16xi32>,
      %scan3A_568 = arith.constant 1 : i32
      %scan3A_569 = arith.addi %scan3A_534, %scan3A_568 : i32
      %mul3A_570 = arith.constant 16 : i32
      %mul3A_571 = arith.muli %scan3A_569, %mul3A_570 : i32
      %iota3A_572 = tpu.iota {dimensions = array<i32: 0>} : vector<16xi32>
      %add3A_573 = arith.addi %add3A_240, %mul3A_571 : i32
      %add3A_574 = vector.broadcast %add3A_573 : i32 to vector<16xi32>
      %add3A_575 = arith.addi %iota3A_572, %add3A_574 : vector<16xi32>
      %get3A_576 = arith.index_cast %mul3A_571 : i32 to index
      %get3A_577 = tpu.vector_load %arg10[%get3A_576] {strides = array<i32>} : memref<8192xi32, #tpu.memory_space<vmem>>, vector<16xi32>,
      %get3A_578 = vector.shape_cast %get3A_577 : vector<16xi32> to vector<16xi32>
      %mul3A_579 = arith.constant 262144 : i32
      %mul3A_580 = vector.broadcast %mul3A_579 : i32 to vector<16xi32>
      %mul3A_581 = arith.muli %get3A_578, %mul3A_580 : vector<16xi32>
      %add3A_582 = arith.addi %mul3A_581, %add3A_575 : vector<16xi32>
      %get3A_583 = arith.index_cast %mul3A_571 : i32 to index
      %get3A_584 = tpu.vector_load %arg8[%get3A_583] {strides = array<i32>} : memref<8192xi32, #tpu.memory_space<vmem>>, vector<16xi32>,
      %get3A_585 = vector.shape_cast %get3A_584 : vector<16xi32> to vector<16xi32>
      %mul3A_586 = arith.constant 262144 : i32
      %mul3A_587 = vector.broadcast %mul3A_586 : i32 to vector<16xi32>
      %mul3A_588 = arith.muli %get3A_585, %mul3A_587 : vector<16xi32>
      %add3A_589 = arith.addi %mul3A_588, %add3A_575 : vector<16xi32>
      %get3A_590 = arith.index_cast %mul3A_571 : i32 to index
      %get3A_591 = tpu.vector_load %arg12[%get3A_590] {strides = array<i32>} : memref<8192xi32, #tpu.memory_space<vmem>>, vector<16xi32>,
      %get3A_592 = vector.shape_cast %get3A_591 : vector<16xi32> to vector<16xi32>
      %ne3A_593 = arith.constant 0 : i32
      %ne3A_594 = vector.broadcast %ne3A_593 : i32 to vector<16xi32>
      %ne3A_595 = arith.cmpi ne, %get3A_592, %ne3A_594 : vector<16xi32>
      %select_n3A_596 = arith.select %ne3A_595, %add3A_589, %add3A_582 : vector<16xi1>, vector<16xi32>
      %swap3A_597 = arith.index_cast %mul3A_571 : i32 to index
      %swap3A_598 = tpu.vector_load %arg14[%swap3A_597] {strides = array<i32>} : memref<8192xi32, #tpu.memory_space<vmem>>, vector<16xi32>,
      %swap3A_599 = vector.shape_cast %swap3A_598 : vector<16xi32> to vector<16xi32>
      %swap3A_600 = vector.shape_cast %select_n3A_596 : vector<16xi32> to vector<16xi32>
      tpu.vector_store %arg14[%swap3A_597], %swap3A_600 {strides = array<i32>} : memref<8192xi32, #tpu.memory_space<vmem>>, vector<16xi32>,
      %swap3A_601 = arith.index_cast %mul3A_571 : i32 to index
      %swap3A_602 = tpu.vector_load %arg16[%swap3A_601] {strides = array<i32>} : memref<8192xi32, #tpu.memory_space<vmem>>, vector<16xi32>,
      %swap3A_603 = vector.shape_cast %swap3A_602 : vector<16xi32> to vector<16xi32>
      %swap3A_604 = vector.shape_cast %add3A_582 : vector<16xi32> to vector<16xi32>
      tpu.vector_store %arg16[%swap3A_601], %swap3A_604 {strides = array<i32>} : memref<8192xi32, #tpu.memory_space<vmem>>, vector<16xi32>,
      %scan3A_605 = arith.constant 2 : i32
      %scan3A_606 = arith.addi %scan3A_534, %scan3A_605 : i32
      %mul3A_607 = arith.constant 16 : i32
      %mul3A_608 = arith.muli %scan3A_606, %mul3A_607 : i32
      %iota3A_609 = tpu.iota {dimensions = array<i32: 0>} : vector<16xi32>
      %add3A_610 = arith.addi %add3A_240, %mul3A_608 : i32
      %add3A_611 = vector.broadcast %add3A_610 : i32 to vector<16xi32>
      %add3A_612 = arith.addi %iota3A_609, %add3A_611 : vector<16xi32>
      %get3A_613 = arith.index_cast %mul3A_608 : i32 to index
      %get3A_614 = tpu.vector_load %arg10[%get3A_613] {strides = array<i32>} : memref<8192xi32, #tpu.memory_space<vmem>>, vector<16xi32>,
      %get3A_615 = vector.shape_cast %get3A_614 : vector<16xi32> to vector<16xi32>
      %mul3A_616 = arith.constant 262144 : i32
      %mul3A_617 = vector.broadcast %mul3A_616 : i32 to vector<16xi32>
      %mul3A_618 = arith.muli %get3A_615, %mul3A_617 : vector<16xi32>
      %add3A_619 = arith.addi %mul3A_618, %add3A_612 : vector<16xi32>
      %get3A_620 = arith.index_cast %mul3A_608 : i32 to index
      %get3A_621 = tpu.vector_load %arg8[%get3A_620] {strides = array<i32>} : memref<8192xi32, #tpu.memory_space<vmem>>, vector<16xi32>,
      %get3A_622 = vector.shape_cast %get3A_621 : vector<16xi32> to vector<16xi32>
      %mul3A_623 = arith.constant 262144 : i32
      %mul3A_624 = vector.broadcast %mul3A_623 : i32 to vector<16xi32>
      %mul3A_625 = arith.muli %get3A_622, %mul3A_624 : vector<16xi32>
      %add3A_626 = arith.addi %mul3A_625, %add3A_612 : vector<16xi32>
      %get3A_627 = arith.index_cast %mul3A_608 : i32 to index
      %get3A_628 = tpu.vector_load %arg12[%get3A_627] {strides = array<i32>} : memref<8192xi32, #tpu.memory_space<vmem>>, vector<16xi32>,
      %get3A_629 = vector.shape_cast %get3A_628 : vector<16xi32> to vector<16xi32>
      %ne3A_630 = arith.constant 0 : i32
      %ne3A_631 = vector.broadcast %ne3A_630 : i32 to vector<16xi32>
      %ne3A_632 = arith.cmpi ne, %get3A_629, %ne3A_631 : vector<16xi32>
      %select_n3A_633 = arith.select %ne3A_632, %add3A_626, %add3A_619 : vector<16xi1>, vector<16xi32>
      %swap3A_634 = arith.index_cast %mul3A_608 : i32 to index
      %swap3A_635 = tpu.vector_load %arg14[%swap3A_634] {strides = array<i32>} : memref<8192xi32, #tpu.memory_space<vmem>>, vector<16xi32>,
      %swap3A_636 = vector.shape_cast %swap3A_635 : vector<16xi32> to vector<16xi32>
      %swap3A_637 = vector.shape_cast %select_n3A_633 : vector<16xi32> to vector<16xi32>
      tpu.vector_store %arg14[%swap3A_634], %swap3A_637 {strides = array<i32>} : memref<8192xi32, #tpu.memory_space<vmem>>, vector<16xi32>,
      %swap3A_638 = arith.index_cast %mul3A_608 : i32 to index
      %swap3A_639 = tpu.vector_load %arg16[%swap3A_638] {strides = array<i32>} : memref<8192xi32, #tpu.memory_space<vmem>>, vector<16xi32>,
      %swap3A_640 = vector.shape_cast %swap3A_639 : vector<16xi32> to vector<16xi32>
      %swap3A_641 = vector.shape_cast %add3A_619 : vector<16xi32> to vector<16xi32>
      tpu.vector_store %arg16[%swap3A_638], %swap3A_641 {strides = array<i32>} : memref<8192xi32, #tpu.memory_space<vmem>>, vector<16xi32>,
      %scan3A_642 = arith.constant 3 : i32
      %scan3A_643 = arith.addi %scan3A_534, %scan3A_642 : i32
      %mul3A_644 = arith.constant 16 : i32
      %mul3A_645 = arith.muli %scan3A_643, %mul3A_644 : i32
      %iota3A_646 = tpu.iota {dimensions = array<i32: 0>} : vector<16xi32>
      %add3A_647 = arith.addi %add3A_240, %mul3A_645 : i32
      %add3A_648 = vector.broadcast %add3A_647 : i32 to vector<16xi32>
      %add3A_649 = arith.addi %iota3A_646, %add3A_648 : vector<16xi32>
      %get3A_650 = arith.index_cast %mul3A_645 : i32 to index
      %get3A_651 = tpu.vector_load %arg10[%get3A_650] {strides = array<i32>} : memref<8192xi32, #tpu.memory_space<vmem>>, vector<16xi32>,
      %get3A_652 = vector.shape_cast %get3A_651 : vector<16xi32> to vector<16xi32>
      %mul3A_653 = arith.constant 262144 : i32
      %mul3A_654 = vector.broadcast %mul3A_653 : i32 to vector<16xi32>
      %mul3A_655 = arith.muli %get3A_652, %mul3A_654 : vector<16xi32>
      %add3A_656 = arith.addi %mul3A_655, %add3A_649 : vector<16xi32>
      %get3A_657 = arith.index_cast %mul3A_645 : i32 to index
      %get3A_658 = tpu.vector_load %arg8[%get3A_657] {strides = array<i32>} : memref<8192xi32, #tpu.memory_space<vmem>>, vector<16xi32>,
      %get3A_659 = vector.shape_cast %get3A_658 : vector<16xi32> to vector<16xi32>
      %mul3A_660 = arith.constant 262144 : i32
      %mul3A_661 = vector.broadcast %mul3A_660 : i32 to vector<16xi32>
      %mul3A_662 = arith.muli %get3A_659, %mul3A_661 : vector<16xi32>
      %add3A_663 = arith.addi %mul3A_662, %add3A_649 : vector<16xi32>
      %get3A_664 = arith.index_cast %mul3A_645 : i32 to index
      %get3A_665 = tpu.vector_load %arg12[%get3A_664] {strides = array<i32>} : memref<8192xi32, #tpu.memory_space<vmem>>, vector<16xi32>,
      %get3A_666 = vector.shape_cast %get3A_665 : vector<16xi32> to vector<16xi32>
      %ne3A_667 = arith.constant 0 : i32
      %ne3A_668 = vector.broadcast %ne3A_667 : i32 to vector<16xi32>
      %ne3A_669 = arith.cmpi ne, %get3A_666, %ne3A_668 : vector<16xi32>
      %select_n3A_670 = arith.select %ne3A_669, %add3A_663, %add3A_656 : vector<16xi1>, vector<16xi32>
      %swap3A_671 = arith.index_cast %mul3A_645 : i32 to index
      %swap3A_672 = tpu.vector_load %arg14[%swap3A_671] {strides = array<i32>} : memref<8192xi32, #tpu.memory_space<vmem>>, vector<16xi32>,
      %swap3A_673 = vector.shape_cast %swap3A_672 : vector<16xi32> to vector<16xi32>
      %swap3A_674 = vector.shape_cast %select_n3A_670 : vector<16xi32> to vector<16xi32>
      tpu.vector_store %arg14[%swap3A_671], %swap3A_674 {strides = array<i32>} : memref<8192xi32, #tpu.memory_space<vmem>>, vector<16xi32>,
      %swap3A_675 = arith.index_cast %mul3A_645 : i32 to index
      %swap3A_676 = tpu.vector_load %arg16[%swap3A_675] {strides = array<i32>} : memref<8192xi32, #tpu.memory_space<vmem>>, vector<16xi32>,
      %swap3A_677 = vector.shape_cast %swap3A_676 : vector<16xi32> to vector<16xi32>
      %swap3A_678 = vector.shape_cast %add3A_656 : vector<16xi32> to vector<16xi32>
      tpu.vector_store %arg16[%swap3A_675], %swap3A_678 {strides = array<i32>} : memref<8192xi32, #tpu.memory_space<vmem>>, vector<16xi32>,
      %scan3A_679 = arith.constant 4 : i32
      %scan3A_680 = arith.addi %scan3A_534, %scan3A_679 : i32
      %mul3A_681 = arith.constant 16 : i32
      %mul3A_682 = arith.muli %scan3A_680, %mul3A_681 : i32
      %iota3A_683 = tpu.iota {dimensions = array<i32: 0>} : vector<16xi32>
      %add3A_684 = arith.addi %add3A_240, %mul3A_682 : i32
      %add3A_685 = vector.broadcast %add3A_684 : i32 to vector<16xi32>
      %add3A_686 = arith.addi %iota3A_683, %add3A_685 : vector<16xi32>
      %get3A_687 = arith.index_cast %mul3A_682 : i32 to index
      %get3A_688 = tpu.vector_load %arg10[%get3A_687] {strides = array<i32>} : memref<8192xi32, #tpu.memory_space<vmem>>, vector<16xi32>,
      %get3A_689 = vector.shape_cast %get3A_688 : vector<16xi32> to vector<16xi32>
      %mul3A_690 = arith.constant 262144 : i32
      %mul3A_691 = vector.broadcast %mul3A_690 : i32 to vector<16xi32>
      %mul3A_692 = arith.muli %get3A_689, %mul3A_691 : vector<16xi32>
      %add3A_693 = arith.addi %mul3A_692, %add3A_686 : vector<16xi32>
      %get3A_694 = arith.index_cast %mul3A_682 : i32 to index
      %get3A_695 = tpu.vector_load %arg8[%get3A_694] {strides = array<i32>} : memref<8192xi32, #tpu.memory_space<vmem>>, vector<16xi32>,
      %get3A_696 = vector.shape_cast %get3A_695 : vector<16xi32> to vector<16xi32>
      %mul3A_697 = arith.constant 262144 : i32
      %mul3A_698 = vector.broadcast %mul3A_697 : i32 to vector<16xi32>
      %mul3A_699 = arith.muli %get3A_696, %mul3A_698 : vector<16xi32>
      %add3A_700 = arith.addi %mul3A_699, %add3A_686 : vector<16xi32>
      %get3A_701 = arith.index_cast %mul3A_682 : i32 to index
      %get3A_702 = tpu.vector_load %arg12[%get3A_701] {strides = array<i32>} : memref<8192xi32, #tpu.memory_space<vmem>>, vector<16xi32>,
      %get3A_703 = vector.shape_cast %get3A_702 : vector<16xi32> to vector<16xi32>
      %ne3A_704 = arith.constant 0 : i32
      %ne3A_705 = vector.broadcast %ne3A_704 : i32 to vector<16xi32>
      %ne3A_706 = arith.cmpi ne, %get3A_703, %ne3A_705 : vector<16xi32>
      %select_n3A_707 = arith.select %ne3A_706, %add3A_700, %add3A_693 : vector<16xi1>, vector<16xi32>
      %swap3A_708 = arith.index_cast %mul3A_682 : i32 to index
      %swap3A_709 = tpu.vector_load %arg14[%swap3A_708] {strides = array<i32>} : memref<8192xi32, #tpu.memory_space<vmem>>, vector<16xi32>,
      %swap3A_710 = vector.shape_cast %swap3A_709 : vector<16xi32> to vector<16xi32>
      %swap3A_711 = vector.shape_cast %select_n3A_707 : vector<16xi32> to vector<16xi32>
      tpu.vector_store %arg14[%swap3A_708], %swap3A_711 {strides = array<i32>} : memref<8192xi32, #tpu.memory_space<vmem>>, vector<16xi32>,
      %swap3A_712 = arith.index_cast %mul3A_682 : i32 to index
      %swap3A_713 = tpu.vector_load %arg16[%swap3A_712] {strides = array<i32>} : memref<8192xi32, #tpu.memory_space<vmem>>, vector<16xi32>,
      %swap3A_714 = vector.shape_cast %swap3A_713 : vector<16xi32> to vector<16xi32>
      %swap3A_715 = vector.shape_cast %add3A_693 : vector<16xi32> to vector<16xi32>
      tpu.vector_store %arg16[%swap3A_712], %swap3A_715 {strides = array<i32>} : memref<8192xi32, #tpu.memory_space<vmem>>, vector<16xi32>,
      %scan3A_716 = arith.constant 5 : i32
      %scan3A_717 = arith.addi %scan3A_534, %scan3A_716 : i32
      %mul3A_718 = arith.constant 16 : i32
      %mul3A_719 = arith.muli %scan3A_717, %mul3A_718 : i32
      %iota3A_720 = tpu.iota {dimensions = array<i32: 0>} : vector<16xi32>
      %add3A_721 = arith.addi %add3A_240, %mul3A_719 : i32
      %add3A_722 = vector.broadcast %add3A_721 : i32 to vector<16xi32>
      %add3A_723 = arith.addi %iota3A_720, %add3A_722 : vector<16xi32>
      %get3A_724 = arith.index_cast %mul3A_719 : i32 to index
      %get3A_725 = tpu.vector_load %arg10[%get3A_724] {strides = array<i32>} : memref<8192xi32, #tpu.memory_space<vmem>>, vector<16xi32>,
      %get3A_726 = vector.shape_cast %get3A_725 : vector<16xi32> to vector<16xi32>
      %mul3A_727 = arith.constant 262144 : i32
      %mul3A_728 = vector.broadcast %mul3A_727 : i32 to vector<16xi32>
      %mul3A_729 = arith.muli %get3A_726, %mul3A_728 : vector<16xi32>
      %add3A_730 = arith.addi %mul3A_729, %add3A_723 : vector<16xi32>
      %get3A_731 = arith.index_cast %mul3A_719 : i32 to index
      %get3A_732 = tpu.vector_load %arg8[%get3A_731] {strides = array<i32>} : memref<8192xi32, #tpu.memory_space<vmem>>, vector<16xi32>,
      %get3A_733 = vector.shape_cast %get3A_732 : vector<16xi32> to vector<16xi32>
      %mul3A_734 = arith.constant 262144 : i32
      %mul3A_735 = vector.broadcast %mul3A_734 : i32 to vector<16xi32>
      %mul3A_736 = arith.muli %get3A_733, %mul3A_735 : vector<16xi32>
      %add3A_737 = arith.addi %mul3A_736, %add3A_723 : vector<16xi32>
      %get3A_738 = arith.index_cast %mul3A_719 : i32 to index
      %get3A_739 = tpu.vector_load %arg12[%get3A_738] {strides = array<i32>} : memref<8192xi32, #tpu.memory_space<vmem>>, vector<16xi32>,
      %get3A_740 = vector.shape_cast %get3A_739 : vector<16xi32> to vector<16xi32>
      %ne3A_741 = arith.constant 0 : i32
      %ne3A_742 = vector.broadcast %ne3A_741 : i32 to vector<16xi32>
      %ne3A_743 = arith.cmpi ne, %get3A_740, %ne3A_742 : vector<16xi32>
      %select_n3A_744 = arith.select %ne3A_743, %add3A_737, %add3A_730 : vector<16xi1>, vector<16xi32>
      %swap3A_745 = arith.index_cast %mul3A_719 : i32 to index
      %swap3A_746 = tpu.vector_load %arg14[%swap3A_745] {strides = array<i32>} : memref<8192xi32, #tpu.memory_space<vmem>>, vector<16xi32>,
      %swap3A_747 = vector.shape_cast %swap3A_746 : vector<16xi32> to vector<16xi32>
      %swap3A_748 = vector.shape_cast %select_n3A_744 : vector<16xi32> to vector<16xi32>
      tpu.vector_store %arg14[%swap3A_745], %swap3A_748 {strides = array<i32>} : memref<8192xi32, #tpu.memory_space<vmem>>, vector<16xi32>,
      %swap3A_749 = arith.index_cast %mul3A_719 : i32 to index
      %swap3A_750 = tpu.vector_load %arg16[%swap3A_749] {strides = array<i32>} : memref<8192xi32, #tpu.memory_space<vmem>>, vector<16xi32>,
      %swap3A_751 = vector.shape_cast %swap3A_750 : vector<16xi32> to vector<16xi32>
      %swap3A_752 = vector.shape_cast %add3A_730 : vector<16xi32> to vector<16xi32>
      tpu.vector_store %arg16[%swap3A_749], %swap3A_752 {strides = array<i32>} : memref<8192xi32, #tpu.memory_space<vmem>>, vector<16xi32>,
      %scan3A_753 = arith.constant 6 : i32
      %scan3A_754 = arith.addi %scan3A_534, %scan3A_753 : i32
      %mul3A_755 = arith.constant 16 : i32
      %mul3A_756 = arith.muli %scan3A_754, %mul3A_755 : i32
      %iota3A_757 = tpu.iota {dimensions = array<i32: 0>} : vector<16xi32>
      %add3A_758 = arith.addi %add3A_240, %mul3A_756 : i32
      %add3A_759 = vector.broadcast %add3A_758 : i32 to vector<16xi32>
      %add3A_760 = arith.addi %iota3A_757, %add3A_759 : vector<16xi32>
      %get3A_761 = arith.index_cast %mul3A_756 : i32 to index
      %get3A_762 = tpu.vector_load %arg10[%get3A_761] {strides = array<i32>} : memref<8192xi32, #tpu.memory_space<vmem>>, vector<16xi32>,
      %get3A_763 = vector.shape_cast %get3A_762 : vector<16xi32> to vector<16xi32>
      %mul3A_764 = arith.constant 262144 : i32
      %mul3A_765 = vector.broadcast %mul3A_764 : i32 to vector<16xi32>
      %mul3A_766 = arith.muli %get3A_763, %mul3A_765 : vector<16xi32>
      %add3A_767 = arith.addi %mul3A_766, %add3A_760 : vector<16xi32>
      %get3A_768 = arith.index_cast %mul3A_756 : i32 to index
      %get3A_769 = tpu.vector_load %arg8[%get3A_768] {strides = array<i32>} : memref<8192xi32, #tpu.memory_space<vmem>>, vector<16xi32>,
      %get3A_770 = vector.shape_cast %get3A_769 : vector<16xi32> to vector<16xi32>
      %mul3A_771 = arith.constant 262144 : i32
      %mul3A_772 = vector.broadcast %mul3A_771 : i32 to vector<16xi32>
      %mul3A_773 = arith.muli %get3A_770, %mul3A_772 : vector<16xi32>
      %add3A_774 = arith.addi %mul3A_773, %add3A_760 : vector<16xi32>
      %get3A_775 = arith.index_cast %mul3A_756 : i32 to index
      %get3A_776 = tpu.vector_load %arg12[%get3A_775] {strides = array<i32>} : memref<8192xi32, #tpu.memory_space<vmem>>, vector<16xi32>,
      %get3A_777 = vector.shape_cast %get3A_776 : vector<16xi32> to vector<16xi32>
      %ne3A_778 = arith.constant 0 : i32
      %ne3A_779 = vector.broadcast %ne3A_778 : i32 to vector<16xi32>
      %ne3A_780 = arith.cmpi ne, %get3A_777, %ne3A_779 : vector<16xi32>
      %select_n3A_781 = arith.select %ne3A_780, %add3A_774, %add3A_767 : vector<16xi1>, vector<16xi32>
      %swap3A_782 = arith.index_cast %mul3A_756 : i32 to index
      %swap3A_783 = tpu.vector_load %arg14[%swap3A_782] {strides = array<i32>} : memref<8192xi32, #tpu.memory_space<vmem>>, vector<16xi32>,
      %swap3A_784 = vector.shape_cast %swap3A_783 : vector<16xi32> to vector<16xi32>
      %swap3A_785 = vector.shape_cast %select_n3A_781 : vector<16xi32> to vector<16xi32>
      tpu.vector_store %arg14[%swap3A_782], %swap3A_785 {strides = array<i32>} : memref<8192xi32, #tpu.memory_space<vmem>>, vector<16xi32>,
      %swap3A_786 = arith.index_cast %mul3A_756 : i32 to index
      %swap3A_787 = tpu.vector_load %arg16[%swap3A_786] {strides = array<i32>} : memref<8192xi32, #tpu.memory_space<vmem>>, vector<16xi32>,
      %swap3A_788 = vector.shape_cast %swap3A_787 : vector<16xi32> to vector<16xi32>
      %swap3A_789 = vector.shape_cast %add3A_767 : vector<16xi32> to vector<16xi32>
      tpu.vector_store %arg16[%swap3A_786], %swap3A_789 {strides = array<i32>} : memref<8192xi32, #tpu.memory_space<vmem>>, vector<16xi32>,
      %scan3A_790 = arith.constant 7 : i32
      %scan3A_791 = arith.addi %scan3A_534, %scan3A_790 : i32
      %mul3A_792 = arith.constant 16 : i32
      %mul3A_793 = arith.muli %scan3A_791, %mul3A_792 : i32
      %iota3A_794 = tpu.iota {dimensions = array<i32: 0>} : vector<16xi32>
      %add3A_795 = arith.addi %add3A_240, %mul3A_793 : i32
      %add3A_796 = vector.broadcast %add3A_795 : i32 to vector<16xi32>
      %add3A_797 = arith.addi %iota3A_794, %add3A_796 : vector<16xi32>
      %get3A_798 = arith.index_cast %mul3A_793 : i32 to index
      %get3A_799 = tpu.vector_load %arg10[%get3A_798] {strides = array<i32>} : memref<8192xi32, #tpu.memory_space<vmem>>, vector<16xi32>,
      %get3A_800 = vector.shape_cast %get3A_799 : vector<16xi32> to vector<16xi32>
      %mul3A_801 = arith.constant 262144 : i32
      %mul3A_802 = vector.broadcast %mul3A_801 : i32 to vector<16xi32>
      %mul3A_803 = arith.muli %get3A_800, %mul3A_802 : vector<16xi32>
      %add3A_804 = arith.addi %mul3A_803, %add3A_797 : vector<16xi32>
      %get3A_805 = arith.index_cast %mul3A_793 : i32 to index
      %get3A_806 = tpu.vector_load %arg8[%get3A_805] {strides = array<i32>} : memref<8192xi32, #tpu.memory_space<vmem>>, vector<16xi32>,
      %get3A_807 = vector.shape_cast %get3A_806 : vector<16xi32> to vector<16xi32>
      %mul3A_808 = arith.constant 262144 : i32
      %mul3A_809 = vector.broadcast %mul3A_808 : i32 to vector<16xi32>
      %mul3A_810 = arith.muli %get3A_807, %mul3A_809 : vector<16xi32>
      %add3A_811 = arith.addi %mul3A_810, %add3A_797 : vector<16xi32>
      %get3A_812 = arith.index_cast %mul3A_793 : i32 to index
      %get3A_813 = tpu.vector_load %arg12[%get3A_812] {strides = array<i32>} : memref<8192xi32, #tpu.memory_space<vmem>>, vector<16xi32>,
      %get3A_814 = vector.shape_cast %get3A_813 : vector<16xi32> to vector<16xi32>
      %ne3A_815 = arith.constant 0 : i32
      %ne3A_816 = vector.broadcast %ne3A_815 : i32 to vector<16xi32>
      %ne3A_817 = arith.cmpi ne, %get3A_814, %ne3A_816 : vector<16xi32>
      %select_n3A_818 = arith.select %ne3A_817, %add3A_811, %add3A_804 : vector<16xi1>, vector<16xi32>
      %swap3A_819 = arith.index_cast %mul3A_793 : i32 to index
      %swap3A_820 = tpu.vector_load %arg14[%swap3A_819] {strides = array<i32>} : memref<8192xi32, #tpu.memory_space<vmem>>, vector<16xi32>,
      %swap3A_821 = vector.shape_cast %swap3A_820 : vector<16xi32> to vector<16xi32>
      %swap3A_822 = vector.shape_cast %select_n3A_818 : vector<16xi32> to vector<16xi32>
      tpu.vector_store %arg14[%swap3A_819], %swap3A_822 {strides = array<i32>} : memref<8192xi32, #tpu.memory_space<vmem>>, vector<16xi32>,
      %swap3A_823 = arith.index_cast %mul3A_793 : i32 to index
      %swap3A_824 = tpu.vector_load %arg16[%swap3A_823] {strides = array<i32>} : memref<8192xi32, #tpu.memory_space<vmem>>, vector<16xi32>,
      %swap3A_825 = vector.shape_cast %swap3A_824 : vector<16xi32> to vector<16xi32>
      %swap3A_826 = vector.shape_cast %add3A_804 : vector<16xi32> to vector<16xi32>
      tpu.vector_store %arg16[%swap3A_823], %swap3A_826 {strides = array<i32>} : memref<8192xi32, #tpu.memory_space<vmem>>, vector<16xi32>,
    }
    %scan3A_246 = arith.constant 512 : i32
    %dma_start3A_247 = arith.constant 0 : i32
    %dma_start3A_248 = tpu.memref_slice %arg2[%dma_start3A_247] : memref<39845888xf32, #tpu.memory_space<hbm>> -> memref<39845888xf32, #tpu.memory_space<hbm>>
    tpu.enqueue_indirect_dma source(%dma_start3A_248 : memref<39845888xf32, #tpu.memory_space<hbm>>) target(%arg18 : memref<8192xf32, #tpu.memory_space<vmem>>) offsets(%arg14 : memref<8192xi32, #tpu.memory_space<vmem>>) semaphore(%arg25 : memref<!tpu.dma_semaphore, #tpu.memory_space<semaphore_mem>>)
    %dma_start3A_249 = arith.constant 0 : i32
    %dma_start3A_250 = tpu.memref_slice %arg2[%dma_start3A_249] : memref<39845888xf32, #tpu.memory_space<hbm>> -> memref<39845888xf32, #tpu.memory_space<hbm>>
    tpu.enqueue_indirect_dma source(%dma_start3A_250 : memref<39845888xf32, #tpu.memory_space<hbm>>) target(%arg20 : memref<8192xf32, #tpu.memory_space<vmem>>) offsets(%arg16 : memref<8192xi32, #tpu.memory_space<vmem>>) semaphore(%arg27 : memref<!tpu.dma_semaphore, #tpu.memory_space<semaphore_mem>>)
    %add3A_251 = arith.constant 40960 : i32
    %add3A_252 = arith.addi %add3A_4, %add3A_251 : i32
    %dma_start3A_253 = tpu.memref_slice %arg3[%add3A_252] : memref<2097152xi32, #tpu.memory_space<hbm>> -> memref<8192xi32, #tpu.memory_space<hbm>>
    %dma_start3A_254 = tpu.memref_slice %arg3[%add3A_252] : memref<2097152xi32, #tpu.memory_space<hbm>> -> memref<8192xi32, #tpu.memory_space<hbm>>
    tpu.enqueue_dma source(%dma_start3A_254 : memref<8192xi32, #tpu.memory_space<hbm>>) target(%arg8 : memref<8192xi32, #tpu.memory_space<vmem>>) target_semaphore(%arg23 : memref<!tpu.dma_semaphore, #tpu.memory_space<semaphore_mem>>)
    %dma_start3A_255 = tpu.memref_slice %arg4[%add3A_252] : memref<2097152xi32, #tpu.memory_space<hbm>> -> memref<8192xi32, #tpu.memory_space<hbm>>
    %dma_start3A_256 = tpu.memref_slice %arg4[%add3A_252] : memref<2097152xi32, #tpu.memory_space<hbm>> -> memref<8192xi32, #tpu.memory_space<hbm>>
    tpu.enqueue_dma source(%dma_start3A_256 : memref<8192xi32, #tpu.memory_space<hbm>>) target(%arg10 : memref<8192xi32, #tpu.memory_space<vmem>>) target_semaphore(%arg23 : memref<!tpu.dma_semaphore, #tpu.memory_space<semaphore_mem>>)
    %dma_start3A_257 = tpu.memref_slice %arg5[%add3A_252] : memref<2097152xi32, #tpu.memory_space<hbm>> -> memref<8192xi32, #tpu.memory_space<hbm>>
    %dma_start3A_258 = tpu.memref_slice %arg5[%add3A_252] : memref<2097152xi32, #tpu.memory_space<hbm>> -> memref<8192xi32, #tpu.memory_space<hbm>>
    tpu.enqueue_dma source(%dma_start3A_258 : memref<8192xi32, #tpu.memory_space<hbm>>) target(%arg12 : memref<8192xi32, #tpu.memory_space<vmem>>) target_semaphore(%arg23 : memref<!tpu.dma_semaphore, #tpu.memory_space<semaphore_mem>>)
    %dma_wait3A_259 = arith.constant 0 : i32
    %dma_wait3A_260 = tpu.memref_slice %arg2[%dma_wait3A_259] : memref<39845888xf32, #tpu.memory_space<hbm>> -> memref<39845888xf32, #tpu.memory_space<hbm>>
    tpu.wait_indirect_dma semaphore(%arg24 : memref<!tpu.dma_semaphore, #tpu.memory_space<semaphore_mem>>) src(%dma_wait3A_260 : memref<39845888xf32, #tpu.memory_space<hbm>>) dst(%arg17 : memref<8192xf32, #tpu.memory_space<vmem>>)
    %dma_wait3A_261 = arith.constant 0 : i32
    %dma_wait3A_262 = tpu.memref_slice %arg2[%dma_wait3A_261] : memref<39845888xf32, #tpu.memory_space<hbm>> -> memref<39845888xf32, #tpu.memory_space<hbm>>
    tpu.wait_indirect_dma semaphore(%arg26 : memref<!tpu.dma_semaphore, #tpu.memory_space<semaphore_mem>>) src(%dma_wait3A_262 : memref<39845888xf32, #tpu.memory_space<hbm>>) dst(%arg19 : memref<8192xf32, #tpu.memory_space<vmem>>)
    %scan3A_263 = arith.constant 0 : i32
    %scan3A_264 = arith.constant 512 : i32
    %scan3A_265 = arith.addi %scan3A_263, %scan3A_264 : i32
    %scan3A_266 = arith.constant 8 : i32
    %scan3A_267 = scf.for %scan3A_534 = %scan3A_263 to %scan3A_265 step %scan3A_266 iter_args(%scan3A_535 = %scan3A_200) -> (vector<16xf32>)  : i32 {
      %mul3A_536 = arith.constant 16 : i32
      %mul3A_537 = arith.muli %scan3A_534, %mul3A_536 : i32
      %get3A = arith.index_cast %mul3A_537 : i32 to index
      %get3A_538 = tpu.vector_load %arg17[%get3A] {strides = array<i32>} : memref<8192xf32, #tpu.memory_space<vmem>>, vector<16xf32>,
      %get3A_539 = vector.shape_cast %get3A_538 : vector<16xf32> to vector<16xf32>
      %get3A_540 = arith.index_cast %mul3A_537 : i32 to index
      %get3A_541 = tpu.vector_load %arg19[%get3A_540] {strides = array<i32>} : memref<8192xf32, #tpu.memory_space<vmem>>, vector<16xf32>,
      %get3A_542 = vector.shape_cast %get3A_541 : vector<16xf32> to vector<16xf32>
      %sub3A_543 = arith.subf %get3A_539, %get3A_542 : vector<16xf32>
      %add3A_544 = arith.addf %scan3A_535, %sub3A_543 : vector<16xf32>
      %scan3A_545 = arith.constant 1 : i32
      %scan3A_546 = arith.addi %scan3A_534, %scan3A_545 : i32
      %mul3A_547 = arith.constant 16 : i32
      %mul3A_548 = arith.muli %scan3A_546, %mul3A_547 : i32
      %get3A_549 = arith.index_cast %mul3A_548 : i32 to index
      %get3A_550 = tpu.vector_load %arg17[%get3A_549] {strides = array<i32>} : memref<8192xf32, #tpu.memory_space<vmem>>, vector<16xf32>,
      %get3A_551 = vector.shape_cast %get3A_550 : vector<16xf32> to vector<16xf32>
      %get3A_552 = arith.index_cast %mul3A_548 : i32 to index
      %get3A_553 = tpu.vector_load %arg19[%get3A_552] {strides = array<i32>} : memref<8192xf32, #tpu.memory_space<vmem>>, vector<16xf32>,
      %get3A_554 = vector.shape_cast %get3A_553 : vector<16xf32> to vector<16xf32>
      %sub3A_555 = arith.subf %get3A_551, %get3A_554 : vector<16xf32>
      %add3A_556 = arith.addf %add3A_544, %sub3A_555 : vector<16xf32>
      %scan3A_557 = arith.constant 2 : i32
      %scan3A_558 = arith.addi %scan3A_534, %scan3A_557 : i32
      %mul3A_559 = arith.constant 16 : i32
      %mul3A_560 = arith.muli %scan3A_558, %mul3A_559 : i32
      %get3A_561 = arith.index_cast %mul3A_560 : i32 to index
      %get3A_562 = tpu.vector_load %arg17[%get3A_561] {strides = array<i32>} : memref<8192xf32, #tpu.memory_space<vmem>>, vector<16xf32>,
      %get3A_563 = vector.shape_cast %get3A_562 : vector<16xf32> to vector<16xf32>
      %get3A_564 = arith.index_cast %mul3A_560 : i32 to index
      %get3A_565 = tpu.vector_load %arg19[%get3A_564] {strides = array<i32>} : memref<8192xf32, #tpu.memory_space<vmem>>, vector<16xf32>,
      %get3A_566 = vector.shape_cast %get3A_565 : vector<16xf32> to vector<16xf32>
      %sub3A_567 = arith.subf %get3A_563, %get3A_566 : vector<16xf32>
      %add3A_568 = arith.addf %add3A_556, %sub3A_567 : vector<16xf32>
      %scan3A_569 = arith.constant 3 : i32
      %scan3A_570 = arith.addi %scan3A_534, %scan3A_569 : i32
      %mul3A_571 = arith.constant 16 : i32
      %mul3A_572 = arith.muli %scan3A_570, %mul3A_571 : i32
      %get3A_573 = arith.index_cast %mul3A_572 : i32 to index
      %get3A_574 = tpu.vector_load %arg17[%get3A_573] {strides = array<i32>} : memref<8192xf32, #tpu.memory_space<vmem>>, vector<16xf32>,
      %get3A_575 = vector.shape_cast %get3A_574 : vector<16xf32> to vector<16xf32>
      %get3A_576 = arith.index_cast %mul3A_572 : i32 to index
      %get3A_577 = tpu.vector_load %arg19[%get3A_576] {strides = array<i32>} : memref<8192xf32, #tpu.memory_space<vmem>>, vector<16xf32>,
      %get3A_578 = vector.shape_cast %get3A_577 : vector<16xf32> to vector<16xf32>
      %sub3A_579 = arith.subf %get3A_575, %get3A_578 : vector<16xf32>
      %add3A_580 = arith.addf %add3A_568, %sub3A_579 : vector<16xf32>
      %scan3A_581 = arith.constant 4 : i32
      %scan3A_582 = arith.addi %scan3A_534, %scan3A_581 : i32
      %mul3A_583 = arith.constant 16 : i32
      %mul3A_584 = arith.muli %scan3A_582, %mul3A_583 : i32
      %get3A_585 = arith.index_cast %mul3A_584 : i32 to index
      %get3A_586 = tpu.vector_load %arg17[%get3A_585] {strides = array<i32>} : memref<8192xf32, #tpu.memory_space<vmem>>, vector<16xf32>,
      %get3A_587 = vector.shape_cast %get3A_586 : vector<16xf32> to vector<16xf32>
      %get3A_588 = arith.index_cast %mul3A_584 : i32 to index
      %get3A_589 = tpu.vector_load %arg19[%get3A_588] {strides = array<i32>} : memref<8192xf32, #tpu.memory_space<vmem>>, vector<16xf32>,
      %get3A_590 = vector.shape_cast %get3A_589 : vector<16xf32> to vector<16xf32>
      %sub3A_591 = arith.subf %get3A_587, %get3A_590 : vector<16xf32>
      %add3A_592 = arith.addf %add3A_580, %sub3A_591 : vector<16xf32>
      %scan3A_593 = arith.constant 5 : i32
      %scan3A_594 = arith.addi %scan3A_534, %scan3A_593 : i32
      %mul3A_595 = arith.constant 16 : i32
      %mul3A_596 = arith.muli %scan3A_594, %mul3A_595 : i32
      %get3A_597 = arith.index_cast %mul3A_596 : i32 to index
      %get3A_598 = tpu.vector_load %arg17[%get3A_597] {strides = array<i32>} : memref<8192xf32, #tpu.memory_space<vmem>>, vector<16xf32>,
      %get3A_599 = vector.shape_cast %get3A_598 : vector<16xf32> to vector<16xf32>
      %get3A_600 = arith.index_cast %mul3A_596 : i32 to index
      %get3A_601 = tpu.vector_load %arg19[%get3A_600] {strides = array<i32>} : memref<8192xf32, #tpu.memory_space<vmem>>, vector<16xf32>,
      %get3A_602 = vector.shape_cast %get3A_601 : vector<16xf32> to vector<16xf32>
      %sub3A_603 = arith.subf %get3A_599, %get3A_602 : vector<16xf32>
      %add3A_604 = arith.addf %add3A_592, %sub3A_603 : vector<16xf32>
      %scan3A_605 = arith.constant 6 : i32
      %scan3A_606 = arith.addi %scan3A_534, %scan3A_605 : i32
      %mul3A_607 = arith.constant 16 : i32
      %mul3A_608 = arith.muli %scan3A_606, %mul3A_607 : i32
      %get3A_609 = arith.index_cast %mul3A_608 : i32 to index
      %get3A_610 = tpu.vector_load %arg17[%get3A_609] {strides = array<i32>} : memref<8192xf32, #tpu.memory_space<vmem>>, vector<16xf32>,
      %get3A_611 = vector.shape_cast %get3A_610 : vector<16xf32> to vector<16xf32>
      %get3A_612 = arith.index_cast %mul3A_608 : i32 to index
      %get3A_613 = tpu.vector_load %arg19[%get3A_612] {strides = array<i32>} : memref<8192xf32, #tpu.memory_space<vmem>>, vector<16xf32>,
      %get3A_614 = vector.shape_cast %get3A_613 : vector<16xf32> to vector<16xf32>
      %sub3A_615 = arith.subf %get3A_611, %get3A_614 : vector<16xf32>
      %add3A_616 = arith.addf %add3A_604, %sub3A_615 : vector<16xf32>
      %scan3A_617 = arith.constant 7 : i32
      %scan3A_618 = arith.addi %scan3A_534, %scan3A_617 : i32
      %mul3A_619 = arith.constant 16 : i32
      %mul3A_620 = arith.muli %scan3A_618, %mul3A_619 : i32
      %get3A_621 = arith.index_cast %mul3A_620 : i32 to index
      %get3A_622 = tpu.vector_load %arg17[%get3A_621] {strides = array<i32>} : memref<8192xf32, #tpu.memory_space<vmem>>, vector<16xf32>,
      %get3A_623 = vector.shape_cast %get3A_622 : vector<16xf32> to vector<16xf32>
      %get3A_624 = arith.index_cast %mul3A_620 : i32 to index
      %get3A_625 = tpu.vector_load %arg19[%get3A_624] {strides = array<i32>} : memref<8192xf32, #tpu.memory_space<vmem>>, vector<16xf32>,
      %get3A_626 = vector.shape_cast %get3A_625 : vector<16xf32> to vector<16xf32>
      %sub3A_627 = arith.subf %get3A_623, %get3A_626 : vector<16xf32>
      %add3A_628 = arith.addf %add3A_616, %sub3A_627 : vector<16xf32>
      scf.yield %add3A_628 : vector<16xf32>
    }
    %scan3A_268 = arith.constant 512 : i32
    %add3A_269 = arith.constant 32768 : i32
    %add3A_270 = arith.addi %add3A_4, %add3A_269 : i32
    %dma_wait3A_271 = tpu.memref_slice %arg3[%add3A_270] : memref<2097152xi32, #tpu.memory_space<hbm>> -> memref<8192xi32, #tpu.memory_space<hbm>>
    %dma_wait3A_272 = tpu.memref_slice %arg3[%add3A_270] : memref<2097152xi32, #tpu.memory_space<hbm>> -> memref<8192xi32, #tpu.memory_space<hbm>>
    tpu.wait_dma2 semaphore(%arg22 : memref<!tpu.dma_semaphore, #tpu.memory_space<semaphore_mem>>) src(%dma_wait3A_272 : memref<8192xi32, #tpu.memory_space<hbm>>) dst(%arg7 : memref<8192xi32, #tpu.memory_space<vmem>>)
    %dma_wait3A_273 = tpu.memref_slice %arg4[%add3A_270] : memref<2097152xi32, #tpu.memory_space<hbm>> -> memref<8192xi32, #tpu.memory_space<hbm>>
    %dma_wait3A_274 = tpu.memref_slice %arg4[%add3A_270] : memref<2097152xi32, #tpu.memory_space<hbm>> -> memref<8192xi32, #tpu.memory_space<hbm>>
    tpu.wait_dma2 semaphore(%arg22 : memref<!tpu.dma_semaphore, #tpu.memory_space<semaphore_mem>>) src(%dma_wait3A_274 : memref<8192xi32, #tpu.memory_space<hbm>>) dst(%arg9 : memref<8192xi32, #tpu.memory_space<vmem>>)
    %dma_wait3A_275 = tpu.memref_slice %arg5[%add3A_270] : memref<2097152xi32, #tpu.memory_space<hbm>> -> memref<8192xi32, #tpu.memory_space<hbm>>
    %dma_wait3A_276 = tpu.memref_slice %arg5[%add3A_270] : memref<2097152xi32, #tpu.memory_space<hbm>> -> memref<8192xi32, #tpu.memory_space<hbm>>
    tpu.wait_dma2 semaphore(%arg22 : memref<!tpu.dma_semaphore, #tpu.memory_space<semaphore_mem>>) src(%dma_wait3A_276 : memref<8192xi32, #tpu.memory_space<hbm>>) dst(%arg11 : memref<8192xi32, #tpu.memory_space<vmem>>)
    %add3A_277 = arith.constant 32768 : i32
    %add3A_278 = arith.addi %add3A_4, %add3A_277 : i32
    %jit3A_279 = arith.constant 262144 : i32
    %div3A_280 = arith.divsi %add3A_278, %jit3A_279 : i32
    %sign3A_281 = arith.constant 0 : i32
    %sign3A_282 = arith.cmpi sgt, %add3A_278, %sign3A_281 : i32
    %sign3A_283 = arith.extui %sign3A_282 : i1 to i32
    %sign3A_284 = arith.constant 0 : i32
    %sign3A_285 = arith.cmpi slt, %add3A_278, %sign3A_284 : i32
    %sign3A_286 = arith.extui %sign3A_285 : i1 to i32
    %sign3A_287 = arith.subi %sign3A_283, %sign3A_286 : i32
    %sign3A_288 = arith.constant 0 : i32
    %sign3A_289 = arith.cmpi sgt, %jit3A_279, %sign3A_288 : i32
    %sign3A_290 = arith.extui %sign3A_289 : i1 to i32
    %sign3A_291 = arith.constant 0 : i32
    %sign3A_292 = arith.cmpi slt, %jit3A_279, %sign3A_291 : i32
    %sign3A_293 = arith.extui %sign3A_292 : i1 to i32
    %sign3A_294 = arith.subi %sign3A_290, %sign3A_293 : i32
    %ne3A_295 = arith.cmpi ne, %sign3A_287, %sign3A_294 : i32
    %rem3A_296 = arith.remsi %add3A_278, %jit3A_279 : i32
    %ne3A_297 = arith.constant 0 : i32
    %ne3A_298 = arith.cmpi ne, %rem3A_296, %ne3A_297 : i32
    %and3A_299 = arith.andi %ne3A_295, %ne3A_298 : i1
    %sub3A_300 = arith.constant 1 : i32
    %sub3A_301 = arith.subi %div3A_280, %sub3A_300 : i32
    %select_n3A_302 = arith.select %and3A_299, %sub3A_301, %div3A_280 : i32
    %mul3A_303 = arith.constant 18 : i32
    %mul3A_304 = arith.muli %select_n3A_302, %mul3A_303 : i32
    %mul3A_305 = arith.constant 262144 : i32
    %mul3A_306 = arith.muli %mul3A_304, %mul3A_305 : i32
    %add3A_307 = arith.addi %add3A_278, %mul3A_306 : i32
    %scan3A_308 = arith.constant 0 : i32
    %scan3A_309 = arith.constant 0 : i32
    %scan3A_310 = arith.constant 512 : i32
    %scan3A_311 = arith.addi %scan3A_309, %scan3A_310 : i32
    %scan3A_312 = arith.constant 8 : i32
    scf.for %scan3A_534 = %scan3A_309 to %scan3A_311 step %scan3A_312  : i32 {
      %mul3A_535 = arith.constant 16 : i32
      %mul3A_536 = arith.muli %scan3A_534, %mul3A_535 : i32
      %iota3A = tpu.iota {dimensions = array<i32: 0>} : vector<16xi32>
      %add3A_537 = arith.addi %add3A_307, %mul3A_536 : i32
      %add3A_538 = vector.broadcast %add3A_537 : i32 to vector<16xi32>
      %add3A_539 = arith.addi %iota3A, %add3A_538 : vector<16xi32>
      %get3A = arith.index_cast %mul3A_536 : i32 to index
      %get3A_540 = tpu.vector_load %arg9[%get3A] {strides = array<i32>} : memref<8192xi32, #tpu.memory_space<vmem>>, vector<16xi32>,
      %get3A_541 = vector.shape_cast %get3A_540 : vector<16xi32> to vector<16xi32>
      %mul3A_542 = arith.constant 262144 : i32
      %mul3A_543 = vector.broadcast %mul3A_542 : i32 to vector<16xi32>
      %mul3A_544 = arith.muli %get3A_541, %mul3A_543 : vector<16xi32>
      %add3A_545 = arith.addi %mul3A_544, %add3A_539 : vector<16xi32>
      %get3A_546 = arith.index_cast %mul3A_536 : i32 to index
      %get3A_547 = tpu.vector_load %arg7[%get3A_546] {strides = array<i32>} : memref<8192xi32, #tpu.memory_space<vmem>>, vector<16xi32>,
      %get3A_548 = vector.shape_cast %get3A_547 : vector<16xi32> to vector<16xi32>
      %mul3A_549 = arith.constant 262144 : i32
      %mul3A_550 = vector.broadcast %mul3A_549 : i32 to vector<16xi32>
      %mul3A_551 = arith.muli %get3A_548, %mul3A_550 : vector<16xi32>
      %add3A_552 = arith.addi %mul3A_551, %add3A_539 : vector<16xi32>
      %get3A_553 = arith.index_cast %mul3A_536 : i32 to index
      %get3A_554 = tpu.vector_load %arg11[%get3A_553] {strides = array<i32>} : memref<8192xi32, #tpu.memory_space<vmem>>, vector<16xi32>,
      %get3A_555 = vector.shape_cast %get3A_554 : vector<16xi32> to vector<16xi32>
      %ne3A_556 = arith.constant 0 : i32
      %ne3A_557 = vector.broadcast %ne3A_556 : i32 to vector<16xi32>
      %ne3A_558 = arith.cmpi ne, %get3A_555, %ne3A_557 : vector<16xi32>
      %select_n3A_559 = arith.select %ne3A_558, %add3A_552, %add3A_545 : vector<16xi1>, vector<16xi32>
      %swap3A_560 = arith.index_cast %mul3A_536 : i32 to index
      %swap3A_561 = tpu.vector_load %arg13[%swap3A_560] {strides = array<i32>} : memref<8192xi32, #tpu.memory_space<vmem>>, vector<16xi32>,
      %swap3A_562 = vector.shape_cast %swap3A_561 : vector<16xi32> to vector<16xi32>
      %swap3A_563 = vector.shape_cast %select_n3A_559 : vector<16xi32> to vector<16xi32>
      tpu.vector_store %arg13[%swap3A_560], %swap3A_563 {strides = array<i32>} : memref<8192xi32, #tpu.memory_space<vmem>>, vector<16xi32>,
      %swap3A_564 = arith.index_cast %mul3A_536 : i32 to index
      %swap3A_565 = tpu.vector_load %arg15[%swap3A_564] {strides = array<i32>} : memref<8192xi32, #tpu.memory_space<vmem>>, vector<16xi32>,
      %swap3A_566 = vector.shape_cast %swap3A_565 : vector<16xi32> to vector<16xi32>
      %swap3A_567 = vector.shape_cast %add3A_545 : vector<16xi32> to vector<16xi32>
      tpu.vector_store %arg15[%swap3A_564], %swap3A_567 {strides = array<i32>} : memref<8192xi32, #tpu.memory_space<vmem>>, vector<16xi32>,
      %scan3A_568 = arith.constant 1 : i32
      %scan3A_569 = arith.addi %scan3A_534, %scan3A_568 : i32
      %mul3A_570 = arith.constant 16 : i32
      %mul3A_571 = arith.muli %scan3A_569, %mul3A_570 : i32
      %iota3A_572 = tpu.iota {dimensions = array<i32: 0>} : vector<16xi32>
      %add3A_573 = arith.addi %add3A_307, %mul3A_571 : i32
      %add3A_574 = vector.broadcast %add3A_573 : i32 to vector<16xi32>
      %add3A_575 = arith.addi %iota3A_572, %add3A_574 : vector<16xi32>
      %get3A_576 = arith.index_cast %mul3A_571 : i32 to index
      %get3A_577 = tpu.vector_load %arg9[%get3A_576] {strides = array<i32>} : memref<8192xi32, #tpu.memory_space<vmem>>, vector<16xi32>,
      %get3A_578 = vector.shape_cast %get3A_577 : vector<16xi32> to vector<16xi32>
      %mul3A_579 = arith.constant 262144 : i32
      %mul3A_580 = vector.broadcast %mul3A_579 : i32 to vector<16xi32>
      %mul3A_581 = arith.muli %get3A_578, %mul3A_580 : vector<16xi32>
      %add3A_582 = arith.addi %mul3A_581, %add3A_575 : vector<16xi32>
      %get3A_583 = arith.index_cast %mul3A_571 : i32 to index
      %get3A_584 = tpu.vector_load %arg7[%get3A_583] {strides = array<i32>} : memref<8192xi32, #tpu.memory_space<vmem>>, vector<16xi32>,
      %get3A_585 = vector.shape_cast %get3A_584 : vector<16xi32> to vector<16xi32>
      %mul3A_586 = arith.constant 262144 : i32
      %mul3A_587 = vector.broadcast %mul3A_586 : i32 to vector<16xi32>
      %mul3A_588 = arith.muli %get3A_585, %mul3A_587 : vector<16xi32>
      %add3A_589 = arith.addi %mul3A_588, %add3A_575 : vector<16xi32>
      %get3A_590 = arith.index_cast %mul3A_571 : i32 to index
      %get3A_591 = tpu.vector_load %arg11[%get3A_590] {strides = array<i32>} : memref<8192xi32, #tpu.memory_space<vmem>>, vector<16xi32>,
      %get3A_592 = vector.shape_cast %get3A_591 : vector<16xi32> to vector<16xi32>
      %ne3A_593 = arith.constant 0 : i32
      %ne3A_594 = vector.broadcast %ne3A_593 : i32 to vector<16xi32>
      %ne3A_595 = arith.cmpi ne, %get3A_592, %ne3A_594 : vector<16xi32>
      %select_n3A_596 = arith.select %ne3A_595, %add3A_589, %add3A_582 : vector<16xi1>, vector<16xi32>
      %swap3A_597 = arith.index_cast %mul3A_571 : i32 to index
      %swap3A_598 = tpu.vector_load %arg13[%swap3A_597] {strides = array<i32>} : memref<8192xi32, #tpu.memory_space<vmem>>, vector<16xi32>,
      %swap3A_599 = vector.shape_cast %swap3A_598 : vector<16xi32> to vector<16xi32>
      %swap3A_600 = vector.shape_cast %select_n3A_596 : vector<16xi32> to vector<16xi32>
      tpu.vector_store %arg13[%swap3A_597], %swap3A_600 {strides = array<i32>} : memref<8192xi32, #tpu.memory_space<vmem>>, vector<16xi32>,
      %swap3A_601 = arith.index_cast %mul3A_571 : i32 to index
      %swap3A_602 = tpu.vector_load %arg15[%swap3A_601] {strides = array<i32>} : memref<8192xi32, #tpu.memory_space<vmem>>, vector<16xi32>,
      %swap3A_603 = vector.shape_cast %swap3A_602 : vector<16xi32> to vector<16xi32>
      %swap3A_604 = vector.shape_cast %add3A_582 : vector<16xi32> to vector<16xi32>
      tpu.vector_store %arg15[%swap3A_601], %swap3A_604 {strides = array<i32>} : memref<8192xi32, #tpu.memory_space<vmem>>, vector<16xi32>,
      %scan3A_605 = arith.constant 2 : i32
      %scan3A_606 = arith.addi %scan3A_534, %scan3A_605 : i32
      %mul3A_607 = arith.constant 16 : i32
      %mul3A_608 = arith.muli %scan3A_606, %mul3A_607 : i32
      %iota3A_609 = tpu.iota {dimensions = array<i32: 0>} : vector<16xi32>
      %add3A_610 = arith.addi %add3A_307, %mul3A_608 : i32
      %add3A_611 = vector.broadcast %add3A_610 : i32 to vector<16xi32>
      %add3A_612 = arith.addi %iota3A_609, %add3A_611 : vector<16xi32>
      %get3A_613 = arith.index_cast %mul3A_608 : i32 to index
      %get3A_614 = tpu.vector_load %arg9[%get3A_613] {strides = array<i32>} : memref<8192xi32, #tpu.memory_space<vmem>>, vector<16xi32>,
      %get3A_615 = vector.shape_cast %get3A_614 : vector<16xi32> to vector<16xi32>
      %mul3A_616 = arith.constant 262144 : i32
      %mul3A_617 = vector.broadcast %mul3A_616 : i32 to vector<16xi32>
      %mul3A_618 = arith.muli %get3A_615, %mul3A_617 : vector<16xi32>
      %add3A_619 = arith.addi %mul3A_618, %add3A_612 : vector<16xi32>
      %get3A_620 = arith.index_cast %mul3A_608 : i32 to index
      %get3A_621 = tpu.vector_load %arg7[%get3A_620] {strides = array<i32>} : memref<8192xi32, #tpu.memory_space<vmem>>, vector<16xi32>,
      %get3A_622 = vector.shape_cast %get3A_621 : vector<16xi32> to vector<16xi32>
      %mul3A_623 = arith.constant 262144 : i32
      %mul3A_624 = vector.broadcast %mul3A_623 : i32 to vector<16xi32>
      %mul3A_625 = arith.muli %get3A_622, %mul3A_624 : vector<16xi32>
      %add3A_626 = arith.addi %mul3A_625, %add3A_612 : vector<16xi32>
      %get3A_627 = arith.index_cast %mul3A_608 : i32 to index
      %get3A_628 = tpu.vector_load %arg11[%get3A_627] {strides = array<i32>} : memref<8192xi32, #tpu.memory_space<vmem>>, vector<16xi32>,
      %get3A_629 = vector.shape_cast %get3A_628 : vector<16xi32> to vector<16xi32>
      %ne3A_630 = arith.constant 0 : i32
      %ne3A_631 = vector.broadcast %ne3A_630 : i32 to vector<16xi32>
      %ne3A_632 = arith.cmpi ne, %get3A_629, %ne3A_631 : vector<16xi32>
      %select_n3A_633 = arith.select %ne3A_632, %add3A_626, %add3A_619 : vector<16xi1>, vector<16xi32>
      %swap3A_634 = arith.index_cast %mul3A_608 : i32 to index
      %swap3A_635 = tpu.vector_load %arg13[%swap3A_634] {strides = array<i32>} : memref<8192xi32, #tpu.memory_space<vmem>>, vector<16xi32>,
      %swap3A_636 = vector.shape_cast %swap3A_635 : vector<16xi32> to vector<16xi32>
      %swap3A_637 = vector.shape_cast %select_n3A_633 : vector<16xi32> to vector<16xi32>
      tpu.vector_store %arg13[%swap3A_634], %swap3A_637 {strides = array<i32>} : memref<8192xi32, #tpu.memory_space<vmem>>, vector<16xi32>,
      %swap3A_638 = arith.index_cast %mul3A_608 : i32 to index
      %swap3A_639 = tpu.vector_load %arg15[%swap3A_638] {strides = array<i32>} : memref<8192xi32, #tpu.memory_space<vmem>>, vector<16xi32>,
      %swap3A_640 = vector.shape_cast %swap3A_639 : vector<16xi32> to vector<16xi32>
      %swap3A_641 = vector.shape_cast %add3A_619 : vector<16xi32> to vector<16xi32>
      tpu.vector_store %arg15[%swap3A_638], %swap3A_641 {strides = array<i32>} : memref<8192xi32, #tpu.memory_space<vmem>>, vector<16xi32>,
      %scan3A_642 = arith.constant 3 : i32
      %scan3A_643 = arith.addi %scan3A_534, %scan3A_642 : i32
      %mul3A_644 = arith.constant 16 : i32
      %mul3A_645 = arith.muli %scan3A_643, %mul3A_644 : i32
      %iota3A_646 = tpu.iota {dimensions = array<i32: 0>} : vector<16xi32>
      %add3A_647 = arith.addi %add3A_307, %mul3A_645 : i32
      %add3A_648 = vector.broadcast %add3A_647 : i32 to vector<16xi32>
      %add3A_649 = arith.addi %iota3A_646, %add3A_648 : vector<16xi32>
      %get3A_650 = arith.index_cast %mul3A_645 : i32 to index
      %get3A_651 = tpu.vector_load %arg9[%get3A_650] {strides = array<i32>} : memref<8192xi32, #tpu.memory_space<vmem>>, vector<16xi32>,
      %get3A_652 = vector.shape_cast %get3A_651 : vector<16xi32> to vector<16xi32>
      %mul3A_653 = arith.constant 262144 : i32
      %mul3A_654 = vector.broadcast %mul3A_653 : i32 to vector<16xi32>
      %mul3A_655 = arith.muli %get3A_652, %mul3A_654 : vector<16xi32>
      %add3A_656 = arith.addi %mul3A_655, %add3A_649 : vector<16xi32>
      %get3A_657 = arith.index_cast %mul3A_645 : i32 to index
      %get3A_658 = tpu.vector_load %arg7[%get3A_657] {strides = array<i32>} : memref<8192xi32, #tpu.memory_space<vmem>>, vector<16xi32>,
      %get3A_659 = vector.shape_cast %get3A_658 : vector<16xi32> to vector<16xi32>
      %mul3A_660 = arith.constant 262144 : i32
      %mul3A_661 = vector.broadcast %mul3A_660 : i32 to vector<16xi32>
      %mul3A_662 = arith.muli %get3A_659, %mul3A_661 : vector<16xi32>
      %add3A_663 = arith.addi %mul3A_662, %add3A_649 : vector<16xi32>
      %get3A_664 = arith.index_cast %mul3A_645 : i32 to index
      %get3A_665 = tpu.vector_load %arg11[%get3A_664] {strides = array<i32>} : memref<8192xi32, #tpu.memory_space<vmem>>, vector<16xi32>,
      %get3A_666 = vector.shape_cast %get3A_665 : vector<16xi32> to vector<16xi32>
      %ne3A_667 = arith.constant 0 : i32
      %ne3A_668 = vector.broadcast %ne3A_667 : i32 to vector<16xi32>
      %ne3A_669 = arith.cmpi ne, %get3A_666, %ne3A_668 : vector<16xi32>
      %select_n3A_670 = arith.select %ne3A_669, %add3A_663, %add3A_656 : vector<16xi1>, vector<16xi32>
      %swap3A_671 = arith.index_cast %mul3A_645 : i32 to index
      %swap3A_672 = tpu.vector_load %arg13[%swap3A_671] {strides = array<i32>} : memref<8192xi32, #tpu.memory_space<vmem>>, vector<16xi32>,
      %swap3A_673 = vector.shape_cast %swap3A_672 : vector<16xi32> to vector<16xi32>
      %swap3A_674 = vector.shape_cast %select_n3A_670 : vector<16xi32> to vector<16xi32>
      tpu.vector_store %arg13[%swap3A_671], %swap3A_674 {strides = array<i32>} : memref<8192xi32, #tpu.memory_space<vmem>>, vector<16xi32>,
      %swap3A_675 = arith.index_cast %mul3A_645 : i32 to index
      %swap3A_676 = tpu.vector_load %arg15[%swap3A_675] {strides = array<i32>} : memref<8192xi32, #tpu.memory_space<vmem>>, vector<16xi32>,
      %swap3A_677 = vector.shape_cast %swap3A_676 : vector<16xi32> to vector<16xi32>
      %swap3A_678 = vector.shape_cast %add3A_656 : vector<16xi32> to vector<16xi32>
      tpu.vector_store %arg15[%swap3A_675], %swap3A_678 {strides = array<i32>} : memref<8192xi32, #tpu.memory_space<vmem>>, vector<16xi32>,
      %scan3A_679 = arith.constant 4 : i32
      %scan3A_680 = arith.addi %scan3A_534, %scan3A_679 : i32
      %mul3A_681 = arith.constant 16 : i32
      %mul3A_682 = arith.muli %scan3A_680, %mul3A_681 : i32
      %iota3A_683 = tpu.iota {dimensions = array<i32: 0>} : vector<16xi32>
      %add3A_684 = arith.addi %add3A_307, %mul3A_682 : i32
      %add3A_685 = vector.broadcast %add3A_684 : i32 to vector<16xi32>
      %add3A_686 = arith.addi %iota3A_683, %add3A_685 : vector<16xi32>
      %get3A_687 = arith.index_cast %mul3A_682 : i32 to index
      %get3A_688 = tpu.vector_load %arg9[%get3A_687] {strides = array<i32>} : memref<8192xi32, #tpu.memory_space<vmem>>, vector<16xi32>,
      %get3A_689 = vector.shape_cast %get3A_688 : vector<16xi32> to vector<16xi32>
      %mul3A_690 = arith.constant 262144 : i32
      %mul3A_691 = vector.broadcast %mul3A_690 : i32 to vector<16xi32>
      %mul3A_692 = arith.muli %get3A_689, %mul3A_691 : vector<16xi32>
      %add3A_693 = arith.addi %mul3A_692, %add3A_686 : vector<16xi32>
      %get3A_694 = arith.index_cast %mul3A_682 : i32 to index
      %get3A_695 = tpu.vector_load %arg7[%get3A_694] {strides = array<i32>} : memref<8192xi32, #tpu.memory_space<vmem>>, vector<16xi32>,
      %get3A_696 = vector.shape_cast %get3A_695 : vector<16xi32> to vector<16xi32>
      %mul3A_697 = arith.constant 262144 : i32
      %mul3A_698 = vector.broadcast %mul3A_697 : i32 to vector<16xi32>
      %mul3A_699 = arith.muli %get3A_696, %mul3A_698 : vector<16xi32>
      %add3A_700 = arith.addi %mul3A_699, %add3A_686 : vector<16xi32>
      %get3A_701 = arith.index_cast %mul3A_682 : i32 to index
      %get3A_702 = tpu.vector_load %arg11[%get3A_701] {strides = array<i32>} : memref<8192xi32, #tpu.memory_space<vmem>>, vector<16xi32>,
      %get3A_703 = vector.shape_cast %get3A_702 : vector<16xi32> to vector<16xi32>
      %ne3A_704 = arith.constant 0 : i32
      %ne3A_705 = vector.broadcast %ne3A_704 : i32 to vector<16xi32>
      %ne3A_706 = arith.cmpi ne, %get3A_703, %ne3A_705 : vector<16xi32>
      %select_n3A_707 = arith.select %ne3A_706, %add3A_700, %add3A_693 : vector<16xi1>, vector<16xi32>
      %swap3A_708 = arith.index_cast %mul3A_682 : i32 to index
      %swap3A_709 = tpu.vector_load %arg13[%swap3A_708] {strides = array<i32>} : memref<8192xi32, #tpu.memory_space<vmem>>, vector<16xi32>,
      %swap3A_710 = vector.shape_cast %swap3A_709 : vector<16xi32> to vector<16xi32>
      %swap3A_711 = vector.shape_cast %select_n3A_707 : vector<16xi32> to vector<16xi32>
      tpu.vector_store %arg13[%swap3A_708], %swap3A_711 {strides = array<i32>} : memref<8192xi32, #tpu.memory_space<vmem>>, vector<16xi32>,
      %swap3A_712 = arith.index_cast %mul3A_682 : i32 to index
      %swap3A_713 = tpu.vector_load %arg15[%swap3A_712] {strides = array<i32>} : memref<8192xi32, #tpu.memory_space<vmem>>, vector<16xi32>,
      %swap3A_714 = vector.shape_cast %swap3A_713 : vector<16xi32> to vector<16xi32>
      %swap3A_715 = vector.shape_cast %add3A_693 : vector<16xi32> to vector<16xi32>
      tpu.vector_store %arg15[%swap3A_712], %swap3A_715 {strides = array<i32>} : memref<8192xi32, #tpu.memory_space<vmem>>, vector<16xi32>,
      %scan3A_716 = arith.constant 5 : i32
      %scan3A_717 = arith.addi %scan3A_534, %scan3A_716 : i32
      %mul3A_718 = arith.constant 16 : i32
      %mul3A_719 = arith.muli %scan3A_717, %mul3A_718 : i32
      %iota3A_720 = tpu.iota {dimensions = array<i32: 0>} : vector<16xi32>
      %add3A_721 = arith.addi %add3A_307, %mul3A_719 : i32
      %add3A_722 = vector.broadcast %add3A_721 : i32 to vector<16xi32>
      %add3A_723 = arith.addi %iota3A_720, %add3A_722 : vector<16xi32>
      %get3A_724 = arith.index_cast %mul3A_719 : i32 to index
      %get3A_725 = tpu.vector_load %arg9[%get3A_724] {strides = array<i32>} : memref<8192xi32, #tpu.memory_space<vmem>>, vector<16xi32>,
      %get3A_726 = vector.shape_cast %get3A_725 : vector<16xi32> to vector<16xi32>
      %mul3A_727 = arith.constant 262144 : i32
      %mul3A_728 = vector.broadcast %mul3A_727 : i32 to vector<16xi32>
      %mul3A_729 = arith.muli %get3A_726, %mul3A_728 : vector<16xi32>
      %add3A_730 = arith.addi %mul3A_729, %add3A_723 : vector<16xi32>
      %get3A_731 = arith.index_cast %mul3A_719 : i32 to index
      %get3A_732 = tpu.vector_load %arg7[%get3A_731] {strides = array<i32>} : memref<8192xi32, #tpu.memory_space<vmem>>, vector<16xi32>,
      %get3A_733 = vector.shape_cast %get3A_732 : vector<16xi32> to vector<16xi32>
      %mul3A_734 = arith.constant 262144 : i32
      %mul3A_735 = vector.broadcast %mul3A_734 : i32 to vector<16xi32>
      %mul3A_736 = arith.muli %get3A_733, %mul3A_735 : vector<16xi32>
      %add3A_737 = arith.addi %mul3A_736, %add3A_723 : vector<16xi32>
      %get3A_738 = arith.index_cast %mul3A_719 : i32 to index
      %get3A_739 = tpu.vector_load %arg11[%get3A_738] {strides = array<i32>} : memref<8192xi32, #tpu.memory_space<vmem>>, vector<16xi32>,
      %get3A_740 = vector.shape_cast %get3A_739 : vector<16xi32> to vector<16xi32>
      %ne3A_741 = arith.constant 0 : i32
      %ne3A_742 = vector.broadcast %ne3A_741 : i32 to vector<16xi32>
      %ne3A_743 = arith.cmpi ne, %get3A_740, %ne3A_742 : vector<16xi32>
      %select_n3A_744 = arith.select %ne3A_743, %add3A_737, %add3A_730 : vector<16xi1>, vector<16xi32>
      %swap3A_745 = arith.index_cast %mul3A_719 : i32 to index
      %swap3A_746 = tpu.vector_load %arg13[%swap3A_745] {strides = array<i32>} : memref<8192xi32, #tpu.memory_space<vmem>>, vector<16xi32>,
      %swap3A_747 = vector.shape_cast %swap3A_746 : vector<16xi32> to vector<16xi32>
      %swap3A_748 = vector.shape_cast %select_n3A_744 : vector<16xi32> to vector<16xi32>
      tpu.vector_store %arg13[%swap3A_745], %swap3A_748 {strides = array<i32>} : memref<8192xi32, #tpu.memory_space<vmem>>, vector<16xi32>,
      %swap3A_749 = arith.index_cast %mul3A_719 : i32 to index
      %swap3A_750 = tpu.vector_load %arg15[%swap3A_749] {strides = array<i32>} : memref<8192xi32, #tpu.memory_space<vmem>>, vector<16xi32>,
      %swap3A_751 = vector.shape_cast %swap3A_750 : vector<16xi32> to vector<16xi32>
      %swap3A_752 = vector.shape_cast %add3A_730 : vector<16xi32> to vector<16xi32>
      tpu.vector_store %arg15[%swap3A_749], %swap3A_752 {strides = array<i32>} : memref<8192xi32, #tpu.memory_space<vmem>>, vector<16xi32>,
      %scan3A_753 = arith.constant 6 : i32
      %scan3A_754 = arith.addi %scan3A_534, %scan3A_753 : i32
      %mul3A_755 = arith.constant 16 : i32
      %mul3A_756 = arith.muli %scan3A_754, %mul3A_755 : i32
      %iota3A_757 = tpu.iota {dimensions = array<i32: 0>} : vector<16xi32>
      %add3A_758 = arith.addi %add3A_307, %mul3A_756 : i32
      %add3A_759 = vector.broadcast %add3A_758 : i32 to vector<16xi32>
      %add3A_760 = arith.addi %iota3A_757, %add3A_759 : vector<16xi32>
      %get3A_761 = arith.index_cast %mul3A_756 : i32 to index
      %get3A_762 = tpu.vector_load %arg9[%get3A_761] {strides = array<i32>} : memref<8192xi32, #tpu.memory_space<vmem>>, vector<16xi32>,
      %get3A_763 = vector.shape_cast %get3A_762 : vector<16xi32> to vector<16xi32>
      %mul3A_764 = arith.constant 262144 : i32
      %mul3A_765 = vector.broadcast %mul3A_764 : i32 to vector<16xi32>
      %mul3A_766 = arith.muli %get3A_763, %mul3A_765 : vector<16xi32>
      %add3A_767 = arith.addi %mul3A_766, %add3A_760 : vector<16xi32>
      %get3A_768 = arith.index_cast %mul3A_756 : i32 to index
      %get3A_769 = tpu.vector_load %arg7[%get3A_768] {strides = array<i32>} : memref<8192xi32, #tpu.memory_space<vmem>>, vector<16xi32>,
      %get3A_770 = vector.shape_cast %get3A_769 : vector<16xi32> to vector<16xi32>
      %mul3A_771 = arith.constant 262144 : i32
      %mul3A_772 = vector.broadcast %mul3A_771 : i32 to vector<16xi32>
      %mul3A_773 = arith.muli %get3A_770, %mul3A_772 : vector<16xi32>
      %add3A_774 = arith.addi %mul3A_773, %add3A_760 : vector<16xi32>
      %get3A_775 = arith.index_cast %mul3A_756 : i32 to index
      %get3A_776 = tpu.vector_load %arg11[%get3A_775] {strides = array<i32>} : memref<8192xi32, #tpu.memory_space<vmem>>, vector<16xi32>,
      %get3A_777 = vector.shape_cast %get3A_776 : vector<16xi32> to vector<16xi32>
      %ne3A_778 = arith.constant 0 : i32
      %ne3A_779 = vector.broadcast %ne3A_778 : i32 to vector<16xi32>
      %ne3A_780 = arith.cmpi ne, %get3A_777, %ne3A_779 : vector<16xi32>
      %select_n3A_781 = arith.select %ne3A_780, %add3A_774, %add3A_767 : vector<16xi1>, vector<16xi32>
      %swap3A_782 = arith.index_cast %mul3A_756 : i32 to index
      %swap3A_783 = tpu.vector_load %arg13[%swap3A_782] {strides = array<i32>} : memref<8192xi32, #tpu.memory_space<vmem>>, vector<16xi32>,
      %swap3A_784 = vector.shape_cast %swap3A_783 : vector<16xi32> to vector<16xi32>
      %swap3A_785 = vector.shape_cast %select_n3A_781 : vector<16xi32> to vector<16xi32>
      tpu.vector_store %arg13[%swap3A_782], %swap3A_785 {strides = array<i32>} : memref<8192xi32, #tpu.memory_space<vmem>>, vector<16xi32>,
      %swap3A_786 = arith.index_cast %mul3A_756 : i32 to index
      %swap3A_787 = tpu.vector_load %arg15[%swap3A_786] {strides = array<i32>} : memref<8192xi32, #tpu.memory_space<vmem>>, vector<16xi32>,
      %swap3A_788 = vector.shape_cast %swap3A_787 : vector<16xi32> to vector<16xi32>
      %swap3A_789 = vector.shape_cast %add3A_767 : vector<16xi32> to vector<16xi32>
      tpu.vector_store %arg15[%swap3A_786], %swap3A_789 {strides = array<i32>} : memref<8192xi32, #tpu.memory_space<vmem>>, vector<16xi32>,
      %scan3A_790 = arith.constant 7 : i32
      %scan3A_791 = arith.addi %scan3A_534, %scan3A_790 : i32
      %mul3A_792 = arith.constant 16 : i32
      %mul3A_793 = arith.muli %scan3A_791, %mul3A_792 : i32
      %iota3A_794 = tpu.iota {dimensions = array<i32: 0>} : vector<16xi32>
      %add3A_795 = arith.addi %add3A_307, %mul3A_793 : i32
      %add3A_796 = vector.broadcast %add3A_795 : i32 to vector<16xi32>
      %add3A_797 = arith.addi %iota3A_794, %add3A_796 : vector<16xi32>
      %get3A_798 = arith.index_cast %mul3A_793 : i32 to index
      %get3A_799 = tpu.vector_load %arg9[%get3A_798] {strides = array<i32>} : memref<8192xi32, #tpu.memory_space<vmem>>, vector<16xi32>,
      %get3A_800 = vector.shape_cast %get3A_799 : vector<16xi32> to vector<16xi32>
      %mul3A_801 = arith.constant 262144 : i32
      %mul3A_802 = vector.broadcast %mul3A_801 : i32 to vector<16xi32>
      %mul3A_803 = arith.muli %get3A_800, %mul3A_802 : vector<16xi32>
      %add3A_804 = arith.addi %mul3A_803, %add3A_797 : vector<16xi32>
      %get3A_805 = arith.index_cast %mul3A_793 : i32 to index
      %get3A_806 = tpu.vector_load %arg7[%get3A_805] {strides = array<i32>} : memref<8192xi32, #tpu.memory_space<vmem>>, vector<16xi32>,
      %get3A_807 = vector.shape_cast %get3A_806 : vector<16xi32> to vector<16xi32>
      %mul3A_808 = arith.constant 262144 : i32
      %mul3A_809 = vector.broadcast %mul3A_808 : i32 to vector<16xi32>
      %mul3A_810 = arith.muli %get3A_807, %mul3A_809 : vector<16xi32>
      %add3A_811 = arith.addi %mul3A_810, %add3A_797 : vector<16xi32>
      %get3A_812 = arith.index_cast %mul3A_793 : i32 to index
      %get3A_813 = tpu.vector_load %arg11[%get3A_812] {strides = array<i32>} : memref<8192xi32, #tpu.memory_space<vmem>>, vector<16xi32>,
      %get3A_814 = vector.shape_cast %get3A_813 : vector<16xi32> to vector<16xi32>
      %ne3A_815 = arith.constant 0 : i32
      %ne3A_816 = vector.broadcast %ne3A_815 : i32 to vector<16xi32>
      %ne3A_817 = arith.cmpi ne, %get3A_814, %ne3A_816 : vector<16xi32>
      %select_n3A_818 = arith.select %ne3A_817, %add3A_811, %add3A_804 : vector<16xi1>, vector<16xi32>
      %swap3A_819 = arith.index_cast %mul3A_793 : i32 to index
      %swap3A_820 = tpu.vector_load %arg13[%swap3A_819] {strides = array<i32>} : memref<8192xi32, #tpu.memory_space<vmem>>, vector<16xi32>,
      %swap3A_821 = vector.shape_cast %swap3A_820 : vector<16xi32> to vector<16xi32>
      %swap3A_822 = vector.shape_cast %select_n3A_818 : vector<16xi32> to vector<16xi32>
      tpu.vector_store %arg13[%swap3A_819], %swap3A_822 {strides = array<i32>} : memref<8192xi32, #tpu.memory_space<vmem>>, vector<16xi32>,
      %swap3A_823 = arith.index_cast %mul3A_793 : i32 to index
      %swap3A_824 = tpu.vector_load %arg15[%swap3A_823] {strides = array<i32>} : memref<8192xi32, #tpu.memory_space<vmem>>, vector<16xi32>,
      %swap3A_825 = vector.shape_cast %swap3A_824 : vector<16xi32> to vector<16xi32>
      %swap3A_826 = vector.shape_cast %add3A_804 : vector<16xi32> to vector<16xi32>
      tpu.vector_store %arg15[%swap3A_823], %swap3A_826 {strides = array<i32>} : memref<8192xi32, #tpu.memory_space<vmem>>, vector<16xi32>,
    }
    %scan3A_313 = arith.constant 512 : i32
    %dma_start3A_314 = arith.constant 0 : i32
    %dma_start3A_315 = tpu.memref_slice %arg2[%dma_start3A_314] : memref<39845888xf32, #tpu.memory_space<hbm>> -> memref<39845888xf32, #tpu.memory_space<hbm>>
    tpu.enqueue_indirect_dma source(%dma_start3A_315 : memref<39845888xf32, #tpu.memory_space<hbm>>) target(%arg17 : memref<8192xf32, #tpu.memory_space<vmem>>) offsets(%arg13 : memref<8192xi32, #tpu.memory_space<vmem>>) semaphore(%arg24 : memref<!tpu.dma_semaphore, #tpu.memory_space<semaphore_mem>>)
    %dma_start3A_316 = arith.constant 0 : i32
    %dma_start3A_317 = tpu.memref_slice %arg2[%dma_start3A_316] : memref<39845888xf32, #tpu.memory_space<hbm>> -> memref<39845888xf32, #tpu.memory_space<hbm>>
    tpu.enqueue_indirect_dma source(%dma_start3A_317 : memref<39845888xf32, #tpu.memory_space<hbm>>) target(%arg19 : memref<8192xf32, #tpu.memory_space<vmem>>) offsets(%arg15 : memref<8192xi32, #tpu.memory_space<vmem>>) semaphore(%arg26 : memref<!tpu.dma_semaphore, #tpu.memory_space<semaphore_mem>>)
    %add3A_318 = arith.constant 49152 : i32
    %add3A_319 = arith.addi %add3A_4, %add3A_318 : i32
    %dma_start3A_320 = tpu.memref_slice %arg3[%add3A_319] : memref<2097152xi32, #tpu.memory_space<hbm>> -> memref<8192xi32, #tpu.memory_space<hbm>>
    %dma_start3A_321 = tpu.memref_slice %arg3[%add3A_319] : memref<2097152xi32, #tpu.memory_space<hbm>> -> memref<8192xi32, #tpu.memory_space<hbm>>
    tpu.enqueue_dma source(%dma_start3A_321 : memref<8192xi32, #tpu.memory_space<hbm>>) target(%arg7 : memref<8192xi32, #tpu.memory_space<vmem>>) target_semaphore(%arg22 : memref<!tpu.dma_semaphore, #tpu.memory_space<semaphore_mem>>)
    %dma_start3A_322 = tpu.memref_slice %arg4[%add3A_319] : memref<2097152xi32, #tpu.memory_space<hbm>> -> memref<8192xi32, #tpu.memory_space<hbm>>
    %dma_start3A_323 = tpu.memref_slice %arg4[%add3A_319] : memref<2097152xi32, #tpu.memory_space<hbm>> -> memref<8192xi32, #tpu.memory_space<hbm>>
    tpu.enqueue_dma source(%dma_start3A_323 : memref<8192xi32, #tpu.memory_space<hbm>>) target(%arg9 : memref<8192xi32, #tpu.memory_space<vmem>>) target_semaphore(%arg22 : memref<!tpu.dma_semaphore, #tpu.memory_space<semaphore_mem>>)
    %dma_start3A_324 = tpu.memref_slice %arg5[%add3A_319] : memref<2097152xi32, #tpu.memory_space<hbm>> -> memref<8192xi32, #tpu.memory_space<hbm>>
    %dma_start3A_325 = tpu.memref_slice %arg5[%add3A_319] : memref<2097152xi32, #tpu.memory_space<hbm>> -> memref<8192xi32, #tpu.memory_space<hbm>>
    tpu.enqueue_dma source(%dma_start3A_325 : memref<8192xi32, #tpu.memory_space<hbm>>) target(%arg11 : memref<8192xi32, #tpu.memory_space<vmem>>) target_semaphore(%arg22 : memref<!tpu.dma_semaphore, #tpu.memory_space<semaphore_mem>>)
    %dma_wait3A_326 = arith.constant 0 : i32
    %dma_wait3A_327 = tpu.memref_slice %arg2[%dma_wait3A_326] : memref<39845888xf32, #tpu.memory_space<hbm>> -> memref<39845888xf32, #tpu.memory_space<hbm>>
    tpu.wait_indirect_dma semaphore(%arg25 : memref<!tpu.dma_semaphore, #tpu.memory_space<semaphore_mem>>) src(%dma_wait3A_327 : memref<39845888xf32, #tpu.memory_space<hbm>>) dst(%arg18 : memref<8192xf32, #tpu.memory_space<vmem>>)
    %dma_wait3A_328 = arith.constant 0 : i32
    %dma_wait3A_329 = tpu.memref_slice %arg2[%dma_wait3A_328] : memref<39845888xf32, #tpu.memory_space<hbm>> -> memref<39845888xf32, #tpu.memory_space<hbm>>
    tpu.wait_indirect_dma semaphore(%arg27 : memref<!tpu.dma_semaphore, #tpu.memory_space<semaphore_mem>>) src(%dma_wait3A_329 : memref<39845888xf32, #tpu.memory_space<hbm>>) dst(%arg20 : memref<8192xf32, #tpu.memory_space<vmem>>)
    %scan3A_330 = arith.constant 0 : i32
    %scan3A_331 = arith.constant 512 : i32
    %scan3A_332 = arith.addi %scan3A_330, %scan3A_331 : i32
    %scan3A_333 = arith.constant 8 : i32
    %scan3A_334 = scf.for %scan3A_534 = %scan3A_330 to %scan3A_332 step %scan3A_333 iter_args(%scan3A_535 = %scan3A_267) -> (vector<16xf32>)  : i32 {
      %mul3A_536 = arith.constant 16 : i32
      %mul3A_537 = arith.muli %scan3A_534, %mul3A_536 : i32
      %get3A = arith.index_cast %mul3A_537 : i32 to index
      %get3A_538 = tpu.vector_load %arg18[%get3A] {strides = array<i32>} : memref<8192xf32, #tpu.memory_space<vmem>>, vector<16xf32>,
      %get3A_539 = vector.shape_cast %get3A_538 : vector<16xf32> to vector<16xf32>
      %get3A_540 = arith.index_cast %mul3A_537 : i32 to index
      %get3A_541 = tpu.vector_load %arg20[%get3A_540] {strides = array<i32>} : memref<8192xf32, #tpu.memory_space<vmem>>, vector<16xf32>,
      %get3A_542 = vector.shape_cast %get3A_541 : vector<16xf32> to vector<16xf32>
      %sub3A_543 = arith.subf %get3A_539, %get3A_542 : vector<16xf32>
      %add3A_544 = arith.addf %scan3A_535, %sub3A_543 : vector<16xf32>
      %scan3A_545 = arith.constant 1 : i32
      %scan3A_546 = arith.addi %scan3A_534, %scan3A_545 : i32
      %mul3A_547 = arith.constant 16 : i32
      %mul3A_548 = arith.muli %scan3A_546, %mul3A_547 : i32
      %get3A_549 = arith.index_cast %mul3A_548 : i32 to index
      %get3A_550 = tpu.vector_load %arg18[%get3A_549] {strides = array<i32>} : memref<8192xf32, #tpu.memory_space<vmem>>, vector<16xf32>,
      %get3A_551 = vector.shape_cast %get3A_550 : vector<16xf32> to vector<16xf32>
      %get3A_552 = arith.index_cast %mul3A_548 : i32 to index
      %get3A_553 = tpu.vector_load %arg20[%get3A_552] {strides = array<i32>} : memref<8192xf32, #tpu.memory_space<vmem>>, vector<16xf32>,
      %get3A_554 = vector.shape_cast %get3A_553 : vector<16xf32> to vector<16xf32>
      %sub3A_555 = arith.subf %get3A_551, %get3A_554 : vector<16xf32>
      %add3A_556 = arith.addf %add3A_544, %sub3A_555 : vector<16xf32>
      %scan3A_557 = arith.constant 2 : i32
      %scan3A_558 = arith.addi %scan3A_534, %scan3A_557 : i32
      %mul3A_559 = arith.constant 16 : i32
      %mul3A_560 = arith.muli %scan3A_558, %mul3A_559 : i32
      %get3A_561 = arith.index_cast %mul3A_560 : i32 to index
      %get3A_562 = tpu.vector_load %arg18[%get3A_561] {strides = array<i32>} : memref<8192xf32, #tpu.memory_space<vmem>>, vector<16xf32>,
      %get3A_563 = vector.shape_cast %get3A_562 : vector<16xf32> to vector<16xf32>
      %get3A_564 = arith.index_cast %mul3A_560 : i32 to index
      %get3A_565 = tpu.vector_load %arg20[%get3A_564] {strides = array<i32>} : memref<8192xf32, #tpu.memory_space<vmem>>, vector<16xf32>,
      %get3A_566 = vector.shape_cast %get3A_565 : vector<16xf32> to vector<16xf32>
      %sub3A_567 = arith.subf %get3A_563, %get3A_566 : vector<16xf32>
      %add3A_568 = arith.addf %add3A_556, %sub3A_567 : vector<16xf32>
      %scan3A_569 = arith.constant 3 : i32
      %scan3A_570 = arith.addi %scan3A_534, %scan3A_569 : i32
      %mul3A_571 = arith.constant 16 : i32
      %mul3A_572 = arith.muli %scan3A_570, %mul3A_571 : i32
      %get3A_573 = arith.index_cast %mul3A_572 : i32 to index
      %get3A_574 = tpu.vector_load %arg18[%get3A_573] {strides = array<i32>} : memref<8192xf32, #tpu.memory_space<vmem>>, vector<16xf32>,
      %get3A_575 = vector.shape_cast %get3A_574 : vector<16xf32> to vector<16xf32>
      %get3A_576 = arith.index_cast %mul3A_572 : i32 to index
      %get3A_577 = tpu.vector_load %arg20[%get3A_576] {strides = array<i32>} : memref<8192xf32, #tpu.memory_space<vmem>>, vector<16xf32>,
      %get3A_578 = vector.shape_cast %get3A_577 : vector<16xf32> to vector<16xf32>
      %sub3A_579 = arith.subf %get3A_575, %get3A_578 : vector<16xf32>
      %add3A_580 = arith.addf %add3A_568, %sub3A_579 : vector<16xf32>
      %scan3A_581 = arith.constant 4 : i32
      %scan3A_582 = arith.addi %scan3A_534, %scan3A_581 : i32
      %mul3A_583 = arith.constant 16 : i32
      %mul3A_584 = arith.muli %scan3A_582, %mul3A_583 : i32
      %get3A_585 = arith.index_cast %mul3A_584 : i32 to index
      %get3A_586 = tpu.vector_load %arg18[%get3A_585] {strides = array<i32>} : memref<8192xf32, #tpu.memory_space<vmem>>, vector<16xf32>,
      %get3A_587 = vector.shape_cast %get3A_586 : vector<16xf32> to vector<16xf32>
      %get3A_588 = arith.index_cast %mul3A_584 : i32 to index
      %get3A_589 = tpu.vector_load %arg20[%get3A_588] {strides = array<i32>} : memref<8192xf32, #tpu.memory_space<vmem>>, vector<16xf32>,
      %get3A_590 = vector.shape_cast %get3A_589 : vector<16xf32> to vector<16xf32>
      %sub3A_591 = arith.subf %get3A_587, %get3A_590 : vector<16xf32>
      %add3A_592 = arith.addf %add3A_580, %sub3A_591 : vector<16xf32>
      %scan3A_593 = arith.constant 5 : i32
      %scan3A_594 = arith.addi %scan3A_534, %scan3A_593 : i32
      %mul3A_595 = arith.constant 16 : i32
      %mul3A_596 = arith.muli %scan3A_594, %mul3A_595 : i32
      %get3A_597 = arith.index_cast %mul3A_596 : i32 to index
      %get3A_598 = tpu.vector_load %arg18[%get3A_597] {strides = array<i32>} : memref<8192xf32, #tpu.memory_space<vmem>>, vector<16xf32>,
      %get3A_599 = vector.shape_cast %get3A_598 : vector<16xf32> to vector<16xf32>
      %get3A_600 = arith.index_cast %mul3A_596 : i32 to index
      %get3A_601 = tpu.vector_load %arg20[%get3A_600] {strides = array<i32>} : memref<8192xf32, #tpu.memory_space<vmem>>, vector<16xf32>,
      %get3A_602 = vector.shape_cast %get3A_601 : vector<16xf32> to vector<16xf32>
      %sub3A_603 = arith.subf %get3A_599, %get3A_602 : vector<16xf32>
      %add3A_604 = arith.addf %add3A_592, %sub3A_603 : vector<16xf32>
      %scan3A_605 = arith.constant 6 : i32
      %scan3A_606 = arith.addi %scan3A_534, %scan3A_605 : i32
      %mul3A_607 = arith.constant 16 : i32
      %mul3A_608 = arith.muli %scan3A_606, %mul3A_607 : i32
      %get3A_609 = arith.index_cast %mul3A_608 : i32 to index
      %get3A_610 = tpu.vector_load %arg18[%get3A_609] {strides = array<i32>} : memref<8192xf32, #tpu.memory_space<vmem>>, vector<16xf32>,
      %get3A_611 = vector.shape_cast %get3A_610 : vector<16xf32> to vector<16xf32>
      %get3A_612 = arith.index_cast %mul3A_608 : i32 to index
      %get3A_613 = tpu.vector_load %arg20[%get3A_612] {strides = array<i32>} : memref<8192xf32, #tpu.memory_space<vmem>>, vector<16xf32>,
      %get3A_614 = vector.shape_cast %get3A_613 : vector<16xf32> to vector<16xf32>
      %sub3A_615 = arith.subf %get3A_611, %get3A_614 : vector<16xf32>
      %add3A_616 = arith.addf %add3A_604, %sub3A_615 : vector<16xf32>
      %scan3A_617 = arith.constant 7 : i32
      %scan3A_618 = arith.addi %scan3A_534, %scan3A_617 : i32
      %mul3A_619 = arith.constant 16 : i32
      %mul3A_620 = arith.muli %scan3A_618, %mul3A_619 : i32
      %get3A_621 = arith.index_cast %mul3A_620 : i32 to index
      %get3A_622 = tpu.vector_load %arg18[%get3A_621] {strides = array<i32>} : memref<8192xf32, #tpu.memory_space<vmem>>, vector<16xf32>,
      %get3A_623 = vector.shape_cast %get3A_622 : vector<16xf32> to vector<16xf32>
      %get3A_624 = arith.index_cast %mul3A_620 : i32 to index
      %get3A_625 = tpu.vector_load %arg20[%get3A_624] {strides = array<i32>} : memref<8192xf32, #tpu.memory_space<vmem>>, vector<16xf32>,
      %get3A_626 = vector.shape_cast %get3A_625 : vector<16xf32> to vector<16xf32>
      %sub3A_627 = arith.subf %get3A_623, %get3A_626 : vector<16xf32>
      %add3A_628 = arith.addf %add3A_616, %sub3A_627 : vector<16xf32>
      scf.yield %add3A_628 : vector<16xf32>
    }
    %scan3A_335 = arith.constant 512 : i32
    %add3A_336 = arith.constant 40960 : i32
    %add3A_337 = arith.addi %add3A_4, %add3A_336 : i32
    %dma_wait3A_338 = tpu.memref_slice %arg3[%add3A_337] : memref<2097152xi32, #tpu.memory_space<hbm>> -> memref<8192xi32, #tpu.memory_space<hbm>>
    %dma_wait3A_339 = tpu.memref_slice %arg3[%add3A_337] : memref<2097152xi32, #tpu.memory_space<hbm>> -> memref<8192xi32, #tpu.memory_space<hbm>>
    tpu.wait_dma2 semaphore(%arg23 : memref<!tpu.dma_semaphore, #tpu.memory_space<semaphore_mem>>) src(%dma_wait3A_339 : memref<8192xi32, #tpu.memory_space<hbm>>) dst(%arg8 : memref<8192xi32, #tpu.memory_space<vmem>>)
    %dma_wait3A_340 = tpu.memref_slice %arg4[%add3A_337] : memref<2097152xi32, #tpu.memory_space<hbm>> -> memref<8192xi32, #tpu.memory_space<hbm>>
    %dma_wait3A_341 = tpu.memref_slice %arg4[%add3A_337] : memref<2097152xi32, #tpu.memory_space<hbm>> -> memref<8192xi32, #tpu.memory_space<hbm>>
    tpu.wait_dma2 semaphore(%arg23 : memref<!tpu.dma_semaphore, #tpu.memory_space<semaphore_mem>>) src(%dma_wait3A_341 : memref<8192xi32, #tpu.memory_space<hbm>>) dst(%arg10 : memref<8192xi32, #tpu.memory_space<vmem>>)
    %dma_wait3A_342 = tpu.memref_slice %arg5[%add3A_337] : memref<2097152xi32, #tpu.memory_space<hbm>> -> memref<8192xi32, #tpu.memory_space<hbm>>
    %dma_wait3A_343 = tpu.memref_slice %arg5[%add3A_337] : memref<2097152xi32, #tpu.memory_space<hbm>> -> memref<8192xi32, #tpu.memory_space<hbm>>
    tpu.wait_dma2 semaphore(%arg23 : memref<!tpu.dma_semaphore, #tpu.memory_space<semaphore_mem>>) src(%dma_wait3A_343 : memref<8192xi32, #tpu.memory_space<hbm>>) dst(%arg12 : memref<8192xi32, #tpu.memory_space<vmem>>)
    %add3A_344 = arith.constant 40960 : i32
    %add3A_345 = arith.addi %add3A_4, %add3A_344 : i32
    %jit3A_346 = arith.constant 262144 : i32
    %div3A_347 = arith.divsi %add3A_345, %jit3A_346 : i32
    %sign3A_348 = arith.constant 0 : i32
    %sign3A_349 = arith.cmpi sgt, %add3A_345, %sign3A_348 : i32
    %sign3A_350 = arith.extui %sign3A_349 : i1 to i32
    %sign3A_351 = arith.constant 0 : i32
    %sign3A_352 = arith.cmpi slt, %add3A_345, %sign3A_351 : i32
    %sign3A_353 = arith.extui %sign3A_352 : i1 to i32
    %sign3A_354 = arith.subi %sign3A_350, %sign3A_353 : i32
    %sign3A_355 = arith.constant 0 : i32
    %sign3A_356 = arith.cmpi sgt, %jit3A_346, %sign3A_355 : i32
    %sign3A_357 = arith.extui %sign3A_356 : i1 to i32
    %sign3A_358 = arith.constant 0 : i32
    %sign3A_359 = arith.cmpi slt, %jit3A_346, %sign3A_358 : i32
    %sign3A_360 = arith.extui %sign3A_359 : i1 to i32
    %sign3A_361 = arith.subi %sign3A_357, %sign3A_360 : i32
    %ne3A_362 = arith.cmpi ne, %sign3A_354, %sign3A_361 : i32
    %rem3A_363 = arith.remsi %add3A_345, %jit3A_346 : i32
    %ne3A_364 = arith.constant 0 : i32
    %ne3A_365 = arith.cmpi ne, %rem3A_363, %ne3A_364 : i32
    %and3A_366 = arith.andi %ne3A_362, %ne3A_365 : i1
    %sub3A_367 = arith.constant 1 : i32
    %sub3A_368 = arith.subi %div3A_347, %sub3A_367 : i32
    %select_n3A_369 = arith.select %and3A_366, %sub3A_368, %div3A_347 : i32
    %mul3A_370 = arith.constant 18 : i32
    %mul3A_371 = arith.muli %select_n3A_369, %mul3A_370 : i32
    %mul3A_372 = arith.constant 262144 : i32
    %mul3A_373 = arith.muli %mul3A_371, %mul3A_372 : i32
    %add3A_374 = arith.addi %add3A_345, %mul3A_373 : i32
    %scan3A_375 = arith.constant 0 : i32
    %scan3A_376 = arith.constant 0 : i32
    %scan3A_377 = arith.constant 512 : i32
    %scan3A_378 = arith.addi %scan3A_376, %scan3A_377 : i32
    %scan3A_379 = arith.constant 8 : i32
    scf.for %scan3A_534 = %scan3A_376 to %scan3A_378 step %scan3A_379  : i32 {
      %mul3A_535 = arith.constant 16 : i32
      %mul3A_536 = arith.muli %scan3A_534, %mul3A_535 : i32
      %iota3A = tpu.iota {dimensions = array<i32: 0>} : vector<16xi32>
      %add3A_537 = arith.addi %add3A_374, %mul3A_536 : i32
      %add3A_538 = vector.broadcast %add3A_537 : i32 to vector<16xi32>
      %add3A_539 = arith.addi %iota3A, %add3A_538 : vector<16xi32>
      %get3A = arith.index_cast %mul3A_536 : i32 to index
      %get3A_540 = tpu.vector_load %arg10[%get3A] {strides = array<i32>} : memref<8192xi32, #tpu.memory_space<vmem>>, vector<16xi32>,
      %get3A_541 = vector.shape_cast %get3A_540 : vector<16xi32> to vector<16xi32>
      %mul3A_542 = arith.constant 262144 : i32
      %mul3A_543 = vector.broadcast %mul3A_542 : i32 to vector<16xi32>
      %mul3A_544 = arith.muli %get3A_541, %mul3A_543 : vector<16xi32>
      %add3A_545 = arith.addi %mul3A_544, %add3A_539 : vector<16xi32>
      %get3A_546 = arith.index_cast %mul3A_536 : i32 to index
      %get3A_547 = tpu.vector_load %arg8[%get3A_546] {strides = array<i32>} : memref<8192xi32, #tpu.memory_space<vmem>>, vector<16xi32>,
      %get3A_548 = vector.shape_cast %get3A_547 : vector<16xi32> to vector<16xi32>
      %mul3A_549 = arith.constant 262144 : i32
      %mul3A_550 = vector.broadcast %mul3A_549 : i32 to vector<16xi32>
      %mul3A_551 = arith.muli %get3A_548, %mul3A_550 : vector<16xi32>
      %add3A_552 = arith.addi %mul3A_551, %add3A_539 : vector<16xi32>
      %get3A_553 = arith.index_cast %mul3A_536 : i32 to index
      %get3A_554 = tpu.vector_load %arg12[%get3A_553] {strides = array<i32>} : memref<8192xi32, #tpu.memory_space<vmem>>, vector<16xi32>,
      %get3A_555 = vector.shape_cast %get3A_554 : vector<16xi32> to vector<16xi32>
      %ne3A_556 = arith.constant 0 : i32
      %ne3A_557 = vector.broadcast %ne3A_556 : i32 to vector<16xi32>
      %ne3A_558 = arith.cmpi ne, %get3A_555, %ne3A_557 : vector<16xi32>
      %select_n3A_559 = arith.select %ne3A_558, %add3A_552, %add3A_545 : vector<16xi1>, vector<16xi32>
      %swap3A_560 = arith.index_cast %mul3A_536 : i32 to index
      %swap3A_561 = tpu.vector_load %arg14[%swap3A_560] {strides = array<i32>} : memref<8192xi32, #tpu.memory_space<vmem>>, vector<16xi32>,
      %swap3A_562 = vector.shape_cast %swap3A_561 : vector<16xi32> to vector<16xi32>
      %swap3A_563 = vector.shape_cast %select_n3A_559 : vector<16xi32> to vector<16xi32>
      tpu.vector_store %arg14[%swap3A_560], %swap3A_563 {strides = array<i32>} : memref<8192xi32, #tpu.memory_space<vmem>>, vector<16xi32>,
      %swap3A_564 = arith.index_cast %mul3A_536 : i32 to index
      %swap3A_565 = tpu.vector_load %arg16[%swap3A_564] {strides = array<i32>} : memref<8192xi32, #tpu.memory_space<vmem>>, vector<16xi32>,
      %swap3A_566 = vector.shape_cast %swap3A_565 : vector<16xi32> to vector<16xi32>
      %swap3A_567 = vector.shape_cast %add3A_545 : vector<16xi32> to vector<16xi32>
      tpu.vector_store %arg16[%swap3A_564], %swap3A_567 {strides = array<i32>} : memref<8192xi32, #tpu.memory_space<vmem>>, vector<16xi32>,
      %scan3A_568 = arith.constant 1 : i32
      %scan3A_569 = arith.addi %scan3A_534, %scan3A_568 : i32
      %mul3A_570 = arith.constant 16 : i32
      %mul3A_571 = arith.muli %scan3A_569, %mul3A_570 : i32
      %iota3A_572 = tpu.iota {dimensions = array<i32: 0>} : vector<16xi32>
      %add3A_573 = arith.addi %add3A_374, %mul3A_571 : i32
      %add3A_574 = vector.broadcast %add3A_573 : i32 to vector<16xi32>
      %add3A_575 = arith.addi %iota3A_572, %add3A_574 : vector<16xi32>
      %get3A_576 = arith.index_cast %mul3A_571 : i32 to index
      %get3A_577 = tpu.vector_load %arg10[%get3A_576] {strides = array<i32>} : memref<8192xi32, #tpu.memory_space<vmem>>, vector<16xi32>,
      %get3A_578 = vector.shape_cast %get3A_577 : vector<16xi32> to vector<16xi32>
      %mul3A_579 = arith.constant 262144 : i32
      %mul3A_580 = vector.broadcast %mul3A_579 : i32 to vector<16xi32>
      %mul3A_581 = arith.muli %get3A_578, %mul3A_580 : vector<16xi32>
      %add3A_582 = arith.addi %mul3A_581, %add3A_575 : vector<16xi32>
      %get3A_583 = arith.index_cast %mul3A_571 : i32 to index
      %get3A_584 = tpu.vector_load %arg8[%get3A_583] {strides = array<i32>} : memref<8192xi32, #tpu.memory_space<vmem>>, vector<16xi32>,
      %get3A_585 = vector.shape_cast %get3A_584 : vector<16xi32> to vector<16xi32>
      %mul3A_586 = arith.constant 262144 : i32
      %mul3A_587 = vector.broadcast %mul3A_586 : i32 to vector<16xi32>
      %mul3A_588 = arith.muli %get3A_585, %mul3A_587 : vector<16xi32>
      %add3A_589 = arith.addi %mul3A_588, %add3A_575 : vector<16xi32>
      %get3A_590 = arith.index_cast %mul3A_571 : i32 to index
      %get3A_591 = tpu.vector_load %arg12[%get3A_590] {strides = array<i32>} : memref<8192xi32, #tpu.memory_space<vmem>>, vector<16xi32>,
      %get3A_592 = vector.shape_cast %get3A_591 : vector<16xi32> to vector<16xi32>
      %ne3A_593 = arith.constant 0 : i32
      %ne3A_594 = vector.broadcast %ne3A_593 : i32 to vector<16xi32>
      %ne3A_595 = arith.cmpi ne, %get3A_592, %ne3A_594 : vector<16xi32>
      %select_n3A_596 = arith.select %ne3A_595, %add3A_589, %add3A_582 : vector<16xi1>, vector<16xi32>
      %swap3A_597 = arith.index_cast %mul3A_571 : i32 to index
      %swap3A_598 = tpu.vector_load %arg14[%swap3A_597] {strides = array<i32>} : memref<8192xi32, #tpu.memory_space<vmem>>, vector<16xi32>,
      %swap3A_599 = vector.shape_cast %swap3A_598 : vector<16xi32> to vector<16xi32>
      %swap3A_600 = vector.shape_cast %select_n3A_596 : vector<16xi32> to vector<16xi32>
      tpu.vector_store %arg14[%swap3A_597], %swap3A_600 {strides = array<i32>} : memref<8192xi32, #tpu.memory_space<vmem>>, vector<16xi32>,
      %swap3A_601 = arith.index_cast %mul3A_571 : i32 to index
      %swap3A_602 = tpu.vector_load %arg16[%swap3A_601] {strides = array<i32>} : memref<8192xi32, #tpu.memory_space<vmem>>, vector<16xi32>,
      %swap3A_603 = vector.shape_cast %swap3A_602 : vector<16xi32> to vector<16xi32>
      %swap3A_604 = vector.shape_cast %add3A_582 : vector<16xi32> to vector<16xi32>
      tpu.vector_store %arg16[%swap3A_601], %swap3A_604 {strides = array<i32>} : memref<8192xi32, #tpu.memory_space<vmem>>, vector<16xi32>,
      %scan3A_605 = arith.constant 2 : i32
      %scan3A_606 = arith.addi %scan3A_534, %scan3A_605 : i32
      %mul3A_607 = arith.constant 16 : i32
      %mul3A_608 = arith.muli %scan3A_606, %mul3A_607 : i32
      %iota3A_609 = tpu.iota {dimensions = array<i32: 0>} : vector<16xi32>
      %add3A_610 = arith.addi %add3A_374, %mul3A_608 : i32
      %add3A_611 = vector.broadcast %add3A_610 : i32 to vector<16xi32>
      %add3A_612 = arith.addi %iota3A_609, %add3A_611 : vector<16xi32>
      %get3A_613 = arith.index_cast %mul3A_608 : i32 to index
      %get3A_614 = tpu.vector_load %arg10[%get3A_613] {strides = array<i32>} : memref<8192xi32, #tpu.memory_space<vmem>>, vector<16xi32>,
      %get3A_615 = vector.shape_cast %get3A_614 : vector<16xi32> to vector<16xi32>
      %mul3A_616 = arith.constant 262144 : i32
      %mul3A_617 = vector.broadcast %mul3A_616 : i32 to vector<16xi32>
      %mul3A_618 = arith.muli %get3A_615, %mul3A_617 : vector<16xi32>
      %add3A_619 = arith.addi %mul3A_618, %add3A_612 : vector<16xi32>
      %get3A_620 = arith.index_cast %mul3A_608 : i32 to index
      %get3A_621 = tpu.vector_load %arg8[%get3A_620] {strides = array<i32>} : memref<8192xi32, #tpu.memory_space<vmem>>, vector<16xi32>,
      %get3A_622 = vector.shape_cast %get3A_621 : vector<16xi32> to vector<16xi32>
      %mul3A_623 = arith.constant 262144 : i32
      %mul3A_624 = vector.broadcast %mul3A_623 : i32 to vector<16xi32>
      %mul3A_625 = arith.muli %get3A_622, %mul3A_624 : vector<16xi32>
      %add3A_626 = arith.addi %mul3A_625, %add3A_612 : vector<16xi32>
      %get3A_627 = arith.index_cast %mul3A_608 : i32 to index
      %get3A_628 = tpu.vector_load %arg12[%get3A_627] {strides = array<i32>} : memref<8192xi32, #tpu.memory_space<vmem>>, vector<16xi32>,
      %get3A_629 = vector.shape_cast %get3A_628 : vector<16xi32> to vector<16xi32>
      %ne3A_630 = arith.constant 0 : i32
      %ne3A_631 = vector.broadcast %ne3A_630 : i32 to vector<16xi32>
      %ne3A_632 = arith.cmpi ne, %get3A_629, %ne3A_631 : vector<16xi32>
      %select_n3A_633 = arith.select %ne3A_632, %add3A_626, %add3A_619 : vector<16xi1>, vector<16xi32>
      %swap3A_634 = arith.index_cast %mul3A_608 : i32 to index
      %swap3A_635 = tpu.vector_load %arg14[%swap3A_634] {strides = array<i32>} : memref<8192xi32, #tpu.memory_space<vmem>>, vector<16xi32>,
      %swap3A_636 = vector.shape_cast %swap3A_635 : vector<16xi32> to vector<16xi32>
      %swap3A_637 = vector.shape_cast %select_n3A_633 : vector<16xi32> to vector<16xi32>
      tpu.vector_store %arg14[%swap3A_634], %swap3A_637 {strides = array<i32>} : memref<8192xi32, #tpu.memory_space<vmem>>, vector<16xi32>,
      %swap3A_638 = arith.index_cast %mul3A_608 : i32 to index
      %swap3A_639 = tpu.vector_load %arg16[%swap3A_638] {strides = array<i32>} : memref<8192xi32, #tpu.memory_space<vmem>>, vector<16xi32>,
      %swap3A_640 = vector.shape_cast %swap3A_639 : vector<16xi32> to vector<16xi32>
      %swap3A_641 = vector.shape_cast %add3A_619 : vector<16xi32> to vector<16xi32>
      tpu.vector_store %arg16[%swap3A_638], %swap3A_641 {strides = array<i32>} : memref<8192xi32, #tpu.memory_space<vmem>>, vector<16xi32>,
      %scan3A_642 = arith.constant 3 : i32
      %scan3A_643 = arith.addi %scan3A_534, %scan3A_642 : i32
      %mul3A_644 = arith.constant 16 : i32
      %mul3A_645 = arith.muli %scan3A_643, %mul3A_644 : i32
      %iota3A_646 = tpu.iota {dimensions = array<i32: 0>} : vector<16xi32>
      %add3A_647 = arith.addi %add3A_374, %mul3A_645 : i32
      %add3A_648 = vector.broadcast %add3A_647 : i32 to vector<16xi32>
      %add3A_649 = arith.addi %iota3A_646, %add3A_648 : vector<16xi32>
      %get3A_650 = arith.index_cast %mul3A_645 : i32 to index
      %get3A_651 = tpu.vector_load %arg10[%get3A_650] {strides = array<i32>} : memref<8192xi32, #tpu.memory_space<vmem>>, vector<16xi32>,
      %get3A_652 = vector.shape_cast %get3A_651 : vector<16xi32> to vector<16xi32>
      %mul3A_653 = arith.constant 262144 : i32
      %mul3A_654 = vector.broadcast %mul3A_653 : i32 to vector<16xi32>
      %mul3A_655 = arith.muli %get3A_652, %mul3A_654 : vector<16xi32>
      %add3A_656 = arith.addi %mul3A_655, %add3A_649 : vector<16xi32>
      %get3A_657 = arith.index_cast %mul3A_645 : i32 to index
      %get3A_658 = tpu.vector_load %arg8[%get3A_657] {strides = array<i32>} : memref<8192xi32, #tpu.memory_space<vmem>>, vector<16xi32>,
      %get3A_659 = vector.shape_cast %get3A_658 : vector<16xi32> to vector<16xi32>
      %mul3A_660 = arith.constant 262144 : i32
      %mul3A_661 = vector.broadcast %mul3A_660 : i32 to vector<16xi32>
      %mul3A_662 = arith.muli %get3A_659, %mul3A_661 : vector<16xi32>
      %add3A_663 = arith.addi %mul3A_662, %add3A_649 : vector<16xi32>
      %get3A_664 = arith.index_cast %mul3A_645 : i32 to index
      %get3A_665 = tpu.vector_load %arg12[%get3A_664] {strides = array<i32>} : memref<8192xi32, #tpu.memory_space<vmem>>, vector<16xi32>,
      %get3A_666 = vector.shape_cast %get3A_665 : vector<16xi32> to vector<16xi32>
      %ne3A_667 = arith.constant 0 : i32
      %ne3A_668 = vector.broadcast %ne3A_667 : i32 to vector<16xi32>
      %ne3A_669 = arith.cmpi ne, %get3A_666, %ne3A_668 : vector<16xi32>
      %select_n3A_670 = arith.select %ne3A_669, %add3A_663, %add3A_656 : vector<16xi1>, vector<16xi32>
      %swap3A_671 = arith.index_cast %mul3A_645 : i32 to index
      %swap3A_672 = tpu.vector_load %arg14[%swap3A_671] {strides = array<i32>} : memref<8192xi32, #tpu.memory_space<vmem>>, vector<16xi32>,
      %swap3A_673 = vector.shape_cast %swap3A_672 : vector<16xi32> to vector<16xi32>
      %swap3A_674 = vector.shape_cast %select_n3A_670 : vector<16xi32> to vector<16xi32>
      tpu.vector_store %arg14[%swap3A_671], %swap3A_674 {strides = array<i32>} : memref<8192xi32, #tpu.memory_space<vmem>>, vector<16xi32>,
      %swap3A_675 = arith.index_cast %mul3A_645 : i32 to index
      %swap3A_676 = tpu.vector_load %arg16[%swap3A_675] {strides = array<i32>} : memref<8192xi32, #tpu.memory_space<vmem>>, vector<16xi32>,
      %swap3A_677 = vector.shape_cast %swap3A_676 : vector<16xi32> to vector<16xi32>
      %swap3A_678 = vector.shape_cast %add3A_656 : vector<16xi32> to vector<16xi32>
      tpu.vector_store %arg16[%swap3A_675], %swap3A_678 {strides = array<i32>} : memref<8192xi32, #tpu.memory_space<vmem>>, vector<16xi32>,
      %scan3A_679 = arith.constant 4 : i32
      %scan3A_680 = arith.addi %scan3A_534, %scan3A_679 : i32
      %mul3A_681 = arith.constant 16 : i32
      %mul3A_682 = arith.muli %scan3A_680, %mul3A_681 : i32
      %iota3A_683 = tpu.iota {dimensions = array<i32: 0>} : vector<16xi32>
      %add3A_684 = arith.addi %add3A_374, %mul3A_682 : i32
      %add3A_685 = vector.broadcast %add3A_684 : i32 to vector<16xi32>
      %add3A_686 = arith.addi %iota3A_683, %add3A_685 : vector<16xi32>
      %get3A_687 = arith.index_cast %mul3A_682 : i32 to index
      %get3A_688 = tpu.vector_load %arg10[%get3A_687] {strides = array<i32>} : memref<8192xi32, #tpu.memory_space<vmem>>, vector<16xi32>,
      %get3A_689 = vector.shape_cast %get3A_688 : vector<16xi32> to vector<16xi32>
      %mul3A_690 = arith.constant 262144 : i32
      %mul3A_691 = vector.broadcast %mul3A_690 : i32 to vector<16xi32>
      %mul3A_692 = arith.muli %get3A_689, %mul3A_691 : vector<16xi32>
      %add3A_693 = arith.addi %mul3A_692, %add3A_686 : vector<16xi32>
      %get3A_694 = arith.index_cast %mul3A_682 : i32 to index
      %get3A_695 = tpu.vector_load %arg8[%get3A_694] {strides = array<i32>} : memref<8192xi32, #tpu.memory_space<vmem>>, vector<16xi32>,
      %get3A_696 = vector.shape_cast %get3A_695 : vector<16xi32> to vector<16xi32>
      %mul3A_697 = arith.constant 262144 : i32
      %mul3A_698 = vector.broadcast %mul3A_697 : i32 to vector<16xi32>
      %mul3A_699 = arith.muli %get3A_696, %mul3A_698 : vector<16xi32>
      %add3A_700 = arith.addi %mul3A_699, %add3A_686 : vector<16xi32>
      %get3A_701 = arith.index_cast %mul3A_682 : i32 to index
      %get3A_702 = tpu.vector_load %arg12[%get3A_701] {strides = array<i32>} : memref<8192xi32, #tpu.memory_space<vmem>>, vector<16xi32>,
      %get3A_703 = vector.shape_cast %get3A_702 : vector<16xi32> to vector<16xi32>
      %ne3A_704 = arith.constant 0 : i32
      %ne3A_705 = vector.broadcast %ne3A_704 : i32 to vector<16xi32>
      %ne3A_706 = arith.cmpi ne, %get3A_703, %ne3A_705 : vector<16xi32>
      %select_n3A_707 = arith.select %ne3A_706, %add3A_700, %add3A_693 : vector<16xi1>, vector<16xi32>
      %swap3A_708 = arith.index_cast %mul3A_682 : i32 to index
      %swap3A_709 = tpu.vector_load %arg14[%swap3A_708] {strides = array<i32>} : memref<8192xi32, #tpu.memory_space<vmem>>, vector<16xi32>,
      %swap3A_710 = vector.shape_cast %swap3A_709 : vector<16xi32> to vector<16xi32>
      %swap3A_711 = vector.shape_cast %select_n3A_707 : vector<16xi32> to vector<16xi32>
      tpu.vector_store %arg14[%swap3A_708], %swap3A_711 {strides = array<i32>} : memref<8192xi32, #tpu.memory_space<vmem>>, vector<16xi32>,
      %swap3A_712 = arith.index_cast %mul3A_682 : i32 to index
      %swap3A_713 = tpu.vector_load %arg16[%swap3A_712] {strides = array<i32>} : memref<8192xi32, #tpu.memory_space<vmem>>, vector<16xi32>,
      %swap3A_714 = vector.shape_cast %swap3A_713 : vector<16xi32> to vector<16xi32>
      %swap3A_715 = vector.shape_cast %add3A_693 : vector<16xi32> to vector<16xi32>
      tpu.vector_store %arg16[%swap3A_712], %swap3A_715 {strides = array<i32>} : memref<8192xi32, #tpu.memory_space<vmem>>, vector<16xi32>,
      %scan3A_716 = arith.constant 5 : i32
      %scan3A_717 = arith.addi %scan3A_534, %scan3A_716 : i32
      %mul3A_718 = arith.constant 16 : i32
      %mul3A_719 = arith.muli %scan3A_717, %mul3A_718 : i32
      %iota3A_720 = tpu.iota {dimensions = array<i32: 0>} : vector<16xi32>
      %add3A_721 = arith.addi %add3A_374, %mul3A_719 : i32
      %add3A_722 = vector.broadcast %add3A_721 : i32 to vector<16xi32>
      %add3A_723 = arith.addi %iota3A_720, %add3A_722 : vector<16xi32>
      %get3A_724 = arith.index_cast %mul3A_719 : i32 to index
      %get3A_725 = tpu.vector_load %arg10[%get3A_724] {strides = array<i32>} : memref<8192xi32, #tpu.memory_space<vmem>>, vector<16xi32>,
      %get3A_726 = vector.shape_cast %get3A_725 : vector<16xi32> to vector<16xi32>
      %mul3A_727 = arith.constant 262144 : i32
      %mul3A_728 = vector.broadcast %mul3A_727 : i32 to vector<16xi32>
      %mul3A_729 = arith.muli %get3A_726, %mul3A_728 : vector<16xi32>
      %add3A_730 = arith.addi %mul3A_729, %add3A_723 : vector<16xi32>
      %get3A_731 = arith.index_cast %mul3A_719 : i32 to index
      %get3A_732 = tpu.vector_load %arg8[%get3A_731] {strides = array<i32>} : memref<8192xi32, #tpu.memory_space<vmem>>, vector<16xi32>,
      %get3A_733 = vector.shape_cast %get3A_732 : vector<16xi32> to vector<16xi32>
      %mul3A_734 = arith.constant 262144 : i32
      %mul3A_735 = vector.broadcast %mul3A_734 : i32 to vector<16xi32>
      %mul3A_736 = arith.muli %get3A_733, %mul3A_735 : vector<16xi32>
      %add3A_737 = arith.addi %mul3A_736, %add3A_723 : vector<16xi32>
      %get3A_738 = arith.index_cast %mul3A_719 : i32 to index
      %get3A_739 = tpu.vector_load %arg12[%get3A_738] {strides = array<i32>} : memref<8192xi32, #tpu.memory_space<vmem>>, vector<16xi32>,
      %get3A_740 = vector.shape_cast %get3A_739 : vector<16xi32> to vector<16xi32>
      %ne3A_741 = arith.constant 0 : i32
      %ne3A_742 = vector.broadcast %ne3A_741 : i32 to vector<16xi32>
      %ne3A_743 = arith.cmpi ne, %get3A_740, %ne3A_742 : vector<16xi32>
      %select_n3A_744 = arith.select %ne3A_743, %add3A_737, %add3A_730 : vector<16xi1>, vector<16xi32>
      %swap3A_745 = arith.index_cast %mul3A_719 : i32 to index
      %swap3A_746 = tpu.vector_load %arg14[%swap3A_745] {strides = array<i32>} : memref<8192xi32, #tpu.memory_space<vmem>>, vector<16xi32>,
      %swap3A_747 = vector.shape_cast %swap3A_746 : vector<16xi32> to vector<16xi32>
      %swap3A_748 = vector.shape_cast %select_n3A_744 : vector<16xi32> to vector<16xi32>
      tpu.vector_store %arg14[%swap3A_745], %swap3A_748 {strides = array<i32>} : memref<8192xi32, #tpu.memory_space<vmem>>, vector<16xi32>,
      %swap3A_749 = arith.index_cast %mul3A_719 : i32 to index
      %swap3A_750 = tpu.vector_load %arg16[%swap3A_749] {strides = array<i32>} : memref<8192xi32, #tpu.memory_space<vmem>>, vector<16xi32>,
      %swap3A_751 = vector.shape_cast %swap3A_750 : vector<16xi32> to vector<16xi32>
      %swap3A_752 = vector.shape_cast %add3A_730 : vector<16xi32> to vector<16xi32>
      tpu.vector_store %arg16[%swap3A_749], %swap3A_752 {strides = array<i32>} : memref<8192xi32, #tpu.memory_space<vmem>>, vector<16xi32>,
      %scan3A_753 = arith.constant 6 : i32
      %scan3A_754 = arith.addi %scan3A_534, %scan3A_753 : i32
      %mul3A_755 = arith.constant 16 : i32
      %mul3A_756 = arith.muli %scan3A_754, %mul3A_755 : i32
      %iota3A_757 = tpu.iota {dimensions = array<i32: 0>} : vector<16xi32>
      %add3A_758 = arith.addi %add3A_374, %mul3A_756 : i32
      %add3A_759 = vector.broadcast %add3A_758 : i32 to vector<16xi32>
      %add3A_760 = arith.addi %iota3A_757, %add3A_759 : vector<16xi32>
      %get3A_761 = arith.index_cast %mul3A_756 : i32 to index
      %get3A_762 = tpu.vector_load %arg10[%get3A_761] {strides = array<i32>} : memref<8192xi32, #tpu.memory_space<vmem>>, vector<16xi32>,
      %get3A_763 = vector.shape_cast %get3A_762 : vector<16xi32> to vector<16xi32>
      %mul3A_764 = arith.constant 262144 : i32
      %mul3A_765 = vector.broadcast %mul3A_764 : i32 to vector<16xi32>
      %mul3A_766 = arith.muli %get3A_763, %mul3A_765 : vector<16xi32>
      %add3A_767 = arith.addi %mul3A_766, %add3A_760 : vector<16xi32>
      %get3A_768 = arith.index_cast %mul3A_756 : i32 to index
      %get3A_769 = tpu.vector_load %arg8[%get3A_768] {strides = array<i32>} : memref<8192xi32, #tpu.memory_space<vmem>>, vector<16xi32>,
      %get3A_770 = vector.shape_cast %get3A_769 : vector<16xi32> to vector<16xi32>
      %mul3A_771 = arith.constant 262144 : i32
      %mul3A_772 = vector.broadcast %mul3A_771 : i32 to vector<16xi32>
      %mul3A_773 = arith.muli %get3A_770, %mul3A_772 : vector<16xi32>
      %add3A_774 = arith.addi %mul3A_773, %add3A_760 : vector<16xi32>
      %get3A_775 = arith.index_cast %mul3A_756 : i32 to index
      %get3A_776 = tpu.vector_load %arg12[%get3A_775] {strides = array<i32>} : memref<8192xi32, #tpu.memory_space<vmem>>, vector<16xi32>,
      %get3A_777 = vector.shape_cast %get3A_776 : vector<16xi32> to vector<16xi32>
      %ne3A_778 = arith.constant 0 : i32
      %ne3A_779 = vector.broadcast %ne3A_778 : i32 to vector<16xi32>
      %ne3A_780 = arith.cmpi ne, %get3A_777, %ne3A_779 : vector<16xi32>
      %select_n3A_781 = arith.select %ne3A_780, %add3A_774, %add3A_767 : vector<16xi1>, vector<16xi32>
      %swap3A_782 = arith.index_cast %mul3A_756 : i32 to index
      %swap3A_783 = tpu.vector_load %arg14[%swap3A_782] {strides = array<i32>} : memref<8192xi32, #tpu.memory_space<vmem>>, vector<16xi32>,
      %swap3A_784 = vector.shape_cast %swap3A_783 : vector<16xi32> to vector<16xi32>
      %swap3A_785 = vector.shape_cast %select_n3A_781 : vector<16xi32> to vector<16xi32>
      tpu.vector_store %arg14[%swap3A_782], %swap3A_785 {strides = array<i32>} : memref<8192xi32, #tpu.memory_space<vmem>>, vector<16xi32>,
      %swap3A_786 = arith.index_cast %mul3A_756 : i32 to index
      %swap3A_787 = tpu.vector_load %arg16[%swap3A_786] {strides = array<i32>} : memref<8192xi32, #tpu.memory_space<vmem>>, vector<16xi32>,
      %swap3A_788 = vector.shape_cast %swap3A_787 : vector<16xi32> to vector<16xi32>
      %swap3A_789 = vector.shape_cast %add3A_767 : vector<16xi32> to vector<16xi32>
      tpu.vector_store %arg16[%swap3A_786], %swap3A_789 {strides = array<i32>} : memref<8192xi32, #tpu.memory_space<vmem>>, vector<16xi32>,
      %scan3A_790 = arith.constant 7 : i32
      %scan3A_791 = arith.addi %scan3A_534, %scan3A_790 : i32
      %mul3A_792 = arith.constant 16 : i32
      %mul3A_793 = arith.muli %scan3A_791, %mul3A_792 : i32
      %iota3A_794 = tpu.iota {dimensions = array<i32: 0>} : vector<16xi32>
      %add3A_795 = arith.addi %add3A_374, %mul3A_793 : i32
      %add3A_796 = vector.broadcast %add3A_795 : i32 to vector<16xi32>
      %add3A_797 = arith.addi %iota3A_794, %add3A_796 : vector<16xi32>
      %get3A_798 = arith.index_cast %mul3A_793 : i32 to index
      %get3A_799 = tpu.vector_load %arg10[%get3A_798] {strides = array<i32>} : memref<8192xi32, #tpu.memory_space<vmem>>, vector<16xi32>,
      %get3A_800 = vector.shape_cast %get3A_799 : vector<16xi32> to vector<16xi32>
      %mul3A_801 = arith.constant 262144 : i32
      %mul3A_802 = vector.broadcast %mul3A_801 : i32 to vector<16xi32>
      %mul3A_803 = arith.muli %get3A_800, %mul3A_802 : vector<16xi32>
      %add3A_804 = arith.addi %mul3A_803, %add3A_797 : vector<16xi32>
      %get3A_805 = arith.index_cast %mul3A_793 : i32 to index
      %get3A_806 = tpu.vector_load %arg8[%get3A_805] {strides = array<i32>} : memref<8192xi32, #tpu.memory_space<vmem>>, vector<16xi32>,
      %get3A_807 = vector.shape_cast %get3A_806 : vector<16xi32> to vector<16xi32>
      %mul3A_808 = arith.constant 262144 : i32
      %mul3A_809 = vector.broadcast %mul3A_808 : i32 to vector<16xi32>
      %mul3A_810 = arith.muli %get3A_807, %mul3A_809 : vector<16xi32>
      %add3A_811 = arith.addi %mul3A_810, %add3A_797 : vector<16xi32>
      %get3A_812 = arith.index_cast %mul3A_793 : i32 to index
      %get3A_813 = tpu.vector_load %arg12[%get3A_812] {strides = array<i32>} : memref<8192xi32, #tpu.memory_space<vmem>>, vector<16xi32>,
      %get3A_814 = vector.shape_cast %get3A_813 : vector<16xi32> to vector<16xi32>
      %ne3A_815 = arith.constant 0 : i32
      %ne3A_816 = vector.broadcast %ne3A_815 : i32 to vector<16xi32>
      %ne3A_817 = arith.cmpi ne, %get3A_814, %ne3A_816 : vector<16xi32>
      %select_n3A_818 = arith.select %ne3A_817, %add3A_811, %add3A_804 : vector<16xi1>, vector<16xi32>
      %swap3A_819 = arith.index_cast %mul3A_793 : i32 to index
      %swap3A_820 = tpu.vector_load %arg14[%swap3A_819] {strides = array<i32>} : memref<8192xi32, #tpu.memory_space<vmem>>, vector<16xi32>,
      %swap3A_821 = vector.shape_cast %swap3A_820 : vector<16xi32> to vector<16xi32>
      %swap3A_822 = vector.shape_cast %select_n3A_818 : vector<16xi32> to vector<16xi32>
      tpu.vector_store %arg14[%swap3A_819], %swap3A_822 {strides = array<i32>} : memref<8192xi32, #tpu.memory_space<vmem>>, vector<16xi32>,
      %swap3A_823 = arith.index_cast %mul3A_793 : i32 to index
      %swap3A_824 = tpu.vector_load %arg16[%swap3A_823] {strides = array<i32>} : memref<8192xi32, #tpu.memory_space<vmem>>, vector<16xi32>,
      %swap3A_825 = vector.shape_cast %swap3A_824 : vector<16xi32> to vector<16xi32>
      %swap3A_826 = vector.shape_cast %add3A_804 : vector<16xi32> to vector<16xi32>
      tpu.vector_store %arg16[%swap3A_823], %swap3A_826 {strides = array<i32>} : memref<8192xi32, #tpu.memory_space<vmem>>, vector<16xi32>,
    }
    %scan3A_380 = arith.constant 512 : i32
    %dma_start3A_381 = arith.constant 0 : i32
    %dma_start3A_382 = tpu.memref_slice %arg2[%dma_start3A_381] : memref<39845888xf32, #tpu.memory_space<hbm>> -> memref<39845888xf32, #tpu.memory_space<hbm>>
    tpu.enqueue_indirect_dma source(%dma_start3A_382 : memref<39845888xf32, #tpu.memory_space<hbm>>) target(%arg18 : memref<8192xf32, #tpu.memory_space<vmem>>) offsets(%arg14 : memref<8192xi32, #tpu.memory_space<vmem>>) semaphore(%arg25 : memref<!tpu.dma_semaphore, #tpu.memory_space<semaphore_mem>>)
    %dma_start3A_383 = arith.constant 0 : i32
    %dma_start3A_384 = tpu.memref_slice %arg2[%dma_start3A_383] : memref<39845888xf32, #tpu.memory_space<hbm>> -> memref<39845888xf32, #tpu.memory_space<hbm>>
    tpu.enqueue_indirect_dma source(%dma_start3A_384 : memref<39845888xf32, #tpu.memory_space<hbm>>) target(%arg20 : memref<8192xf32, #tpu.memory_space<vmem>>) offsets(%arg16 : memref<8192xi32, #tpu.memory_space<vmem>>) semaphore(%arg27 : memref<!tpu.dma_semaphore, #tpu.memory_space<semaphore_mem>>)
    %add3A_385 = arith.constant 57344 : i32
    %add3A_386 = arith.addi %add3A_4, %add3A_385 : i32
    %dma_start3A_387 = tpu.memref_slice %arg3[%add3A_386] : memref<2097152xi32, #tpu.memory_space<hbm>> -> memref<8192xi32, #tpu.memory_space<hbm>>
    %dma_start3A_388 = tpu.memref_slice %arg3[%add3A_386] : memref<2097152xi32, #tpu.memory_space<hbm>> -> memref<8192xi32, #tpu.memory_space<hbm>>
    tpu.enqueue_dma source(%dma_start3A_388 : memref<8192xi32, #tpu.memory_space<hbm>>) target(%arg8 : memref<8192xi32, #tpu.memory_space<vmem>>) target_semaphore(%arg23 : memref<!tpu.dma_semaphore, #tpu.memory_space<semaphore_mem>>)
    %dma_start3A_389 = tpu.memref_slice %arg4[%add3A_386] : memref<2097152xi32, #tpu.memory_space<hbm>> -> memref<8192xi32, #tpu.memory_space<hbm>>
    %dma_start3A_390 = tpu.memref_slice %arg4[%add3A_386] : memref<2097152xi32, #tpu.memory_space<hbm>> -> memref<8192xi32, #tpu.memory_space<hbm>>
    tpu.enqueue_dma source(%dma_start3A_390 : memref<8192xi32, #tpu.memory_space<hbm>>) target(%arg10 : memref<8192xi32, #tpu.memory_space<vmem>>) target_semaphore(%arg23 : memref<!tpu.dma_semaphore, #tpu.memory_space<semaphore_mem>>)
    %dma_start3A_391 = tpu.memref_slice %arg5[%add3A_386] : memref<2097152xi32, #tpu.memory_space<hbm>> -> memref<8192xi32, #tpu.memory_space<hbm>>
    %dma_start3A_392 = tpu.memref_slice %arg5[%add3A_386] : memref<2097152xi32, #tpu.memory_space<hbm>> -> memref<8192xi32, #tpu.memory_space<hbm>>
    tpu.enqueue_dma source(%dma_start3A_392 : memref<8192xi32, #tpu.memory_space<hbm>>) target(%arg12 : memref<8192xi32, #tpu.memory_space<vmem>>) target_semaphore(%arg23 : memref<!tpu.dma_semaphore, #tpu.memory_space<semaphore_mem>>)
    %dma_wait3A_393 = arith.constant 0 : i32
    %dma_wait3A_394 = tpu.memref_slice %arg2[%dma_wait3A_393] : memref<39845888xf32, #tpu.memory_space<hbm>> -> memref<39845888xf32, #tpu.memory_space<hbm>>
    tpu.wait_indirect_dma semaphore(%arg24 : memref<!tpu.dma_semaphore, #tpu.memory_space<semaphore_mem>>) src(%dma_wait3A_394 : memref<39845888xf32, #tpu.memory_space<hbm>>) dst(%arg17 : memref<8192xf32, #tpu.memory_space<vmem>>)
    %dma_wait3A_395 = arith.constant 0 : i32
    %dma_wait3A_396 = tpu.memref_slice %arg2[%dma_wait3A_395] : memref<39845888xf32, #tpu.memory_space<hbm>> -> memref<39845888xf32, #tpu.memory_space<hbm>>
    tpu.wait_indirect_dma semaphore(%arg26 : memref<!tpu.dma_semaphore, #tpu.memory_space<semaphore_mem>>) src(%dma_wait3A_396 : memref<39845888xf32, #tpu.memory_space<hbm>>) dst(%arg19 : memref<8192xf32, #tpu.memory_space<vmem>>)
    %scan3A_397 = arith.constant 0 : i32
    %scan3A_398 = arith.constant 512 : i32
    %scan3A_399 = arith.addi %scan3A_397, %scan3A_398 : i32
    %scan3A_400 = arith.constant 8 : i32
    %scan3A_401 = scf.for %scan3A_534 = %scan3A_397 to %scan3A_399 step %scan3A_400 iter_args(%scan3A_535 = %scan3A_334) -> (vector<16xf32>)  : i32 {
      %mul3A_536 = arith.constant 16 : i32
      %mul3A_537 = arith.muli %scan3A_534, %mul3A_536 : i32
      %get3A = arith.index_cast %mul3A_537 : i32 to index
      %get3A_538 = tpu.vector_load %arg17[%get3A] {strides = array<i32>} : memref<8192xf32, #tpu.memory_space<vmem>>, vector<16xf32>,
      %get3A_539 = vector.shape_cast %get3A_538 : vector<16xf32> to vector<16xf32>
      %get3A_540 = arith.index_cast %mul3A_537 : i32 to index
      %get3A_541 = tpu.vector_load %arg19[%get3A_540] {strides = array<i32>} : memref<8192xf32, #tpu.memory_space<vmem>>, vector<16xf32>,
      %get3A_542 = vector.shape_cast %get3A_541 : vector<16xf32> to vector<16xf32>
      %sub3A_543 = arith.subf %get3A_539, %get3A_542 : vector<16xf32>
      %add3A_544 = arith.addf %scan3A_535, %sub3A_543 : vector<16xf32>
      %scan3A_545 = arith.constant 1 : i32
      %scan3A_546 = arith.addi %scan3A_534, %scan3A_545 : i32
      %mul3A_547 = arith.constant 16 : i32
      %mul3A_548 = arith.muli %scan3A_546, %mul3A_547 : i32
      %get3A_549 = arith.index_cast %mul3A_548 : i32 to index
      %get3A_550 = tpu.vector_load %arg17[%get3A_549] {strides = array<i32>} : memref<8192xf32, #tpu.memory_space<vmem>>, vector<16xf32>,
      %get3A_551 = vector.shape_cast %get3A_550 : vector<16xf32> to vector<16xf32>
      %get3A_552 = arith.index_cast %mul3A_548 : i32 to index
      %get3A_553 = tpu.vector_load %arg19[%get3A_552] {strides = array<i32>} : memref<8192xf32, #tpu.memory_space<vmem>>, vector<16xf32>,
      %get3A_554 = vector.shape_cast %get3A_553 : vector<16xf32> to vector<16xf32>
      %sub3A_555 = arith.subf %get3A_551, %get3A_554 : vector<16xf32>
      %add3A_556 = arith.addf %add3A_544, %sub3A_555 : vector<16xf32>
      %scan3A_557 = arith.constant 2 : i32
      %scan3A_558 = arith.addi %scan3A_534, %scan3A_557 : i32
      %mul3A_559 = arith.constant 16 : i32
      %mul3A_560 = arith.muli %scan3A_558, %mul3A_559 : i32
      %get3A_561 = arith.index_cast %mul3A_560 : i32 to index
      %get3A_562 = tpu.vector_load %arg17[%get3A_561] {strides = array<i32>} : memref<8192xf32, #tpu.memory_space<vmem>>, vector<16xf32>,
      %get3A_563 = vector.shape_cast %get3A_562 : vector<16xf32> to vector<16xf32>
      %get3A_564 = arith.index_cast %mul3A_560 : i32 to index
      %get3A_565 = tpu.vector_load %arg19[%get3A_564] {strides = array<i32>} : memref<8192xf32, #tpu.memory_space<vmem>>, vector<16xf32>,
      %get3A_566 = vector.shape_cast %get3A_565 : vector<16xf32> to vector<16xf32>
      %sub3A_567 = arith.subf %get3A_563, %get3A_566 : vector<16xf32>
      %add3A_568 = arith.addf %add3A_556, %sub3A_567 : vector<16xf32>
      %scan3A_569 = arith.constant 3 : i32
      %scan3A_570 = arith.addi %scan3A_534, %scan3A_569 : i32
      %mul3A_571 = arith.constant 16 : i32
      %mul3A_572 = arith.muli %scan3A_570, %mul3A_571 : i32
      %get3A_573 = arith.index_cast %mul3A_572 : i32 to index
      %get3A_574 = tpu.vector_load %arg17[%get3A_573] {strides = array<i32>} : memref<8192xf32, #tpu.memory_space<vmem>>, vector<16xf32>,
      %get3A_575 = vector.shape_cast %get3A_574 : vector<16xf32> to vector<16xf32>
      %get3A_576 = arith.index_cast %mul3A_572 : i32 to index
      %get3A_577 = tpu.vector_load %arg19[%get3A_576] {strides = array<i32>} : memref<8192xf32, #tpu.memory_space<vmem>>, vector<16xf32>,
      %get3A_578 = vector.shape_cast %get3A_577 : vector<16xf32> to vector<16xf32>
      %sub3A_579 = arith.subf %get3A_575, %get3A_578 : vector<16xf32>
      %add3A_580 = arith.addf %add3A_568, %sub3A_579 : vector<16xf32>
      %scan3A_581 = arith.constant 4 : i32
      %scan3A_582 = arith.addi %scan3A_534, %scan3A_581 : i32
      %mul3A_583 = arith.constant 16 : i32
      %mul3A_584 = arith.muli %scan3A_582, %mul3A_583 : i32
      %get3A_585 = arith.index_cast %mul3A_584 : i32 to index
      %get3A_586 = tpu.vector_load %arg17[%get3A_585] {strides = array<i32>} : memref<8192xf32, #tpu.memory_space<vmem>>, vector<16xf32>,
      %get3A_587 = vector.shape_cast %get3A_586 : vector<16xf32> to vector<16xf32>
      %get3A_588 = arith.index_cast %mul3A_584 : i32 to index
      %get3A_589 = tpu.vector_load %arg19[%get3A_588] {strides = array<i32>} : memref<8192xf32, #tpu.memory_space<vmem>>, vector<16xf32>,
      %get3A_590 = vector.shape_cast %get3A_589 : vector<16xf32> to vector<16xf32>
      %sub3A_591 = arith.subf %get3A_587, %get3A_590 : vector<16xf32>
      %add3A_592 = arith.addf %add3A_580, %sub3A_591 : vector<16xf32>
      %scan3A_593 = arith.constant 5 : i32
      %scan3A_594 = arith.addi %scan3A_534, %scan3A_593 : i32
      %mul3A_595 = arith.constant 16 : i32
      %mul3A_596 = arith.muli %scan3A_594, %mul3A_595 : i32
      %get3A_597 = arith.index_cast %mul3A_596 : i32 to index
      %get3A_598 = tpu.vector_load %arg17[%get3A_597] {strides = array<i32>} : memref<8192xf32, #tpu.memory_space<vmem>>, vector<16xf32>,
      %get3A_599 = vector.shape_cast %get3A_598 : vector<16xf32> to vector<16xf32>
      %get3A_600 = arith.index_cast %mul3A_596 : i32 to index
      %get3A_601 = tpu.vector_load %arg19[%get3A_600] {strides = array<i32>} : memref<8192xf32, #tpu.memory_space<vmem>>, vector<16xf32>,
      %get3A_602 = vector.shape_cast %get3A_601 : vector<16xf32> to vector<16xf32>
      %sub3A_603 = arith.subf %get3A_599, %get3A_602 : vector<16xf32>
      %add3A_604 = arith.addf %add3A_592, %sub3A_603 : vector<16xf32>
      %scan3A_605 = arith.constant 6 : i32
      %scan3A_606 = arith.addi %scan3A_534, %scan3A_605 : i32
      %mul3A_607 = arith.constant 16 : i32
      %mul3A_608 = arith.muli %scan3A_606, %mul3A_607 : i32
      %get3A_609 = arith.index_cast %mul3A_608 : i32 to index
      %get3A_610 = tpu.vector_load %arg17[%get3A_609] {strides = array<i32>} : memref<8192xf32, #tpu.memory_space<vmem>>, vector<16xf32>,
      %get3A_611 = vector.shape_cast %get3A_610 : vector<16xf32> to vector<16xf32>
      %get3A_612 = arith.index_cast %mul3A_608 : i32 to index
      %get3A_613 = tpu.vector_load %arg19[%get3A_612] {strides = array<i32>} : memref<8192xf32, #tpu.memory_space<vmem>>, vector<16xf32>,
      %get3A_614 = vector.shape_cast %get3A_613 : vector<16xf32> to vector<16xf32>
      %sub3A_615 = arith.subf %get3A_611, %get3A_614 : vector<16xf32>
      %add3A_616 = arith.addf %add3A_604, %sub3A_615 : vector<16xf32>
      %scan3A_617 = arith.constant 7 : i32
      %scan3A_618 = arith.addi %scan3A_534, %scan3A_617 : i32
      %mul3A_619 = arith.constant 16 : i32
      %mul3A_620 = arith.muli %scan3A_618, %mul3A_619 : i32
      %get3A_621 = arith.index_cast %mul3A_620 : i32 to index
      %get3A_622 = tpu.vector_load %arg17[%get3A_621] {strides = array<i32>} : memref<8192xf32, #tpu.memory_space<vmem>>, vector<16xf32>,
      %get3A_623 = vector.shape_cast %get3A_622 : vector<16xf32> to vector<16xf32>
      %get3A_624 = arith.index_cast %mul3A_620 : i32 to index
      %get3A_625 = tpu.vector_load %arg19[%get3A_624] {strides = array<i32>} : memref<8192xf32, #tpu.memory_space<vmem>>, vector<16xf32>,
      %get3A_626 = vector.shape_cast %get3A_625 : vector<16xf32> to vector<16xf32>
      %sub3A_627 = arith.subf %get3A_623, %get3A_626 : vector<16xf32>
      %add3A_628 = arith.addf %add3A_616, %sub3A_627 : vector<16xf32>
      scf.yield %add3A_628 : vector<16xf32>
    }
    %scan3A_402 = arith.constant 512 : i32
    %add3A_403 = arith.constant 49152 : i32
    %add3A_404 = arith.addi %add3A_4, %add3A_403 : i32
    %dma_wait3A_405 = tpu.memref_slice %arg3[%add3A_404] : memref<2097152xi32, #tpu.memory_space<hbm>> -> memref<8192xi32, #tpu.memory_space<hbm>>
    %dma_wait3A_406 = tpu.memref_slice %arg3[%add3A_404] : memref<2097152xi32, #tpu.memory_space<hbm>> -> memref<8192xi32, #tpu.memory_space<hbm>>
    tpu.wait_dma2 semaphore(%arg22 : memref<!tpu.dma_semaphore, #tpu.memory_space<semaphore_mem>>) src(%dma_wait3A_406 : memref<8192xi32, #tpu.memory_space<hbm>>) dst(%arg7 : memref<8192xi32, #tpu.memory_space<vmem>>)
    %dma_wait3A_407 = tpu.memref_slice %arg4[%add3A_404] : memref<2097152xi32, #tpu.memory_space<hbm>> -> memref<8192xi32, #tpu.memory_space<hbm>>
    %dma_wait3A_408 = tpu.memref_slice %arg4[%add3A_404] : memref<2097152xi32, #tpu.memory_space<hbm>> -> memref<8192xi32, #tpu.memory_space<hbm>>
    tpu.wait_dma2 semaphore(%arg22 : memref<!tpu.dma_semaphore, #tpu.memory_space<semaphore_mem>>) src(%dma_wait3A_408 : memref<8192xi32, #tpu.memory_space<hbm>>) dst(%arg9 : memref<8192xi32, #tpu.memory_space<vmem>>)
    %dma_wait3A_409 = tpu.memref_slice %arg5[%add3A_404] : memref<2097152xi32, #tpu.memory_space<hbm>> -> memref<8192xi32, #tpu.memory_space<hbm>>
    %dma_wait3A_410 = tpu.memref_slice %arg5[%add3A_404] : memref<2097152xi32, #tpu.memory_space<hbm>> -> memref<8192xi32, #tpu.memory_space<hbm>>
    tpu.wait_dma2 semaphore(%arg22 : memref<!tpu.dma_semaphore, #tpu.memory_space<semaphore_mem>>) src(%dma_wait3A_410 : memref<8192xi32, #tpu.memory_space<hbm>>) dst(%arg11 : memref<8192xi32, #tpu.memory_space<vmem>>)
    %add3A_411 = arith.constant 49152 : i32
    %add3A_412 = arith.addi %add3A_4, %add3A_411 : i32
    %jit3A_413 = arith.constant 262144 : i32
    %div3A_414 = arith.divsi %add3A_412, %jit3A_413 : i32
    %sign3A_415 = arith.constant 0 : i32
    %sign3A_416 = arith.cmpi sgt, %add3A_412, %sign3A_415 : i32
    %sign3A_417 = arith.extui %sign3A_416 : i1 to i32
    %sign3A_418 = arith.constant 0 : i32
    %sign3A_419 = arith.cmpi slt, %add3A_412, %sign3A_418 : i32
    %sign3A_420 = arith.extui %sign3A_419 : i1 to i32
    %sign3A_421 = arith.subi %sign3A_417, %sign3A_420 : i32
    %sign3A_422 = arith.constant 0 : i32
    %sign3A_423 = arith.cmpi sgt, %jit3A_413, %sign3A_422 : i32
    %sign3A_424 = arith.extui %sign3A_423 : i1 to i32
    %sign3A_425 = arith.constant 0 : i32
    %sign3A_426 = arith.cmpi slt, %jit3A_413, %sign3A_425 : i32
    %sign3A_427 = arith.extui %sign3A_426 : i1 to i32
    %sign3A_428 = arith.subi %sign3A_424, %sign3A_427 : i32
    %ne3A_429 = arith.cmpi ne, %sign3A_421, %sign3A_428 : i32
    %rem3A_430 = arith.remsi %add3A_412, %jit3A_413 : i32
    %ne3A_431 = arith.constant 0 : i32
    %ne3A_432 = arith.cmpi ne, %rem3A_430, %ne3A_431 : i32
    %and3A_433 = arith.andi %ne3A_429, %ne3A_432 : i1
    %sub3A_434 = arith.constant 1 : i32
    %sub3A_435 = arith.subi %div3A_414, %sub3A_434 : i32
    %select_n3A_436 = arith.select %and3A_433, %sub3A_435, %div3A_414 : i32
    %mul3A_437 = arith.constant 18 : i32
    %mul3A_438 = arith.muli %select_n3A_436, %mul3A_437 : i32
    %mul3A_439 = arith.constant 262144 : i32
    %mul3A_440 = arith.muli %mul3A_438, %mul3A_439 : i32
    %add3A_441 = arith.addi %add3A_412, %mul3A_440 : i32
    %scan3A_442 = arith.constant 0 : i32
    %scan3A_443 = arith.constant 0 : i32
    %scan3A_444 = arith.constant 512 : i32
    %scan3A_445 = arith.addi %scan3A_443, %scan3A_444 : i32
    %scan3A_446 = arith.constant 8 : i32
    scf.for %scan3A_534 = %scan3A_443 to %scan3A_445 step %scan3A_446  : i32 {
      %mul3A_535 = arith.constant 16 : i32
      %mul3A_536 = arith.muli %scan3A_534, %mul3A_535 : i32
      %iota3A = tpu.iota {dimensions = array<i32: 0>} : vector<16xi32>
      %add3A_537 = arith.addi %add3A_441, %mul3A_536 : i32
      %add3A_538 = vector.broadcast %add3A_537 : i32 to vector<16xi32>
      %add3A_539 = arith.addi %iota3A, %add3A_538 : vector<16xi32>
      %get3A = arith.index_cast %mul3A_536 : i32 to index
      %get3A_540 = tpu.vector_load %arg9[%get3A] {strides = array<i32>} : memref<8192xi32, #tpu.memory_space<vmem>>, vector<16xi32>,
      %get3A_541 = vector.shape_cast %get3A_540 : vector<16xi32> to vector<16xi32>
      %mul3A_542 = arith.constant 262144 : i32
      %mul3A_543 = vector.broadcast %mul3A_542 : i32 to vector<16xi32>
      %mul3A_544 = arith.muli %get3A_541, %mul3A_543 : vector<16xi32>
      %add3A_545 = arith.addi %mul3A_544, %add3A_539 : vector<16xi32>
      %get3A_546 = arith.index_cast %mul3A_536 : i32 to index
      %get3A_547 = tpu.vector_load %arg7[%get3A_546] {strides = array<i32>} : memref<8192xi32, #tpu.memory_space<vmem>>, vector<16xi32>,
      %get3A_548 = vector.shape_cast %get3A_547 : vector<16xi32> to vector<16xi32>
      %mul3A_549 = arith.constant 262144 : i32
      %mul3A_550 = vector.broadcast %mul3A_549 : i32 to vector<16xi32>
      %mul3A_551 = arith.muli %get3A_548, %mul3A_550 : vector<16xi32>
      %add3A_552 = arith.addi %mul3A_551, %add3A_539 : vector<16xi32>
      %get3A_553 = arith.index_cast %mul3A_536 : i32 to index
      %get3A_554 = tpu.vector_load %arg11[%get3A_553] {strides = array<i32>} : memref<8192xi32, #tpu.memory_space<vmem>>, vector<16xi32>,
      %get3A_555 = vector.shape_cast %get3A_554 : vector<16xi32> to vector<16xi32>
      %ne3A_556 = arith.constant 0 : i32
      %ne3A_557 = vector.broadcast %ne3A_556 : i32 to vector<16xi32>
      %ne3A_558 = arith.cmpi ne, %get3A_555, %ne3A_557 : vector<16xi32>
      %select_n3A_559 = arith.select %ne3A_558, %add3A_552, %add3A_545 : vector<16xi1>, vector<16xi32>
      %swap3A_560 = arith.index_cast %mul3A_536 : i32 to index
      %swap3A_561 = tpu.vector_load %arg13[%swap3A_560] {strides = array<i32>} : memref<8192xi32, #tpu.memory_space<vmem>>, vector<16xi32>,
      %swap3A_562 = vector.shape_cast %swap3A_561 : vector<16xi32> to vector<16xi32>
      %swap3A_563 = vector.shape_cast %select_n3A_559 : vector<16xi32> to vector<16xi32>
      tpu.vector_store %arg13[%swap3A_560], %swap3A_563 {strides = array<i32>} : memref<8192xi32, #tpu.memory_space<vmem>>, vector<16xi32>,
      %swap3A_564 = arith.index_cast %mul3A_536 : i32 to index
      %swap3A_565 = tpu.vector_load %arg15[%swap3A_564] {strides = array<i32>} : memref<8192xi32, #tpu.memory_space<vmem>>, vector<16xi32>,
      %swap3A_566 = vector.shape_cast %swap3A_565 : vector<16xi32> to vector<16xi32>
      %swap3A_567 = vector.shape_cast %add3A_545 : vector<16xi32> to vector<16xi32>
      tpu.vector_store %arg15[%swap3A_564], %swap3A_567 {strides = array<i32>} : memref<8192xi32, #tpu.memory_space<vmem>>, vector<16xi32>,
      %scan3A_568 = arith.constant 1 : i32
      %scan3A_569 = arith.addi %scan3A_534, %scan3A_568 : i32
      %mul3A_570 = arith.constant 16 : i32
      %mul3A_571 = arith.muli %scan3A_569, %mul3A_570 : i32
      %iota3A_572 = tpu.iota {dimensions = array<i32: 0>} : vector<16xi32>
      %add3A_573 = arith.addi %add3A_441, %mul3A_571 : i32
      %add3A_574 = vector.broadcast %add3A_573 : i32 to vector<16xi32>
      %add3A_575 = arith.addi %iota3A_572, %add3A_574 : vector<16xi32>
      %get3A_576 = arith.index_cast %mul3A_571 : i32 to index
      %get3A_577 = tpu.vector_load %arg9[%get3A_576] {strides = array<i32>} : memref<8192xi32, #tpu.memory_space<vmem>>, vector<16xi32>,
      %get3A_578 = vector.shape_cast %get3A_577 : vector<16xi32> to vector<16xi32>
      %mul3A_579 = arith.constant 262144 : i32
      %mul3A_580 = vector.broadcast %mul3A_579 : i32 to vector<16xi32>
      %mul3A_581 = arith.muli %get3A_578, %mul3A_580 : vector<16xi32>
      %add3A_582 = arith.addi %mul3A_581, %add3A_575 : vector<16xi32>
      %get3A_583 = arith.index_cast %mul3A_571 : i32 to index
      %get3A_584 = tpu.vector_load %arg7[%get3A_583] {strides = array<i32>} : memref<8192xi32, #tpu.memory_space<vmem>>, vector<16xi32>,
      %get3A_585 = vector.shape_cast %get3A_584 : vector<16xi32> to vector<16xi32>
      %mul3A_586 = arith.constant 262144 : i32
      %mul3A_587 = vector.broadcast %mul3A_586 : i32 to vector<16xi32>
      %mul3A_588 = arith.muli %get3A_585, %mul3A_587 : vector<16xi32>
      %add3A_589 = arith.addi %mul3A_588, %add3A_575 : vector<16xi32>
      %get3A_590 = arith.index_cast %mul3A_571 : i32 to index
      %get3A_591 = tpu.vector_load %arg11[%get3A_590] {strides = array<i32>} : memref<8192xi32, #tpu.memory_space<vmem>>, vector<16xi32>,
      %get3A_592 = vector.shape_cast %get3A_591 : vector<16xi32> to vector<16xi32>
      %ne3A_593 = arith.constant 0 : i32
      %ne3A_594 = vector.broadcast %ne3A_593 : i32 to vector<16xi32>
      %ne3A_595 = arith.cmpi ne, %get3A_592, %ne3A_594 : vector<16xi32>
      %select_n3A_596 = arith.select %ne3A_595, %add3A_589, %add3A_582 : vector<16xi1>, vector<16xi32>
      %swap3A_597 = arith.index_cast %mul3A_571 : i32 to index
      %swap3A_598 = tpu.vector_load %arg13[%swap3A_597] {strides = array<i32>} : memref<8192xi32, #tpu.memory_space<vmem>>, vector<16xi32>,
      %swap3A_599 = vector.shape_cast %swap3A_598 : vector<16xi32> to vector<16xi32>
      %swap3A_600 = vector.shape_cast %select_n3A_596 : vector<16xi32> to vector<16xi32>
      tpu.vector_store %arg13[%swap3A_597], %swap3A_600 {strides = array<i32>} : memref<8192xi32, #tpu.memory_space<vmem>>, vector<16xi32>,
      %swap3A_601 = arith.index_cast %mul3A_571 : i32 to index
      %swap3A_602 = tpu.vector_load %arg15[%swap3A_601] {strides = array<i32>} : memref<8192xi32, #tpu.memory_space<vmem>>, vector<16xi32>,
      %swap3A_603 = vector.shape_cast %swap3A_602 : vector<16xi32> to vector<16xi32>
      %swap3A_604 = vector.shape_cast %add3A_582 : vector<16xi32> to vector<16xi32>
      tpu.vector_store %arg15[%swap3A_601], %swap3A_604 {strides = array<i32>} : memref<8192xi32, #tpu.memory_space<vmem>>, vector<16xi32>,
      %scan3A_605 = arith.constant 2 : i32
      %scan3A_606 = arith.addi %scan3A_534, %scan3A_605 : i32
      %mul3A_607 = arith.constant 16 : i32
      %mul3A_608 = arith.muli %scan3A_606, %mul3A_607 : i32
      %iota3A_609 = tpu.iota {dimensions = array<i32: 0>} : vector<16xi32>
      %add3A_610 = arith.addi %add3A_441, %mul3A_608 : i32
      %add3A_611 = vector.broadcast %add3A_610 : i32 to vector<16xi32>
      %add3A_612 = arith.addi %iota3A_609, %add3A_611 : vector<16xi32>
      %get3A_613 = arith.index_cast %mul3A_608 : i32 to index
      %get3A_614 = tpu.vector_load %arg9[%get3A_613] {strides = array<i32>} : memref<8192xi32, #tpu.memory_space<vmem>>, vector<16xi32>,
      %get3A_615 = vector.shape_cast %get3A_614 : vector<16xi32> to vector<16xi32>
      %mul3A_616 = arith.constant 262144 : i32
      %mul3A_617 = vector.broadcast %mul3A_616 : i32 to vector<16xi32>
      %mul3A_618 = arith.muli %get3A_615, %mul3A_617 : vector<16xi32>
      %add3A_619 = arith.addi %mul3A_618, %add3A_612 : vector<16xi32>
      %get3A_620 = arith.index_cast %mul3A_608 : i32 to index
      %get3A_621 = tpu.vector_load %arg7[%get3A_620] {strides = array<i32>} : memref<8192xi32, #tpu.memory_space<vmem>>, vector<16xi32>,
      %get3A_622 = vector.shape_cast %get3A_621 : vector<16xi32> to vector<16xi32>
      %mul3A_623 = arith.constant 262144 : i32
      %mul3A_624 = vector.broadcast %mul3A_623 : i32 to vector<16xi32>
      %mul3A_625 = arith.muli %get3A_622, %mul3A_624 : vector<16xi32>
      %add3A_626 = arith.addi %mul3A_625, %add3A_612 : vector<16xi32>
      %get3A_627 = arith.index_cast %mul3A_608 : i32 to index
      %get3A_628 = tpu.vector_load %arg11[%get3A_627] {strides = array<i32>} : memref<8192xi32, #tpu.memory_space<vmem>>, vector<16xi32>,
      %get3A_629 = vector.shape_cast %get3A_628 : vector<16xi32> to vector<16xi32>
      %ne3A_630 = arith.constant 0 : i32
      %ne3A_631 = vector.broadcast %ne3A_630 : i32 to vector<16xi32>
      %ne3A_632 = arith.cmpi ne, %get3A_629, %ne3A_631 : vector<16xi32>
      %select_n3A_633 = arith.select %ne3A_632, %add3A_626, %add3A_619 : vector<16xi1>, vector<16xi32>
      %swap3A_634 = arith.index_cast %mul3A_608 : i32 to index
      %swap3A_635 = tpu.vector_load %arg13[%swap3A_634] {strides = array<i32>} : memref<8192xi32, #tpu.memory_space<vmem>>, vector<16xi32>,
      %swap3A_636 = vector.shape_cast %swap3A_635 : vector<16xi32> to vector<16xi32>
      %swap3A_637 = vector.shape_cast %select_n3A_633 : vector<16xi32> to vector<16xi32>
      tpu.vector_store %arg13[%swap3A_634], %swap3A_637 {strides = array<i32>} : memref<8192xi32, #tpu.memory_space<vmem>>, vector<16xi32>,
      %swap3A_638 = arith.index_cast %mul3A_608 : i32 to index
      %swap3A_639 = tpu.vector_load %arg15[%swap3A_638] {strides = array<i32>} : memref<8192xi32, #tpu.memory_space<vmem>>, vector<16xi32>,
      %swap3A_640 = vector.shape_cast %swap3A_639 : vector<16xi32> to vector<16xi32>
      %swap3A_641 = vector.shape_cast %add3A_619 : vector<16xi32> to vector<16xi32>
      tpu.vector_store %arg15[%swap3A_638], %swap3A_641 {strides = array<i32>} : memref<8192xi32, #tpu.memory_space<vmem>>, vector<16xi32>,
      %scan3A_642 = arith.constant 3 : i32
      %scan3A_643 = arith.addi %scan3A_534, %scan3A_642 : i32
      %mul3A_644 = arith.constant 16 : i32
      %mul3A_645 = arith.muli %scan3A_643, %mul3A_644 : i32
      %iota3A_646 = tpu.iota {dimensions = array<i32: 0>} : vector<16xi32>
      %add3A_647 = arith.addi %add3A_441, %mul3A_645 : i32
      %add3A_648 = vector.broadcast %add3A_647 : i32 to vector<16xi32>
      %add3A_649 = arith.addi %iota3A_646, %add3A_648 : vector<16xi32>
      %get3A_650 = arith.index_cast %mul3A_645 : i32 to index
      %get3A_651 = tpu.vector_load %arg9[%get3A_650] {strides = array<i32>} : memref<8192xi32, #tpu.memory_space<vmem>>, vector<16xi32>,
      %get3A_652 = vector.shape_cast %get3A_651 : vector<16xi32> to vector<16xi32>
      %mul3A_653 = arith.constant 262144 : i32
      %mul3A_654 = vector.broadcast %mul3A_653 : i32 to vector<16xi32>
      %mul3A_655 = arith.muli %get3A_652, %mul3A_654 : vector<16xi32>
      %add3A_656 = arith.addi %mul3A_655, %add3A_649 : vector<16xi32>
      %get3A_657 = arith.index_cast %mul3A_645 : i32 to index
      %get3A_658 = tpu.vector_load %arg7[%get3A_657] {strides = array<i32>} : memref<8192xi32, #tpu.memory_space<vmem>>, vector<16xi32>,
      %get3A_659 = vector.shape_cast %get3A_658 : vector<16xi32> to vector<16xi32>
      %mul3A_660 = arith.constant 262144 : i32
      %mul3A_661 = vector.broadcast %mul3A_660 : i32 to vector<16xi32>
      %mul3A_662 = arith.muli %get3A_659, %mul3A_661 : vector<16xi32>
      %add3A_663 = arith.addi %mul3A_662, %add3A_649 : vector<16xi32>
      %get3A_664 = arith.index_cast %mul3A_645 : i32 to index
      %get3A_665 = tpu.vector_load %arg11[%get3A_664] {strides = array<i32>} : memref<8192xi32, #tpu.memory_space<vmem>>, vector<16xi32>,
      %get3A_666 = vector.shape_cast %get3A_665 : vector<16xi32> to vector<16xi32>
      %ne3A_667 = arith.constant 0 : i32
      %ne3A_668 = vector.broadcast %ne3A_667 : i32 to vector<16xi32>
      %ne3A_669 = arith.cmpi ne, %get3A_666, %ne3A_668 : vector<16xi32>
      %select_n3A_670 = arith.select %ne3A_669, %add3A_663, %add3A_656 : vector<16xi1>, vector<16xi32>
      %swap3A_671 = arith.index_cast %mul3A_645 : i32 to index
      %swap3A_672 = tpu.vector_load %arg13[%swap3A_671] {strides = array<i32>} : memref<8192xi32, #tpu.memory_space<vmem>>, vector<16xi32>,
      %swap3A_673 = vector.shape_cast %swap3A_672 : vector<16xi32> to vector<16xi32>
      %swap3A_674 = vector.shape_cast %select_n3A_670 : vector<16xi32> to vector<16xi32>
      tpu.vector_store %arg13[%swap3A_671], %swap3A_674 {strides = array<i32>} : memref<8192xi32, #tpu.memory_space<vmem>>, vector<16xi32>,
      %swap3A_675 = arith.index_cast %mul3A_645 : i32 to index
      %swap3A_676 = tpu.vector_load %arg15[%swap3A_675] {strides = array<i32>} : memref<8192xi32, #tpu.memory_space<vmem>>, vector<16xi32>,
      %swap3A_677 = vector.shape_cast %swap3A_676 : vector<16xi32> to vector<16xi32>
      %swap3A_678 = vector.shape_cast %add3A_656 : vector<16xi32> to vector<16xi32>
      tpu.vector_store %arg15[%swap3A_675], %swap3A_678 {strides = array<i32>} : memref<8192xi32, #tpu.memory_space<vmem>>, vector<16xi32>,
      %scan3A_679 = arith.constant 4 : i32
      %scan3A_680 = arith.addi %scan3A_534, %scan3A_679 : i32
      %mul3A_681 = arith.constant 16 : i32
      %mul3A_682 = arith.muli %scan3A_680, %mul3A_681 : i32
      %iota3A_683 = tpu.iota {dimensions = array<i32: 0>} : vector<16xi32>
      %add3A_684 = arith.addi %add3A_441, %mul3A_682 : i32
      %add3A_685 = vector.broadcast %add3A_684 : i32 to vector<16xi32>
      %add3A_686 = arith.addi %iota3A_683, %add3A_685 : vector<16xi32>
      %get3A_687 = arith.index_cast %mul3A_682 : i32 to index
      %get3A_688 = tpu.vector_load %arg9[%get3A_687] {strides = array<i32>} : memref<8192xi32, #tpu.memory_space<vmem>>, vector<16xi32>,
      %get3A_689 = vector.shape_cast %get3A_688 : vector<16xi32> to vector<16xi32>
      %mul3A_690 = arith.constant 262144 : i32
      %mul3A_691 = vector.broadcast %mul3A_690 : i32 to vector<16xi32>
      %mul3A_692 = arith.muli %get3A_689, %mul3A_691 : vector<16xi32>
      %add3A_693 = arith.addi %mul3A_692, %add3A_686 : vector<16xi32>
      %get3A_694 = arith.index_cast %mul3A_682 : i32 to index
      %get3A_695 = tpu.vector_load %arg7[%get3A_694] {strides = array<i32>} : memref<8192xi32, #tpu.memory_space<vmem>>, vector<16xi32>,
      %get3A_696 = vector.shape_cast %get3A_695 : vector<16xi32> to vector<16xi32>
      %mul3A_697 = arith.constant 262144 : i32
      %mul3A_698 = vector.broadcast %mul3A_697 : i32 to vector<16xi32>
      %mul3A_699 = arith.muli %get3A_696, %mul3A_698 : vector<16xi32>
      %add3A_700 = arith.addi %mul3A_699, %add3A_686 : vector<16xi32>
      %get3A_701 = arith.index_cast %mul3A_682 : i32 to index
      %get3A_702 = tpu.vector_load %arg11[%get3A_701] {strides = array<i32>} : memref<8192xi32, #tpu.memory_space<vmem>>, vector<16xi32>,
      %get3A_703 = vector.shape_cast %get3A_702 : vector<16xi32> to vector<16xi32>
      %ne3A_704 = arith.constant 0 : i32
      %ne3A_705 = vector.broadcast %ne3A_704 : i32 to vector<16xi32>
      %ne3A_706 = arith.cmpi ne, %get3A_703, %ne3A_705 : vector<16xi32>
      %select_n3A_707 = arith.select %ne3A_706, %add3A_700, %add3A_693 : vector<16xi1>, vector<16xi32>
      %swap3A_708 = arith.index_cast %mul3A_682 : i32 to index
      %swap3A_709 = tpu.vector_load %arg13[%swap3A_708] {strides = array<i32>} : memref<8192xi32, #tpu.memory_space<vmem>>, vector<16xi32>,
      %swap3A_710 = vector.shape_cast %swap3A_709 : vector<16xi32> to vector<16xi32>
      %swap3A_711 = vector.shape_cast %select_n3A_707 : vector<16xi32> to vector<16xi32>
      tpu.vector_store %arg13[%swap3A_708], %swap3A_711 {strides = array<i32>} : memref<8192xi32, #tpu.memory_space<vmem>>, vector<16xi32>,
      %swap3A_712 = arith.index_cast %mul3A_682 : i32 to index
      %swap3A_713 = tpu.vector_load %arg15[%swap3A_712] {strides = array<i32>} : memref<8192xi32, #tpu.memory_space<vmem>>, vector<16xi32>,
      %swap3A_714 = vector.shape_cast %swap3A_713 : vector<16xi32> to vector<16xi32>
      %swap3A_715 = vector.shape_cast %add3A_693 : vector<16xi32> to vector<16xi32>
      tpu.vector_store %arg15[%swap3A_712], %swap3A_715 {strides = array<i32>} : memref<8192xi32, #tpu.memory_space<vmem>>, vector<16xi32>,
      %scan3A_716 = arith.constant 5 : i32
      %scan3A_717 = arith.addi %scan3A_534, %scan3A_716 : i32
      %mul3A_718 = arith.constant 16 : i32
      %mul3A_719 = arith.muli %scan3A_717, %mul3A_718 : i32
      %iota3A_720 = tpu.iota {dimensions = array<i32: 0>} : vector<16xi32>
      %add3A_721 = arith.addi %add3A_441, %mul3A_719 : i32
      %add3A_722 = vector.broadcast %add3A_721 : i32 to vector<16xi32>
      %add3A_723 = arith.addi %iota3A_720, %add3A_722 : vector<16xi32>
      %get3A_724 = arith.index_cast %mul3A_719 : i32 to index
      %get3A_725 = tpu.vector_load %arg9[%get3A_724] {strides = array<i32>} : memref<8192xi32, #tpu.memory_space<vmem>>, vector<16xi32>,
      %get3A_726 = vector.shape_cast %get3A_725 : vector<16xi32> to vector<16xi32>
      %mul3A_727 = arith.constant 262144 : i32
      %mul3A_728 = vector.broadcast %mul3A_727 : i32 to vector<16xi32>
      %mul3A_729 = arith.muli %get3A_726, %mul3A_728 : vector<16xi32>
      %add3A_730 = arith.addi %mul3A_729, %add3A_723 : vector<16xi32>
      %get3A_731 = arith.index_cast %mul3A_719 : i32 to index
      %get3A_732 = tpu.vector_load %arg7[%get3A_731] {strides = array<i32>} : memref<8192xi32, #tpu.memory_space<vmem>>, vector<16xi32>,
      %get3A_733 = vector.shape_cast %get3A_732 : vector<16xi32> to vector<16xi32>
      %mul3A_734 = arith.constant 262144 : i32
      %mul3A_735 = vector.broadcast %mul3A_734 : i32 to vector<16xi32>
      %mul3A_736 = arith.muli %get3A_733, %mul3A_735 : vector<16xi32>
      %add3A_737 = arith.addi %mul3A_736, %add3A_723 : vector<16xi32>
      %get3A_738 = arith.index_cast %mul3A_719 : i32 to index
      %get3A_739 = tpu.vector_load %arg11[%get3A_738] {strides = array<i32>} : memref<8192xi32, #tpu.memory_space<vmem>>, vector<16xi32>,
      %get3A_740 = vector.shape_cast %get3A_739 : vector<16xi32> to vector<16xi32>
      %ne3A_741 = arith.constant 0 : i32
      %ne3A_742 = vector.broadcast %ne3A_741 : i32 to vector<16xi32>
      %ne3A_743 = arith.cmpi ne, %get3A_740, %ne3A_742 : vector<16xi32>
      %select_n3A_744 = arith.select %ne3A_743, %add3A_737, %add3A_730 : vector<16xi1>, vector<16xi32>
      %swap3A_745 = arith.index_cast %mul3A_719 : i32 to index
      %swap3A_746 = tpu.vector_load %arg13[%swap3A_745] {strides = array<i32>} : memref<8192xi32, #tpu.memory_space<vmem>>, vector<16xi32>,
      %swap3A_747 = vector.shape_cast %swap3A_746 : vector<16xi32> to vector<16xi32>
      %swap3A_748 = vector.shape_cast %select_n3A_744 : vector<16xi32> to vector<16xi32>
      tpu.vector_store %arg13[%swap3A_745], %swap3A_748 {strides = array<i32>} : memref<8192xi32, #tpu.memory_space<vmem>>, vector<16xi32>,
      %swap3A_749 = arith.index_cast %mul3A_719 : i32 to index
      %swap3A_750 = tpu.vector_load %arg15[%swap3A_749] {strides = array<i32>} : memref<8192xi32, #tpu.memory_space<vmem>>, vector<16xi32>,
      %swap3A_751 = vector.shape_cast %swap3A_750 : vector<16xi32> to vector<16xi32>
      %swap3A_752 = vector.shape_cast %add3A_730 : vector<16xi32> to vector<16xi32>
      tpu.vector_store %arg15[%swap3A_749], %swap3A_752 {strides = array<i32>} : memref<8192xi32, #tpu.memory_space<vmem>>, vector<16xi32>,
      %scan3A_753 = arith.constant 6 : i32
      %scan3A_754 = arith.addi %scan3A_534, %scan3A_753 : i32
      %mul3A_755 = arith.constant 16 : i32
      %mul3A_756 = arith.muli %scan3A_754, %mul3A_755 : i32
      %iota3A_757 = tpu.iota {dimensions = array<i32: 0>} : vector<16xi32>
      %add3A_758 = arith.addi %add3A_441, %mul3A_756 : i32
      %add3A_759 = vector.broadcast %add3A_758 : i32 to vector<16xi32>
      %add3A_760 = arith.addi %iota3A_757, %add3A_759 : vector<16xi32>
      %get3A_761 = arith.index_cast %mul3A_756 : i32 to index
      %get3A_762 = tpu.vector_load %arg9[%get3A_761] {strides = array<i32>} : memref<8192xi32, #tpu.memory_space<vmem>>, vector<16xi32>,
      %get3A_763 = vector.shape_cast %get3A_762 : vector<16xi32> to vector<16xi32>
      %mul3A_764 = arith.constant 262144 : i32
      %mul3A_765 = vector.broadcast %mul3A_764 : i32 to vector<16xi32>
      %mul3A_766 = arith.muli %get3A_763, %mul3A_765 : vector<16xi32>
      %add3A_767 = arith.addi %mul3A_766, %add3A_760 : vector<16xi32>
      %get3A_768 = arith.index_cast %mul3A_756 : i32 to index
      %get3A_769 = tpu.vector_load %arg7[%get3A_768] {strides = array<i32>} : memref<8192xi32, #tpu.memory_space<vmem>>, vector<16xi32>,
      %get3A_770 = vector.shape_cast %get3A_769 : vector<16xi32> to vector<16xi32>
      %mul3A_771 = arith.constant 262144 : i32
      %mul3A_772 = vector.broadcast %mul3A_771 : i32 to vector<16xi32>
      %mul3A_773 = arith.muli %get3A_770, %mul3A_772 : vector<16xi32>
      %add3A_774 = arith.addi %mul3A_773, %add3A_760 : vector<16xi32>
      %get3A_775 = arith.index_cast %mul3A_756 : i32 to index
      %get3A_776 = tpu.vector_load %arg11[%get3A_775] {strides = array<i32>} : memref<8192xi32, #tpu.memory_space<vmem>>, vector<16xi32>,
      %get3A_777 = vector.shape_cast %get3A_776 : vector<16xi32> to vector<16xi32>
      %ne3A_778 = arith.constant 0 : i32
      %ne3A_779 = vector.broadcast %ne3A_778 : i32 to vector<16xi32>
      %ne3A_780 = arith.cmpi ne, %get3A_777, %ne3A_779 : vector<16xi32>
      %select_n3A_781 = arith.select %ne3A_780, %add3A_774, %add3A_767 : vector<16xi1>, vector<16xi32>
      %swap3A_782 = arith.index_cast %mul3A_756 : i32 to index
      %swap3A_783 = tpu.vector_load %arg13[%swap3A_782] {strides = array<i32>} : memref<8192xi32, #tpu.memory_space<vmem>>, vector<16xi32>,
      %swap3A_784 = vector.shape_cast %swap3A_783 : vector<16xi32> to vector<16xi32>
      %swap3A_785 = vector.shape_cast %select_n3A_781 : vector<16xi32> to vector<16xi32>
      tpu.vector_store %arg13[%swap3A_782], %swap3A_785 {strides = array<i32>} : memref<8192xi32, #tpu.memory_space<vmem>>, vector<16xi32>,
      %swap3A_786 = arith.index_cast %mul3A_756 : i32 to index
      %swap3A_787 = tpu.vector_load %arg15[%swap3A_786] {strides = array<i32>} : memref<8192xi32, #tpu.memory_space<vmem>>, vector<16xi32>,
      %swap3A_788 = vector.shape_cast %swap3A_787 : vector<16xi32> to vector<16xi32>
      %swap3A_789 = vector.shape_cast %add3A_767 : vector<16xi32> to vector<16xi32>
      tpu.vector_store %arg15[%swap3A_786], %swap3A_789 {strides = array<i32>} : memref<8192xi32, #tpu.memory_space<vmem>>, vector<16xi32>,
      %scan3A_790 = arith.constant 7 : i32
      %scan3A_791 = arith.addi %scan3A_534, %scan3A_790 : i32
      %mul3A_792 = arith.constant 16 : i32
      %mul3A_793 = arith.muli %scan3A_791, %mul3A_792 : i32
      %iota3A_794 = tpu.iota {dimensions = array<i32: 0>} : vector<16xi32>
      %add3A_795 = arith.addi %add3A_441, %mul3A_793 : i32
      %add3A_796 = vector.broadcast %add3A_795 : i32 to vector<16xi32>
      %add3A_797 = arith.addi %iota3A_794, %add3A_796 : vector<16xi32>
      %get3A_798 = arith.index_cast %mul3A_793 : i32 to index
      %get3A_799 = tpu.vector_load %arg9[%get3A_798] {strides = array<i32>} : memref<8192xi32, #tpu.memory_space<vmem>>, vector<16xi32>,
      %get3A_800 = vector.shape_cast %get3A_799 : vector<16xi32> to vector<16xi32>
      %mul3A_801 = arith.constant 262144 : i32
      %mul3A_802 = vector.broadcast %mul3A_801 : i32 to vector<16xi32>
      %mul3A_803 = arith.muli %get3A_800, %mul3A_802 : vector<16xi32>
      %add3A_804 = arith.addi %mul3A_803, %add3A_797 : vector<16xi32>
      %get3A_805 = arith.index_cast %mul3A_793 : i32 to index
      %get3A_806 = tpu.vector_load %arg7[%get3A_805] {strides = array<i32>} : memref<8192xi32, #tpu.memory_space<vmem>>, vector<16xi32>,
      %get3A_807 = vector.shape_cast %get3A_806 : vector<16xi32> to vector<16xi32>
      %mul3A_808 = arith.constant 262144 : i32
      %mul3A_809 = vector.broadcast %mul3A_808 : i32 to vector<16xi32>
      %mul3A_810 = arith.muli %get3A_807, %mul3A_809 : vector<16xi32>
      %add3A_811 = arith.addi %mul3A_810, %add3A_797 : vector<16xi32>
      %get3A_812 = arith.index_cast %mul3A_793 : i32 to index
      %get3A_813 = tpu.vector_load %arg11[%get3A_812] {strides = array<i32>} : memref<8192xi32, #tpu.memory_space<vmem>>, vector<16xi32>,
      %get3A_814 = vector.shape_cast %get3A_813 : vector<16xi32> to vector<16xi32>
      %ne3A_815 = arith.constant 0 : i32
      %ne3A_816 = vector.broadcast %ne3A_815 : i32 to vector<16xi32>
      %ne3A_817 = arith.cmpi ne, %get3A_814, %ne3A_816 : vector<16xi32>
      %select_n3A_818 = arith.select %ne3A_817, %add3A_811, %add3A_804 : vector<16xi1>, vector<16xi32>
      %swap3A_819 = arith.index_cast %mul3A_793 : i32 to index
      %swap3A_820 = tpu.vector_load %arg13[%swap3A_819] {strides = array<i32>} : memref<8192xi32, #tpu.memory_space<vmem>>, vector<16xi32>,
      %swap3A_821 = vector.shape_cast %swap3A_820 : vector<16xi32> to vector<16xi32>
      %swap3A_822 = vector.shape_cast %select_n3A_818 : vector<16xi32> to vector<16xi32>
      tpu.vector_store %arg13[%swap3A_819], %swap3A_822 {strides = array<i32>} : memref<8192xi32, #tpu.memory_space<vmem>>, vector<16xi32>,
      %swap3A_823 = arith.index_cast %mul3A_793 : i32 to index
      %swap3A_824 = tpu.vector_load %arg15[%swap3A_823] {strides = array<i32>} : memref<8192xi32, #tpu.memory_space<vmem>>, vector<16xi32>,
      %swap3A_825 = vector.shape_cast %swap3A_824 : vector<16xi32> to vector<16xi32>
      %swap3A_826 = vector.shape_cast %add3A_804 : vector<16xi32> to vector<16xi32>
      tpu.vector_store %arg15[%swap3A_823], %swap3A_826 {strides = array<i32>} : memref<8192xi32, #tpu.memory_space<vmem>>, vector<16xi32>,
    }
    %scan3A_447 = arith.constant 512 : i32
    %dma_start3A_448 = arith.constant 0 : i32
    %dma_start3A_449 = tpu.memref_slice %arg2[%dma_start3A_448] : memref<39845888xf32, #tpu.memory_space<hbm>> -> memref<39845888xf32, #tpu.memory_space<hbm>>
    tpu.enqueue_indirect_dma source(%dma_start3A_449 : memref<39845888xf32, #tpu.memory_space<hbm>>) target(%arg17 : memref<8192xf32, #tpu.memory_space<vmem>>) offsets(%arg13 : memref<8192xi32, #tpu.memory_space<vmem>>) semaphore(%arg24 : memref<!tpu.dma_semaphore, #tpu.memory_space<semaphore_mem>>)
    %dma_start3A_450 = arith.constant 0 : i32
    %dma_start3A_451 = tpu.memref_slice %arg2[%dma_start3A_450] : memref<39845888xf32, #tpu.memory_space<hbm>> -> memref<39845888xf32, #tpu.memory_space<hbm>>
    tpu.enqueue_indirect_dma source(%dma_start3A_451 : memref<39845888xf32, #tpu.memory_space<hbm>>) target(%arg19 : memref<8192xf32, #tpu.memory_space<vmem>>) offsets(%arg15 : memref<8192xi32, #tpu.memory_space<vmem>>) semaphore(%arg26 : memref<!tpu.dma_semaphore, #tpu.memory_space<semaphore_mem>>)
    %dma_wait3A_452 = arith.constant 0 : i32
    %dma_wait3A_453 = tpu.memref_slice %arg2[%dma_wait3A_452] : memref<39845888xf32, #tpu.memory_space<hbm>> -> memref<39845888xf32, #tpu.memory_space<hbm>>
    tpu.wait_indirect_dma semaphore(%arg25 : memref<!tpu.dma_semaphore, #tpu.memory_space<semaphore_mem>>) src(%dma_wait3A_453 : memref<39845888xf32, #tpu.memory_space<hbm>>) dst(%arg18 : memref<8192xf32, #tpu.memory_space<vmem>>)
    %dma_wait3A_454 = arith.constant 0 : i32
    %dma_wait3A_455 = tpu.memref_slice %arg2[%dma_wait3A_454] : memref<39845888xf32, #tpu.memory_space<hbm>> -> memref<39845888xf32, #tpu.memory_space<hbm>>
    tpu.wait_indirect_dma semaphore(%arg27 : memref<!tpu.dma_semaphore, #tpu.memory_space<semaphore_mem>>) src(%dma_wait3A_455 : memref<39845888xf32, #tpu.memory_space<hbm>>) dst(%arg20 : memref<8192xf32, #tpu.memory_space<vmem>>)
    %scan3A_456 = arith.constant 0 : i32
    %scan3A_457 = arith.constant 512 : i32
    %scan3A_458 = arith.addi %scan3A_456, %scan3A_457 : i32
    %scan3A_459 = arith.constant 8 : i32
    %scan3A_460 = scf.for %scan3A_534 = %scan3A_456 to %scan3A_458 step %scan3A_459 iter_args(%scan3A_535 = %scan3A_401) -> (vector<16xf32>)  : i32 {
      %mul3A_536 = arith.constant 16 : i32
      %mul3A_537 = arith.muli %scan3A_534, %mul3A_536 : i32
      %get3A = arith.index_cast %mul3A_537 : i32 to index
      %get3A_538 = tpu.vector_load %arg18[%get3A] {strides = array<i32>} : memref<8192xf32, #tpu.memory_space<vmem>>, vector<16xf32>,
      %get3A_539 = vector.shape_cast %get3A_538 : vector<16xf32> to vector<16xf32>
      %get3A_540 = arith.index_cast %mul3A_537 : i32 to index
      %get3A_541 = tpu.vector_load %arg20[%get3A_540] {strides = array<i32>} : memref<8192xf32, #tpu.memory_space<vmem>>, vector<16xf32>,
      %get3A_542 = vector.shape_cast %get3A_541 : vector<16xf32> to vector<16xf32>
      %sub3A_543 = arith.subf %get3A_539, %get3A_542 : vector<16xf32>
      %add3A_544 = arith.addf %scan3A_535, %sub3A_543 : vector<16xf32>
      %scan3A_545 = arith.constant 1 : i32
      %scan3A_546 = arith.addi %scan3A_534, %scan3A_545 : i32
      %mul3A_547 = arith.constant 16 : i32
      %mul3A_548 = arith.muli %scan3A_546, %mul3A_547 : i32
      %get3A_549 = arith.index_cast %mul3A_548 : i32 to index
      %get3A_550 = tpu.vector_load %arg18[%get3A_549] {strides = array<i32>} : memref<8192xf32, #tpu.memory_space<vmem>>, vector<16xf32>,
      %get3A_551 = vector.shape_cast %get3A_550 : vector<16xf32> to vector<16xf32>
      %get3A_552 = arith.index_cast %mul3A_548 : i32 to index
      %get3A_553 = tpu.vector_load %arg20[%get3A_552] {strides = array<i32>} : memref<8192xf32, #tpu.memory_space<vmem>>, vector<16xf32>,
      %get3A_554 = vector.shape_cast %get3A_553 : vector<16xf32> to vector<16xf32>
      %sub3A_555 = arith.subf %get3A_551, %get3A_554 : vector<16xf32>
      %add3A_556 = arith.addf %add3A_544, %sub3A_555 : vector<16xf32>
      %scan3A_557 = arith.constant 2 : i32
      %scan3A_558 = arith.addi %scan3A_534, %scan3A_557 : i32
      %mul3A_559 = arith.constant 16 : i32
      %mul3A_560 = arith.muli %scan3A_558, %mul3A_559 : i32
      %get3A_561 = arith.index_cast %mul3A_560 : i32 to index
      %get3A_562 = tpu.vector_load %arg18[%get3A_561] {strides = array<i32>} : memref<8192xf32, #tpu.memory_space<vmem>>, vector<16xf32>,
      %get3A_563 = vector.shape_cast %get3A_562 : vector<16xf32> to vector<16xf32>
      %get3A_564 = arith.index_cast %mul3A_560 : i32 to index
      %get3A_565 = tpu.vector_load %arg20[%get3A_564] {strides = array<i32>} : memref<8192xf32, #tpu.memory_space<vmem>>, vector<16xf32>,
      %get3A_566 = vector.shape_cast %get3A_565 : vector<16xf32> to vector<16xf32>
      %sub3A_567 = arith.subf %get3A_563, %get3A_566 : vector<16xf32>
      %add3A_568 = arith.addf %add3A_556, %sub3A_567 : vector<16xf32>
      %scan3A_569 = arith.constant 3 : i32
      %scan3A_570 = arith.addi %scan3A_534, %scan3A_569 : i32
      %mul3A_571 = arith.constant 16 : i32
      %mul3A_572 = arith.muli %scan3A_570, %mul3A_571 : i32
      %get3A_573 = arith.index_cast %mul3A_572 : i32 to index
      %get3A_574 = tpu.vector_load %arg18[%get3A_573] {strides = array<i32>} : memref<8192xf32, #tpu.memory_space<vmem>>, vector<16xf32>,
      %get3A_575 = vector.shape_cast %get3A_574 : vector<16xf32> to vector<16xf32>
      %get3A_576 = arith.index_cast %mul3A_572 : i32 to index
      %get3A_577 = tpu.vector_load %arg20[%get3A_576] {strides = array<i32>} : memref<8192xf32, #tpu.memory_space<vmem>>, vector<16xf32>,
      %get3A_578 = vector.shape_cast %get3A_577 : vector<16xf32> to vector<16xf32>
      %sub3A_579 = arith.subf %get3A_575, %get3A_578 : vector<16xf32>
      %add3A_580 = arith.addf %add3A_568, %sub3A_579 : vector<16xf32>
      %scan3A_581 = arith.constant 4 : i32
      %scan3A_582 = arith.addi %scan3A_534, %scan3A_581 : i32
      %mul3A_583 = arith.constant 16 : i32
      %mul3A_584 = arith.muli %scan3A_582, %mul3A_583 : i32
      %get3A_585 = arith.index_cast %mul3A_584 : i32 to index
      %get3A_586 = tpu.vector_load %arg18[%get3A_585] {strides = array<i32>} : memref<8192xf32, #tpu.memory_space<vmem>>, vector<16xf32>,
      %get3A_587 = vector.shape_cast %get3A_586 : vector<16xf32> to vector<16xf32>
      %get3A_588 = arith.index_cast %mul3A_584 : i32 to index
      %get3A_589 = tpu.vector_load %arg20[%get3A_588] {strides = array<i32>} : memref<8192xf32, #tpu.memory_space<vmem>>, vector<16xf32>,
      %get3A_590 = vector.shape_cast %get3A_589 : vector<16xf32> to vector<16xf32>
      %sub3A_591 = arith.subf %get3A_587, %get3A_590 : vector<16xf32>
      %add3A_592 = arith.addf %add3A_580, %sub3A_591 : vector<16xf32>
      %scan3A_593 = arith.constant 5 : i32
      %scan3A_594 = arith.addi %scan3A_534, %scan3A_593 : i32
      %mul3A_595 = arith.constant 16 : i32
      %mul3A_596 = arith.muli %scan3A_594, %mul3A_595 : i32
      %get3A_597 = arith.index_cast %mul3A_596 : i32 to index
      %get3A_598 = tpu.vector_load %arg18[%get3A_597] {strides = array<i32>} : memref<8192xf32, #tpu.memory_space<vmem>>, vector<16xf32>,
      %get3A_599 = vector.shape_cast %get3A_598 : vector<16xf32> to vector<16xf32>
      %get3A_600 = arith.index_cast %mul3A_596 : i32 to index
      %get3A_601 = tpu.vector_load %arg20[%get3A_600] {strides = array<i32>} : memref<8192xf32, #tpu.memory_space<vmem>>, vector<16xf32>,
      %get3A_602 = vector.shape_cast %get3A_601 : vector<16xf32> to vector<16xf32>
      %sub3A_603 = arith.subf %get3A_599, %get3A_602 : vector<16xf32>
      %add3A_604 = arith.addf %add3A_592, %sub3A_603 : vector<16xf32>
      %scan3A_605 = arith.constant 6 : i32
      %scan3A_606 = arith.addi %scan3A_534, %scan3A_605 : i32
      %mul3A_607 = arith.constant 16 : i32
      %mul3A_608 = arith.muli %scan3A_606, %mul3A_607 : i32
      %get3A_609 = arith.index_cast %mul3A_608 : i32 to index
      %get3A_610 = tpu.vector_load %arg18[%get3A_609] {strides = array<i32>} : memref<8192xf32, #tpu.memory_space<vmem>>, vector<16xf32>,
      %get3A_611 = vector.shape_cast %get3A_610 : vector<16xf32> to vector<16xf32>
      %get3A_612 = arith.index_cast %mul3A_608 : i32 to index
      %get3A_613 = tpu.vector_load %arg20[%get3A_612] {strides = array<i32>} : memref<8192xf32, #tpu.memory_space<vmem>>, vector<16xf32>,
      %get3A_614 = vector.shape_cast %get3A_613 : vector<16xf32> to vector<16xf32>
      %sub3A_615 = arith.subf %get3A_611, %get3A_614 : vector<16xf32>
      %add3A_616 = arith.addf %add3A_604, %sub3A_615 : vector<16xf32>
      %scan3A_617 = arith.constant 7 : i32
      %scan3A_618 = arith.addi %scan3A_534, %scan3A_617 : i32
      %mul3A_619 = arith.constant 16 : i32
      %mul3A_620 = arith.muli %scan3A_618, %mul3A_619 : i32
      %get3A_621 = arith.index_cast %mul3A_620 : i32 to index
      %get3A_622 = tpu.vector_load %arg18[%get3A_621] {strides = array<i32>} : memref<8192xf32, #tpu.memory_space<vmem>>, vector<16xf32>,
      %get3A_623 = vector.shape_cast %get3A_622 : vector<16xf32> to vector<16xf32>
      %get3A_624 = arith.index_cast %mul3A_620 : i32 to index
      %get3A_625 = tpu.vector_load %arg20[%get3A_624] {strides = array<i32>} : memref<8192xf32, #tpu.memory_space<vmem>>, vector<16xf32>,
      %get3A_626 = vector.shape_cast %get3A_625 : vector<16xf32> to vector<16xf32>
      %sub3A_627 = arith.subf %get3A_623, %get3A_626 : vector<16xf32>
      %add3A_628 = arith.addf %add3A_616, %sub3A_627 : vector<16xf32>
      scf.yield %add3A_628 : vector<16xf32>
    }
    %scan3A_461 = arith.constant 512 : i32
    %add3A_462 = arith.constant 57344 : i32
    %add3A_463 = arith.addi %add3A_4, %add3A_462 : i32
    %dma_wait3A_464 = tpu.memref_slice %arg3[%add3A_463] : memref<2097152xi32, #tpu.memory_space<hbm>> -> memref<8192xi32, #tpu.memory_space<hbm>>
    %dma_wait3A_465 = tpu.memref_slice %arg3[%add3A_463] : memref<2097152xi32, #tpu.memory_space<hbm>> -> memref<8192xi32, #tpu.memory_space<hbm>>
    tpu.wait_dma2 semaphore(%arg23 : memref<!tpu.dma_semaphore, #tpu.memory_space<semaphore_mem>>) src(%dma_wait3A_465 : memref<8192xi32, #tpu.memory_space<hbm>>) dst(%arg8 : memref<8192xi32, #tpu.memory_space<vmem>>)
    %dma_wait3A_466 = tpu.memref_slice %arg4[%add3A_463] : memref<2097152xi32, #tpu.memory_space<hbm>> -> memref<8192xi32, #tpu.memory_space<hbm>>
    %dma_wait3A_467 = tpu.memref_slice %arg4[%add3A_463] : memref<2097152xi32, #tpu.memory_space<hbm>> -> memref<8192xi32, #tpu.memory_space<hbm>>
    tpu.wait_dma2 semaphore(%arg23 : memref<!tpu.dma_semaphore, #tpu.memory_space<semaphore_mem>>) src(%dma_wait3A_467 : memref<8192xi32, #tpu.memory_space<hbm>>) dst(%arg10 : memref<8192xi32, #tpu.memory_space<vmem>>)
    %dma_wait3A_468 = tpu.memref_slice %arg5[%add3A_463] : memref<2097152xi32, #tpu.memory_space<hbm>> -> memref<8192xi32, #tpu.memory_space<hbm>>
    %dma_wait3A_469 = tpu.memref_slice %arg5[%add3A_463] : memref<2097152xi32, #tpu.memory_space<hbm>> -> memref<8192xi32, #tpu.memory_space<hbm>>
    tpu.wait_dma2 semaphore(%arg23 : memref<!tpu.dma_semaphore, #tpu.memory_space<semaphore_mem>>) src(%dma_wait3A_469 : memref<8192xi32, #tpu.memory_space<hbm>>) dst(%arg12 : memref<8192xi32, #tpu.memory_space<vmem>>)
    %add3A_470 = arith.constant 57344 : i32
    %add3A_471 = arith.addi %add3A_4, %add3A_470 : i32
    %jit3A_472 = arith.constant 262144 : i32
    %div3A_473 = arith.divsi %add3A_471, %jit3A_472 : i32
    %sign3A_474 = arith.constant 0 : i32
    %sign3A_475 = arith.cmpi sgt, %add3A_471, %sign3A_474 : i32
    %sign3A_476 = arith.extui %sign3A_475 : i1 to i32
    %sign3A_477 = arith.constant 0 : i32
    %sign3A_478 = arith.cmpi slt, %add3A_471, %sign3A_477 : i32
    %sign3A_479 = arith.extui %sign3A_478 : i1 to i32
    %sign3A_480 = arith.subi %sign3A_476, %sign3A_479 : i32
    %sign3A_481 = arith.constant 0 : i32
    %sign3A_482 = arith.cmpi sgt, %jit3A_472, %sign3A_481 : i32
    %sign3A_483 = arith.extui %sign3A_482 : i1 to i32
    %sign3A_484 = arith.constant 0 : i32
    %sign3A_485 = arith.cmpi slt, %jit3A_472, %sign3A_484 : i32
    %sign3A_486 = arith.extui %sign3A_485 : i1 to i32
    %sign3A_487 = arith.subi %sign3A_483, %sign3A_486 : i32
    %ne3A_488 = arith.cmpi ne, %sign3A_480, %sign3A_487 : i32
    %rem3A_489 = arith.remsi %add3A_471, %jit3A_472 : i32
    %ne3A_490 = arith.constant 0 : i32
    %ne3A_491 = arith.cmpi ne, %rem3A_489, %ne3A_490 : i32
    %and3A_492 = arith.andi %ne3A_488, %ne3A_491 : i1
    %sub3A_493 = arith.constant 1 : i32
    %sub3A_494 = arith.subi %div3A_473, %sub3A_493 : i32
    %select_n3A_495 = arith.select %and3A_492, %sub3A_494, %div3A_473 : i32
    %mul3A_496 = arith.constant 18 : i32
    %mul3A_497 = arith.muli %select_n3A_495, %mul3A_496 : i32
    %mul3A_498 = arith.constant 262144 : i32
    %mul3A_499 = arith.muli %mul3A_497, %mul3A_498 : i32
    %add3A_500 = arith.addi %add3A_471, %mul3A_499 : i32
    %scan3A_501 = arith.constant 0 : i32
    %scan3A_502 = arith.constant 0 : i32
    %scan3A_503 = arith.constant 512 : i32
    %scan3A_504 = arith.addi %scan3A_502, %scan3A_503 : i32
    %scan3A_505 = arith.constant 8 : i32
    scf.for %scan3A_534 = %scan3A_502 to %scan3A_504 step %scan3A_505  : i32 {
      %mul3A_535 = arith.constant 16 : i32
      %mul3A_536 = arith.muli %scan3A_534, %mul3A_535 : i32
      %iota3A = tpu.iota {dimensions = array<i32: 0>} : vector<16xi32>
      %add3A_537 = arith.addi %add3A_500, %mul3A_536 : i32
      %add3A_538 = vector.broadcast %add3A_537 : i32 to vector<16xi32>
      %add3A_539 = arith.addi %iota3A, %add3A_538 : vector<16xi32>
      %get3A = arith.index_cast %mul3A_536 : i32 to index
      %get3A_540 = tpu.vector_load %arg10[%get3A] {strides = array<i32>} : memref<8192xi32, #tpu.memory_space<vmem>>, vector<16xi32>,
      %get3A_541 = vector.shape_cast %get3A_540 : vector<16xi32> to vector<16xi32>
      %mul3A_542 = arith.constant 262144 : i32
      %mul3A_543 = vector.broadcast %mul3A_542 : i32 to vector<16xi32>
      %mul3A_544 = arith.muli %get3A_541, %mul3A_543 : vector<16xi32>
      %add3A_545 = arith.addi %mul3A_544, %add3A_539 : vector<16xi32>
      %get3A_546 = arith.index_cast %mul3A_536 : i32 to index
      %get3A_547 = tpu.vector_load %arg8[%get3A_546] {strides = array<i32>} : memref<8192xi32, #tpu.memory_space<vmem>>, vector<16xi32>,
      %get3A_548 = vector.shape_cast %get3A_547 : vector<16xi32> to vector<16xi32>
      %mul3A_549 = arith.constant 262144 : i32
      %mul3A_550 = vector.broadcast %mul3A_549 : i32 to vector<16xi32>
      %mul3A_551 = arith.muli %get3A_548, %mul3A_550 : vector<16xi32>
      %add3A_552 = arith.addi %mul3A_551, %add3A_539 : vector<16xi32>
      %get3A_553 = arith.index_cast %mul3A_536 : i32 to index
      %get3A_554 = tpu.vector_load %arg12[%get3A_553] {strides = array<i32>} : memref<8192xi32, #tpu.memory_space<vmem>>, vector<16xi32>,
      %get3A_555 = vector.shape_cast %get3A_554 : vector<16xi32> to vector<16xi32>
      %ne3A_556 = arith.constant 0 : i32
      %ne3A_557 = vector.broadcast %ne3A_556 : i32 to vector<16xi32>
      %ne3A_558 = arith.cmpi ne, %get3A_555, %ne3A_557 : vector<16xi32>
      %select_n3A_559 = arith.select %ne3A_558, %add3A_552, %add3A_545 : vector<16xi1>, vector<16xi32>
      %swap3A_560 = arith.index_cast %mul3A_536 : i32 to index
      %swap3A_561 = tpu.vector_load %arg14[%swap3A_560] {strides = array<i32>} : memref<8192xi32, #tpu.memory_space<vmem>>, vector<16xi32>,
      %swap3A_562 = vector.shape_cast %swap3A_561 : vector<16xi32> to vector<16xi32>
      %swap3A_563 = vector.shape_cast %select_n3A_559 : vector<16xi32> to vector<16xi32>
      tpu.vector_store %arg14[%swap3A_560], %swap3A_563 {strides = array<i32>} : memref<8192xi32, #tpu.memory_space<vmem>>, vector<16xi32>,
      %swap3A_564 = arith.index_cast %mul3A_536 : i32 to index
      %swap3A_565 = tpu.vector_load %arg16[%swap3A_564] {strides = array<i32>} : memref<8192xi32, #tpu.memory_space<vmem>>, vector<16xi32>,
      %swap3A_566 = vector.shape_cast %swap3A_565 : vector<16xi32> to vector<16xi32>
      %swap3A_567 = vector.shape_cast %add3A_545 : vector<16xi32> to vector<16xi32>
      tpu.vector_store %arg16[%swap3A_564], %swap3A_567 {strides = array<i32>} : memref<8192xi32, #tpu.memory_space<vmem>>, vector<16xi32>,
      %scan3A_568 = arith.constant 1 : i32
      %scan3A_569 = arith.addi %scan3A_534, %scan3A_568 : i32
      %mul3A_570 = arith.constant 16 : i32
      %mul3A_571 = arith.muli %scan3A_569, %mul3A_570 : i32
      %iota3A_572 = tpu.iota {dimensions = array<i32: 0>} : vector<16xi32>
      %add3A_573 = arith.addi %add3A_500, %mul3A_571 : i32
      %add3A_574 = vector.broadcast %add3A_573 : i32 to vector<16xi32>
      %add3A_575 = arith.addi %iota3A_572, %add3A_574 : vector<16xi32>
      %get3A_576 = arith.index_cast %mul3A_571 : i32 to index
      %get3A_577 = tpu.vector_load %arg10[%get3A_576] {strides = array<i32>} : memref<8192xi32, #tpu.memory_space<vmem>>, vector<16xi32>,
      %get3A_578 = vector.shape_cast %get3A_577 : vector<16xi32> to vector<16xi32>
      %mul3A_579 = arith.constant 262144 : i32
      %mul3A_580 = vector.broadcast %mul3A_579 : i32 to vector<16xi32>
      %mul3A_581 = arith.muli %get3A_578, %mul3A_580 : vector<16xi32>
      %add3A_582 = arith.addi %mul3A_581, %add3A_575 : vector<16xi32>
      %get3A_583 = arith.index_cast %mul3A_571 : i32 to index
      %get3A_584 = tpu.vector_load %arg8[%get3A_583] {strides = array<i32>} : memref<8192xi32, #tpu.memory_space<vmem>>, vector<16xi32>,
      %get3A_585 = vector.shape_cast %get3A_584 : vector<16xi32> to vector<16xi32>
      %mul3A_586 = arith.constant 262144 : i32
      %mul3A_587 = vector.broadcast %mul3A_586 : i32 to vector<16xi32>
      %mul3A_588 = arith.muli %get3A_585, %mul3A_587 : vector<16xi32>
      %add3A_589 = arith.addi %mul3A_588, %add3A_575 : vector<16xi32>
      %get3A_590 = arith.index_cast %mul3A_571 : i32 to index
      %get3A_591 = tpu.vector_load %arg12[%get3A_590] {strides = array<i32>} : memref<8192xi32, #tpu.memory_space<vmem>>, vector<16xi32>,
      %get3A_592 = vector.shape_cast %get3A_591 : vector<16xi32> to vector<16xi32>
      %ne3A_593 = arith.constant 0 : i32
      %ne3A_594 = vector.broadcast %ne3A_593 : i32 to vector<16xi32>
      %ne3A_595 = arith.cmpi ne, %get3A_592, %ne3A_594 : vector<16xi32>
      %select_n3A_596 = arith.select %ne3A_595, %add3A_589, %add3A_582 : vector<16xi1>, vector<16xi32>
      %swap3A_597 = arith.index_cast %mul3A_571 : i32 to index
      %swap3A_598 = tpu.vector_load %arg14[%swap3A_597] {strides = array<i32>} : memref<8192xi32, #tpu.memory_space<vmem>>, vector<16xi32>,
      %swap3A_599 = vector.shape_cast %swap3A_598 : vector<16xi32> to vector<16xi32>
      %swap3A_600 = vector.shape_cast %select_n3A_596 : vector<16xi32> to vector<16xi32>
      tpu.vector_store %arg14[%swap3A_597], %swap3A_600 {strides = array<i32>} : memref<8192xi32, #tpu.memory_space<vmem>>, vector<16xi32>,
      %swap3A_601 = arith.index_cast %mul3A_571 : i32 to index
      %swap3A_602 = tpu.vector_load %arg16[%swap3A_601] {strides = array<i32>} : memref<8192xi32, #tpu.memory_space<vmem>>, vector<16xi32>,
      %swap3A_603 = vector.shape_cast %swap3A_602 : vector<16xi32> to vector<16xi32>
      %swap3A_604 = vector.shape_cast %add3A_582 : vector<16xi32> to vector<16xi32>
      tpu.vector_store %arg16[%swap3A_601], %swap3A_604 {strides = array<i32>} : memref<8192xi32, #tpu.memory_space<vmem>>, vector<16xi32>,
      %scan3A_605 = arith.constant 2 : i32
      %scan3A_606 = arith.addi %scan3A_534, %scan3A_605 : i32
      %mul3A_607 = arith.constant 16 : i32
      %mul3A_608 = arith.muli %scan3A_606, %mul3A_607 : i32
      %iota3A_609 = tpu.iota {dimensions = array<i32: 0>} : vector<16xi32>
      %add3A_610 = arith.addi %add3A_500, %mul3A_608 : i32
      %add3A_611 = vector.broadcast %add3A_610 : i32 to vector<16xi32>
      %add3A_612 = arith.addi %iota3A_609, %add3A_611 : vector<16xi32>
      %get3A_613 = arith.index_cast %mul3A_608 : i32 to index
      %get3A_614 = tpu.vector_load %arg10[%get3A_613] {strides = array<i32>} : memref<8192xi32, #tpu.memory_space<vmem>>, vector<16xi32>,
      %get3A_615 = vector.shape_cast %get3A_614 : vector<16xi32> to vector<16xi32>
      %mul3A_616 = arith.constant 262144 : i32
      %mul3A_617 = vector.broadcast %mul3A_616 : i32 to vector<16xi32>
      %mul3A_618 = arith.muli %get3A_615, %mul3A_617 : vector<16xi32>
      %add3A_619 = arith.addi %mul3A_618, %add3A_612 : vector<16xi32>
      %get3A_620 = arith.index_cast %mul3A_608 : i32 to index
      %get3A_621 = tpu.vector_load %arg8[%get3A_620] {strides = array<i32>} : memref<8192xi32, #tpu.memory_space<vmem>>, vector<16xi32>,
      %get3A_622 = vector.shape_cast %get3A_621 : vector<16xi32> to vector<16xi32>
      %mul3A_623 = arith.constant 262144 : i32
      %mul3A_624 = vector.broadcast %mul3A_623 : i32 to vector<16xi32>
      %mul3A_625 = arith.muli %get3A_622, %mul3A_624 : vector<16xi32>
      %add3A_626 = arith.addi %mul3A_625, %add3A_612 : vector<16xi32>
      %get3A_627 = arith.index_cast %mul3A_608 : i32 to index
      %get3A_628 = tpu.vector_load %arg12[%get3A_627] {strides = array<i32>} : memref<8192xi32, #tpu.memory_space<vmem>>, vector<16xi32>,
      %get3A_629 = vector.shape_cast %get3A_628 : vector<16xi32> to vector<16xi32>
      %ne3A_630 = arith.constant 0 : i32
      %ne3A_631 = vector.broadcast %ne3A_630 : i32 to vector<16xi32>
      %ne3A_632 = arith.cmpi ne, %get3A_629, %ne3A_631 : vector<16xi32>
      %select_n3A_633 = arith.select %ne3A_632, %add3A_626, %add3A_619 : vector<16xi1>, vector<16xi32>
      %swap3A_634 = arith.index_cast %mul3A_608 : i32 to index
      %swap3A_635 = tpu.vector_load %arg14[%swap3A_634] {strides = array<i32>} : memref<8192xi32, #tpu.memory_space<vmem>>, vector<16xi32>,
      %swap3A_636 = vector.shape_cast %swap3A_635 : vector<16xi32> to vector<16xi32>
      %swap3A_637 = vector.shape_cast %select_n3A_633 : vector<16xi32> to vector<16xi32>
      tpu.vector_store %arg14[%swap3A_634], %swap3A_637 {strides = array<i32>} : memref<8192xi32, #tpu.memory_space<vmem>>, vector<16xi32>,
      %swap3A_638 = arith.index_cast %mul3A_608 : i32 to index
      %swap3A_639 = tpu.vector_load %arg16[%swap3A_638] {strides = array<i32>} : memref<8192xi32, #tpu.memory_space<vmem>>, vector<16xi32>,
      %swap3A_640 = vector.shape_cast %swap3A_639 : vector<16xi32> to vector<16xi32>
      %swap3A_641 = vector.shape_cast %add3A_619 : vector<16xi32> to vector<16xi32>
      tpu.vector_store %arg16[%swap3A_638], %swap3A_641 {strides = array<i32>} : memref<8192xi32, #tpu.memory_space<vmem>>, vector<16xi32>,
      %scan3A_642 = arith.constant 3 : i32
      %scan3A_643 = arith.addi %scan3A_534, %scan3A_642 : i32
      %mul3A_644 = arith.constant 16 : i32
      %mul3A_645 = arith.muli %scan3A_643, %mul3A_644 : i32
      %iota3A_646 = tpu.iota {dimensions = array<i32: 0>} : vector<16xi32>
      %add3A_647 = arith.addi %add3A_500, %mul3A_645 : i32
      %add3A_648 = vector.broadcast %add3A_647 : i32 to vector<16xi32>
      %add3A_649 = arith.addi %iota3A_646, %add3A_648 : vector<16xi32>
      %get3A_650 = arith.index_cast %mul3A_645 : i32 to index
      %get3A_651 = tpu.vector_load %arg10[%get3A_650] {strides = array<i32>} : memref<8192xi32, #tpu.memory_space<vmem>>, vector<16xi32>,
      %get3A_652 = vector.shape_cast %get3A_651 : vector<16xi32> to vector<16xi32>
      %mul3A_653 = arith.constant 262144 : i32
      %mul3A_654 = vector.broadcast %mul3A_653 : i32 to vector<16xi32>
      %mul3A_655 = arith.muli %get3A_652, %mul3A_654 : vector<16xi32>
      %add3A_656 = arith.addi %mul3A_655, %add3A_649 : vector<16xi32>
      %get3A_657 = arith.index_cast %mul3A_645 : i32 to index
      %get3A_658 = tpu.vector_load %arg8[%get3A_657] {strides = array<i32>} : memref<8192xi32, #tpu.memory_space<vmem>>, vector<16xi32>,
      %get3A_659 = vector.shape_cast %get3A_658 : vector<16xi32> to vector<16xi32>
      %mul3A_660 = arith.constant 262144 : i32
      %mul3A_661 = vector.broadcast %mul3A_660 : i32 to vector<16xi32>
      %mul3A_662 = arith.muli %get3A_659, %mul3A_661 : vector<16xi32>
      %add3A_663 = arith.addi %mul3A_662, %add3A_649 : vector<16xi32>
      %get3A_664 = arith.index_cast %mul3A_645 : i32 to index
      %get3A_665 = tpu.vector_load %arg12[%get3A_664] {strides = array<i32>} : memref<8192xi32, #tpu.memory_space<vmem>>, vector<16xi32>,
      %get3A_666 = vector.shape_cast %get3A_665 : vector<16xi32> to vector<16xi32>
      %ne3A_667 = arith.constant 0 : i32
      %ne3A_668 = vector.broadcast %ne3A_667 : i32 to vector<16xi32>
      %ne3A_669 = arith.cmpi ne, %get3A_666, %ne3A_668 : vector<16xi32>
      %select_n3A_670 = arith.select %ne3A_669, %add3A_663, %add3A_656 : vector<16xi1>, vector<16xi32>
      %swap3A_671 = arith.index_cast %mul3A_645 : i32 to index
      %swap3A_672 = tpu.vector_load %arg14[%swap3A_671] {strides = array<i32>} : memref<8192xi32, #tpu.memory_space<vmem>>, vector<16xi32>,
      %swap3A_673 = vector.shape_cast %swap3A_672 : vector<16xi32> to vector<16xi32>
      %swap3A_674 = vector.shape_cast %select_n3A_670 : vector<16xi32> to vector<16xi32>
      tpu.vector_store %arg14[%swap3A_671], %swap3A_674 {strides = array<i32>} : memref<8192xi32, #tpu.memory_space<vmem>>, vector<16xi32>,
      %swap3A_675 = arith.index_cast %mul3A_645 : i32 to index
      %swap3A_676 = tpu.vector_load %arg16[%swap3A_675] {strides = array<i32>} : memref<8192xi32, #tpu.memory_space<vmem>>, vector<16xi32>,
      %swap3A_677 = vector.shape_cast %swap3A_676 : vector<16xi32> to vector<16xi32>
      %swap3A_678 = vector.shape_cast %add3A_656 : vector<16xi32> to vector<16xi32>
      tpu.vector_store %arg16[%swap3A_675], %swap3A_678 {strides = array<i32>} : memref<8192xi32, #tpu.memory_space<vmem>>, vector<16xi32>,
      %scan3A_679 = arith.constant 4 : i32
      %scan3A_680 = arith.addi %scan3A_534, %scan3A_679 : i32
      %mul3A_681 = arith.constant 16 : i32
      %mul3A_682 = arith.muli %scan3A_680, %mul3A_681 : i32
      %iota3A_683 = tpu.iota {dimensions = array<i32: 0>} : vector<16xi32>
      %add3A_684 = arith.addi %add3A_500, %mul3A_682 : i32
      %add3A_685 = vector.broadcast %add3A_684 : i32 to vector<16xi32>
      %add3A_686 = arith.addi %iota3A_683, %add3A_685 : vector<16xi32>
      %get3A_687 = arith.index_cast %mul3A_682 : i32 to index
      %get3A_688 = tpu.vector_load %arg10[%get3A_687] {strides = array<i32>} : memref<8192xi32, #tpu.memory_space<vmem>>, vector<16xi32>,
      %get3A_689 = vector.shape_cast %get3A_688 : vector<16xi32> to vector<16xi32>
      %mul3A_690 = arith.constant 262144 : i32
      %mul3A_691 = vector.broadcast %mul3A_690 : i32 to vector<16xi32>
      %mul3A_692 = arith.muli %get3A_689, %mul3A_691 : vector<16xi32>
      %add3A_693 = arith.addi %mul3A_692, %add3A_686 : vector<16xi32>
      %get3A_694 = arith.index_cast %mul3A_682 : i32 to index
      %get3A_695 = tpu.vector_load %arg8[%get3A_694] {strides = array<i32>} : memref<8192xi32, #tpu.memory_space<vmem>>, vector<16xi32>,
      %get3A_696 = vector.shape_cast %get3A_695 : vector<16xi32> to vector<16xi32>
      %mul3A_697 = arith.constant 262144 : i32
      %mul3A_698 = vector.broadcast %mul3A_697 : i32 to vector<16xi32>
      %mul3A_699 = arith.muli %get3A_696, %mul3A_698 : vector<16xi32>
      %add3A_700 = arith.addi %mul3A_699, %add3A_686 : vector<16xi32>
      %get3A_701 = arith.index_cast %mul3A_682 : i32 to index
      %get3A_702 = tpu.vector_load %arg12[%get3A_701] {strides = array<i32>} : memref<8192xi32, #tpu.memory_space<vmem>>, vector<16xi32>,
      %get3A_703 = vector.shape_cast %get3A_702 : vector<16xi32> to vector<16xi32>
      %ne3A_704 = arith.constant 0 : i32
      %ne3A_705 = vector.broadcast %ne3A_704 : i32 to vector<16xi32>
      %ne3A_706 = arith.cmpi ne, %get3A_703, %ne3A_705 : vector<16xi32>
      %select_n3A_707 = arith.select %ne3A_706, %add3A_700, %add3A_693 : vector<16xi1>, vector<16xi32>
      %swap3A_708 = arith.index_cast %mul3A_682 : i32 to index
      %swap3A_709 = tpu.vector_load %arg14[%swap3A_708] {strides = array<i32>} : memref<8192xi32, #tpu.memory_space<vmem>>, vector<16xi32>,
      %swap3A_710 = vector.shape_cast %swap3A_709 : vector<16xi32> to vector<16xi32>
      %swap3A_711 = vector.shape_cast %select_n3A_707 : vector<16xi32> to vector<16xi32>
      tpu.vector_store %arg14[%swap3A_708], %swap3A_711 {strides = array<i32>} : memref<8192xi32, #tpu.memory_space<vmem>>, vector<16xi32>,
      %swap3A_712 = arith.index_cast %mul3A_682 : i32 to index
      %swap3A_713 = tpu.vector_load %arg16[%swap3A_712] {strides = array<i32>} : memref<8192xi32, #tpu.memory_space<vmem>>, vector<16xi32>,
      %swap3A_714 = vector.shape_cast %swap3A_713 : vector<16xi32> to vector<16xi32>
      %swap3A_715 = vector.shape_cast %add3A_693 : vector<16xi32> to vector<16xi32>
      tpu.vector_store %arg16[%swap3A_712], %swap3A_715 {strides = array<i32>} : memref<8192xi32, #tpu.memory_space<vmem>>, vector<16xi32>,
      %scan3A_716 = arith.constant 5 : i32
      %scan3A_717 = arith.addi %scan3A_534, %scan3A_716 : i32
      %mul3A_718 = arith.constant 16 : i32
      %mul3A_719 = arith.muli %scan3A_717, %mul3A_718 : i32
      %iota3A_720 = tpu.iota {dimensions = array<i32: 0>} : vector<16xi32>
      %add3A_721 = arith.addi %add3A_500, %mul3A_719 : i32
      %add3A_722 = vector.broadcast %add3A_721 : i32 to vector<16xi32>
      %add3A_723 = arith.addi %iota3A_720, %add3A_722 : vector<16xi32>
      %get3A_724 = arith.index_cast %mul3A_719 : i32 to index
      %get3A_725 = tpu.vector_load %arg10[%get3A_724] {strides = array<i32>} : memref<8192xi32, #tpu.memory_space<vmem>>, vector<16xi32>,
      %get3A_726 = vector.shape_cast %get3A_725 : vector<16xi32> to vector<16xi32>
      %mul3A_727 = arith.constant 262144 : i32
      %mul3A_728 = vector.broadcast %mul3A_727 : i32 to vector<16xi32>
      %mul3A_729 = arith.muli %get3A_726, %mul3A_728 : vector<16xi32>
      %add3A_730 = arith.addi %mul3A_729, %add3A_723 : vector<16xi32>
      %get3A_731 = arith.index_cast %mul3A_719 : i32 to index
      %get3A_732 = tpu.vector_load %arg8[%get3A_731] {strides = array<i32>} : memref<8192xi32, #tpu.memory_space<vmem>>, vector<16xi32>,
      %get3A_733 = vector.shape_cast %get3A_732 : vector<16xi32> to vector<16xi32>
      %mul3A_734 = arith.constant 262144 : i32
      %mul3A_735 = vector.broadcast %mul3A_734 : i32 to vector<16xi32>
      %mul3A_736 = arith.muli %get3A_733, %mul3A_735 : vector<16xi32>
      %add3A_737 = arith.addi %mul3A_736, %add3A_723 : vector<16xi32>
      %get3A_738 = arith.index_cast %mul3A_719 : i32 to index
      %get3A_739 = tpu.vector_load %arg12[%get3A_738] {strides = array<i32>} : memref<8192xi32, #tpu.memory_space<vmem>>, vector<16xi32>,
      %get3A_740 = vector.shape_cast %get3A_739 : vector<16xi32> to vector<16xi32>
      %ne3A_741 = arith.constant 0 : i32
      %ne3A_742 = vector.broadcast %ne3A_741 : i32 to vector<16xi32>
      %ne3A_743 = arith.cmpi ne, %get3A_740, %ne3A_742 : vector<16xi32>
      %select_n3A_744 = arith.select %ne3A_743, %add3A_737, %add3A_730 : vector<16xi1>, vector<16xi32>
      %swap3A_745 = arith.index_cast %mul3A_719 : i32 to index
      %swap3A_746 = tpu.vector_load %arg14[%swap3A_745] {strides = array<i32>} : memref<8192xi32, #tpu.memory_space<vmem>>, vector<16xi32>,
      %swap3A_747 = vector.shape_cast %swap3A_746 : vector<16xi32> to vector<16xi32>
      %swap3A_748 = vector.shape_cast %select_n3A_744 : vector<16xi32> to vector<16xi32>
      tpu.vector_store %arg14[%swap3A_745], %swap3A_748 {strides = array<i32>} : memref<8192xi32, #tpu.memory_space<vmem>>, vector<16xi32>,
      %swap3A_749 = arith.index_cast %mul3A_719 : i32 to index
      %swap3A_750 = tpu.vector_load %arg16[%swap3A_749] {strides = array<i32>} : memref<8192xi32, #tpu.memory_space<vmem>>, vector<16xi32>,
      %swap3A_751 = vector.shape_cast %swap3A_750 : vector<16xi32> to vector<16xi32>
      %swap3A_752 = vector.shape_cast %add3A_730 : vector<16xi32> to vector<16xi32>
      tpu.vector_store %arg16[%swap3A_749], %swap3A_752 {strides = array<i32>} : memref<8192xi32, #tpu.memory_space<vmem>>, vector<16xi32>,
      %scan3A_753 = arith.constant 6 : i32
      %scan3A_754 = arith.addi %scan3A_534, %scan3A_753 : i32
      %mul3A_755 = arith.constant 16 : i32
      %mul3A_756 = arith.muli %scan3A_754, %mul3A_755 : i32
      %iota3A_757 = tpu.iota {dimensions = array<i32: 0>} : vector<16xi32>
      %add3A_758 = arith.addi %add3A_500, %mul3A_756 : i32
      %add3A_759 = vector.broadcast %add3A_758 : i32 to vector<16xi32>
      %add3A_760 = arith.addi %iota3A_757, %add3A_759 : vector<16xi32>
      %get3A_761 = arith.index_cast %mul3A_756 : i32 to index
      %get3A_762 = tpu.vector_load %arg10[%get3A_761] {strides = array<i32>} : memref<8192xi32, #tpu.memory_space<vmem>>, vector<16xi32>,
      %get3A_763 = vector.shape_cast %get3A_762 : vector<16xi32> to vector<16xi32>
      %mul3A_764 = arith.constant 262144 : i32
      %mul3A_765 = vector.broadcast %mul3A_764 : i32 to vector<16xi32>
      %mul3A_766 = arith.muli %get3A_763, %mul3A_765 : vector<16xi32>
      %add3A_767 = arith.addi %mul3A_766, %add3A_760 : vector<16xi32>
      %get3A_768 = arith.index_cast %mul3A_756 : i32 to index
      %get3A_769 = tpu.vector_load %arg8[%get3A_768] {strides = array<i32>} : memref<8192xi32, #tpu.memory_space<vmem>>, vector<16xi32>,
      %get3A_770 = vector.shape_cast %get3A_769 : vector<16xi32> to vector<16xi32>
      %mul3A_771 = arith.constant 262144 : i32
      %mul3A_772 = vector.broadcast %mul3A_771 : i32 to vector<16xi32>
      %mul3A_773 = arith.muli %get3A_770, %mul3A_772 : vector<16xi32>
      %add3A_774 = arith.addi %mul3A_773, %add3A_760 : vector<16xi32>
      %get3A_775 = arith.index_cast %mul3A_756 : i32 to index
      %get3A_776 = tpu.vector_load %arg12[%get3A_775] {strides = array<i32>} : memref<8192xi32, #tpu.memory_space<vmem>>, vector<16xi32>,
      %get3A_777 = vector.shape_cast %get3A_776 : vector<16xi32> to vector<16xi32>
      %ne3A_778 = arith.constant 0 : i32
      %ne3A_779 = vector.broadcast %ne3A_778 : i32 to vector<16xi32>
      %ne3A_780 = arith.cmpi ne, %get3A_777, %ne3A_779 : vector<16xi32>
      %select_n3A_781 = arith.select %ne3A_780, %add3A_774, %add3A_767 : vector<16xi1>, vector<16xi32>
      %swap3A_782 = arith.index_cast %mul3A_756 : i32 to index
      %swap3A_783 = tpu.vector_load %arg14[%swap3A_782] {strides = array<i32>} : memref<8192xi32, #tpu.memory_space<vmem>>, vector<16xi32>,
      %swap3A_784 = vector.shape_cast %swap3A_783 : vector<16xi32> to vector<16xi32>
      %swap3A_785 = vector.shape_cast %select_n3A_781 : vector<16xi32> to vector<16xi32>
      tpu.vector_store %arg14[%swap3A_782], %swap3A_785 {strides = array<i32>} : memref<8192xi32, #tpu.memory_space<vmem>>, vector<16xi32>,
      %swap3A_786 = arith.index_cast %mul3A_756 : i32 to index
      %swap3A_787 = tpu.vector_load %arg16[%swap3A_786] {strides = array<i32>} : memref<8192xi32, #tpu.memory_space<vmem>>, vector<16xi32>,
      %swap3A_788 = vector.shape_cast %swap3A_787 : vector<16xi32> to vector<16xi32>
      %swap3A_789 = vector.shape_cast %add3A_767 : vector<16xi32> to vector<16xi32>
      tpu.vector_store %arg16[%swap3A_786], %swap3A_789 {strides = array<i32>} : memref<8192xi32, #tpu.memory_space<vmem>>, vector<16xi32>,
      %scan3A_790 = arith.constant 7 : i32
      %scan3A_791 = arith.addi %scan3A_534, %scan3A_790 : i32
      %mul3A_792 = arith.constant 16 : i32
      %mul3A_793 = arith.muli %scan3A_791, %mul3A_792 : i32
      %iota3A_794 = tpu.iota {dimensions = array<i32: 0>} : vector<16xi32>
      %add3A_795 = arith.addi %add3A_500, %mul3A_793 : i32
      %add3A_796 = vector.broadcast %add3A_795 : i32 to vector<16xi32>
      %add3A_797 = arith.addi %iota3A_794, %add3A_796 : vector<16xi32>
      %get3A_798 = arith.index_cast %mul3A_793 : i32 to index
      %get3A_799 = tpu.vector_load %arg10[%get3A_798] {strides = array<i32>} : memref<8192xi32, #tpu.memory_space<vmem>>, vector<16xi32>,
      %get3A_800 = vector.shape_cast %get3A_799 : vector<16xi32> to vector<16xi32>
      %mul3A_801 = arith.constant 262144 : i32
      %mul3A_802 = vector.broadcast %mul3A_801 : i32 to vector<16xi32>
      %mul3A_803 = arith.muli %get3A_800, %mul3A_802 : vector<16xi32>
      %add3A_804 = arith.addi %mul3A_803, %add3A_797 : vector<16xi32>
      %get3A_805 = arith.index_cast %mul3A_793 : i32 to index
      %get3A_806 = tpu.vector_load %arg8[%get3A_805] {strides = array<i32>} : memref<8192xi32, #tpu.memory_space<vmem>>, vector<16xi32>,
      %get3A_807 = vector.shape_cast %get3A_806 : vector<16xi32> to vector<16xi32>
      %mul3A_808 = arith.constant 262144 : i32
      %mul3A_809 = vector.broadcast %mul3A_808 : i32 to vector<16xi32>
      %mul3A_810 = arith.muli %get3A_807, %mul3A_809 : vector<16xi32>
      %add3A_811 = arith.addi %mul3A_810, %add3A_797 : vector<16xi32>
      %get3A_812 = arith.index_cast %mul3A_793 : i32 to index
      %get3A_813 = tpu.vector_load %arg12[%get3A_812] {strides = array<i32>} : memref<8192xi32, #tpu.memory_space<vmem>>, vector<16xi32>,
      %get3A_814 = vector.shape_cast %get3A_813 : vector<16xi32> to vector<16xi32>
      %ne3A_815 = arith.constant 0 : i32
      %ne3A_816 = vector.broadcast %ne3A_815 : i32 to vector<16xi32>
      %ne3A_817 = arith.cmpi ne, %get3A_814, %ne3A_816 : vector<16xi32>
      %select_n3A_818 = arith.select %ne3A_817, %add3A_811, %add3A_804 : vector<16xi1>, vector<16xi32>
      %swap3A_819 = arith.index_cast %mul3A_793 : i32 to index
      %swap3A_820 = tpu.vector_load %arg14[%swap3A_819] {strides = array<i32>} : memref<8192xi32, #tpu.memory_space<vmem>>, vector<16xi32>,
      %swap3A_821 = vector.shape_cast %swap3A_820 : vector<16xi32> to vector<16xi32>
      %swap3A_822 = vector.shape_cast %select_n3A_818 : vector<16xi32> to vector<16xi32>
      tpu.vector_store %arg14[%swap3A_819], %swap3A_822 {strides = array<i32>} : memref<8192xi32, #tpu.memory_space<vmem>>, vector<16xi32>,
      %swap3A_823 = arith.index_cast %mul3A_793 : i32 to index
      %swap3A_824 = tpu.vector_load %arg16[%swap3A_823] {strides = array<i32>} : memref<8192xi32, #tpu.memory_space<vmem>>, vector<16xi32>,
      %swap3A_825 = vector.shape_cast %swap3A_824 : vector<16xi32> to vector<16xi32>
      %swap3A_826 = vector.shape_cast %add3A_804 : vector<16xi32> to vector<16xi32>
      tpu.vector_store %arg16[%swap3A_823], %swap3A_826 {strides = array<i32>} : memref<8192xi32, #tpu.memory_space<vmem>>, vector<16xi32>,
    }
    %scan3A_506 = arith.constant 512 : i32
    %dma_start3A_507 = arith.constant 0 : i32
    %dma_start3A_508 = tpu.memref_slice %arg2[%dma_start3A_507] : memref<39845888xf32, #tpu.memory_space<hbm>> -> memref<39845888xf32, #tpu.memory_space<hbm>>
    tpu.enqueue_indirect_dma source(%dma_start3A_508 : memref<39845888xf32, #tpu.memory_space<hbm>>) target(%arg18 : memref<8192xf32, #tpu.memory_space<vmem>>) offsets(%arg14 : memref<8192xi32, #tpu.memory_space<vmem>>) semaphore(%arg25 : memref<!tpu.dma_semaphore, #tpu.memory_space<semaphore_mem>>)
    %dma_start3A_509 = arith.constant 0 : i32
    %dma_start3A_510 = tpu.memref_slice %arg2[%dma_start3A_509] : memref<39845888xf32, #tpu.memory_space<hbm>> -> memref<39845888xf32, #tpu.memory_space<hbm>>
    tpu.enqueue_indirect_dma source(%dma_start3A_510 : memref<39845888xf32, #tpu.memory_space<hbm>>) target(%arg20 : memref<8192xf32, #tpu.memory_space<vmem>>) offsets(%arg16 : memref<8192xi32, #tpu.memory_space<vmem>>) semaphore(%arg27 : memref<!tpu.dma_semaphore, #tpu.memory_space<semaphore_mem>>)
    %dma_wait3A_511 = arith.constant 0 : i32
    %dma_wait3A_512 = tpu.memref_slice %arg2[%dma_wait3A_511] : memref<39845888xf32, #tpu.memory_space<hbm>> -> memref<39845888xf32, #tpu.memory_space<hbm>>
    tpu.wait_indirect_dma semaphore(%arg24 : memref<!tpu.dma_semaphore, #tpu.memory_space<semaphore_mem>>) src(%dma_wait3A_512 : memref<39845888xf32, #tpu.memory_space<hbm>>) dst(%arg17 : memref<8192xf32, #tpu.memory_space<vmem>>)
    %dma_wait3A_513 = arith.constant 0 : i32
    %dma_wait3A_514 = tpu.memref_slice %arg2[%dma_wait3A_513] : memref<39845888xf32, #tpu.memory_space<hbm>> -> memref<39845888xf32, #tpu.memory_space<hbm>>
    tpu.wait_indirect_dma semaphore(%arg26 : memref<!tpu.dma_semaphore, #tpu.memory_space<semaphore_mem>>) src(%dma_wait3A_514 : memref<39845888xf32, #tpu.memory_space<hbm>>) dst(%arg19 : memref<8192xf32, #tpu.memory_space<vmem>>)
    %scan3A_515 = arith.constant 0 : i32
    %scan3A_516 = arith.constant 512 : i32
    %scan3A_517 = arith.addi %scan3A_515, %scan3A_516 : i32
    %scan3A_518 = arith.constant 8 : i32
    %scan3A_519 = scf.for %scan3A_534 = %scan3A_515 to %scan3A_517 step %scan3A_518 iter_args(%scan3A_535 = %scan3A_460) -> (vector<16xf32>)  : i32 {
      %mul3A_536 = arith.constant 16 : i32
      %mul3A_537 = arith.muli %scan3A_534, %mul3A_536 : i32
      %get3A = arith.index_cast %mul3A_537 : i32 to index
      %get3A_538 = tpu.vector_load %arg17[%get3A] {strides = array<i32>} : memref<8192xf32, #tpu.memory_space<vmem>>, vector<16xf32>,
      %get3A_539 = vector.shape_cast %get3A_538 : vector<16xf32> to vector<16xf32>
      %get3A_540 = arith.index_cast %mul3A_537 : i32 to index
      %get3A_541 = tpu.vector_load %arg19[%get3A_540] {strides = array<i32>} : memref<8192xf32, #tpu.memory_space<vmem>>, vector<16xf32>,
      %get3A_542 = vector.shape_cast %get3A_541 : vector<16xf32> to vector<16xf32>
      %sub3A_543 = arith.subf %get3A_539, %get3A_542 : vector<16xf32>
      %add3A_544 = arith.addf %scan3A_535, %sub3A_543 : vector<16xf32>
      %scan3A_545 = arith.constant 1 : i32
      %scan3A_546 = arith.addi %scan3A_534, %scan3A_545 : i32
      %mul3A_547 = arith.constant 16 : i32
      %mul3A_548 = arith.muli %scan3A_546, %mul3A_547 : i32
      %get3A_549 = arith.index_cast %mul3A_548 : i32 to index
      %get3A_550 = tpu.vector_load %arg17[%get3A_549] {strides = array<i32>} : memref<8192xf32, #tpu.memory_space<vmem>>, vector<16xf32>,
      %get3A_551 = vector.shape_cast %get3A_550 : vector<16xf32> to vector<16xf32>
      %get3A_552 = arith.index_cast %mul3A_548 : i32 to index
      %get3A_553 = tpu.vector_load %arg19[%get3A_552] {strides = array<i32>} : memref<8192xf32, #tpu.memory_space<vmem>>, vector<16xf32>,
      %get3A_554 = vector.shape_cast %get3A_553 : vector<16xf32> to vector<16xf32>
      %sub3A_555 = arith.subf %get3A_551, %get3A_554 : vector<16xf32>
      %add3A_556 = arith.addf %add3A_544, %sub3A_555 : vector<16xf32>
      %scan3A_557 = arith.constant 2 : i32
      %scan3A_558 = arith.addi %scan3A_534, %scan3A_557 : i32
      %mul3A_559 = arith.constant 16 : i32
      %mul3A_560 = arith.muli %scan3A_558, %mul3A_559 : i32
      %get3A_561 = arith.index_cast %mul3A_560 : i32 to index
      %get3A_562 = tpu.vector_load %arg17[%get3A_561] {strides = array<i32>} : memref<8192xf32, #tpu.memory_space<vmem>>, vector<16xf32>,
      %get3A_563 = vector.shape_cast %get3A_562 : vector<16xf32> to vector<16xf32>
      %get3A_564 = arith.index_cast %mul3A_560 : i32 to index
      %get3A_565 = tpu.vector_load %arg19[%get3A_564] {strides = array<i32>} : memref<8192xf32, #tpu.memory_space<vmem>>, vector<16xf32>,
      %get3A_566 = vector.shape_cast %get3A_565 : vector<16xf32> to vector<16xf32>
      %sub3A_567 = arith.subf %get3A_563, %get3A_566 : vector<16xf32>
      %add3A_568 = arith.addf %add3A_556, %sub3A_567 : vector<16xf32>
      %scan3A_569 = arith.constant 3 : i32
      %scan3A_570 = arith.addi %scan3A_534, %scan3A_569 : i32
      %mul3A_571 = arith.constant 16 : i32
      %mul3A_572 = arith.muli %scan3A_570, %mul3A_571 : i32
      %get3A_573 = arith.index_cast %mul3A_572 : i32 to index
      %get3A_574 = tpu.vector_load %arg17[%get3A_573] {strides = array<i32>} : memref<8192xf32, #tpu.memory_space<vmem>>, vector<16xf32>,
      %get3A_575 = vector.shape_cast %get3A_574 : vector<16xf32> to vector<16xf32>
      %get3A_576 = arith.index_cast %mul3A_572 : i32 to index
      %get3A_577 = tpu.vector_load %arg19[%get3A_576] {strides = array<i32>} : memref<8192xf32, #tpu.memory_space<vmem>>, vector<16xf32>,
      %get3A_578 = vector.shape_cast %get3A_577 : vector<16xf32> to vector<16xf32>
      %sub3A_579 = arith.subf %get3A_575, %get3A_578 : vector<16xf32>
      %add3A_580 = arith.addf %add3A_568, %sub3A_579 : vector<16xf32>
      %scan3A_581 = arith.constant 4 : i32
      %scan3A_582 = arith.addi %scan3A_534, %scan3A_581 : i32
      %mul3A_583 = arith.constant 16 : i32
      %mul3A_584 = arith.muli %scan3A_582, %mul3A_583 : i32
      %get3A_585 = arith.index_cast %mul3A_584 : i32 to index
      %get3A_586 = tpu.vector_load %arg17[%get3A_585] {strides = array<i32>} : memref<8192xf32, #tpu.memory_space<vmem>>, vector<16xf32>,
      %get3A_587 = vector.shape_cast %get3A_586 : vector<16xf32> to vector<16xf32>
      %get3A_588 = arith.index_cast %mul3A_584 : i32 to index
      %get3A_589 = tpu.vector_load %arg19[%get3A_588] {strides = array<i32>} : memref<8192xf32, #tpu.memory_space<vmem>>, vector<16xf32>,
      %get3A_590 = vector.shape_cast %get3A_589 : vector<16xf32> to vector<16xf32>
      %sub3A_591 = arith.subf %get3A_587, %get3A_590 : vector<16xf32>
      %add3A_592 = arith.addf %add3A_580, %sub3A_591 : vector<16xf32>
      %scan3A_593 = arith.constant 5 : i32
      %scan3A_594 = arith.addi %scan3A_534, %scan3A_593 : i32
      %mul3A_595 = arith.constant 16 : i32
      %mul3A_596 = arith.muli %scan3A_594, %mul3A_595 : i32
      %get3A_597 = arith.index_cast %mul3A_596 : i32 to index
      %get3A_598 = tpu.vector_load %arg17[%get3A_597] {strides = array<i32>} : memref<8192xf32, #tpu.memory_space<vmem>>, vector<16xf32>,
      %get3A_599 = vector.shape_cast %get3A_598 : vector<16xf32> to vector<16xf32>
      %get3A_600 = arith.index_cast %mul3A_596 : i32 to index
      %get3A_601 = tpu.vector_load %arg19[%get3A_600] {strides = array<i32>} : memref<8192xf32, #tpu.memory_space<vmem>>, vector<16xf32>,
      %get3A_602 = vector.shape_cast %get3A_601 : vector<16xf32> to vector<16xf32>
      %sub3A_603 = arith.subf %get3A_599, %get3A_602 : vector<16xf32>
      %add3A_604 = arith.addf %add3A_592, %sub3A_603 : vector<16xf32>
      %scan3A_605 = arith.constant 6 : i32
      %scan3A_606 = arith.addi %scan3A_534, %scan3A_605 : i32
      %mul3A_607 = arith.constant 16 : i32
      %mul3A_608 = arith.muli %scan3A_606, %mul3A_607 : i32
      %get3A_609 = arith.index_cast %mul3A_608 : i32 to index
      %get3A_610 = tpu.vector_load %arg17[%get3A_609] {strides = array<i32>} : memref<8192xf32, #tpu.memory_space<vmem>>, vector<16xf32>,
      %get3A_611 = vector.shape_cast %get3A_610 : vector<16xf32> to vector<16xf32>
      %get3A_612 = arith.index_cast %mul3A_608 : i32 to index
      %get3A_613 = tpu.vector_load %arg19[%get3A_612] {strides = array<i32>} : memref<8192xf32, #tpu.memory_space<vmem>>, vector<16xf32>,
      %get3A_614 = vector.shape_cast %get3A_613 : vector<16xf32> to vector<16xf32>
      %sub3A_615 = arith.subf %get3A_611, %get3A_614 : vector<16xf32>
      %add3A_616 = arith.addf %add3A_604, %sub3A_615 : vector<16xf32>
      %scan3A_617 = arith.constant 7 : i32
      %scan3A_618 = arith.addi %scan3A_534, %scan3A_617 : i32
      %mul3A_619 = arith.constant 16 : i32
      %mul3A_620 = arith.muli %scan3A_618, %mul3A_619 : i32
      %get3A_621 = arith.index_cast %mul3A_620 : i32 to index
      %get3A_622 = tpu.vector_load %arg17[%get3A_621] {strides = array<i32>} : memref<8192xf32, #tpu.memory_space<vmem>>, vector<16xf32>,
      %get3A_623 = vector.shape_cast %get3A_622 : vector<16xf32> to vector<16xf32>
      %get3A_624 = arith.index_cast %mul3A_620 : i32 to index
      %get3A_625 = tpu.vector_load %arg19[%get3A_624] {strides = array<i32>} : memref<8192xf32, #tpu.memory_space<vmem>>, vector<16xf32>,
      %get3A_626 = vector.shape_cast %get3A_625 : vector<16xf32> to vector<16xf32>
      %sub3A_627 = arith.subf %get3A_623, %get3A_626 : vector<16xf32>
      %add3A_628 = arith.addf %add3A_616, %sub3A_627 : vector<16xf32>
      scf.yield %add3A_628 : vector<16xf32>
    }
    %scan3A_520 = arith.constant 512 : i32
    %dma_wait3A_521 = arith.constant 0 : i32
    %dma_wait3A_522 = tpu.memref_slice %arg2[%dma_wait3A_521] : memref<39845888xf32, #tpu.memory_space<hbm>> -> memref<39845888xf32, #tpu.memory_space<hbm>>
    tpu.wait_indirect_dma semaphore(%arg25 : memref<!tpu.dma_semaphore, #tpu.memory_space<semaphore_mem>>) src(%dma_wait3A_522 : memref<39845888xf32, #tpu.memory_space<hbm>>) dst(%arg18 : memref<8192xf32, #tpu.memory_space<vmem>>)
    %dma_wait3A_523 = arith.constant 0 : i32
    %dma_wait3A_524 = tpu.memref_slice %arg2[%dma_wait3A_523] : memref<39845888xf32, #tpu.memory_space<hbm>> -> memref<39845888xf32, #tpu.memory_space<hbm>>
    tpu.wait_indirect_dma semaphore(%arg27 : memref<!tpu.dma_semaphore, #tpu.memory_space<semaphore_mem>>) src(%dma_wait3A_524 : memref<39845888xf32, #tpu.memory_space<hbm>>) dst(%arg20 : memref<8192xf32, #tpu.memory_space<vmem>>)
    %scan3A_525 = arith.constant 0 : i32
    %scan3A_526 = arith.constant 512 : i32
    %scan3A_527 = arith.addi %scan3A_525, %scan3A_526 : i32
    %scan3A_528 = arith.constant 8 : i32
    %scan3A_529 = scf.for %scan3A_534 = %scan3A_525 to %scan3A_527 step %scan3A_528 iter_args(%scan3A_535 = %scan3A_519) -> (vector<16xf32>)  : i32 {
      %mul3A_536 = arith.constant 16 : i32
      %mul3A_537 = arith.muli %scan3A_534, %mul3A_536 : i32
      %get3A = arith.index_cast %mul3A_537 : i32 to index
      %get3A_538 = tpu.vector_load %arg18[%get3A] {strides = array<i32>} : memref<8192xf32, #tpu.memory_space<vmem>>, vector<16xf32>,
      %get3A_539 = vector.shape_cast %get3A_538 : vector<16xf32> to vector<16xf32>
      %get3A_540 = arith.index_cast %mul3A_537 : i32 to index
      %get3A_541 = tpu.vector_load %arg20[%get3A_540] {strides = array<i32>} : memref<8192xf32, #tpu.memory_space<vmem>>, vector<16xf32>,
      %get3A_542 = vector.shape_cast %get3A_541 : vector<16xf32> to vector<16xf32>
      %sub3A_543 = arith.subf %get3A_539, %get3A_542 : vector<16xf32>
      %add3A_544 = arith.addf %scan3A_535, %sub3A_543 : vector<16xf32>
      %scan3A_545 = arith.constant 1 : i32
      %scan3A_546 = arith.addi %scan3A_534, %scan3A_545 : i32
      %mul3A_547 = arith.constant 16 : i32
      %mul3A_548 = arith.muli %scan3A_546, %mul3A_547 : i32
      %get3A_549 = arith.index_cast %mul3A_548 : i32 to index
      %get3A_550 = tpu.vector_load %arg18[%get3A_549] {strides = array<i32>} : memref<8192xf32, #tpu.memory_space<vmem>>, vector<16xf32>,
      %get3A_551 = vector.shape_cast %get3A_550 : vector<16xf32> to vector<16xf32>
      %get3A_552 = arith.index_cast %mul3A_548 : i32 to index
      %get3A_553 = tpu.vector_load %arg20[%get3A_552] {strides = array<i32>} : memref<8192xf32, #tpu.memory_space<vmem>>, vector<16xf32>,
      %get3A_554 = vector.shape_cast %get3A_553 : vector<16xf32> to vector<16xf32>
      %sub3A_555 = arith.subf %get3A_551, %get3A_554 : vector<16xf32>
      %add3A_556 = arith.addf %add3A_544, %sub3A_555 : vector<16xf32>
      %scan3A_557 = arith.constant 2 : i32
      %scan3A_558 = arith.addi %scan3A_534, %scan3A_557 : i32
      %mul3A_559 = arith.constant 16 : i32
      %mul3A_560 = arith.muli %scan3A_558, %mul3A_559 : i32
      %get3A_561 = arith.index_cast %mul3A_560 : i32 to index
      %get3A_562 = tpu.vector_load %arg18[%get3A_561] {strides = array<i32>} : memref<8192xf32, #tpu.memory_space<vmem>>, vector<16xf32>,
      %get3A_563 = vector.shape_cast %get3A_562 : vector<16xf32> to vector<16xf32>
      %get3A_564 = arith.index_cast %mul3A_560 : i32 to index
      %get3A_565 = tpu.vector_load %arg20[%get3A_564] {strides = array<i32>} : memref<8192xf32, #tpu.memory_space<vmem>>, vector<16xf32>,
      %get3A_566 = vector.shape_cast %get3A_565 : vector<16xf32> to vector<16xf32>
      %sub3A_567 = arith.subf %get3A_563, %get3A_566 : vector<16xf32>
      %add3A_568 = arith.addf %add3A_556, %sub3A_567 : vector<16xf32>
      %scan3A_569 = arith.constant 3 : i32
      %scan3A_570 = arith.addi %scan3A_534, %scan3A_569 : i32
      %mul3A_571 = arith.constant 16 : i32
      %mul3A_572 = arith.muli %scan3A_570, %mul3A_571 : i32
      %get3A_573 = arith.index_cast %mul3A_572 : i32 to index
      %get3A_574 = tpu.vector_load %arg18[%get3A_573] {strides = array<i32>} : memref<8192xf32, #tpu.memory_space<vmem>>, vector<16xf32>,
      %get3A_575 = vector.shape_cast %get3A_574 : vector<16xf32> to vector<16xf32>
      %get3A_576 = arith.index_cast %mul3A_572 : i32 to index
      %get3A_577 = tpu.vector_load %arg20[%get3A_576] {strides = array<i32>} : memref<8192xf32, #tpu.memory_space<vmem>>, vector<16xf32>,
      %get3A_578 = vector.shape_cast %get3A_577 : vector<16xf32> to vector<16xf32>
      %sub3A_579 = arith.subf %get3A_575, %get3A_578 : vector<16xf32>
      %add3A_580 = arith.addf %add3A_568, %sub3A_579 : vector<16xf32>
      %scan3A_581 = arith.constant 4 : i32
      %scan3A_582 = arith.addi %scan3A_534, %scan3A_581 : i32
      %mul3A_583 = arith.constant 16 : i32
      %mul3A_584 = arith.muli %scan3A_582, %mul3A_583 : i32
      %get3A_585 = arith.index_cast %mul3A_584 : i32 to index
      %get3A_586 = tpu.vector_load %arg18[%get3A_585] {strides = array<i32>} : memref<8192xf32, #tpu.memory_space<vmem>>, vector<16xf32>,
      %get3A_587 = vector.shape_cast %get3A_586 : vector<16xf32> to vector<16xf32>
      %get3A_588 = arith.index_cast %mul3A_584 : i32 to index
      %get3A_589 = tpu.vector_load %arg20[%get3A_588] {strides = array<i32>} : memref<8192xf32, #tpu.memory_space<vmem>>, vector<16xf32>,
      %get3A_590 = vector.shape_cast %get3A_589 : vector<16xf32> to vector<16xf32>
      %sub3A_591 = arith.subf %get3A_587, %get3A_590 : vector<16xf32>
      %add3A_592 = arith.addf %add3A_580, %sub3A_591 : vector<16xf32>
      %scan3A_593 = arith.constant 5 : i32
      %scan3A_594 = arith.addi %scan3A_534, %scan3A_593 : i32
      %mul3A_595 = arith.constant 16 : i32
      %mul3A_596 = arith.muli %scan3A_594, %mul3A_595 : i32
      %get3A_597 = arith.index_cast %mul3A_596 : i32 to index
      %get3A_598 = tpu.vector_load %arg18[%get3A_597] {strides = array<i32>} : memref<8192xf32, #tpu.memory_space<vmem>>, vector<16xf32>,
      %get3A_599 = vector.shape_cast %get3A_598 : vector<16xf32> to vector<16xf32>
      %get3A_600 = arith.index_cast %mul3A_596 : i32 to index
      %get3A_601 = tpu.vector_load %arg20[%get3A_600] {strides = array<i32>} : memref<8192xf32, #tpu.memory_space<vmem>>, vector<16xf32>,
      %get3A_602 = vector.shape_cast %get3A_601 : vector<16xf32> to vector<16xf32>
      %sub3A_603 = arith.subf %get3A_599, %get3A_602 : vector<16xf32>
      %add3A_604 = arith.addf %add3A_592, %sub3A_603 : vector<16xf32>
      %scan3A_605 = arith.constant 6 : i32
      %scan3A_606 = arith.addi %scan3A_534, %scan3A_605 : i32
      %mul3A_607 = arith.constant 16 : i32
      %mul3A_608 = arith.muli %scan3A_606, %mul3A_607 : i32
      %get3A_609 = arith.index_cast %mul3A_608 : i32 to index
      %get3A_610 = tpu.vector_load %arg18[%get3A_609] {strides = array<i32>} : memref<8192xf32, #tpu.memory_space<vmem>>, vector<16xf32>,
      %get3A_611 = vector.shape_cast %get3A_610 : vector<16xf32> to vector<16xf32>
      %get3A_612 = arith.index_cast %mul3A_608 : i32 to index
      %get3A_613 = tpu.vector_load %arg20[%get3A_612] {strides = array<i32>} : memref<8192xf32, #tpu.memory_space<vmem>>, vector<16xf32>,
      %get3A_614 = vector.shape_cast %get3A_613 : vector<16xf32> to vector<16xf32>
      %sub3A_615 = arith.subf %get3A_611, %get3A_614 : vector<16xf32>
      %add3A_616 = arith.addf %add3A_604, %sub3A_615 : vector<16xf32>
      %scan3A_617 = arith.constant 7 : i32
      %scan3A_618 = arith.addi %scan3A_534, %scan3A_617 : i32
      %mul3A_619 = arith.constant 16 : i32
      %mul3A_620 = arith.muli %scan3A_618, %mul3A_619 : i32
      %get3A_621 = arith.index_cast %mul3A_620 : i32 to index
      %get3A_622 = tpu.vector_load %arg18[%get3A_621] {strides = array<i32>} : memref<8192xf32, #tpu.memory_space<vmem>>, vector<16xf32>,
      %get3A_623 = vector.shape_cast %get3A_622 : vector<16xf32> to vector<16xf32>
      %get3A_624 = arith.index_cast %mul3A_620 : i32 to index
      %get3A_625 = tpu.vector_load %arg20[%get3A_624] {strides = array<i32>} : memref<8192xf32, #tpu.memory_space<vmem>>, vector<16xf32>,
      %get3A_626 = vector.shape_cast %get3A_625 : vector<16xf32> to vector<16xf32>
      %sub3A_627 = arith.subf %get3A_623, %get3A_626 : vector<16xf32>
      %add3A_628 = arith.addf %add3A_616, %sub3A_627 : vector<16xf32>
      scf.yield %add3A_628 : vector<16xf32>
    }
    %scan3A_530 = arith.constant 512 : i32
    %swap3A = arith.constant 0 : index
    %swap3A_531 = tpu.vector_load %arg21[%swap3A] {strides = array<i32>} : memref<16xf32, #tpu.memory_space<vmem>>, vector<16xf32>,
    %swap3A_532 = vector.shape_cast %swap3A_531 : vector<16xf32> to vector<16xf32>
    %swap3A_533 = vector.shape_cast %scan3A_529 : vector<16xf32> to vector<16xf32>
    tpu.vector_store %arg21[%swap3A], %swap3A_533 {strides = array<i32>} : memref<16xf32, #tpu.memory_space<vmem>>, vector<16xf32>,
    "tpu.region"() ({
      %run_scoped3A = tpu.sem_alloc : memref<!tpu.dma_semaphore, #tpu.memory_space<semaphore_mem>>
      %dma_start3A_534 = arith.constant 0 : i32
      %dma_start3A_535 = tpu.memref_slice %arg6[%add3A, %dma_start3A_534] : memref<32x16xf32, #tpu.memory_space<hbm>> -> memref<1x16xf32, #tpu.memory_space<hbm>>
      %dma_start3A_536 = tpu.memref_squeeze %dma_start3A_535 : memref<1x16xf32, #tpu.memory_space<hbm>> -> memref<16xf32, #tpu.memory_space<hbm>>
      %dma_start3A_537 = arith.constant 0 : i32
      %dma_start3A_538 = tpu.memref_slice %arg6[%add3A, %dma_start3A_537] : memref<32x16xf32, #tpu.memory_space<hbm>> -> memref<1x16xf32, #tpu.memory_space<hbm>>
      %dma_start3A_539 = tpu.memref_squeeze %dma_start3A_538 : memref<1x16xf32, #tpu.memory_space<hbm>> -> memref<16xf32, #tpu.memory_space<hbm>>
      tpu.enqueue_dma source(%arg21 : memref<16xf32, #tpu.memory_space<vmem>>) target(%dma_start3A_539 : memref<16xf32, #tpu.memory_space<hbm>>) target_semaphore(%run_scoped3A : memref<!tpu.dma_semaphore, #tpu.memory_space<semaphore_mem>>)
      %dma_wait3A_540 = arith.constant 0 : i32
      %dma_wait3A_541 = tpu.memref_slice %arg6[%add3A, %dma_wait3A_540] : memref<32x16xf32, #tpu.memory_space<hbm>> -> memref<1x16xf32, #tpu.memory_space<hbm>>
      %dma_wait3A_542 = tpu.memref_squeeze %dma_wait3A_541 : memref<1x16xf32, #tpu.memory_space<hbm>> -> memref<16xf32, #tpu.memory_space<hbm>>
      %dma_wait3A_543 = arith.constant 0 : i32
      %dma_wait3A_544 = tpu.memref_slice %arg6[%add3A, %dma_wait3A_543] : memref<32x16xf32, #tpu.memory_space<hbm>> -> memref<1x16xf32, #tpu.memory_space<hbm>>
      %dma_wait3A_545 = tpu.memref_squeeze %dma_wait3A_544 : memref<1x16xf32, #tpu.memory_space<hbm>> -> memref<16xf32, #tpu.memory_space<hbm>>
      tpu.wait_dma2 semaphore(%run_scoped3A : memref<!tpu.dma_semaphore, #tpu.memory_space<semaphore_mem>>) src(%arg21 : memref<16xf32, #tpu.memory_space<vmem>>) dst(%dma_wait3A_545 : memref<16xf32, #tpu.memory_space<hbm>>)
      tpu.yield
    }) : () -> ()
    return
  }
}

</mosaic_0001>

<sc_bundles>
// kernel: kernel.3.cloned.1.call-start
scs
__scs_entry_jumppad:
0x0: {  	(pc) =	sbr.rel $0x88, $3  }
0x1: {  	(tag) =	ssettag $0x0;
	lr =	simm.s32 $0x1  }
0x2: {  	[smem:$0x3F9D] =	sst lr;
	_ =	strace $0xD0000000  }
0x3: {  	_ = 	snop  }
0x4: {  	_ = 	snop  }
0x5: {  	_ = 	snop  }
0x6: {  	_ = 	snop  }
0x7: {  	_ = 	snop  }
__scs_overlays_trampoline_lowered:
0x8: {  	[smem:$0x3FAC] =	sst s0  }
0x9: {  	[smem:$0x3FAD] =	sst s1  }
0xa: {  	[smem:$0x3FAE] =	sst s2  }
0xb: {  	[smem:$0x3FAF] =	sst s3  }
0xc: {  	[smem:$0x3FB0] =	sst s4  }
0xd: {  	[smem:$0x3FB1] =	sst s5  }
0xe: {  	[smem:$0x3FB2] =	sst s6  }
0xf: {  	[smem:$0x3FB3] =	sst s7  }
0x10: {  	[smem:$0x3FB4] =	sst s8  }
0x11: {  	[smem:$0x3FB5] =	sst s9;
	s0 =	simm.s32 @!p0 $0x0  }
0x12: {  	s1 =	sld [smem:$0x3F9B];
	s0 =	simm.s32 @p0 $0x1  }
0x13: {  	[smem:$0x3FB6] =	sst s0;
	s0 =	simm.s32 @!p1 $0x0  }
0x14: {  	s2 =	sld [smem:$0x3F9A];
	s0 =	simm.s32 @p1 $0x1  }
0x15: {  	[smem:$0x3FB7] =	sst s0;
	s0 =	simm.s32 @!p2 $0x0  }
0x16: {  	s3 =	sld [smem:$0x3FDB];
	s0 =	simm.s32 @p2 $0x1  }
0x17: {  	s4 =	simm.s32 $0x1BF5;
	[smem:$0x3FB9] =	sst s0  }
0x18: {  	s0 =	sld [smem:$0x3F9C];
	_ =	swait.ge [sflag:s4], $0x0  }
0x19: {  	s7 =	sld [smem:$0x3F9D]  }
0x1a: {  	s8 =	sadd.s32 $0xFFFFE003, lr  }
0x1b: {  	s9 =	sadd.s32 $0xFFFFFEF7, lr;
	s5 =	simm.s32 $0xFFFFFFFF;
	p2 =	slt.u32 s8, $0xFFFFF086  }
0x1c: {  	p1 =	slt.u32 s9, $0xF7A;
	s5 =	simm.s32 @!p2 $0x0  }
0x1d: {  	s5 =	simm.s32 @p1 $0x1;
	p0 =	seq.s32 s7, s2  }
0x1e: {  	s7 =	smul.u32 @!p0 $0xF7A, s2;
	p2 =	seq.s32 @!p0 s5, $0x0  }
0x1f: {  	s9 =	smul.u32 $0xF7A, s1;
	s8 =	simm.s32 @!p0 $0x1BF5;
	p2 =	por !p2, p0  }
0x20: {  	[sflag:s8] =	ssyncset.s32 @!p0 $0xFFFFF086;
	s6 =	sadd.s32 @!p0 s3, s7;
	s7 =	simm.s32 @!p0 $0x108  }
0x21: {  	s3 =	sadd.s32 s3, s9;
	s6 =	sadd.s32 @!p0 $0x88, s6;
	s7 =	simm.s32 @p2 $0x1082  }
0x22: {  	[simem:s7], [sflag:s8] =	dma.local @!p0 [hbm:s6], $0xF7A  }
0x23: {  	s9 =	sor.u32 $0xD0000000, s2;
	s6 =	simm.s32 $0x108;
	_ =	swait.ge @!p0 [sflag:s8], $0x0  }
0x24: {  	s3 =	sadd.s32 $0x88, s3;
	s6 =	simm.s32 @!p1 $0x1082;
	[sflag:s4] =	ssyncset.s32 $0xFFFFF086  }
0x25: {  	[simem:s6], [sflag:s4] =	dma.local [hbm:s3], $0xF7A  }
0x26: {  	[smem:$0x3F9D] =	sst s1;
	(tag) =	ssettag s2;
	_ =	strace s9  }
0x27: {  	s1 =	sld [smem:$0x3FAD]  }
0x28: {  	s2 =	sld [smem:$0x3FAE]  }
0x29: {  	s4 =	sld [smem:$0x3FB0]  }
0x2a: {  	p0 =	seq.s32 s5, $0x0;
	s5 =	sld [smem:$0x3FB1]  }
0x2b: {  	s6 =	sld [smem:$0x3FB2]  }
0x2c: {  	s7 =	sld [smem:$0x3FB3]  }
0x2d: {  	s3 =	simm.s32 $0x108;
	s8 =	sld [smem:$0x3FB4]  }
0x2e: {  	s3 =	simm.s32 @!p0 $0x1082;
	s9 =	sld [smem:$0x3FB5]  }
0x2f: {  	lr =	sadd.s32 s0, s3;
	s0 =	sld [smem:$0x3FAC]  }
0x30: {  	s3 =	sld [smem:$0x3FAF]  }
0x31: {  	[smem:$0x3FB8] =	sst s10  }
0x32: {  	s10 =	sld [smem:$0x3FB6];
	_ =	sdelay $0x3  }
0x33: {  	p0 =	seq.s32 s10, $0x1;
	s10 =	sld [smem:$0x3FB8];
	_ =	sdelay $0x3  }
0x34: {  	[smem:$0x3FB8] =	sst s10  }
0x35: {  	s10 =	sld [smem:$0x3FB7];
	_ =	sdelay $0x3  }
0x36: {  	p1 =	seq.s32 s10, $0x1;
	s10 =	sld [smem:$0x3FB8];
	_ =	sdelay $0x3  }
0x37: {  	[smem:$0x3FB8] =	sst s10  }
0x38: {  	s10 =	sld [smem:$0x3FB9]  }
0x39: {  	_ = 	snop;
	(pc) =	sbr.ind lr, $3  }
0x3a: {  	_ = 	snop  }
0x3b: {  	_ = 	snop  }
0x3c: {  	p2 =	seq.s32 s10, $0x1;
	s10 =	sld [smem:$0x3FB8]  }
0x3d: {  	_ =	shalt  }
0x3e: {  	_ =	shalt  }
0x3f: {  	_ =	shalt  }
0x40: {  	_ =	shalt  }
0x41: {  	_ =	shalt  }
0x42: {  	_ =	shalt  }
0x43: {  	_ =	shalt  }
0x44: {  	_ =	shalt  }
0x45: {  	_ =	shalt  }
0x46: {  	_ =	shalt  }
0x47: {  	_ =	shalt  }
0x48: {  	_ =	shalt  }
0x49: {  	_ =	shalt  }
0x4a: {  	_ =	shalt  }
0x4b: {  	_ =	shalt  }
0x4c: {  	_ =	shalt  }
0x4d: {  	_ =	shalt  }
0x4e: {  	_ =	shalt  }
0x4f: {  	_ =	shalt  }
0x50: {  	_ =	shalt  }
0x51: {  	_ =	shalt  }
0x52: {  	_ =	shalt  }
0x53: {  	_ =	shalt  }
0x54: {  	_ =	shalt  }
0x55: {  	_ =	shalt  }
0x56: {  	_ =	shalt  }
0x57: {  	_ =	shalt  }
0x58: {  	_ =	shalt  }
0x59: {  	_ =	shalt  }
0x5a: {  	_ =	shalt  }
0x5b: {  	_ =	shalt  }
0x5c: {  	_ =	shalt  }
0x5d: {  	_ =	shalt  }
0x5e: {  	_ =	shalt  }
0x5f: {  	_ =	shalt  }
0x60: {  	_ =	shalt  }
0x61: {  	_ =	shalt  }
0x62: {  	_ =	shalt  }
0x63: {  	_ =	shalt  }
0x64: {  	_ =	shalt  }
0x65: {  	_ =	shalt  }
0x66: {  	_ =	shalt  }
0x67: {  	_ =	shalt  }
0x68: {  	_ =	shalt  }
0x69: {  	_ =	shalt  }
0x6a: {  	_ =	shalt  }
0x6b: {  	_ =	shalt  }
0x6c: {  	_ =	shalt  }
0x6d: {  	_ =	shalt  }
0x6e: {  	_ =	shalt  }
0x6f: {  	_ =	shalt  }
0x70: {  	_ =	shalt  }
0x71: {  	_ =	shalt  }
0x72: {  	_ =	shalt  }
0x73: {  	_ =	shalt  }
0x74: {  	_ =	shalt  }
0x75: {  	_ =	shalt  }
0x76: {  	_ =	shalt  }
0x77: {  	_ =	shalt  }
0x78: {  	_ =	shalt  }
0x79: {  	_ =	shalt  }
0x7a: {  	_ =	shalt  }
0x7b: {  	_ =	shalt  }
0x7c: {  	_ =	shalt  }
0x7d: {  	_ =	shalt  }
0x7e: {  	_ =	shalt  }
0x7f: {  	_ =	shalt  }
0x80: {  	_ =	shalt  }
0x81: {  	_ =	shalt  }
0x82: {  	_ =	shalt  }
0x83: {  	_ =	shalt  }
0x84: {  	_ =	shalt  }
0x85: {  	_ =	shalt  }
0x86: {  	_ =	shalt  }
0x87: {  	_ =	shalt  }
.Lfunc_end0:
.L_simem_size_0:
called_computation_lowered:
.L_overlay_start_0:
0x88: {  	s2 =	sld [smem:$0x3FD9]  }
0x89: {  	s3 =	sld [smem:$0x3FFE];
	_ =	sdelay $0x1  }
0x8a: {  	s1 =	srdreg.scid  }
0x8b: {  	s0 =	sand.u32 $0x1, s1  }
0x8c: {  	s17 =	sshll.u32 s0, $0xA;
	s2 =	sadd.s32 s3, s2  }
0x8d: {  	s2 =	sadd.s32 s2, s17  }
0x8e: {  	[smem:$0x3FC4] =	sst s2  }
0x8f: {  	_ = 	snop  }
0x90: {  	s2 =	sld [smem:$0x3FC9]  }
0x91: {  	s18 =	sld [smem:$0x3FC7]  }
0x92: {  	s4 =	sld [smem:$0x3FC6];
	(tm) =	ssettm $0x1  }
0x93: {  	s5 =	sld [smem:$0x3FFB];
	_ =	sdelay $0x3  }
0x94: {  	_ =	strace s5  }
0x95: {  	s5 =	sld [smem:$0x3FFC];
	_ =	sdelay $0x3  }
0x96: {  	_ =	strace s5  }
0x97: {  	s5 =	sld [smem:$0x3FFD];
	_ =	sdelay $0x3  }
0x98: {  	_ =	strace s5  }
0x99: {  	_ =	strace $0x8FFFFFFF  }
0x9a: {  	s19 =	sld [smem:$0x3FDB];
	_ =	sdelay $0x1  }
0x9b: {  	s6 =	simm.s32 $_scs_section_size  }
0x9c: {  	s7 =	simm.s32 $_size__tile_overlayer_lowered;
	s8 =	simm.s32 $_tile_overlayer_lowered  }
0x9d: {  	s22 =	simm.s32 $0x1BFF;
	s21 =	sshll.u32 s8, $0x1;
	s5 =	sadd.s32 s6, s19  }
0x9e: {  	s9 =	simm.s32 $0x0;
	s20 =	sshll.u32 s7, $0x1;
	s7 =	sadd.s32 s21, s5  }
0x9f: {  	[timem:s9], [sflag:s22] =	dma.local [hbm:s7], s20  }
0xa0: {  	_ =	swait.ge [sflag:s22], s20  }
0xa1: {  	s6 =	ssub.s32 $0x0, s20;
	[sflag:s22] =	ssyncset.done $0x0  }
0xa2: {  	[sflag:s22] =	ssyncadd.s32 s6;
	_ =	sdelay $0x1  }
0xa3: {  	s23 =	simm.s32 $0x1B8B  }
0xa4: {  	_ =	swait.ge [sflag:s23], $0x1  }
0xa5: {  	[sflag:s23] =	ssyncset.done $0x0  }
0xa6: {  	s25 =	simm.s32 $0x1B8E;
	s24 =	sld [smem:$0x3FFE];
	[sflag:s23] =	ssyncadd.s32 $0xFFFFFFFF  }
0xa7: {  	s26 =	simm.s32 $execute0_lowered;
	[smem:$0x3FD2] =	sst s25  }
0xa8: {  	s7 =	sshll.u32 s26, $0x1;
	_ =	strace $0x80000046;
	[dreg:$0x1] =	wrdreg $0xFFFFFFFF  }
0xa9: {  	s28 =	simm.s32 $_size_execute0_lowered;
	s5 =	sadd.s32 s5, s7;
	[dreg:$0x0] =	wrdreg $0x0  }
0xaa: {  	s7 =	sshll.u32 s28, $0x1;
	[dreg:$0x2] =	wrdreg s5  }
0xab: {  	[dreg:$0x3] =	wrdreg s7  }
0xac: {  	[dreg:$0x4] =	wrdreg $0xC0  }
0xad: {  	_ =	task [dreg:s9], $0x5FFFF  }
0xae: {  	[dreg:$0x1] =	wrdreg $0xFFFFFFFF  }
0xaf: {  	[dreg:$0x0] =	wrdreg $0x60  }
0xb0: {  	[dreg:$0x2] =	wrdreg s2  }
0xb1: {  	[dreg:$0x3] =	wrdreg s18  }
0xb2: {  	[dreg:$0x4] =	wrdreg s4  }
0xb3: {  	[dreg:$0x5] =	wrdreg s24  }
0xb4: {  	[dreg:$0x6] =	wrdreg $0x9  }
0xb5: {  	_ =	task.clear_ibuf [dreg:s9], $0x7FFFF;
	_ =	strace $0x90000046  }
0xb6: {  	s29 =	simm.s32 $0x9;
	_ =	strace $0x80000048  }
0xb7: {  	_ =	swait.ge [sflag:s29], $0x1  }
0xb8: {  	[sflag:s29] =	ssyncadd.s32 $0xFFFFFFFF  }
0xb9: {  	_ =	strace $0x90000048  }
0xba: {  	_ =	sfence  }
0xbb: {  	s30 =	sld [smem:$0x0];
	_ =	sdelay $0x2  }
0xbc: {  	s31 =	sshll.u32 s1, $0xD;
	s1 =	sshrl.u32 s1, $0x2  }
0xbd: {  	s3 =	sand.u32 $0x4000, s31;
	s1 =	sadd.s32 s1, s30  }
0xbe: {  	s0 =	sor.u32 s3, s0;
	s1 =	sshll.u32 s1, $0x11  }
0xbf: {  	s0 =	sor.u32 s1, s0  }
0xc0: {  	s0 =	sadd.s32 $0x8F2B, s0  }
0xc1: {  	[sflag:s0] =	ssyncadd.remote.s32 $0x1  }
0xc2: {  	_ =	sfence.sel $0xFFFF  }
0xc3: {  	[dreg:$0x0] =	wrdreg $0xFFFFFFFF;
	(pc) =	sbr.abs _section_cstart, $3  }
0xc4: {  	[dreg:$0x1] =	wrdreg $0xFFFFFFFF  }
0xc5: {  	_ =	task.clear_ibuf [dreg:s9], $0x2FFFF;
	_ =	strace $0x9FFFFFFF  }
0xc6: {  	(tm) =	ssettm $0x7FFFFFFF  }
0xc7: {  	_ =	shalt  }
tec
execute0_lowered:
.L_overlay_start_1:
0x0: {  	(tag) =	ssettag $0x1  }
0x1: {  	s0 =	rddreg [dreg:$0x1]  }
0x2: {  	s2 =	rddreg [dreg:$0x2]  }
0x3: {  	s3 =	rddreg [dreg:$0x3]  }
0x4: {  	s4 =	srdreg.scid;
	s11 =	stileid.u32;
	s1 =	simm.s32 $0x0  }
0x5: {  	s4 =	sand.u32 $0x1, s4;
	s5 =	sshll.u32 s11, $0x1;
	[smem:$0x7FF] =	sst s1  }
0x6: {  	s20 =	sshrl.u32 s11, $0x1;
	s5 =	sor.u32 s4, s5;
	s7 =	ssub.s32 $0x2, s4  }
0x7: {  	s6 =	sshll.u32 s5, $0x4;
	s5 =	sshll.u32 s5, $0xD;
	s8 =	sshrl.u32 s7, $0x1  }
0x8: {  	s9 =	sor.u32 $0x400, s5;
	s7 =	ssub.s32 s7, s8;
	s17 =	sadd.s32 s0, s5  }
0x9: {  	s8 =	smul.u32 $0x480000, s20;
	s20 =	sadd.s32 s3, s5;
	[dreg:$0x5] =	wrdreg s17  }
0xa: {  	s18 =	sadd.s32 s0, s9;
	[dreg:$0x16] =	wrdreg s20  }
0xb: {  	s19 =	sadd.s32 s2, s9;
	[dreg:$0x6] =	wrdreg s18  }
0xc: {  	s10 =	sor.u32 $0x800, s5;
	s9 =	sadd.s32 s3, s9;
	[dreg:$0x7] =	wrdreg s19  }
0xd: {  	s21 =	sadd.s32 s0, s10;
	[dreg:$0x8] =	wrdreg s9  }
0xe: {  	s22 =	sadd.s32 s2, s10;
	[dreg:$0x9] =	wrdreg s21  }
0xf: {  	s24 =	sor.u32 $0xC00, s5;
	s23 =	sadd.s32 s3, s10;
	[dreg:$0xa] =	wrdreg s22  }
0x10: {  	s25 =	sadd.s32 s0, s24;
	[dreg:$0xb] =	wrdreg s23  }
0x11: {  	s29 =	sor.u32 $0x1000, s5;
	s26 =	sadd.s32 s2, s24;
	[dreg:$0xc] =	wrdreg s25  }
0x12: {  	s28 =	simm.s32 $0x6;
	s31 =	sadd.s32 s0, s29;
	[dreg:$0xd] =	wrdreg s26  }
0x13: {  	s30 =	simm.s32 $0x0;
	s12 =	sadd.s32 s2, s29;
	[dreg:$0xf] =	wrdreg s31  }
0x14: {  	s14 =	sor.u32 $0x1400, s5;
	s13 =	sadd.s32 s3, s29;
	[dreg:$0x10] =	wrdreg s12  }
0x15: {  	s15 =	sshll.u32 s11, $0x11;
	s16 =	sadd.s32 s0, s14;
	[dreg:$0x11] =	wrdreg s13  }
0x16: {  	s6 =	sadd.s32 s6, s3;
	s17 =	sadd.s32 s2, s14;
	[dreg:$0x12] =	wrdreg s16  }
0x17: {  	s29 =	sadd.s32 $0x40000, s6;
	s9 =	sadd.s32 s3, s24;
	[dreg:$0x13] =	wrdreg s17  }
0x18: {  	s8 =	sadd.s32 s15, s8;
	s18 =	sadd.s32 s2, s5;
	s26 =	rddreg [dreg:$0x0]  }
0x19: {  	s19 =	sor.u32 $0x1800, s5;
	s5 =	sor.u32 $0x1C00, s5;
	[dreg:$0xe] =	wrdreg s9  }
0x1a: {  	s24 =	sshll.u32 s4, $0x10;
	s9 =	sadd.s32 s3, s14;
	[dreg:$0x15] =	wrdreg s18  }
0x1b: {  	s31 =	smax.u32 s7, $0x1;
	s21 =	sadd.s32 s0, s19;
	[dreg:$0x14] =	wrdreg s9  }
0x1c: {  	s12 =	simm.s32 $0x1;
	s22 =	sadd.s32 s2, s19;
	[dreg:$0x17] =	wrdreg s21  }
0x1d: {  	s17 =	simm.s32 $0x2;
	s0 =	sadd.s32 s0, s5;
	[dreg:$0x18] =	wrdreg s22  }
0x1e: {  	s23 =	sadd.s32 s2, s5;
	s25 =	sadd.s32 s3, s5;
	[dreg:$0x1a] =	wrdreg s0  }
0x1f: {  	s8 =	sor.u32 s24, s8;
	s24 =	simm.s32 $0x5;
	[dreg:$0x1b] =	wrdreg s23  }
0x20: {  	s9 =	sadd.s32 s3, s19;
	[dreg:$0x1c] =	wrdreg s25;
	s19 =	sor.u32 $0x70, s8  }
0x21: {  	s23 =	sor.u32 $0x2070, s8;
	s0 =	sor.u32 $0x4070, s8;
	s2 =	sor.u32 $0x6070, s8  }
0x22: {  	s3 =	sor.u32 $0x8070, s8;
	s4 =	sor.u32 $0xA070, s8;
	s5 =	sor.u32 $0xC070, s8  }
0x23: {  	s6 =	sor.u32 $0xE070, s8;
	s21 =	simm.s32 $0x1A000;
	[dreg:$0x19] =	wrdreg s9  }
0x24: {  	s22 =	simm.s32 $0x3;
	_ =	strace $0x80000047;
	[dreg:$0x1d] =	wrdreg s29  }
0x25: {  	v0 =	vlaneseq.u32;
	s25 =	simm.s32 $0x4;
	s9 =	simm.s32 $0x2000;
	[dreg:$0x1e] =	wrdreg s31  }
.LBB2_1:
0x26: {  	s7 =	rddreg [dreg:$0x5]  }
0x27: {  	[tilespmem:s1], [sflag:$0x1] =	stream.linear.gather [hbm4b:s7+s1], $0x2000, $0x38;
	[tilespmem:$0x1C080] =	vst v63  }
0x28: {  	s13 =	rddreg [dreg:$0x15];
	s8 =	simm.s32 $0x4000  }
0x29: {  	[tilespmem:s8], [sflag:$0x1] =	stream.linear.gather [hbm4b:s13+s1], $0x2000, $0x38;
	[tilespmem:$0x1C080] =	vst v63  }
0x2a: {  	s14 =	rddreg [dreg:$0x16];
	s15 =	simm.s32 $0x8000  }
0x2b: {  	[tilespmem:s15], [sflag:$0x1] =	stream.linear.gather [hbm4b:s14+s1], $0x2000, $0x38;
	[tilespmem:$0x1C080] =	vst v63  }
0x2c: {  	s16 =	rddreg [dreg:$0x6]  }
0x2d: {  	[tilespmem:s9], [sflag:$0x2] =	stream.linear.gather [hbm4b:s16+s1], $0x2000, $0x38;
	[tilespmem:$0x1C080] =	vst v63  }
0x2e: {  	s18 =	rddreg [dreg:$0x7];
	s20 =	simm.s32 $0x6000  }
0x2f: {  	[tilespmem:s20], [sflag:$0x2] =	stream.linear.gather [hbm4b:s18+s1], $0x2000, $0x38;
	[tilespmem:$0x1C080] =	vst v63  }
0x30: {  	s10 =	simm.s32 $0xA000;
	s8 =	rddreg [dreg:$0x8]  }
0x31: {  	[tilespmem:s10], [sflag:$0x2] =	stream.linear.gather [hbm4b:s8+s1], $0x2000, $0x38;
	[tilespmem:$0x1C080] =	vst v63  }
0x32: {  	_ =	swait.ge [sflag:s12], $0x2000  }
0x33: {  	[sflag:s12] =	ssyncset.done $0x0  }
0x34: {  	[sflag:s12] =	ssyncadd.s32 $0xFFFFE000  }
0x35: {  	_ =	swait.ge [sflag:s12], $0x2000  }
0x36: {  	[sflag:s12] =	ssyncset.done $0x0  }
0x37: {  	[sflag:s12] =	ssyncadd.s32 $0xFFFFE000  }
0x38: {  	_ =	swait.ge [sflag:s12], $0x2000  }
0x39: {  	[sflag:s12] =	ssyncset.done $0x0  }
0x3a: {  	s7 =	simm.s32 $0x4040;
	[sflag:s12] =	ssyncadd.s32 $0xFFFFE000  }
0x3b: {  	s14 =	simm.s32 $0x40;
	v1 =	vld [tilespmem:s7+$0xFFFFFFC0]  }
0x3c: {  	s29 =	simm.s32 $0x8040;
	v2 =	vld [tilespmem:s14+$0xFFFFFFC0]  }
0x3d: {  	v3 =	vld [tilespmem:s29+$0xFFFFFFC0];
	_ =	sdelay $0x2  }
0x3e: {  	s11 =	sadd.s32 $0xFFFFFF90, s19  }
0x3f: {  	v4 =	vor.u32 s11, v0;
	v1 =	vshll.u32 v1, $0x12;
	v2 =	vshll.u32 v2, $0x12  }
0x40: {  	vm0 =	veq.s32 v3, $0x0;
	v1 =	vadd.s32 v4, v1;
	v2 =	vadd.s32 v4, v2  }
0x41: {  	s8 =	simm.s32 $0xC040;
	v2 =	vsel vm0, v1, v2  }
0x42: {  	s10 =	simm.s32 $0x10040;
	[tilespmem:s8+$0xFFFFFFC0] =	vst v2  }
0x43: {  	[tilespmem:s10+$0xFFFFFFC0] =	vst v1  }
0x44: {  	v1 =	vld [tilespmem:s7+$0xFFFFFFD0]  }
0x45: {  	v2 =	vld [tilespmem:s14+$0xFFFFFFD0]  }
0x46: {  	v3 =	vld [tilespmem:s29+$0xFFFFFFD0];
	_ =	sdelay $0x2  }
0x47: {  	s11 =	sadd.s32 $0xFFFFFFA0, s19  }
0x48: {  	v58 =	vor.u32 s11, v0;
	v1 =	vshll.u32 v1, $0x12;
	v2 =	vshll.u32 v2, $0x12  }
0x49: {  	vm10 =	veq.s32 v3, $0x0;
	v1 =	vadd.s32 v58, v1;
	v2 =	vadd.s32 v58, v2  }
0x4a: {  	v2 =	vsel vm10, v1, v2  }
0x4b: {  	[tilespmem:s8+$0xFFFFFFD0] =	vst v2  }
0x4c: {  	[tilespmem:s10+$0xFFFFFFD0] =	vst v1  }
0x4d: {  	v1 =	vld [tilespmem:s7+$0xFFFFFFE0]  }
0x4e: {  	v2 =	vld [tilespmem:s14+$0xFFFFFFE0]  }
0x4f: {  	v3 =	vld [tilespmem:s29+$0xFFFFFFE0];
	_ =	sdelay $0x2  }
0x50: {  	s13 =	sadd.s32 $0xFFFFFFB0, s19  }
0x51: {  	v59 =	vor.u32 s13, v0;
	v1 =	vshll.u32 v1, $0x12;
	v2 =	vshll.u32 v2, $0x12  }
0x52: {  	vm11 =	veq.s32 v3, $0x0;
	v1 =	vadd.s32 v59, v1;
	v2 =	vadd.s32 v59, v2  }
0x53: {  	v2 =	vsel vm11, v1, v2  }
0x54: {  	[tilespmem:s8+$0xFFFFFFE0] =	vst v2  }
0x55: {  	[tilespmem:s10+$0xFFFFFFE0] =	vst v1  }
0x56: {  	v1 =	vld [tilespmem:s7+$0xFFFFFFF0]  }
0x57: {  	v2 =	vld [tilespmem:s14+$0xFFFFFFF0]  }
0x58: {  	v3 =	vld [tilespmem:s29+$0xFFFFFFF0];
	_ =	sdelay $0x2  }
0x59: {  	s15 =	sadd.s32 $0xFFFFFFC0, s19  }
0x5a: {  	v60 =	vor.u32 s15, v0;
	v1 =	vshll.u32 v1, $0x12;
	v2 =	vshll.u32 v2, $0x12  }
0x5b: {  	vm12 =	veq.s32 v3, $0x0;
	v1 =	vadd.s32 v60, v1;
	v2 =	vadd.s32 v60, v2  }
0x5c: {  	v2 =	vsel vm12, v1, v2  }
0x5d: {  	[tilespmem:s8+$0xFFFFFFF0] =	vst v2  }
0x5e: {  	[tilespmem:s10+$0xFFFFFFF0] =	vst v1  }
0x5f: {  	v1 =	vld [tilespmem:s7+$0x0]  }
0x60: {  	v2 =	vld [tilespmem:s14+$0x0]  }
0x61: {  	v3 =	vld [tilespmem:s29+$0x0];
	_ =	sdelay $0x2  }
0x62: {  	s16 =	sadd.s32 $0xFFFFFFD0, s19  }
0x63: {  	v61 =	vor.u32 s16, v0;
	v1 =	vshll.u32 v1, $0x12;
	v2 =	vshll.u32 v2, $0x12  }
0x64: {  	vm13 =	veq.s32 v3, $0x0;
	v1 =	vadd.s32 v61, v1;
	v2 =	vadd.s32 v61, v2  }
0x65: {  	v2 =	vsel vm13, v1, v2  }
0x66: {  	[tilespmem:s8+$0x0] =	vst v2  }
0x67: {  	[tilespmem:s10+$0x0] =	vst v1  }
0x68: {  	v1 =	vld [tilespmem:s14+$0x10]  }
0x69: {  	v2 =	vld [tilespmem:s7+$0x10]  }
0x6a: {  	v3 =	vld [tilespmem:s29+$0x10];
	_ =	sdelay $0x2  }
0x6b: {  	s18 =	sadd.s32 $0xFFFFFFE0, s19  }
0x6c: {  	v62 =	vor.u32 s18, v0;
	v1 =	vshll.u32 v1, $0x12;
	v2 =	vshll.u32 v2, $0x12  }
0x6d: {  	vm14 =	veq.s32 v3, $0x0;
	v2 =	vadd.s32 v62, v2;
	v1 =	vadd.s32 v62, v1  }
0x6e: {  	v1 =	vsel vm14, v2, v1  }
0x6f: {  	[tilespmem:s8+$0x10] =	vst v1  }
0x70: {  	[tilespmem:s10+$0x10] =	vst v2  }
0x71: {  	v1 =	vld [tilespmem:s7+$0x20]  }
0x72: {  	v2 =	vld [tilespmem:s14+$0x20]  }
0x73: {  	v3 =	vld [tilespmem:s29+$0x20];
	_ =	sdelay $0x2  }
0x74: {  	s20 =	sadd.s32 $0xFFFFFFF0, s19  }
0x75: {  	v63 =	vor.u32 s20, v0;
	v1 =	vshll.u32 v1, $0x12;
	v2 =	vshll.u32 v2, $0x12  }
0x76: {  	vm15 =	veq.s32 v3, $0x0;
	v1 =	vadd.s32 v63, v1;
	v2 =	vadd.s32 v63, v2  }
0x77: {  	v2 =	vsel vm15, v1, v2  }
0x78: {  	[tilespmem:s8+$0x20] =	vst v2  }
0x79: {  	s31 =	smov.u32 s19;
	[tilespmem:s10+$0x20] =	vst v1  }
0x7a: {  	s11 =	simm.s32 $0x0;
	s13 =	simm.s32 $0x100C0;
	s15 =	simm.s32 $0x80C0;
	v1 =	vld [tilespmem:s7+$0x30]  }
0x7b: {  	s16 =	simm.s32 $0xC0C0;
	s18 =	smov.u32 s19;
	v2 =	vld [tilespmem:s14+$0x30];
	s14 =	simm.s32 $0xC0  }
.LBB2_2:
0x7c: {  	s11 =	sadd.s32 $0x8, s11;
	v3 =	vld [tilespmem:s29+$0x30];
	s18 =	sadd.s32 $0x80, s18;
	s7 =	sadd.s32 $0x80, s7  }
0x7d: {  	s29 =	smov.u32 s15;
	p0 =	slt.u32 s11, $0x1F8;
	_ =	sdelay $0x1  }
0x7e: {  	v1 =	vshll.u32 v1, $0x12  }
0x7f: {  	v4 =	vor.u32 s31, v0;
	s31 =	smov.u32 s18;
	v2 =	vshll.u32 v2, $0x12  }
0x80: {  	v1 =	vadd.s32 v4, v1;
	v2 =	vadd.s32 v4, v2;
	vm0 =	veq.s32 v3, $0x0  }
0x81: {  	v2 =	vsel vm0, v1, v2  }
0x82: {  	[tilespmem:s8+$0x30] =	vst v2;
	s8 =	smov.u32 s16  }
0x83: {  	[tilespmem:s10+$0x30] =	vst v1;
	s10 =	smov.u32 s13  }
0x84: {  	v1 =	vld [tilespmem:s15+$0xFFFFFFC0]  }
0x85: {  	v2 =	vld [tilespmem:s7+$0xFFFFFFC0]  }
0x86: {  	v3 =	vld [tilespmem:s14+$0xFFFFFFC0];
	_ =	sdelay $0x2  }
0x87: {  	s20 =	sadd.s32 $0xFFFFFF90, s18  }
0x88: {  	v4 =	vor.u32 s20, v0;
	v2 =	vshll.u32 v2, $0x12  }
0x89: {  	vm0 =	veq.s32 v1, $0x0;
	v2 =	vadd.s32 v4, v2;
	v3 =	vshll.u32 v3, $0x12  }
0x8a: {  	v1 =	vadd.s32 v4, v3  }
0x8b: {  	v1 =	vsel vm0, v2, v1  }
0x8c: {  	[tilespmem:s16+$0xFFFFFFC0] =	vst v1  }
0x8d: {  	[tilespmem:s13+$0xFFFFFFC0] =	vst v2  }
0x8e: {  	v1 =	vld [tilespmem:s7+$0xFFFFFFD0]  }
0x8f: {  	v2 =	vld [tilespmem:s14+$0xFFFFFFD0]  }
0x90: {  	v3 =	vld [tilespmem:s15+$0xFFFFFFD0];
	_ =	sdelay $0x2  }
0x91: {  	s20 =	sadd.s32 $0xFFFFFFA0, s18;
	v1 =	vshll.u32 v1, $0x12  }
0x92: {  	v4 =	vor.u32 s20, v0;
	v2 =	vshll.u32 v2, $0x12  }
0x93: {  	v1 =	vadd.s32 v4, v1;
	v2 =	vadd.s32 v4, v2;
	vm0 =	veq.s32 v3, $0x0  }
0x94: {  	v2 =	vsel vm0, v1, v2  }
0x95: {  	[tilespmem:s16+$0xFFFFFFD0] =	vst v2  }
0x96: {  	[tilespmem:s13+$0xFFFFFFD0] =	vst v1  }
0x97: {  	v1 =	vld [tilespmem:s7+$0xFFFFFFE0]  }
0x98: {  	v2 =	vld [tilespmem:s14+$0xFFFFFFE0]  }
0x99: {  	v3 =	vld [tilespmem:s15+$0xFFFFFFE0];
	_ =	sdelay $0x2  }
0x9a: {  	s20 =	sadd.s32 $0xFFFFFFB0, s18;
	v1 =	vshll.u32 v1, $0x12  }
0x9b: {  	v4 =	vor.u32 s20, v0;
	v2 =	vshll.u32 v2, $0x12  }
0x9c: {  	v1 =	vadd.s32 v4, v1;
	v2 =	vadd.s32 v4, v2;
	vm0 =	veq.s32 v3, $0x0  }
0x9d: {  	v2 =	vsel vm0, v1, v2  }
0x9e: {  	[tilespmem:s16+$0xFFFFFFE0] =	vst v2  }
0x9f: {  	[tilespmem:s13+$0xFFFFFFE0] =	vst v1  }
0xa0: {  	v1 =	vld [tilespmem:s7+$0xFFFFFFF0]  }
0xa1: {  	v2 =	vld [tilespmem:s14+$0xFFFFFFF0]  }
0xa2: {  	v3 =	vld [tilespmem:s15+$0xFFFFFFF0];
	_ =	sdelay $0x2  }
0xa3: {  	s20 =	sadd.s32 $0xFFFFFFC0, s18;
	v1 =	vshll.u32 v1, $0x12  }
0xa4: {  	v4 =	vor.u32 s20, v0;
	v2 =	vshll.u32 v2, $0x12  }
0xa5: {  	v1 =	vadd.s32 v4, v1;
	v2 =	vadd.s32 v4, v2;
	vm0 =	veq.s32 v3, $0x0  }
0xa6: {  	v2 =	vsel vm0, v1, v2  }
0xa7: {  	[tilespmem:s16+$0xFFFFFFF0] =	vst v2  }
0xa8: {  	[tilespmem:s13+$0xFFFFFFF0] =	vst v1  }
0xa9: {  	v1 =	vld [tilespmem:s7+$0x0]  }
0xaa: {  	v2 =	vld [tilespmem:s14+$0x0]  }
0xab: {  	v3 =	vld [tilespmem:s15+$0x0];
	_ =	sdelay $0x2  }
0xac: {  	s20 =	sadd.s32 $0xFFFFFFD0, s18;
	v1 =	vshll.u32 v1, $0x12  }
0xad: {  	v4 =	vor.u32 s20, v0;
	v2 =	vshll.u32 v2, $0x12  }
0xae: {  	v1 =	vadd.s32 v4, v1;
	v2 =	vadd.s32 v4, v2;
	vm0 =	veq.s32 v3, $0x0  }
0xaf: {  	v2 =	vsel vm0, v1, v2  }
0xb0: {  	[tilespmem:s16+$0x0] =	vst v2  }
0xb1: {  	[tilespmem:s13+$0x0] =	vst v1  }
0xb2: {  	v1 =	vld [tilespmem:s14+$0x10]  }
0xb3: {  	v2 =	vld [tilespmem:s7+$0x10]  }
0xb4: {  	v3 =	vld [tilespmem:s15+$0x10];
	_ =	sdelay $0x2  }
0xb5: {  	s20 =	sadd.s32 $0xFFFFFFE0, s18;
	v1 =	vshll.u32 v1, $0x12  }
0xb6: {  	v4 =	vor.u32 s20, v0;
	v2 =	vshll.u32 v2, $0x12  }
0xb7: {  	v1 =	vadd.s32 v4, v1;
	v2 =	vadd.s32 v4, v2;
	vm0 =	veq.s32 v3, $0x0  }
0xb8: {  	v1 =	vsel vm0, v2, v1  }
0xb9: {  	[tilespmem:s16+$0x10] =	vst v1  }
0xba: {  	[tilespmem:s13+$0x10] =	vst v2  }
0xbb: {  	v1 =	vld [tilespmem:s7+$0x20]  }
0xbc: {  	v2 =	vld [tilespmem:s14+$0x20]  }
0xbd: {  	v3 =	vld [tilespmem:s15+$0x20];
	_ =	sdelay $0x2  }
0xbe: {  	s20 =	sadd.s32 $0xFFFFFFF0, s18;
	v1 =	vshll.u32 v1, $0x12  }
0xbf: {  	v4 =	vor.u32 s20, v0;
	v2 =	vshll.u32 v2, $0x12  }
0xc0: {  	v1 =	vadd.s32 v4, v1;
	v2 =	vadd.s32 v4, v2;
	vm0 =	veq.s32 v3, $0x0  }
.Ltmp0:
0xc1: {  	v2 =	vsel vm0, v1, v2;
	(pc) =	sbr.rel @p0 .LBB2_2-.Ltmp0, $4  }
0xc2: {  	[tilespmem:s16+$0x20] =	vst v2  }
0xc3: {  	[tilespmem:s13+$0x20] =	vst v1  }
0xc4: {  	s13 =	sadd.s32 $0x80, s13;
	v1 =	vld [tilespmem:s7+$0x30]  }
0xc5: {  	s15 =	sadd.s32 $0x80, s15;
	s16 =	sadd.s32 $0x80, s16;
	v2 =	vld [tilespmem:s14+$0x30];
	s14 =	sadd.s32 $0x80, s14  }
0xc6: {  	v3 =	vld [tilespmem:s29+$0x30];
	_ =	sdelay $0x3  }
0xc7: {  	v4 =	vor.u32 s31, v0;
	v1 =	vshll.u32 v1, $0x12;
	v2 =	vshll.u32 v2, $0x12  }
0xc8: {  	v1 =	vadd.s32 v4, v1;
	v2 =	vadd.s32 v4, v2;
	vm0 =	veq.s32 v3, $0x0  }
0xc9: {  	v2 =	vsel vm0, v1, v2  }
0xca: {  	[tilespmem:s8+$0x30] =	vst v2  }
0xcb: {  	s7 =	simm.s32 $0xC000;
	s13 =	simm.s32 $0x14000;
	[tilespmem:s10+$0x30] =	vst v1  }
0xcc: {  	[tilespmem:s13], [sflag:$0x3] =	stream.indirect.gather [hbm4b:s26+s9], $0x1, s7, s9, $0xb8;
	[tilespmem:$0x1C080] =	vst v63  }
0xcd: {  	s14 =	simm.s32 $0x10000;
	s15 =	simm.s32 $0x18000  }
0xce: {  	[tilespmem:s15], [sflag:$0x5] =	stream.indirect.gather [hbm4b:s26+s9], $0x1, s14, s9, $0xb8;
	[tilespmem:$0x1C080] =	vst v63  }
0xcf: {  	s16 =	rddreg [dreg:$0x9]  }
0xd0: {  	[tilespmem:s1], [sflag:$0x1] =	stream.linear.gather [hbm4b:s16+s1], $0x2000, $0x38;
	[tilespmem:$0x1C080] =	vst v63  }
0xd1: {  	s18 =	rddreg [dreg:$0xa];
	s20 =	simm.s32 $0x4000  }
0xd2: {  	[tilespmem:s20], [sflag:$0x1] =	stream.linear.gather [hbm4b:s18+s1], $0x2000, $0x38;
	[tilespmem:$0x1C080] =	vst v63  }
0xd3: {  	s8 =	rddreg [dreg:$0xb];
	s10 =	simm.s32 $0x8000  }
0xd4: {  	[tilespmem:s10], [sflag:$0x1] =	stream.linear.gather [hbm4b:s8+s1], $0x2000, $0x38;
	[tilespmem:$0x1C080] =	vst v63  }
0xd5: {  	_ =	swait.ge [sflag:s17], $0x2000  }
0xd6: {  	[sflag:s17] =	ssyncset.done $0x0  }
0xd7: {  	[sflag:s17] =	ssyncadd.s32 $0xFFFFE000  }
0xd8: {  	_ =	swait.ge [sflag:s17], $0x2000  }
0xd9: {  	[sflag:s17] =	ssyncset.done $0x0  }
0xda: {  	[sflag:s17] =	ssyncadd.s32 $0xFFFFE000  }
0xdb: {  	_ =	swait.ge [sflag:s17], $0x2000  }
0xdc: {  	[sflag:s17] =	ssyncset.done $0x0  }
0xdd: {  	s7 =	simm.s32 $0x6040;
	[sflag:s17] =	ssyncadd.s32 $0xFFFFE000  }
0xde: {  	s14 =	simm.s32 $0x2040;
	v1 =	vld [tilespmem:s7+$0xFFFFFFC0]  }
0xdf: {  	s29 =	simm.s32 $0xA040;
	v2 =	vld [tilespmem:s14+$0xFFFFFFC0]  }
0xe0: {  	v3 =	vld [tilespmem:s29+$0xFFFFFFC0];
	_ =	sdelay $0x2  }
0xe1: {  	s11 =	sadd.s32 $0xFFFFFF90, s23  }
0xe2: {  	v57 =	vor.u32 s11, v0;
	v1 =	vshll.u32 v1, $0x12;
	v2 =	vshll.u32 v2, $0x12  }
0xe3: {  	vm9 =	veq.s32 v3, $0x0;
	v1 =	vadd.s32 v57, v1;
	v2 =	vadd.s32 v57, v2  }
0xe4: {  	s8 =	simm.s32 $0xE040;
	v2 =	vsel vm9, v1, v2  }
0xe5: {  	s10 =	simm.s32 $0x12040;
	[tilespmem:s8+$0xFFFFFFC0] =	vst v2  }
0xe6: {  	[tilespmem:s10+$0xFFFFFFC0] =	vst v1  }
0xe7: {  	v1 =	vld [tilespmem:s7+$0xFFFFFFD0]  }
0xe8: {  	v2 =	vld [tilespmem:s14+$0xFFFFFFD0]  }
0xe9: {  	v3 =	vld [tilespmem:s29+$0xFFFFFFD0];
	_ =	sdelay $0x2  }
0xea: {  	s11 =	sadd.s32 $0xFFFFFFA0, s23  }
0xeb: {  	v58 =	vor.u32 s11, v0;
	v1 =	vshll.u32 v1, $0x12;
	v2 =	vshll.u32 v2, $0x12  }
0xec: {  	vm10 =	veq.s32 v3, $0x0;
	v1 =	vadd.s32 v58, v1;
	v2 =	vadd.s32 v58, v2  }
0xed: {  	v2 =	vsel vm10, v1, v2  }
0xee: {  	[tilespmem:s8+$0xFFFFFFD0] =	vst v2  }
0xef: {  	[tilespmem:s10+$0xFFFFFFD0] =	vst v1  }
0xf0: {  	v1 =	vld [tilespmem:s7+$0xFFFFFFE0]  }
0xf1: {  	v2 =	vld [tilespmem:s14+$0xFFFFFFE0]  }
0xf2: {  	v3 =	vld [tilespmem:s29+$0xFFFFFFE0];
	_ =	sdelay $0x2  }
0xf3: {  	s13 =	sadd.s32 $0xFFFFFFB0, s23  }
0xf4: {  	v59 =	vor.u32 s13, v0;
	v1 =	vshll.u32 v1, $0x12;
	v2 =	vshll.u32 v2, $0x12  }
0xf5: {  	vm11 =	veq.s32 v3, $0x0;
	v1 =	vadd.s32 v59, v1;
	v2 =	vadd.s32 v59, v2  }
0xf6: {  	v2 =	vsel vm11, v1, v2  }
0xf7: {  	[tilespmem:s8+$0xFFFFFFE0] =	vst v2  }
0xf8: {  	[tilespmem:s10+$0xFFFFFFE0] =	vst v1  }
0xf9: {  	v1 =	vld [tilespmem:s7+$0xFFFFFFF0]  }
0xfa: {  	v2 =	vld [tilespmem:s14+$0xFFFFFFF0]  }
0xfb: {  	v3 =	vld [tilespmem:s29+$0xFFFFFFF0];
	_ =	sdelay $0x2  }
0xfc: {  	s15 =	sadd.s32 $0xFFFFFFC0, s23  }
0xfd: {  	v60 =	vor.u32 s15, v0;
	v1 =	vshll.u32 v1, $0x12;
	v2 =	vshll.u32 v2, $0x12  }
0xfe: {  	vm12 =	veq.s32 v3, $0x0;
	v1 =	vadd.s32 v60, v1;
	v2 =	vadd.s32 v60, v2  }
0xff: {  	v2 =	vsel vm12, v1, v2  }
0x100: {  	[tilespmem:s8+$0xFFFFFFF0] =	vst v2  }
0x101: {  	[tilespmem:s10+$0xFFFFFFF0] =	vst v1  }
0x102: {  	v1 =	vld [tilespmem:s7+$0x0]  }
0x103: {  	v2 =	vld [tilespmem:s14+$0x0]  }
0x104: {  	v3 =	vld [tilespmem:s29+$0x0];
	_ =	sdelay $0x2  }
0x105: {  	s16 =	sadd.s32 $0xFFFFFFD0, s23  }
0x106: {  	v61 =	vor.u32 s16, v0;
	v1 =	vshll.u32 v1, $0x12;
	v2 =	vshll.u32 v2, $0x12  }
0x107: {  	vm13 =	veq.s32 v3, $0x0;
	v1 =	vadd.s32 v61, v1;
	v2 =	vadd.s32 v61, v2  }
0x108: {  	v2 =	vsel vm13, v1, v2  }
0x109: {  	[tilespmem:s8+$0x0] =	vst v2  }
0x10a: {  	[tilespmem:s10+$0x0] =	vst v1  }
0x10b: {  	v1 =	vld [tilespmem:s14+$0x10]  }
0x10c: {  	v2 =	vld [tilespmem:s7+$0x10]  }
0x10d: {  	v3 =	vld [tilespmem:s29+$0x10];
	_ =	sdelay $0x2  }
0x10e: {  	s18 =	sadd.s32 $0xFFFFFFE0, s23  }
0x10f: {  	v62 =	vor.u32 s18, v0;
	v1 =	vshll.u32 v1, $0x12;
	v2 =	vshll.u32 v2, $0x12  }
0x110: {  	vm14 =	veq.s32 v3, $0x0;
	v2 =	vadd.s32 v62, v2;
	v1 =	vadd.s32 v62, v1  }
0x111: {  	v1 =	vsel vm14, v2, v1  }
0x112: {  	[tilespmem:s8+$0x10] =	vst v1  }
0x113: {  	[tilespmem:s10+$0x10] =	vst v2  }
0x114: {  	v1 =	vld [tilespmem:s7+$0x20]  }
0x115: {  	v2 =	vld [tilespmem:s14+$0x20]  }
0x116: {  	v3 =	vld [tilespmem:s29+$0x20];
	_ =	sdelay $0x2  }
0x117: {  	s20 =	sadd.s32 $0xFFFFFFF0, s23  }
0x118: {  	v63 =	vor.u32 s20, v0;
	v1 =	vshll.u32 v1, $0x12;
	v2 =	vshll.u32 v2, $0x12  }
0x119: {  	vm15 =	veq.s32 v3, $0x0;
	v1 =	vadd.s32 v63, v1;
	v2 =	vadd.s32 v63, v2  }
0x11a: {  	v2 =	vsel vm15, v1, v2  }
0x11b: {  	[tilespmem:s8+$0x20] =	vst v2  }
0x11c: {  	s31 =	smov.u32 s23;
	[tilespmem:s10+$0x20] =	vst v1  }
0x11d: {  	s11 =	simm.s32 $0x0;
	s13 =	simm.s32 $0x120C0;
	s15 =	simm.s32 $0xA0C0;
	v1 =	vld [tilespmem:s7+$0x30]  }
0x11e: {  	s16 =	simm.s32 $0xE0C0;
	s18 =	smov.u32 s23;
	v2 =	vld [tilespmem:s14+$0x30];
	s14 =	simm.s32 $0x20C0  }
.LBB2_4:
0x11f: {  	s11 =	sadd.s32 $0x8, s11;
	v3 =	vld [tilespmem:s29+$0x30];
	s18 =	sadd.s32 $0x80, s18;
	s7 =	sadd.s32 $0x80, s7  }
0x120: {  	s29 =	smov.u32 s15;
	p0 =	slt.u32 s11, $0x1F8;
	_ =	sdelay $0x1  }
0x121: {  	v1 =	vshll.u32 v1, $0x12  }
0x122: {  	v4 =	vor.u32 s31, v0;
	s31 =	smov.u32 s18;
	v2 =	vshll.u32 v2, $0x12  }
0x123: {  	v1 =	vadd.s32 v4, v1;
	v2 =	vadd.s32 v4, v2;
	vm0 =	veq.s32 v3, $0x0  }
0x124: {  	v2 =	vsel vm0, v1, v2  }
0x125: {  	[tilespmem:s8+$0x30] =	vst v2;
	s8 =	smov.u32 s16  }
0x126: {  	[tilespmem:s10+$0x30] =	vst v1;
	s10 =	smov.u32 s13  }
0x127: {  	v1 =	vld [tilespmem:s15+$0xFFFFFFC0]  }
0x128: {  	v2 =	vld [tilespmem:s7+$0xFFFFFFC0]  }
0x129: {  	v3 =	vld [tilespmem:s14+$0xFFFFFFC0];
	_ =	sdelay $0x2  }
0x12a: {  	s20 =	sadd.s32 $0xFFFFFF90, s18  }
0x12b: {  	v4 =	vor.u32 s20, v0;
	v2 =	vshll.u32 v2, $0x12  }
0x12c: {  	vm0 =	veq.s32 v1, $0x0;
	v2 =	vadd.s32 v4, v2;
	v3 =	vshll.u32 v3, $0x12  }
0x12d: {  	v1 =	vadd.s32 v4, v3  }
0x12e: {  	v1 =	vsel vm0, v2, v1  }
0x12f: {  	[tilespmem:s16+$0xFFFFFFC0] =	vst v1  }
0x130: {  	[tilespmem:s13+$0xFFFFFFC0] =	vst v2  }
0x131: {  	v1 =	vld [tilespmem:s7+$0xFFFFFFD0]  }
0x132: {  	v2 =	vld [tilespmem:s14+$0xFFFFFFD0]  }
0x133: {  	v3 =	vld [tilespmem:s15+$0xFFFFFFD0];
	_ =	sdelay $0x2  }
0x134: {  	s20 =	sadd.s32 $0xFFFFFFA0, s18;
	v1 =	vshll.u32 v1, $0x12  }
0x135: {  	v4 =	vor.u32 s20, v0;
	v2 =	vshll.u32 v2, $0x12  }
0x136: {  	v1 =	vadd.s32 v4, v1;
	v2 =	vadd.s32 v4, v2;
	vm0 =	veq.s32 v3, $0x0  }
0x137: {  	v2 =	vsel vm0, v1, v2  }
0x138: {  	[tilespmem:s16+$0xFFFFFFD0] =	vst v2  }
0x139: {  	[tilespmem:s13+$0xFFFFFFD0] =	vst v1  }
0x13a: {  	v1 =	vld [tilespmem:s7+$0xFFFFFFE0]  }
0x13b: {  	v2 =	vld [tilespmem:s14+$0xFFFFFFE0]  }
0x13c: {  	v3 =	vld [tilespmem:s15+$0xFFFFFFE0];
	_ =	sdelay $0x2  }
0x13d: {  	s20 =	sadd.s32 $0xFFFFFFB0, s18;
	v1 =	vshll.u32 v1, $0x12  }
0x13e: {  	v4 =	vor.u32 s20, v0;
	v2 =	vshll.u32 v2, $0x12  }
0x13f: {  	v1 =	vadd.s32 v4, v1;
	v2 =	vadd.s32 v4, v2;
	vm0 =	veq.s32 v3, $0x0  }
0x140: {  	v2 =	vsel vm0, v1, v2  }
0x141: {  	[tilespmem:s16+$0xFFFFFFE0] =	vst v2  }
0x142: {  	[tilespmem:s13+$0xFFFFFFE0] =	vst v1  }
0x143: {  	v1 =	vld [tilespmem:s7+$0xFFFFFFF0]  }
0x144: {  	v2 =	vld [tilespmem:s14+$0xFFFFFFF0]  }
0x145: {  	v3 =	vld [tilespmem:s15+$0xFFFFFFF0];
	_ =	sdelay $0x2  }
0x146: {  	s20 =	sadd.s32 $0xFFFFFFC0, s18;
	v1 =	vshll.u32 v1, $0x12  }
0x147: {  	v4 =	vor.u32 s20, v0;
	v2 =	vshll.u32 v2, $0x12  }
0x148: {  	v1 =	vadd.s32 v4, v1;
	v2 =	vadd.s32 v4, v2;
	vm0 =	veq.s32 v3, $0x0  }
0x149: {  	v2 =	vsel vm0, v1, v2  }
0x14a: {  	[tilespmem:s16+$0xFFFFFFF0] =	vst v2  }
0x14b: {  	[tilespmem:s13+$0xFFFFFFF0] =	vst v1  }
0x14c: {  	v1 =	vld [tilespmem:s7+$0x0]  }
0x14d: {  	v2 =	vld [tilespmem:s14+$0x0]  }
0x14e: {  	v3 =	vld [tilespmem:s15+$0x0];
	_ =	sdelay $0x2  }
0x14f: {  	s20 =	sadd.s32 $0xFFFFFFD0, s18;
	v1 =	vshll.u32 v1, $0x12  }
0x150: {  	v4 =	vor.u32 s20, v0;
	v2 =	vshll.u32 v2, $0x12  }
0x151: {  	v1 =	vadd.s32 v4, v1;
	v2 =	vadd.s32 v4, v2;
	vm0 =	veq.s32 v3, $0x0  }
0x152: {  	v2 =	vsel vm0, v1, v2  }
0x153: {  	[tilespmem:s16+$0x0] =	vst v2  }
0x154: {  	[tilespmem:s13+$0x0] =	vst v1  }
0x155: {  	v1 =	vld [tilespmem:s14+$0x10]  }
0x156: {  	v2 =	vld [tilespmem:s7+$0x10]  }
0x157: {  	v3 =	vld [tilespmem:s15+$0x10];
	_ =	sdelay $0x2  }
0x158: {  	s20 =	sadd.s32 $0xFFFFFFE0, s18;
	v1 =	vshll.u32 v1, $0x12  }
0x159: {  	v4 =	vor.u32 s20, v0;
	v2 =	vshll.u32 v2, $0x12  }
0x15a: {  	v1 =	vadd.s32 v4, v1;
	v2 =	vadd.s32 v4, v2;
	vm0 =	veq.s32 v3, $0x0  }
0x15b: {  	v1 =	vsel vm0, v2, v1  }
0x15c: {  	[tilespmem:s16+$0x10] =	vst v1  }
0x15d: {  	[tilespmem:s13+$0x10] =	vst v2  }
0x15e: {  	v1 =	vld [tilespmem:s7+$0x20]  }
0x15f: {  	v2 =	vld [tilespmem:s14+$0x20]  }
0x160: {  	v3 =	vld [tilespmem:s15+$0x20];
	_ =	sdelay $0x2  }
0x161: {  	s20 =	sadd.s32 $0xFFFFFFF0, s18;
	v1 =	vshll.u32 v1, $0x12  }
0x162: {  	v4 =	vor.u32 s20, v0;
	v2 =	vshll.u32 v2, $0x12  }
0x163: {  	v1 =	vadd.s32 v4, v1;
	v2 =	vadd.s32 v4, v2;
	vm0 =	veq.s32 v3, $0x0  }
.Ltmp1:
0x164: {  	v2 =	vsel vm0, v1, v2;
	(pc) =	sbr.rel @p0 .LBB2_4-.Ltmp1, $4  }
0x165: {  	[tilespmem:s16+$0x20] =	vst v2  }
0x166: {  	[tilespmem:s13+$0x20] =	vst v1  }
0x167: {  	s13 =	sadd.s32 $0x80, s13;
	v1 =	vld [tilespmem:s7+$0x30]  }
0x168: {  	s15 =	sadd.s32 $0x80, s15;
	s16 =	sadd.s32 $0x80, s16;
	v2 =	vld [tilespmem:s14+$0x30];
	s14 =	sadd.s32 $0x80, s14  }
0x169: {  	v3 =	vld [tilespmem:s29+$0x30];
	_ =	sdelay $0x3  }
0x16a: {  	v4 =	vor.u32 s31, v0;
	v1 =	vshll.u32 v1, $0x12;
	v2 =	vshll.u32 v2, $0x12  }
0x16b: {  	v1 =	vadd.s32 v4, v1;
	v2 =	vadd.s32 v4, v2;
	vm0 =	veq.s32 v3, $0x0  }
0x16c: {  	v2 =	vsel vm0, v1, v2  }
0x16d: {  	[tilespmem:s8+$0x30] =	vst v2  }
0x16e: {  	s7 =	simm.s32 $0xE000;
	s13 =	simm.s32 $0x16000;
	[tilespmem:s10+$0x30] =	vst v1  }
0x16f: {  	[tilespmem:s13], [sflag:$0x4] =	stream.indirect.gather [hbm4b:s26+s9], $0x1, s7, s9, $0xb8;
	[tilespmem:$0x1C080] =	vst v63  }
0x170: {  	s14 =	simm.s32 $0x12000  }
0x171: {  	[tilespmem:s21], [sflag:$0x6] =	stream.indirect.gather [hbm4b:s26+s9], $0x1, s14, s9, $0xb8;
	[tilespmem:$0x1C080] =	vst v63  }
0x172: {  	s15 =	rddreg [dreg:$0xc]  }
0x173: {  	[tilespmem:s9], [sflag:$0x2] =	stream.linear.gather [hbm4b:s15+s1], $0x2000, $0x38;
	[tilespmem:$0x1C080] =	vst v63  }
0x174: {  	s16 =	rddreg [dreg:$0xd];
	s18 =	simm.s32 $0x6000  }
0x175: {  	[tilespmem:s18], [sflag:$0x2] =	stream.linear.gather [hbm4b:s16+s1], $0x2000, $0x38;
	[tilespmem:$0x1C080] =	vst v63  }
0x176: {  	s20 =	rddreg [dreg:$0xe];
	s29 =	simm.s32 $0xA000  }
0x177: {  	[tilespmem:s29], [sflag:$0x2] =	stream.linear.gather [hbm4b:s20+s1], $0x2000, $0x38;
	[tilespmem:$0x1C080] =	vst v63  }
0x178: {  	_ =	swait.ge [sflag:s22], $0x2000  }
0x179: {  	[sflag:s22] =	ssyncset.done $0x0  }
0x17a: {  	[sflag:s22] =	ssyncadd.s32 $0xFFFFE000  }
0x17b: {  	_ =	swait.ge [sflag:s24], $0x2000  }
0x17c: {  	[sflag:s24] =	ssyncset.done $0x0  }
0x17d: {  	s31 =	simm.s32 $0x14040;
	[sflag:s24] =	ssyncadd.s32 $0xFFFFE000  }
0x17e: {  	s7 =	simm.s32 $0x18040;
	v1 =	vld [tilespmem:s31+$0xFFFFFFC0]  }
0x17f: {  	v2 =	vld [tilespmem:s7+$0xFFFFFFC0]  }
0x180: {  	v3 =	vld [tilespmem:s31+$0xFFFFFFD0]  }
0x181: {  	v4 =	vld [tilespmem:s7+$0xFFFFFFD0]  }
0x182: {  	v6 =	vld [tilespmem:s31+$0xFFFFFFE0]  }
0x183: {  	v7 =	vld [tilespmem:s7+$0xFFFFFFE0]  }
0x184: {  	v8 =	vld [tilespmem:s31+$0xFFFFFFF0];
	v1 =	vsub.f32 v1, v2  }
0x185: {  	v5 =	vimm.f32 $0.0e+00;
	v2 =	vld [tilespmem:s7+$0xFFFFFFF0]  }
0x186: {  	v9 =	vld [tilespmem:s31+$0x0];
	v3 =	vsub.f32 v3, v4;
	v1 =	vadd.f32 v1, v5  }
0x187: {  	v4 =	vld [tilespmem:s7+$0x0]  }
0x188: {  	v7 =	vsub.f32 v6, v7;
	v6 =	vld [tilespmem:s7+$0x10];
	v3 =	vadd.f32 v3, v1  }
0x189: {  	v5 =	vld [tilespmem:s31+$0x10]  }
0x18a: {  	v1 =	vld [tilespmem:s31+$0x20];
	v8 =	vsub.f32 v8, v2;
	v7 =	vadd.f32 v7, v3  }
0x18b: {  	v3 =	vld [tilespmem:s7+$0x20]  }
0x18c: {  	v2 =	vld [tilespmem:s31+$0x30];
	v7 =	vadd.f32 v8, v7;
	v8 =	vsub.f32 v9, v4  }
0x18d: {  	s8 =	simm.s32 $0x0;
	s10 =	simm.s32 $0x140C0;
	v4 =	vld [tilespmem:s7+$0x30]  }
.LBB2_6:
0x18e: {  	v9 =	vld [tilespmem:s10+$0xFFFFFFC0];
	v7 =	vadd.f32 v8, v7;
	v5 =	vsub.f32 v5, v6;
	s7 =	sadd.s32 $0x80, s7  }
0x18f: {  	s8 =	sadd.s32 $0x8, s8;
	v6 =	vld [tilespmem:s7+$0xFFFFFFC0]  }
0x190: {  	p0 =	slt.u32 s8, $0x1F8;
	v8 =	vld [tilespmem:s10+$0xFFFFFFD0];
	v5 =	vadd.f32 v5, v7;
	v1 =	vsub.f32 v1, v3  }
0x191: {  	v3 =	vld [tilespmem:s7+$0xFFFFFFD0]  }
0x192: {  	v7 =	vld [tilespmem:s10+$0xFFFFFFE0];
	v1 =	vadd.f32 v1, v5;
	v2 =	vsub.f32 v2, v4  }
0x193: {  	v4 =	vld [tilespmem:s7+$0xFFFFFFE0]  }
0x194: {  	v5 =	vsub.f32 v9, v6;
	v9 =	vld [tilespmem:s10+$0xFFFFFFF0];
	v1 =	vadd.f32 v2, v1  }
0x195: {  	v2 =	vld [tilespmem:s7+$0xFFFFFFF0]  }
0x196: {  	v1 =	vadd.f32 v5, v1;
	v3 =	vsub.f32 v8, v3;
	v8 =	vld [tilespmem:s10+$0x0]  }
0x197: {  	v10 =	vld [tilespmem:s7+$0x0]  }
0x198: {  	v1 =	vadd.f32 v3, v1;
	v3 =	vsub.f32 v7, v4;
	v5 =	vld [tilespmem:s10+$0x10]  }
.Ltmp2:
0x199: {  	v6 =	vld [tilespmem:s7+$0x10];
	(pc) =	sbr.rel @p0 .LBB2_6-.Ltmp2, $4  }
0x19a: {  	v4 =	vadd.f32 v3, v1;
	v2 =	vsub.f32 v9, v2;
	v1 =	vld [tilespmem:s10+$0x20]  }
0x19b: {  	v3 =	vld [tilespmem:s7+$0x20]  }
0x19c: {  	v7 =	vadd.f32 v2, v4;
	v8 =	vsub.f32 v8, v10;
	v2 =	vld [tilespmem:s10+$0x30]  }
0x19d: {  	s10 =	sadd.s32 $0x80, s10;
	v4 =	vld [tilespmem:s7+$0x30]  }
0x19e: {  	_ =	swait.ge [sflag:s12], $0x2000  }
0x19f: {  	[sflag:s12] =	ssyncset.done $0x0  }
0x1a0: {  	[sflag:s12] =	ssyncadd.s32 $0xFFFFE000  }
0x1a1: {  	_ =	swait.ge [sflag:s12], $0x2000  }
0x1a2: {  	[sflag:s12] =	ssyncset.done $0x0  }
0x1a3: {  	[sflag:s12] =	ssyncadd.s32 $0xFFFFE000  }
0x1a4: {  	_ =	swait.ge [sflag:s12], $0x2000  }
0x1a5: {  	[sflag:s12] =	ssyncset.done $0x0  }
0x1a6: {  	s29 =	simm.s32 $0x4040;
	[sflag:s12] =	ssyncadd.s32 $0xFFFFE000  }
0x1a7: {  	s14 =	simm.s32 $0x40;
	v9 =	vld [tilespmem:s29+$0xFFFFFFC0]  }
0x1a8: {  	s10 =	simm.s32 $0x8040;
	v10 =	vld [tilespmem:s14+$0xFFFFFFC0]  }
0x1a9: {  	v11 =	vld [tilespmem:s10+$0xFFFFFFC0];
	_ =	sdelay $0x2  }
0x1aa: {  	s7 =	sadd.s32 $0xFFFFFF90, s0  }
0x1ab: {  	v12 =	vor.u32 s7, v0;
	v9 =	vshll.u32 v9, $0x12;
	v10 =	vshll.u32 v10, $0x12  }
0x1ac: {  	vm0 =	veq.s32 v11, $0x0;
	v9 =	vadd.s32 v12, v9;
	v10 =	vadd.s32 v12, v10  }
0x1ad: {  	s7 =	simm.s32 $0xC040;
	v10 =	vsel vm0, v9, v10  }
0x1ae: {  	s8 =	simm.s32 $0x10040;
	[tilespmem:s7+$0xFFFFFFC0] =	vst v10  }
0x1af: {  	[tilespmem:s8+$0xFFFFFFC0] =	vst v9  }
0x1b0: {  	v9 =	vld [tilespmem:s29+$0xFFFFFFD0]  }
0x1b1: {  	v10 =	vld [tilespmem:s14+$0xFFFFFFD0]  }
0x1b2: {  	v50 =	vld [tilespmem:s10+$0xFFFFFFD0];
	_ =	sdelay $0x2  }
0x1b3: {  	s11 =	sadd.s32 $0xFFFFFFA0, s0  }
0x1b4: {  	v51 =	vor.u32 s11, v0;
	v9 =	vshll.u32 v9, $0x12;
	v10 =	vshll.u32 v10, $0x12  }
0x1b5: {  	vm10 =	veq.s32 v50, $0x0;
	v9 =	vadd.s32 v51, v9;
	v10 =	vadd.s32 v51, v10  }
0x1b6: {  	v10 =	vsel vm10, v9, v10  }
0x1b7: {  	[tilespmem:s7+$0xFFFFFFD0] =	vst v10  }
0x1b8: {  	[tilespmem:s8+$0xFFFFFFD0] =	vst v9  }
0x1b9: {  	v9 =	vld [tilespmem:s29+$0xFFFFFFE0]  }
0x1ba: {  	v10 =	vld [tilespmem:s14+$0xFFFFFFE0]  }
0x1bb: {  	v52 =	vld [tilespmem:s10+$0xFFFFFFE0];
	_ =	sdelay $0x2  }
0x1bc: {  	s13 =	sadd.s32 $0xFFFFFFB0, s0  }
0x1bd: {  	v53 =	vor.u32 s13, v0;
	v9 =	vshll.u32 v9, $0x12;
	v10 =	vshll.u32 v10, $0x12  }
0x1be: {  	vm11 =	veq.s32 v52, $0x0;
	v9 =	vadd.s32 v53, v9;
	v10 =	vadd.s32 v53, v10  }
0x1bf: {  	v10 =	vsel vm11, v9, v10  }
0x1c0: {  	[tilespmem:s7+$0xFFFFFFE0] =	vst v10  }
0x1c1: {  	[tilespmem:s8+$0xFFFFFFE0] =	vst v9  }
0x1c2: {  	v9 =	vld [tilespmem:s29+$0xFFFFFFF0]  }
0x1c3: {  	v10 =	vld [tilespmem:s14+$0xFFFFFFF0]  }
0x1c4: {  	v54 =	vld [tilespmem:s10+$0xFFFFFFF0];
	_ =	sdelay $0x2  }
0x1c5: {  	s15 =	sadd.s32 $0xFFFFFFC0, s0  }
0x1c6: {  	v55 =	vor.u32 s15, v0;
	v9 =	vshll.u32 v9, $0x12;
	v10 =	vshll.u32 v10, $0x12  }
0x1c7: {  	vm12 =	veq.s32 v54, $0x0;
	v9 =	vadd.s32 v55, v9;
	v10 =	vadd.s32 v55, v10  }
0x1c8: {  	v10 =	vsel vm12, v9, v10  }
0x1c9: {  	[tilespmem:s7+$0xFFFFFFF0] =	vst v10  }
0x1ca: {  	[tilespmem:s8+$0xFFFFFFF0] =	vst v9  }
0x1cb: {  	v9 =	vld [tilespmem:s29+$0x0]  }
0x1cc: {  	v10 =	vld [tilespmem:s14+$0x0]  }
0x1cd: {  	v56 =	vld [tilespmem:s10+$0x0];
	_ =	sdelay $0x2  }
0x1ce: {  	s16 =	sadd.s32 $0xFFFFFFD0, s0  }
0x1cf: {  	v57 =	vor.u32 s16, v0;
	v9 =	vshll.u32 v9, $0x12;
	v10 =	vshll.u32 v10, $0x12  }
0x1d0: {  	vm13 =	veq.s32 v56, $0x0;
	v9 =	vadd.s32 v57, v9;
	v10 =	vadd.s32 v57, v10  }
0x1d1: {  	v10 =	vsel vm13, v9, v10  }
0x1d2: {  	[tilespmem:s7+$0x0] =	vst v10  }
0x1d3: {  	[tilespmem:s8+$0x0] =	vst v9  }
0x1d4: {  	v9 =	vld [tilespmem:s14+$0x10]  }
0x1d5: {  	v10 =	vld [tilespmem:s29+$0x10]  }
0x1d6: {  	v58 =	vld [tilespmem:s10+$0x10];
	_ =	sdelay $0x2  }
0x1d7: {  	s18 =	sadd.s32 $0xFFFFFFE0, s0  }
0x1d8: {  	v59 =	vor.u32 s18, v0;
	v9 =	vshll.u32 v9, $0x12;
	v10 =	vshll.u32 v10, $0x12  }
0x1d9: {  	vm14 =	veq.s32 v58, $0x0;
	v10 =	vadd.s32 v59, v10;
	v9 =	vadd.s32 v59, v9  }
0x1da: {  	v9 =	vsel vm14, v10, v9  }
0x1db: {  	[tilespmem:s7+$0x10] =	vst v9  }
0x1dc: {  	[tilespmem:s8+$0x10] =	vst v10  }
0x1dd: {  	v9 =	vld [tilespmem:s29+$0x20]  }
0x1de: {  	v10 =	vld [tilespmem:s14+$0x20]  }
0x1df: {  	v60 =	vld [tilespmem:s10+$0x20];
	_ =	sdelay $0x2  }
0x1e0: {  	v7 =	vadd.f32 v8, v7;
	v5 =	vsub.f32 v5, v6;
	s20 =	sadd.s32 $0xFFFFFFF0, s0  }
0x1e1: {  	v62 =	vor.u32 s20, v0;
	v61 =	vshll.u32 v9, $0x12;
	v63 =	vshll.u32 v10, $0x12  }
0x1e2: {  	vm15 =	veq.s32 v60, $0x0;
	v6 =	vadd.s32 v62, v61;
	v8 =	vadd.s32 v62, v63  }
0x1e3: {  	v5 =	vadd.f32 v5, v7;
	v1 =	vsub.f32 v1, v3;
	v3 =	vsel vm15, v6, v8  }
0x1e4: {  	[tilespmem:s7+$0x20] =	vst v3  }
0x1e5: {  	s31 =	smov.u32 s0;
	v1 =	vadd.f32 v1, v5;
	v3 =	vsub.f32 v2, v4;
	[tilespmem:s8+$0x20] =	vst v6  }
0x1e6: {  	s11 =	simm.s32 $0x0;
	s13 =	simm.s32 $0x100C0;
	s15 =	simm.s32 $0x80C0;
	v2 =	vld [tilespmem:s29+$0x30]  }
0x1e7: {  	s16 =	simm.s32 $0xC0C0;
	s18 =	smov.u32 s0;
	v1 =	vadd.f32 v3, v1;
	v3 =	vld [tilespmem:s14+$0x30];
	s14 =	simm.s32 $0xC0  }
.LBB2_8:
0x1e8: {  	s11 =	sadd.s32 $0x8, s11;
	v4 =	vld [tilespmem:s10+$0x30];
	s18 =	sadd.s32 $0x80, s18;
	s29 =	sadd.s32 $0x80, s29  }
0x1e9: {  	s10 =	smov.u32 s15;
	p0 =	slt.u32 s11, $0x1F8;
	_ =	sdelay $0x1  }
0x1ea: {  	v2 =	vshll.u32 v2, $0x12  }
0x1eb: {  	v5 =	vor.u32 s31, v0;
	s31 =	smov.u32 s18;
	v3 =	vshll.u32 v3, $0x12  }
0x1ec: {  	v2 =	vadd.s32 v5, v2;
	v3 =	vadd.s32 v5, v3;
	vm0 =	veq.s32 v4, $0x0  }
0x1ed: {  	v3 =	vsel vm0, v2, v3  }
0x1ee: {  	[tilespmem:s7+$0x30] =	vst v3;
	s7 =	smov.u32 s16  }
0x1ef: {  	[tilespmem:s8+$0x30] =	vst v2;
	s8 =	smov.u32 s13  }
0x1f0: {  	v2 =	vld [tilespmem:s15+$0xFFFFFFC0]  }
0x1f1: {  	v3 =	vld [tilespmem:s29+$0xFFFFFFC0]  }
0x1f2: {  	v4 =	vld [tilespmem:s14+$0xFFFFFFC0];
	_ =	sdelay $0x2  }
0x1f3: {  	s20 =	sadd.s32 $0xFFFFFF90, s18  }
0x1f4: {  	v5 =	vor.u32 s20, v0;
	v3 =	vshll.u32 v3, $0x12  }
0x1f5: {  	vm0 =	veq.s32 v2, $0x0;
	v3 =	vadd.s32 v5, v3;
	v4 =	vshll.u32 v4, $0x12  }
0x1f6: {  	v2 =	vadd.s32 v5, v4  }
0x1f7: {  	v2 =	vsel vm0, v3, v2  }
0x1f8: {  	[tilespmem:s16+$0xFFFFFFC0] =	vst v2  }
0x1f9: {  	[tilespmem:s13+$0xFFFFFFC0] =	vst v3  }
0x1fa: {  	v2 =	vld [tilespmem:s29+$0xFFFFFFD0]  }
0x1fb: {  	v3 =	vld [tilespmem:s14+$0xFFFFFFD0]  }
0x1fc: {  	v4 =	vld [tilespmem:s15+$0xFFFFFFD0];
	_ =	sdelay $0x2  }
0x1fd: {  	s20 =	sadd.s32 $0xFFFFFFA0, s18;
	v2 =	vshll.u32 v2, $0x12  }
0x1fe: {  	v5 =	vor.u32 s20, v0;
	v3 =	vshll.u32 v3, $0x12  }
0x1ff: {  	v2 =	vadd.s32 v5, v2;
	v3 =	vadd.s32 v5, v3;
	vm0 =	veq.s32 v4, $0x0  }
0x200: {  	v3 =	vsel vm0, v2, v3  }
0x201: {  	[tilespmem:s16+$0xFFFFFFD0] =	vst v3  }
0x202: {  	[tilespmem:s13+$0xFFFFFFD0] =	vst v2  }
0x203: {  	v2 =	vld [tilespmem:s29+$0xFFFFFFE0]  }
0x204: {  	v3 =	vld [tilespmem:s14+$0xFFFFFFE0]  }
0x205: {  	v4 =	vld [tilespmem:s15+$0xFFFFFFE0];
	_ =	sdelay $0x2  }
0x206: {  	s20 =	sadd.s32 $0xFFFFFFB0, s18;
	v2 =	vshll.u32 v2, $0x12  }
0x207: {  	v5 =	vor.u32 s20, v0;
	v3 =	vshll.u32 v3, $0x12  }
0x208: {  	v2 =	vadd.s32 v5, v2;
	v3 =	vadd.s32 v5, v3;
	vm0 =	veq.s32 v4, $0x0  }
0x209: {  	v3 =	vsel vm0, v2, v3  }
0x20a: {  	[tilespmem:s16+$0xFFFFFFE0] =	vst v3  }
0x20b: {  	[tilespmem:s13+$0xFFFFFFE0] =	vst v2  }
0x20c: {  	v2 =	vld [tilespmem:s29+$0xFFFFFFF0]  }
0x20d: {  	v3 =	vld [tilespmem:s14+$0xFFFFFFF0]  }
0x20e: {  	v4 =	vld [tilespmem:s15+$0xFFFFFFF0];
	_ =	sdelay $0x2  }
0x20f: {  	s20 =	sadd.s32 $0xFFFFFFC0, s18;
	v2 =	vshll.u32 v2, $0x12  }
0x210: {  	v5 =	vor.u32 s20, v0;
	v3 =	vshll.u32 v3, $0x12  }
0x211: {  	v2 =	vadd.s32 v5, v2;
	v3 =	vadd.s32 v5, v3;
	vm0 =	veq.s32 v4, $0x0  }
0x212: {  	v3 =	vsel vm0, v2, v3  }
0x213: {  	[tilespmem:s16+$0xFFFFFFF0] =	vst v3  }
0x214: {  	[tilespmem:s13+$0xFFFFFFF0] =	vst v2  }
0x215: {  	v2 =	vld [tilespmem:s29+$0x0]  }
0x216: {  	v3 =	vld [tilespmem:s14+$0x0]  }
0x217: {  	v4 =	vld [tilespmem:s15+$0x0];
	_ =	sdelay $0x2  }
0x218: {  	s20 =	sadd.s32 $0xFFFFFFD0, s18;
	v2 =	vshll.u32 v2, $0x12  }
0x219: {  	v5 =	vor.u32 s20, v0;
	v3 =	vshll.u32 v3, $0x12  }
0x21a: {  	v2 =	vadd.s32 v5, v2;
	v3 =	vadd.s32 v5, v3;
	vm0 =	veq.s32 v4, $0x0  }
0x21b: {  	v3 =	vsel vm0, v2, v3  }
0x21c: {  	[tilespmem:s16+$0x0] =	vst v3  }
0x21d: {  	[tilespmem:s13+$0x0] =	vst v2  }
0x21e: {  	v2 =	vld [tilespmem:s14+$0x10]  }
0x21f: {  	v3 =	vld [tilespmem:s29+$0x10]  }
0x220: {  	v4 =	vld [tilespmem:s15+$0x10];
	_ =	sdelay $0x2  }
0x221: {  	s20 =	sadd.s32 $0xFFFFFFE0, s18;
	v2 =	vshll.u32 v2, $0x12  }
0x222: {  	v5 =	vor.u32 s20, v0;
	v3 =	vshll.u32 v3, $0x12  }
0x223: {  	v2 =	vadd.s32 v5, v2;
	v3 =	vadd.s32 v5, v3;
	vm0 =	veq.s32 v4, $0x0  }
0x224: {  	v2 =	vsel vm0, v3, v2  }
0x225: {  	[tilespmem:s16+$0x10] =	vst v2  }
0x226: {  	[tilespmem:s13+$0x10] =	vst v3  }
0x227: {  	v2 =	vld [tilespmem:s29+$0x20]  }
0x228: {  	v3 =	vld [tilespmem:s14+$0x20]  }
0x229: {  	v4 =	vld [tilespmem:s15+$0x20];
	_ =	sdelay $0x2  }
0x22a: {  	s20 =	sadd.s32 $0xFFFFFFF0, s18;
	v2 =	vshll.u32 v2, $0x12  }
0x22b: {  	v5 =	vor.u32 s20, v0;
	v3 =	vshll.u32 v3, $0x12  }
0x22c: {  	v2 =	vadd.s32 v5, v2;
	v3 =	vadd.s32 v5, v3;
	vm0 =	veq.s32 v4, $0x0  }
.Ltmp3:
0x22d: {  	v3 =	vsel vm0, v2, v3;
	(pc) =	sbr.rel @p0 .LBB2_8-.Ltmp3, $4  }
0x22e: {  	[tilespmem:s16+$0x20] =	vst v3  }
0x22f: {  	[tilespmem:s13+$0x20] =	vst v2  }
0x230: {  	s13 =	sadd.s32 $0x80, s13;
	v2 =	vld [tilespmem:s29+$0x30]  }
0x231: {  	s15 =	sadd.s32 $0x80, s15;
	s16 =	sadd.s32 $0x80, s16;
	v3 =	vld [tilespmem:s14+$0x30];
	s14 =	sadd.s32 $0x80, s14  }
0x232: {  	v4 =	vld [tilespmem:s10+$0x30];
	_ =	sdelay $0x3  }
0x233: {  	v5 =	vor.u32 s31, v0;
	v2 =	vshll.u32 v2, $0x12;
	v3 =	vshll.u32 v3, $0x12  }
0x234: {  	v2 =	vadd.s32 v5, v2;
	v3 =	vadd.s32 v5, v3;
	vm0 =	veq.s32 v4, $0x0  }
0x235: {  	v3 =	vsel vm0, v2, v3  }
0x236: {  	[tilespmem:s7+$0x30] =	vst v3  }
0x237: {  	s10 =	simm.s32 $0xC000;
	s11 =	simm.s32 $0x14000;
	[tilespmem:s8+$0x30] =	vst v2  }
0x238: {  	[tilespmem:s11], [sflag:$0x3] =	stream.indirect.gather [hbm4b:s26+s9], $0x1, s10, s9, $0xb8;
	[tilespmem:$0x1C080] =	vst v63  }
0x239: {  	s13 =	simm.s32 $0x10000;
	s14 =	simm.s32 $0x18000  }
0x23a: {  	[tilespmem:s14], [sflag:$0x5] =	stream.indirect.gather [hbm4b:s26+s9], $0x1, s13, s9, $0xb8;
	[tilespmem:$0x1C080] =	vst v63  }
0x23b: {  	s15 =	rddreg [dreg:$0xf]  }
0x23c: {  	[tilespmem:s1], [sflag:$0x1] =	stream.linear.gather [hbm4b:s15+s1], $0x2000, $0x38;
	[tilespmem:$0x1C080] =	vst v63  }
0x23d: {  	s16 =	rddreg [dreg:$0x10];
	s18 =	simm.s32 $0x4000  }
0x23e: {  	[tilespmem:s18], [sflag:$0x1] =	stream.linear.gather [hbm4b:s16+s1], $0x2000, $0x38;
	[tilespmem:$0x1C080] =	vst v63  }
0x23f: {  	s20 =	rddreg [dreg:$0x11];
	s29 =	simm.s32 $0x8000  }
0x240: {  	[tilespmem:s29], [sflag:$0x1] =	stream.linear.gather [hbm4b:s20+s1], $0x2000, $0x38;
	[tilespmem:$0x1C080] =	vst v63  }
0x241: {  	_ =	swait.ge [sflag:s25], $0x2000  }
0x242: {  	[sflag:s25] =	ssyncset.done $0x0  }
0x243: {  	[sflag:s25] =	ssyncadd.s32 $0xFFFFE000  }
0x244: {  	_ =	swait.ge [sflag:s28], $0x2000  }
0x245: {  	[sflag:s28] =	ssyncset.done $0x0  }
0x246: {  	s31 =	simm.s32 $0x16040;
	[sflag:s28] =	ssyncadd.s32 $0xFFFFE000  }
0x247: {  	s7 =	simm.s32 $0x1A040;
	v2 =	vld [tilespmem:s31+$0xFFFFFFC0]  }
0x248: {  	v3 =	vld [tilespmem:s7+$0xFFFFFFC0]  }
0x249: {  	v4 =	vld [tilespmem:s31+$0xFFFFFFD0]  }
0x24a: {  	v5 =	vld [tilespmem:s7+$0xFFFFFFD0]  }
0x24b: {  	v6 =	vld [tilespmem:s31+$0xFFFFFFE0]  }
0x24c: {  	v7 =	vld [tilespmem:s7+$0xFFFFFFE0]  }
0x24d: {  	v8 =	vld [tilespmem:s31+$0xFFFFFFF0];
	v2 =	vsub.f32 v2, v3  }
0x24e: {  	v3 =	vld [tilespmem:s7+$0xFFFFFFF0]  }
0x24f: {  	v9 =	vld [tilespmem:s31+$0x0];
	v1 =	vadd.f32 v2, v1;
	v2 =	vsub.f32 v4, v5  }
0x250: {  	v4 =	vld [tilespmem:s7+$0x0]  }
0x251: {  	v7 =	vsub.f32 v6, v7;
	v6 =	vld [tilespmem:s7+$0x10];
	v2 =	vadd.f32 v2, v1  }
0x252: {  	v5 =	vld [tilespmem:s31+$0x10]  }
0x253: {  	v1 =	vld [tilespmem:s31+$0x20];
	v8 =	vsub.f32 v8, v3;
	v7 =	vadd.f32 v7, v2  }
0x254: {  	v3 =	vld [tilespmem:s7+$0x20]  }
0x255: {  	v2 =	vld [tilespmem:s31+$0x30];
	v7 =	vadd.f32 v8, v7;
	v8 =	vsub.f32 v9, v4  }
0x256: {  	s8 =	simm.s32 $0x0;
	s10 =	simm.s32 $0x160C0;
	v4 =	vld [tilespmem:s7+$0x30]  }
.LBB2_10:
0x257: {  	v9 =	vld [tilespmem:s10+$0xFFFFFFC0];
	v7 =	vadd.f32 v8, v7;
	v5 =	vsub.f32 v5, v6;
	s7 =	sadd.s32 $0x80, s7  }
0x258: {  	s8 =	sadd.s32 $0x8, s8;
	v6 =	vld [tilespmem:s7+$0xFFFFFFC0]  }
0x259: {  	p0 =	slt.u32 s8, $0x1F8;
	v8 =	vld [tilespmem:s10+$0xFFFFFFD0];
	v5 =	vadd.f32 v5, v7;
	v1 =	vsub.f32 v1, v3  }
0x25a: {  	v3 =	vld [tilespmem:s7+$0xFFFFFFD0]  }
0x25b: {  	v7 =	vld [tilespmem:s10+$0xFFFFFFE0];
	v1 =	vadd.f32 v1, v5;
	v2 =	vsub.f32 v2, v4  }
0x25c: {  	v4 =	vld [tilespmem:s7+$0xFFFFFFE0]  }
0x25d: {  	v5 =	vsub.f32 v9, v6;
	v9 =	vld [tilespmem:s10+$0xFFFFFFF0];
	v1 =	vadd.f32 v2, v1  }
0x25e: {  	v2 =	vld [tilespmem:s7+$0xFFFFFFF0]  }
0x25f: {  	v1 =	vadd.f32 v5, v1;
	v3 =	vsub.f32 v8, v3;
	v8 =	vld [tilespmem:s10+$0x0]  }
0x260: {  	v10 =	vld [tilespmem:s7+$0x0]  }
0x261: {  	v1 =	vadd.f32 v3, v1;
	v3 =	vsub.f32 v7, v4;
	v5 =	vld [tilespmem:s10+$0x10]  }
.Ltmp4:
0x262: {  	v6 =	vld [tilespmem:s7+$0x10];
	(pc) =	sbr.rel @p0 .LBB2_10-.Ltmp4, $4  }
0x263: {  	v4 =	vadd.f32 v3, v1;
	v2 =	vsub.f32 v9, v2;
	v1 =	vld [tilespmem:s10+$0x20]  }
0x264: {  	v3 =	vld [tilespmem:s7+$0x20]  }
0x265: {  	v7 =	vadd.f32 v2, v4;
	v8 =	vsub.f32 v8, v10;
	v2 =	vld [tilespmem:s10+$0x30]  }
0x266: {  	s10 =	sadd.s32 $0x80, s10;
	v4 =	vld [tilespmem:s7+$0x30]  }
0x267: {  	_ =	swait.ge [sflag:s17], $0x2000  }
0x268: {  	[sflag:s17] =	ssyncset.done $0x0  }
0x269: {  	[sflag:s17] =	ssyncadd.s32 $0xFFFFE000  }
0x26a: {  	_ =	swait.ge [sflag:s17], $0x2000  }
0x26b: {  	[sflag:s17] =	ssyncset.done $0x0  }
0x26c: {  	[sflag:s17] =	ssyncadd.s32 $0xFFFFE000  }
0x26d: {  	_ =	swait.ge [sflag:s17], $0x2000  }
0x26e: {  	[sflag:s17] =	ssyncset.done $0x0  }
0x26f: {  	s29 =	simm.s32 $0x6040;
	[sflag:s17] =	ssyncadd.s32 $0xFFFFE000  }
0x270: {  	s14 =	simm.s32 $0x2040;
	v9 =	vld [tilespmem:s29+$0xFFFFFFC0]  }
0x271: {  	s10 =	simm.s32 $0xA040;
	v10 =	vld [tilespmem:s14+$0xFFFFFFC0]  }
0x272: {  	v11 =	vld [tilespmem:s10+$0xFFFFFFC0];
	_ =	sdelay $0x2  }
0x273: {  	s7 =	sadd.s32 $0xFFFFFF90, s2  }
0x274: {  	v12 =	vor.u32 s7, v0;
	v9 =	vshll.u32 v9, $0x12;
	v10 =	vshll.u32 v10, $0x12  }
0x275: {  	vm0 =	veq.s32 v11, $0x0;
	v9 =	vadd.s32 v12, v9;
	v10 =	vadd.s32 v12, v10  }
0x276: {  	s7 =	simm.s32 $0xE040;
	v10 =	vsel vm0, v9, v10  }
0x277: {  	s8 =	simm.s32 $0x12040;
	[tilespmem:s7+$0xFFFFFFC0] =	vst v10  }
0x278: {  	[tilespmem:s8+$0xFFFFFFC0] =	vst v9  }
0x279: {  	v9 =	vld [tilespmem:s29+$0xFFFFFFD0]  }
0x27a: {  	v10 =	vld [tilespmem:s14+$0xFFFFFFD0]  }
0x27b: {  	v50 =	vld [tilespmem:s10+$0xFFFFFFD0];
	_ =	sdelay $0x2  }
0x27c: {  	s11 =	sadd.s32 $0xFFFFFFA0, s2  }
0x27d: {  	v51 =	vor.u32 s11, v0;
	v9 =	vshll.u32 v9, $0x12;
	v10 =	vshll.u32 v10, $0x12  }
0x27e: {  	vm10 =	veq.s32 v50, $0x0;
	v9 =	vadd.s32 v51, v9;
	v10 =	vadd.s32 v51, v10  }
0x27f: {  	v10 =	vsel vm10, v9, v10  }
0x280: {  	[tilespmem:s7+$0xFFFFFFD0] =	vst v10  }
0x281: {  	[tilespmem:s8+$0xFFFFFFD0] =	vst v9  }
0x282: {  	v9 =	vld [tilespmem:s29+$0xFFFFFFE0]  }
0x283: {  	v10 =	vld [tilespmem:s14+$0xFFFFFFE0]  }
0x284: {  	v52 =	vld [tilespmem:s10+$0xFFFFFFE0];
	_ =	sdelay $0x2  }
0x285: {  	s13 =	sadd.s32 $0xFFFFFFB0, s2  }
0x286: {  	v53 =	vor.u32 s13, v0;
	v9 =	vshll.u32 v9, $0x12;
	v10 =	vshll.u32 v10, $0x12  }
0x287: {  	vm11 =	veq.s32 v52, $0x0;
	v9 =	vadd.s32 v53, v9;
	v10 =	vadd.s32 v53, v10  }
0x288: {  	v10 =	vsel vm11, v9, v10  }
0x289: {  	[tilespmem:s7+$0xFFFFFFE0] =	vst v10  }
0x28a: {  	[tilespmem:s8+$0xFFFFFFE0] =	vst v9  }
0x28b: {  	v9 =	vld [tilespmem:s29+$0xFFFFFFF0]  }
0x28c: {  	v10 =	vld [tilespmem:s14+$0xFFFFFFF0]  }
0x28d: {  	v54 =	vld [tilespmem:s10+$0xFFFFFFF0];
	_ =	sdelay $0x2  }
0x28e: {  	s15 =	sadd.s32 $0xFFFFFFC0, s2  }
0x28f: {  	v55 =	vor.u32 s15, v0;
	v9 =	vshll.u32 v9, $0x12;
	v10 =	vshll.u32 v10, $0x12  }
0x290: {  	vm12 =	veq.s32 v54, $0x0;
	v9 =	vadd.s32 v55, v9;
	v10 =	vadd.s32 v55, v10  }
0x291: {  	v10 =	vsel vm12, v9, v10  }
0x292: {  	[tilespmem:s7+$0xFFFFFFF0] =	vst v10  }
0x293: {  	[tilespmem:s8+$0xFFFFFFF0] =	vst v9  }
0x294: {  	v9 =	vld [tilespmem:s29+$0x0]  }
0x295: {  	v10 =	vld [tilespmem:s14+$0x0]  }
0x296: {  	v56 =	vld [tilespmem:s10+$0x0];
	_ =	sdelay $0x2  }
0x297: {  	s16 =	sadd.s32 $0xFFFFFFD0, s2  }
0x298: {  	v57 =	vor.u32 s16, v0;
	v9 =	vshll.u32 v9, $0x12;
	v10 =	vshll.u32 v10, $0x12  }
0x299: {  	vm13 =	veq.s32 v56, $0x0;
	v9 =	vadd.s32 v57, v9;
	v10 =	vadd.s32 v57, v10  }
0x29a: {  	v10 =	vsel vm13, v9, v10  }
0x29b: {  	[tilespmem:s7+$0x0] =	vst v10  }
0x29c: {  	[tilespmem:s8+$0x0] =	vst v9  }
0x29d: {  	v9 =	vld [tilespmem:s14+$0x10]  }
0x29e: {  	v10 =	vld [tilespmem:s29+$0x10]  }
0x29f: {  	v58 =	vld [tilespmem:s10+$0x10];
	_ =	sdelay $0x2  }
0x2a0: {  	s18 =	sadd.s32 $0xFFFFFFE0, s2  }
0x2a1: {  	v59 =	vor.u32 s18, v0;
	v9 =	vshll.u32 v9, $0x12;
	v10 =	vshll.u32 v10, $0x12  }
0x2a2: {  	vm14 =	veq.s32 v58, $0x0;
	v10 =	vadd.s32 v59, v10;
	v9 =	vadd.s32 v59, v9  }
0x2a3: {  	v9 =	vsel vm14, v10, v9  }
0x2a4: {  	[tilespmem:s7+$0x10] =	vst v9  }
0x2a5: {  	[tilespmem:s8+$0x10] =	vst v10  }
0x2a6: {  	v9 =	vld [tilespmem:s29+$0x20]  }
0x2a7: {  	v10 =	vld [tilespmem:s14+$0x20]  }
0x2a8: {  	v60 =	vld [tilespmem:s10+$0x20];
	_ =	sdelay $0x2  }
0x2a9: {  	v7 =	vadd.f32 v8, v7;
	v5 =	vsub.f32 v5, v6;
	s20 =	sadd.s32 $0xFFFFFFF0, s2  }
0x2aa: {  	v62 =	vor.u32 s20, v0;
	v61 =	vshll.u32 v9, $0x12;
	v63 =	vshll.u32 v10, $0x12  }
0x2ab: {  	vm15 =	veq.s32 v60, $0x0;
	v6 =	vadd.s32 v62, v61;
	v8 =	vadd.s32 v62, v63  }
0x2ac: {  	v5 =	vadd.f32 v5, v7;
	v1 =	vsub.f32 v1, v3;
	v3 =	vsel vm15, v6, v8  }
0x2ad: {  	[tilespmem:s7+$0x20] =	vst v3  }
0x2ae: {  	s31 =	smov.u32 s2;
	v1 =	vadd.f32 v1, v5;
	v3 =	vsub.f32 v2, v4;
	[tilespmem:s8+$0x20] =	vst v6  }
0x2af: {  	s11 =	simm.s32 $0x0;
	s13 =	simm.s32 $0x120C0;
	s15 =	simm.s32 $0xA0C0;
	v2 =	vld [tilespmem:s29+$0x30]  }
0x2b0: {  	s16 =	simm.s32 $0xE0C0;
	s18 =	smov.u32 s2;
	v1 =	vadd.f32 v3, v1;
	v3 =	vld [tilespmem:s14+$0x30];
	s14 =	simm.s32 $0x20C0  }
.LBB2_12:
0x2b1: {  	s11 =	sadd.s32 $0x8, s11;
	v4 =	vld [tilespmem:s10+$0x30];
	s18 =	sadd.s32 $0x80, s18;
	s29 =	sadd.s32 $0x80, s29  }
0x2b2: {  	s10 =	smov.u32 s15;
	p0 =	slt.u32 s11, $0x1F8;
	_ =	sdelay $0x1  }
0x2b3: {  	v2 =	vshll.u32 v2, $0x12  }
0x2b4: {  	v5 =	vor.u32 s31, v0;
	s31 =	smov.u32 s18;
	v3 =	vshll.u32 v3, $0x12  }
0x2b5: {  	v2 =	vadd.s32 v5, v2;
	v3 =	vadd.s32 v5, v3;
	vm0 =	veq.s32 v4, $0x0  }
0x2b6: {  	v3 =	vsel vm0, v2, v3  }
0x2b7: {  	[tilespmem:s7+$0x30] =	vst v3;
	s7 =	smov.u32 s16  }
0x2b8: {  	[tilespmem:s8+$0x30] =	vst v2;
	s8 =	smov.u32 s13  }
0x2b9: {  	v2 =	vld [tilespmem:s15+$0xFFFFFFC0]  }
0x2ba: {  	v3 =	vld [tilespmem:s29+$0xFFFFFFC0]  }
0x2bb: {  	v4 =	vld [tilespmem:s14+$0xFFFFFFC0];
	_ =	sdelay $0x2  }
0x2bc: {  	s20 =	sadd.s32 $0xFFFFFF90, s18  }
0x2bd: {  	v5 =	vor.u32 s20, v0;
	v3 =	vshll.u32 v3, $0x12  }
0x2be: {  	vm0 =	veq.s32 v2, $0x0;
	v3 =	vadd.s32 v5, v3;
	v4 =	vshll.u32 v4, $0x12  }
0x2bf: {  	v2 =	vadd.s32 v5, v4  }
0x2c0: {  	v2 =	vsel vm0, v3, v2  }
0x2c1: {  	[tilespmem:s16+$0xFFFFFFC0] =	vst v2  }
0x2c2: {  	[tilespmem:s13+$0xFFFFFFC0] =	vst v3  }
0x2c3: {  	v2 =	vld [tilespmem:s29+$0xFFFFFFD0]  }
0x2c4: {  	v3 =	vld [tilespmem:s14+$0xFFFFFFD0]  }
0x2c5: {  	v4 =	vld [tilespmem:s15+$0xFFFFFFD0];
	_ =	sdelay $0x2  }
0x2c6: {  	s20 =	sadd.s32 $0xFFFFFFA0, s18;
	v2 =	vshll.u32 v2, $0x12  }
0x2c7: {  	v5 =	vor.u32 s20, v0;
	v3 =	vshll.u32 v3, $0x12  }
0x2c8: {  	v2 =	vadd.s32 v5, v2;
	v3 =	vadd.s32 v5, v3;
	vm0 =	veq.s32 v4, $0x0  }
0x2c9: {  	v3 =	vsel vm0, v2, v3  }
0x2ca: {  	[tilespmem:s16+$0xFFFFFFD0] =	vst v3  }
0x2cb: {  	[tilespmem:s13+$0xFFFFFFD0] =	vst v2  }
0x2cc: {  	v2 =	vld [tilespmem:s29+$0xFFFFFFE0]  }
0x2cd: {  	v3 =	vld [tilespmem:s14+$0xFFFFFFE0]  }
0x2ce: {  	v4 =	vld [tilespmem:s15+$0xFFFFFFE0];
	_ =	sdelay $0x2  }
0x2cf: {  	s20 =	sadd.s32 $0xFFFFFFB0, s18;
	v2 =	vshll.u32 v2, $0x12  }
0x2d0: {  	v5 =	vor.u32 s20, v0;
	v3 =	vshll.u32 v3, $0x12  }
0x2d1: {  	v2 =	vadd.s32 v5, v2;
	v3 =	vadd.s32 v5, v3;
	vm0 =	veq.s32 v4, $0x0  }
0x2d2: {  	v3 =	vsel vm0, v2, v3  }
0x2d3: {  	[tilespmem:s16+$0xFFFFFFE0] =	vst v3  }
0x2d4: {  	[tilespmem:s13+$0xFFFFFFE0] =	vst v2  }
0x2d5: {  	v2 =	vld [tilespmem:s29+$0xFFFFFFF0]  }
0x2d6: {  	v3 =	vld [tilespmem:s14+$0xFFFFFFF0]  }
0x2d7: {  	v4 =	vld [tilespmem:s15+$0xFFFFFFF0];
	_ =	sdelay $0x2  }
0x2d8: {  	s20 =	sadd.s32 $0xFFFFFFC0, s18;
	v2 =	vshll.u32 v2, $0x12  }
0x2d9: {  	v5 =	vor.u32 s20, v0;
	v3 =	vshll.u32 v3, $0x12  }
0x2da: {  	v2 =	vadd.s32 v5, v2;
	v3 =	vadd.s32 v5, v3;
	vm0 =	veq.s32 v4, $0x0  }
0x2db: {  	v3 =	vsel vm0, v2, v3  }
0x2dc: {  	[tilespmem:s16+$0xFFFFFFF0] =	vst v3  }
0x2dd: {  	[tilespmem:s13+$0xFFFFFFF0] =	vst v2  }
0x2de: {  	v2 =	vld [tilespmem:s29+$0x0]  }
0x2df: {  	v3 =	vld [tilespmem:s14+$0x0]  }
0x2e0: {  	v4 =	vld [tilespmem:s15+$0x0];
	_ =	sdelay $0x2  }
0x2e1: {  	s20 =	sadd.s32 $0xFFFFFFD0, s18;
	v2 =	vshll.u32 v2, $0x12  }
0x2e2: {  	v5 =	vor.u32 s20, v0;
	v3 =	vshll.u32 v3, $0x12  }
0x2e3: {  	v2 =	vadd.s32 v5, v2;
	v3 =	vadd.s32 v5, v3;
	vm0 =	veq.s32 v4, $0x0  }
0x2e4: {  	v3 =	vsel vm0, v2, v3  }
0x2e5: {  	[tilespmem:s16+$0x0] =	vst v3  }
0x2e6: {  	[tilespmem:s13+$0x0] =	vst v2  }
0x2e7: {  	v2 =	vld [tilespmem:s14+$0x10]  }
0x2e8: {  	v3 =	vld [tilespmem:s29+$0x10]  }
0x2e9: {  	v4 =	vld [tilespmem:s15+$0x10];
	_ =	sdelay $0x2  }
0x2ea: {  	s20 =	sadd.s32 $0xFFFFFFE0, s18;
	v2 =	vshll.u32 v2, $0x12  }
0x2eb: {  	v5 =	vor.u32 s20, v0;
	v3 =	vshll.u32 v3, $0x12  }
0x2ec: {  	v2 =	vadd.s32 v5, v2;
	v3 =	vadd.s32 v5, v3;
	vm0 =	veq.s32 v4, $0x0  }
0x2ed: {  	v2 =	vsel vm0, v3, v2  }
0x2ee: {  	[tilespmem:s16+$0x10] =	vst v2  }
0x2ef: {  	[tilespmem:s13+$0x10] =	vst v3  }
0x2f0: {  	v2 =	vld [tilespmem:s29+$0x20]  }
0x2f1: {  	v3 =	vld [tilespmem:s14+$0x20]  }
0x2f2: {  	v4 =	vld [tilespmem:s15+$0x20];
	_ =	sdelay $0x2  }
0x2f3: {  	s20 =	sadd.s32 $0xFFFFFFF0, s18;
	v2 =	vshll.u32 v2, $0x12  }
0x2f4: {  	v5 =	vor.u32 s20, v0;
	v3 =	vshll.u32 v3, $0x12  }
0x2f5: {  	v2 =	vadd.s32 v5, v2;
	v3 =	vadd.s32 v5, v3;
	vm0 =	veq.s32 v4, $0x0  }
.Ltmp5:
0x2f6: {  	v3 =	vsel vm0, v2, v3;
	(pc) =	sbr.rel @p0 .LBB2_12-.Ltmp5, $4  }
0x2f7: {  	[tilespmem:s16+$0x20] =	vst v3  }
0x2f8: {  	[tilespmem:s13+$0x20] =	vst v2  }
0x2f9: {  	s13 =	sadd.s32 $0x80, s13;
	v2 =	vld [tilespmem:s29+$0x30]  }
0x2fa: {  	s15 =	sadd.s32 $0x80, s15;
	s16 =	sadd.s32 $0x80, s16;
	v3 =	vld [tilespmem:s14+$0x30];
	s14 =	sadd.s32 $0x80, s14  }
0x2fb: {  	v4 =	vld [tilespmem:s10+$0x30];
	_ =	sdelay $0x3  }
0x2fc: {  	v5 =	vor.u32 s31, v0;
	v2 =	vshll.u32 v2, $0x12;
	v3 =	vshll.u32 v3, $0x12  }
0x2fd: {  	v2 =	vadd.s32 v5, v2;
	v3 =	vadd.s32 v5, v3;
	vm0 =	veq.s32 v4, $0x0  }
0x2fe: {  	v3 =	vsel vm0, v2, v3  }
0x2ff: {  	[tilespmem:s7+$0x30] =	vst v3  }
0x300: {  	s11 =	simm.s32 $0xE000;
	s13 =	simm.s32 $0x16000;
	[tilespmem:s8+$0x30] =	vst v2  }
0x301: {  	[tilespmem:s13], [sflag:$0x4] =	stream.indirect.gather [hbm4b:s26+s9], $0x1, s11, s9, $0xb8;
	[tilespmem:$0x1C080] =	vst v63  }
0x302: {  	s14 =	simm.s32 $0x12000  }
0x303: {  	[tilespmem:s21], [sflag:$0x6] =	stream.indirect.gather [hbm4b:s26+s9], $0x1, s14, s9, $0xb8;
	[tilespmem:$0x1C080] =	vst v63  }
0x304: {  	s15 =	rddreg [dreg:$0x12]  }
0x305: {  	[tilespmem:s9], [sflag:$0x2] =	stream.linear.gather [hbm4b:s15+s1], $0x2000, $0x38;
	[tilespmem:$0x1C080] =	vst v63  }
0x306: {  	s16 =	rddreg [dreg:$0x13];
	s18 =	simm.s32 $0x6000  }
0x307: {  	[tilespmem:s18], [sflag:$0x2] =	stream.linear.gather [hbm4b:s16+s1], $0x2000, $0x38;
	[tilespmem:$0x1C080] =	vst v63  }
0x308: {  	s20 =	rddreg [dreg:$0x14];
	s29 =	simm.s32 $0xA000  }
0x309: {  	[tilespmem:s29], [sflag:$0x2] =	stream.linear.gather [hbm4b:s20+s1], $0x2000, $0x38;
	[tilespmem:$0x1C080] =	vst v63  }
0x30a: {  	_ =	swait.ge [sflag:s22], $0x2000  }
0x30b: {  	[sflag:s22] =	ssyncset.done $0x0  }
0x30c: {  	[sflag:s22] =	ssyncadd.s32 $0xFFFFE000  }
0x30d: {  	_ =	swait.ge [sflag:s24], $0x2000  }
0x30e: {  	[sflag:s24] =	ssyncset.done $0x0  }
0x30f: {  	s31 =	simm.s32 $0x14040;
	[sflag:s24] =	ssyncadd.s32 $0xFFFFE000  }
0x310: {  	s7 =	simm.s32 $0x18040;
	v2 =	vld [tilespmem:s31+$0xFFFFFFC0]  }
0x311: {  	v3 =	vld [tilespmem:s7+$0xFFFFFFC0]  }
0x312: {  	v4 =	vld [tilespmem:s31+$0xFFFFFFD0]  }
0x313: {  	v5 =	vld [tilespmem:s7+$0xFFFFFFD0]  }
0x314: {  	v6 =	vld [tilespmem:s31+$0xFFFFFFE0]  }
0x315: {  	v7 =	vld [tilespmem:s7+$0xFFFFFFE0]  }
0x316: {  	v8 =	vld [tilespmem:s31+$0xFFFFFFF0];
	v2 =	vsub.f32 v2, v3  }
0x317: {  	v3 =	vld [tilespmem:s7+$0xFFFFFFF0]  }
0x318: {  	v9 =	vld [tilespmem:s31+$0x0];
	v1 =	vadd.f32 v2, v1;
	v2 =	vsub.f32 v4, v5  }
0x319: {  	v4 =	vld [tilespmem:s7+$0x0]  }
0x31a: {  	v7 =	vsub.f32 v6, v7;
	v6 =	vld [tilespmem:s7+$0x10];
	v2 =	vadd.f32 v2, v1  }
0x31b: {  	v5 =	vld [tilespmem:s31+$0x10]  }
0x31c: {  	v1 =	vld [tilespmem:s31+$0x20];
	v8 =	vsub.f32 v8, v3;
	v7 =	vadd.f32 v7, v2  }
0x31d: {  	v3 =	vld [tilespmem:s7+$0x20]  }
0x31e: {  	v2 =	vld [tilespmem:s31+$0x30];
	v7 =	vadd.f32 v8, v7;
	v8 =	vsub.f32 v9, v4  }
0x31f: {  	s10 =	simm.s32 $0x140C0;
	s8 =	simm.s32 $0x0;
	v4 =	vld [tilespmem:s7+$0x30]  }
.LBB2_14:
0x320: {  	v9 =	vld [tilespmem:s10+$0xFFFFFFC0];
	v7 =	vadd.f32 v8, v7;
	v5 =	vsub.f32 v5, v6;
	s7 =	sadd.s32 $0x80, s7  }
0x321: {  	s8 =	sadd.s32 $0x8, s8;
	v6 =	vld [tilespmem:s7+$0xFFFFFFC0]  }
0x322: {  	p0 =	slt.u32 s8, $0x1F8;
	v8 =	vld [tilespmem:s10+$0xFFFFFFD0];
	v5 =	vadd.f32 v5, v7;
	v1 =	vsub.f32 v1, v3  }
0x323: {  	v3 =	vld [tilespmem:s7+$0xFFFFFFD0]  }
0x324: {  	v7 =	vld [tilespmem:s10+$0xFFFFFFE0];
	v1 =	vadd.f32 v1, v5;
	v2 =	vsub.f32 v2, v4  }
0x325: {  	v4 =	vld [tilespmem:s7+$0xFFFFFFE0]  }
0x326: {  	v5 =	vsub.f32 v9, v6;
	v9 =	vld [tilespmem:s10+$0xFFFFFFF0];
	v1 =	vadd.f32 v2, v1  }
0x327: {  	v2 =	vld [tilespmem:s7+$0xFFFFFFF0]  }
0x328: {  	v1 =	vadd.f32 v5, v1;
	v3 =	vsub.f32 v8, v3;
	v8 =	vld [tilespmem:s10+$0x0]  }
0x329: {  	v10 =	vld [tilespmem:s7+$0x0]  }
0x32a: {  	v1 =	vadd.f32 v3, v1;
	v3 =	vsub.f32 v7, v4;
	v5 =	vld [tilespmem:s10+$0x10]  }
.Ltmp6:
0x32b: {  	v6 =	vld [tilespmem:s7+$0x10];
	(pc) =	sbr.rel @p0 .LBB2_14-.Ltmp6, $4  }
0x32c: {  	v4 =	vadd.f32 v3, v1;
	v2 =	vsub.f32 v9, v2;
	v1 =	vld [tilespmem:s10+$0x20]  }
0x32d: {  	v3 =	vld [tilespmem:s7+$0x20]  }
0x32e: {  	v7 =	vadd.f32 v2, v4;
	v8 =	vsub.f32 v8, v10;
	v2 =	vld [tilespmem:s10+$0x30]  }
0x32f: {  	s10 =	sadd.s32 $0x80, s10;
	v4 =	vld [tilespmem:s7+$0x30]  }
0x330: {  	_ =	swait.ge [sflag:s12], $0x2000  }
0x331: {  	[sflag:s12] =	ssyncset.done $0x0  }
0x332: {  	[sflag:s12] =	ssyncadd.s32 $0xFFFFE000  }
0x333: {  	_ =	swait.ge [sflag:s12], $0x2000  }
0x334: {  	[sflag:s12] =	ssyncset.done $0x0  }
0x335: {  	[sflag:s12] =	ssyncadd.s32 $0xFFFFE000  }
0x336: {  	_ =	swait.ge [sflag:s12], $0x2000  }
0x337: {  	[sflag:s12] =	ssyncset.done $0x0  }
0x338: {  	s29 =	simm.s32 $0x4040;
	[sflag:s12] =	ssyncadd.s32 $0xFFFFE000  }
0x339: {  	s14 =	simm.s32 $0x40;
	v9 =	vld [tilespmem:s29+$0xFFFFFFC0]  }
0x33a: {  	s10 =	simm.s32 $0x8040;
	v10 =	vld [tilespmem:s14+$0xFFFFFFC0]  }
0x33b: {  	v11 =	vld [tilespmem:s10+$0xFFFFFFC0];
	_ =	sdelay $0x2  }
0x33c: {  	s7 =	sadd.s32 $0xFFFFFF90, s3  }
0x33d: {  	v12 =	vor.u32 s7, v0;
	v9 =	vshll.u32 v9, $0x12;
	v10 =	vshll.u32 v10, $0x12  }
0x33e: {  	vm0 =	veq.s32 v11, $0x0;
	v9 =	vadd.s32 v12, v9;
	v10 =	vadd.s32 v12, v10  }
0x33f: {  	s7 =	simm.s32 $0xC040;
	v10 =	vsel vm0, v9, v10  }
0x340: {  	s8 =	simm.s32 $0x10040;
	[tilespmem:s7+$0xFFFFFFC0] =	vst v10  }
0x341: {  	[tilespmem:s8+$0xFFFFFFC0] =	vst v9  }
0x342: {  	v9 =	vld [tilespmem:s29+$0xFFFFFFD0]  }
0x343: {  	v10 =	vld [tilespmem:s14+$0xFFFFFFD0]  }
0x344: {  	v50 =	vld [tilespmem:s10+$0xFFFFFFD0];
	_ =	sdelay $0x2  }
0x345: {  	s11 =	sadd.s32 $0xFFFFFFA0, s3  }
0x346: {  	v51 =	vor.u32 s11, v0;
	v9 =	vshll.u32 v9, $0x12;
	v10 =	vshll.u32 v10, $0x12  }
0x347: {  	vm10 =	veq.s32 v50, $0x0;
	v9 =	vadd.s32 v51, v9;
	v10 =	vadd.s32 v51, v10  }
0x348: {  	v10 =	vsel vm10, v9, v10  }
0x349: {  	[tilespmem:s7+$0xFFFFFFD0] =	vst v10  }
0x34a: {  	[tilespmem:s8+$0xFFFFFFD0] =	vst v9  }
0x34b: {  	v9 =	vld [tilespmem:s29+$0xFFFFFFE0]  }
0x34c: {  	v10 =	vld [tilespmem:s14+$0xFFFFFFE0]  }
0x34d: {  	v52 =	vld [tilespmem:s10+$0xFFFFFFE0];
	_ =	sdelay $0x2  }
0x34e: {  	s13 =	sadd.s32 $0xFFFFFFB0, s3  }
0x34f: {  	v53 =	vor.u32 s13, v0;
	v9 =	vshll.u32 v9, $0x12;
	v10 =	vshll.u32 v10, $0x12  }
0x350: {  	vm11 =	veq.s32 v52, $0x0;
	v9 =	vadd.s32 v53, v9;
	v10 =	vadd.s32 v53, v10  }
0x351: {  	v10 =	vsel vm11, v9, v10  }
0x352: {  	[tilespmem:s7+$0xFFFFFFE0] =	vst v10  }
0x353: {  	[tilespmem:s8+$0xFFFFFFE0] =	vst v9  }
0x354: {  	v9 =	vld [tilespmem:s29+$0xFFFFFFF0]  }
0x355: {  	v10 =	vld [tilespmem:s14+$0xFFFFFFF0]  }
0x356: {  	v54 =	vld [tilespmem:s10+$0xFFFFFFF0];
	_ =	sdelay $0x2  }
0x357: {  	s15 =	sadd.s32 $0xFFFFFFC0, s3  }
0x358: {  	v55 =	vor.u32 s15, v0;
	v9 =	vshll.u32 v9, $0x12;
	v10 =	vshll.u32 v10, $0x12  }
0x359: {  	vm12 =	veq.s32 v54, $0x0;
	v9 =	vadd.s32 v55, v9;
	v10 =	vadd.s32 v55, v10  }
0x35a: {  	v10 =	vsel vm12, v9, v10  }
0x35b: {  	[tilespmem:s7+$0xFFFFFFF0] =	vst v10  }
0x35c: {  	[tilespmem:s8+$0xFFFFFFF0] =	vst v9  }
0x35d: {  	v9 =	vld [tilespmem:s29+$0x0]  }
0x35e: {  	v10 =	vld [tilespmem:s14+$0x0]  }
0x35f: {  	v56 =	vld [tilespmem:s10+$0x0];
	_ =	sdelay $0x2  }
0x360: {  	s16 =	sadd.s32 $0xFFFFFFD0, s3  }
0x361: {  	v57 =	vor.u32 s16, v0;
	v9 =	vshll.u32 v9, $0x12;
	v10 =	vshll.u32 v10, $0x12  }
0x362: {  	vm13 =	veq.s32 v56, $0x0;
	v9 =	vadd.s32 v57, v9;
	v10 =	vadd.s32 v57, v10  }
0x363: {  	v10 =	vsel vm13, v9, v10  }
0x364: {  	[tilespmem:s7+$0x0] =	vst v10  }
0x365: {  	[tilespmem:s8+$0x0] =	vst v9  }
0x366: {  	v9 =	vld [tilespmem:s14+$0x10]  }
0x367: {  	v10 =	vld [tilespmem:s29+$0x10]  }
0x368: {  	v58 =	vld [tilespmem:s10+$0x10];
	_ =	sdelay $0x2  }
0x369: {  	s18 =	sadd.s32 $0xFFFFFFE0, s3  }
0x36a: {  	v59 =	vor.u32 s18, v0;
	v9 =	vshll.u32 v9, $0x12;
	v10 =	vshll.u32 v10, $0x12  }
0x36b: {  	vm14 =	veq.s32 v58, $0x0;
	v10 =	vadd.s32 v59, v10;
	v9 =	vadd.s32 v59, v9  }
0x36c: {  	v9 =	vsel vm14, v10, v9  }
0x36d: {  	[tilespmem:s7+$0x10] =	vst v9  }
0x36e: {  	[tilespmem:s8+$0x10] =	vst v10  }
0x36f: {  	v9 =	vld [tilespmem:s29+$0x20]  }
0x370: {  	v10 =	vld [tilespmem:s14+$0x20]  }
0x371: {  	v60 =	vld [tilespmem:s10+$0x20];
	_ =	sdelay $0x2  }
0x372: {  	v7 =	vadd.f32 v8, v7;
	v5 =	vsub.f32 v5, v6;
	s20 =	sadd.s32 $0xFFFFFFF0, s3  }
0x373: {  	v62 =	vor.u32 s20, v0;
	v61 =	vshll.u32 v9, $0x12;
	v63 =	vshll.u32 v10, $0x12  }
0x374: {  	vm15 =	veq.s32 v60, $0x0;
	v6 =	vadd.s32 v62, v61;
	v8 =	vadd.s32 v62, v63  }
0x375: {  	v5 =	vadd.f32 v5, v7;
	v1 =	vsub.f32 v1, v3;
	v3 =	vsel vm15, v6, v8  }
0x376: {  	[tilespmem:s7+$0x20] =	vst v3  }
0x377: {  	s31 =	smov.u32 s3;
	v1 =	vadd.f32 v1, v5;
	v3 =	vsub.f32 v2, v4;
	[tilespmem:s8+$0x20] =	vst v6  }
0x378: {  	s11 =	simm.s32 $0x0;
	s13 =	simm.s32 $0x100C0;
	s15 =	simm.s32 $0x80C0;
	v2 =	vld [tilespmem:s29+$0x30]  }
0x379: {  	s16 =	simm.s32 $0xC0C0;
	s18 =	smov.u32 s3;
	v1 =	vadd.f32 v3, v1;
	v3 =	vld [tilespmem:s14+$0x30];
	s14 =	simm.s32 $0xC0  }
.LBB2_16:
0x37a: {  	s11 =	sadd.s32 $0x8, s11;
	v4 =	vld [tilespmem:s10+$0x30];
	s18 =	sadd.s32 $0x80, s18;
	s29 =	sadd.s32 $0x80, s29  }
0x37b: {  	s10 =	smov.u32 s15;
	p0 =	slt.u32 s11, $0x1F8;
	_ =	sdelay $0x1  }
0x37c: {  	v2 =	vshll.u32 v2, $0x12  }
0x37d: {  	v5 =	vor.u32 s31, v0;
	s31 =	smov.u32 s18;
	v3 =	vshll.u32 v3, $0x12  }
0x37e: {  	v2 =	vadd.s32 v5, v2;
	v3 =	vadd.s32 v5, v3;
	vm0 =	veq.s32 v4, $0x0  }
0x37f: {  	v3 =	vsel vm0, v2, v3  }
0x380: {  	[tilespmem:s7+$0x30] =	vst v3;
	s7 =	smov.u32 s16  }
0x381: {  	[tilespmem:s8+$0x30] =	vst v2;
	s8 =	smov.u32 s13  }
0x382: {  	v2 =	vld [tilespmem:s15+$0xFFFFFFC0]  }
0x383: {  	v3 =	vld [tilespmem:s29+$0xFFFFFFC0]  }
0x384: {  	v4 =	vld [tilespmem:s14+$0xFFFFFFC0];
	_ =	sdelay $0x2  }
0x385: {  	s20 =	sadd.s32 $0xFFFFFF90, s18  }
0x386: {  	v5 =	vor.u32 s20, v0;
	v3 =	vshll.u32 v3, $0x12  }
0x387: {  	vm0 =	veq.s32 v2, $0x0;
	v3 =	vadd.s32 v5, v3;
	v4 =	vshll.u32 v4, $0x12  }
0x388: {  	v2 =	vadd.s32 v5, v4  }
0x389: {  	v2 =	vsel vm0, v3, v2  }
0x38a: {  	[tilespmem:s16+$0xFFFFFFC0] =	vst v2  }
0x38b: {  	[tilespmem:s13+$0xFFFFFFC0] =	vst v3  }
0x38c: {  	v2 =	vld [tilespmem:s29+$0xFFFFFFD0]  }
0x38d: {  	v3 =	vld [tilespmem:s14+$0xFFFFFFD0]  }
0x38e: {  	v4 =	vld [tilespmem:s15+$0xFFFFFFD0];
	_ =	sdelay $0x2  }
0x38f: {  	s20 =	sadd.s32 $0xFFFFFFA0, s18;
	v2 =	vshll.u32 v2, $0x12  }
0x390: {  	v5 =	vor.u32 s20, v0;
	v3 =	vshll.u32 v3, $0x12  }
0x391: {  	v2 =	vadd.s32 v5, v2;
	v3 =	vadd.s32 v5, v3;
	vm0 =	veq.s32 v4, $0x0  }
0x392: {  	v3 =	vsel vm0, v2, v3  }
0x393: {  	[tilespmem:s16+$0xFFFFFFD0] =	vst v3  }
0x394: {  	[tilespmem:s13+$0xFFFFFFD0] =	vst v2  }
0x395: {  	v2 =	vld [tilespmem:s29+$0xFFFFFFE0]  }
0x396: {  	v3 =	vld [tilespmem:s14+$0xFFFFFFE0]  }
0x397: {  	v4 =	vld [tilespmem:s15+$0xFFFFFFE0];
	_ =	sdelay $0x2  }
0x398: {  	s20 =	sadd.s32 $0xFFFFFFB0, s18;
	v2 =	vshll.u32 v2, $0x12  }
0x399: {  	v5 =	vor.u32 s20, v0;
	v3 =	vshll.u32 v3, $0x12  }
0x39a: {  	v2 =	vadd.s32 v5, v2;
	v3 =	vadd.s32 v5, v3;
	vm0 =	veq.s32 v4, $0x0  }
0x39b: {  	v3 =	vsel vm0, v2, v3  }
0x39c: {  	[tilespmem:s16+$0xFFFFFFE0] =	vst v3  }
0x39d: {  	[tilespmem:s13+$0xFFFFFFE0] =	vst v2  }
0x39e: {  	v2 =	vld [tilespmem:s29+$0xFFFFFFF0]  }
0x39f: {  	v3 =	vld [tilespmem:s14+$0xFFFFFFF0]  }
0x3a0: {  	v4 =	vld [tilespmem:s15+$0xFFFFFFF0];
	_ =	sdelay $0x2  }
0x3a1: {  	s20 =	sadd.s32 $0xFFFFFFC0, s18;
	v2 =	vshll.u32 v2, $0x12  }
0x3a2: {  	v5 =	vor.u32 s20, v0;
	v3 =	vshll.u32 v3, $0x12  }
0x3a3: {  	v2 =	vadd.s32 v5, v2;
	v3 =	vadd.s32 v5, v3;
	vm0 =	veq.s32 v4, $0x0  }
0x3a4: {  	v3 =	vsel vm0, v2, v3  }
0x3a5: {  	[tilespmem:s16+$0xFFFFFFF0] =	vst v3  }
0x3a6: {  	[tilespmem:s13+$0xFFFFFFF0] =	vst v2  }
0x3a7: {  	v2 =	vld [tilespmem:s29+$0x0]  }
0x3a8: {  	v3 =	vld [tilespmem:s14+$0x0]  }
0x3a9: {  	v4 =	vld [tilespmem:s15+$0x0];
	_ =	sdelay $0x2  }
0x3aa: {  	s20 =	sadd.s32 $0xFFFFFFD0, s18;
	v2 =	vshll.u32 v2, $0x12  }
0x3ab: {  	v5 =	vor.u32 s20, v0;
	v3 =	vshll.u32 v3, $0x12  }
0x3ac: {  	v2 =	vadd.s32 v5, v2;
	v3 =	vadd.s32 v5, v3;
	vm0 =	veq.s32 v4, $0x0  }
0x3ad: {  	v3 =	vsel vm0, v2, v3  }
0x3ae: {  	[tilespmem:s16+$0x0] =	vst v3  }
0x3af: {  	[tilespmem:s13+$0x0] =	vst v2  }
0x3b0: {  	v2 =	vld [tilespmem:s14+$0x10]  }
0x3b1: {  	v3 =	vld [tilespmem:s29+$0x10]  }
0x3b2: {  	v4 =	vld [tilespmem:s15+$0x10];
	_ =	sdelay $0x2  }
0x3b3: {  	s20 =	sadd.s32 $0xFFFFFFE0, s18;
	v2 =	vshll.u32 v2, $0x12  }
0x3b4: {  	v5 =	vor.u32 s20, v0;
	v3 =	vshll.u32 v3, $0x12  }
0x3b5: {  	v2 =	vadd.s32 v5, v2;
	v3 =	vadd.s32 v5, v3;
	vm0 =	veq.s32 v4, $0x0  }
0x3b6: {  	v2 =	vsel vm0, v3, v2  }
0x3b7: {  	[tilespmem:s16+$0x10] =	vst v2  }
0x3b8: {  	[tilespmem:s13+$0x10] =	vst v3  }
0x3b9: {  	v2 =	vld [tilespmem:s29+$0x20]  }
0x3ba: {  	v3 =	vld [tilespmem:s14+$0x20]  }
0x3bb: {  	v4 =	vld [tilespmem:s15+$0x20];
	_ =	sdelay $0x2  }
0x3bc: {  	s20 =	sadd.s32 $0xFFFFFFF0, s18;
	v2 =	vshll.u32 v2, $0x12  }
0x3bd: {  	v5 =	vor.u32 s20, v0;
	v3 =	vshll.u32 v3, $0x12  }
0x3be: {  	v2 =	vadd.s32 v5, v2;
	v3 =	vadd.s32 v5, v3;
	vm0 =	veq.s32 v4, $0x0  }
.Ltmp7:
0x3bf: {  	v3 =	vsel vm0, v2, v3;
	(pc) =	sbr.rel @p0 .LBB2_16-.Ltmp7, $4  }
0x3c0: {  	[tilespmem:s16+$0x20] =	vst v3  }
0x3c1: {  	[tilespmem:s13+$0x20] =	vst v2  }
0x3c2: {  	s13 =	sadd.s32 $0x80, s13;
	v2 =	vld [tilespmem:s29+$0x30]  }
0x3c3: {  	s15 =	sadd.s32 $0x80, s15;
	s16 =	sadd.s32 $0x80, s16;
	v3 =	vld [tilespmem:s14+$0x30];
	s14 =	sadd.s32 $0x80, s14  }
0x3c4: {  	v4 =	vld [tilespmem:s10+$0x30];
	_ =	sdelay $0x3  }
0x3c5: {  	v5 =	vor.u32 s31, v0;
	v2 =	vshll.u32 v2, $0x12;
	v3 =	vshll.u32 v3, $0x12  }
0x3c6: {  	v2 =	vadd.s32 v5, v2;
	v3 =	vadd.s32 v5, v3;
	vm0 =	veq.s32 v4, $0x0  }
0x3c7: {  	v3 =	vsel vm0, v2, v3  }
0x3c8: {  	[tilespmem:s7+$0x30] =	vst v3  }
0x3c9: {  	s10 =	simm.s32 $0xC000;
	s11 =	simm.s32 $0x14000;
	[tilespmem:s8+$0x30] =	vst v2  }
0x3ca: {  	[tilespmem:s11], [sflag:$0x3] =	stream.indirect.gather [hbm4b:s26+s9], $0x1, s10, s9, $0xb8;
	[tilespmem:$0x1C080] =	vst v63  }
0x3cb: {  	s13 =	simm.s32 $0x10000;
	s14 =	simm.s32 $0x18000  }
0x3cc: {  	[tilespmem:s14], [sflag:$0x5] =	stream.indirect.gather [hbm4b:s26+s9], $0x1, s13, s9, $0xb8;
	[tilespmem:$0x1C080] =	vst v63  }
0x3cd: {  	s15 =	rddreg [dreg:$0x17]  }
0x3ce: {  	[tilespmem:s1], [sflag:$0x1] =	stream.linear.gather [hbm4b:s15+s1], $0x2000, $0x38;
	[tilespmem:$0x1C080] =	vst v63  }
0x3cf: {  	s16 =	rddreg [dreg:$0x18];
	s18 =	simm.s32 $0x4000  }
0x3d0: {  	[tilespmem:s18], [sflag:$0x1] =	stream.linear.gather [hbm4b:s16+s1], $0x2000, $0x38;
	[tilespmem:$0x1C080] =	vst v63  }
0x3d1: {  	s20 =	rddreg [dreg:$0x19];
	s29 =	simm.s32 $0x8000  }
0x3d2: {  	[tilespmem:s29], [sflag:$0x1] =	stream.linear.gather [hbm4b:s20+s1], $0x2000, $0x38;
	[tilespmem:$0x1C080] =	vst v63  }
0x3d3: {  	_ =	swait.ge [sflag:s25], $0x2000  }
0x3d4: {  	[sflag:s25] =	ssyncset.done $0x0  }
0x3d5: {  	[sflag:s25] =	ssyncadd.s32 $0xFFFFE000  }
0x3d6: {  	_ =	swait.ge [sflag:s28], $0x2000  }
0x3d7: {  	[sflag:s28] =	ssyncset.done $0x0  }
0x3d8: {  	s31 =	simm.s32 $0x16040;
	[sflag:s28] =	ssyncadd.s32 $0xFFFFE000  }
0x3d9: {  	s7 =	simm.s32 $0x1A040;
	v2 =	vld [tilespmem:s31+$0xFFFFFFC0]  }
0x3da: {  	v3 =	vld [tilespmem:s7+$0xFFFFFFC0]  }
0x3db: {  	v4 =	vld [tilespmem:s31+$0xFFFFFFD0]  }
0x3dc: {  	v5 =	vld [tilespmem:s7+$0xFFFFFFD0]  }
0x3dd: {  	v6 =	vld [tilespmem:s31+$0xFFFFFFE0]  }
0x3de: {  	v7 =	vld [tilespmem:s7+$0xFFFFFFE0]  }
0x3df: {  	v8 =	vld [tilespmem:s31+$0xFFFFFFF0];
	v2 =	vsub.f32 v2, v3  }
0x3e0: {  	v3 =	vld [tilespmem:s7+$0xFFFFFFF0]  }
0x3e1: {  	v9 =	vld [tilespmem:s31+$0x0];
	v1 =	vadd.f32 v2, v1;
	v2 =	vsub.f32 v4, v5  }
0x3e2: {  	v4 =	vld [tilespmem:s7+$0x0]  }
0x3e3: {  	v7 =	vsub.f32 v6, v7;
	v6 =	vld [tilespmem:s7+$0x10];
	v2 =	vadd.f32 v2, v1  }
0x3e4: {  	v5 =	vld [tilespmem:s31+$0x10]  }
0x3e5: {  	v1 =	vld [tilespmem:s31+$0x20];
	v8 =	vsub.f32 v8, v3;
	v7 =	vadd.f32 v7, v2  }
0x3e6: {  	v3 =	vld [tilespmem:s7+$0x20]  }
0x3e7: {  	v2 =	vld [tilespmem:s31+$0x30];
	v7 =	vadd.f32 v8, v7;
	v8 =	vsub.f32 v9, v4  }
0x3e8: {  	s8 =	simm.s32 $0x0;
	s10 =	simm.s32 $0x160C0;
	v4 =	vld [tilespmem:s7+$0x30]  }
.LBB2_18:
0x3e9: {  	v9 =	vld [tilespmem:s10+$0xFFFFFFC0];
	v7 =	vadd.f32 v8, v7;
	v5 =	vsub.f32 v5, v6;
	s7 =	sadd.s32 $0x80, s7  }
0x3ea: {  	s8 =	sadd.s32 $0x8, s8;
	v6 =	vld [tilespmem:s7+$0xFFFFFFC0]  }
0x3eb: {  	p0 =	slt.u32 s8, $0x1F8;
	v8 =	vld [tilespmem:s10+$0xFFFFFFD0];
	v5 =	vadd.f32 v5, v7;
	v1 =	vsub.f32 v1, v3  }
0x3ec: {  	v3 =	vld [tilespmem:s7+$0xFFFFFFD0]  }
0x3ed: {  	v7 =	vld [tilespmem:s10+$0xFFFFFFE0];
	v1 =	vadd.f32 v1, v5;
	v2 =	vsub.f32 v2, v4  }
0x3ee: {  	v4 =	vld [tilespmem:s7+$0xFFFFFFE0]  }
0x3ef: {  	v5 =	vsub.f32 v9, v6;
	v9 =	vld [tilespmem:s10+$0xFFFFFFF0];
	v1 =	vadd.f32 v2, v1  }
0x3f0: {  	v2 =	vld [tilespmem:s7+$0xFFFFFFF0]  }
0x3f1: {  	v1 =	vadd.f32 v5, v1;
	v3 =	vsub.f32 v8, v3;
	v8 =	vld [tilespmem:s10+$0x0]  }
0x3f2: {  	v10 =	vld [tilespmem:s7+$0x0]  }
0x3f3: {  	v1 =	vadd.f32 v3, v1;
	v3 =	vsub.f32 v7, v4;
	v5 =	vld [tilespmem:s10+$0x10]  }
.Ltmp8:
0x3f4: {  	v6 =	vld [tilespmem:s7+$0x10];
	(pc) =	sbr.rel @p0 .LBB2_18-.Ltmp8, $4  }
0x3f5: {  	v4 =	vadd.f32 v3, v1;
	v2 =	vsub.f32 v9, v2;
	v1 =	vld [tilespmem:s10+$0x20]  }
0x3f6: {  	v3 =	vld [tilespmem:s7+$0x20]  }
0x3f7: {  	v7 =	vadd.f32 v2, v4;
	v8 =	vsub.f32 v8, v10;
	v2 =	vld [tilespmem:s10+$0x30]  }
0x3f8: {  	s10 =	sadd.s32 $0x80, s10;
	v4 =	vld [tilespmem:s7+$0x30]  }
0x3f9: {  	_ =	swait.ge [sflag:s17], $0x2000  }
0x3fa: {  	[sflag:s17] =	ssyncset.done $0x0  }
0x3fb: {  	[sflag:s17] =	ssyncadd.s32 $0xFFFFE000  }
0x3fc: {  	_ =	swait.ge [sflag:s17], $0x2000  }
0x3fd: {  	[sflag:s17] =	ssyncset.done $0x0  }
0x3fe: {  	[sflag:s17] =	ssyncadd.s32 $0xFFFFE000  }
0x3ff: {  	_ =	swait.ge [sflag:s17], $0x2000  }
0x400: {  	[sflag:s17] =	ssyncset.done $0x0  }
0x401: {  	s29 =	simm.s32 $0x6040;
	[sflag:s17] =	ssyncadd.s32 $0xFFFFE000  }
0x402: {  	s14 =	simm.s32 $0x2040;
	v9 =	vld [tilespmem:s29+$0xFFFFFFC0]  }
0x403: {  	s10 =	simm.s32 $0xA040;
	v10 =	vld [tilespmem:s14+$0xFFFFFFC0]  }
0x404: {  	v11 =	vld [tilespmem:s10+$0xFFFFFFC0];
	_ =	sdelay $0x2  }
0x405: {  	s7 =	sadd.s32 $0xFFFFFF90, s4  }
0x406: {  	v12 =	vor.u32 s7, v0;
	v9 =	vshll.u32 v9, $0x12;
	v10 =	vshll.u32 v10, $0x12  }
0x407: {  	vm0 =	veq.s32 v11, $0x0;
	v9 =	vadd.s32 v12, v9;
	v10 =	vadd.s32 v12, v10  }
0x408: {  	s7 =	simm.s32 $0xE040;
	v10 =	vsel vm0, v9, v10  }
0x409: {  	s8 =	simm.s32 $0x12040;
	[tilespmem:s7+$0xFFFFFFC0] =	vst v10  }
0x40a: {  	[tilespmem:s8+$0xFFFFFFC0] =	vst v9  }
0x40b: {  	v9 =	vld [tilespmem:s29+$0xFFFFFFD0]  }
0x40c: {  	v10 =	vld [tilespmem:s14+$0xFFFFFFD0]  }
0x40d: {  	v50 =	vld [tilespmem:s10+$0xFFFFFFD0];
	_ =	sdelay $0x2  }
0x40e: {  	s11 =	sadd.s32 $0xFFFFFFA0, s4  }
0x40f: {  	v51 =	vor.u32 s11, v0;
	v9 =	vshll.u32 v9, $0x12;
	v10 =	vshll.u32 v10, $0x12  }
0x410: {  	vm10 =	veq.s32 v50, $0x0;
	v9 =	vadd.s32 v51, v9;
	v10 =	vadd.s32 v51, v10  }
0x411: {  	v10 =	vsel vm10, v9, v10  }
0x412: {  	[tilespmem:s7+$0xFFFFFFD0] =	vst v10  }
0x413: {  	[tilespmem:s8+$0xFFFFFFD0] =	vst v9  }
0x414: {  	v9 =	vld [tilespmem:s29+$0xFFFFFFE0]  }
0x415: {  	v10 =	vld [tilespmem:s14+$0xFFFFFFE0]  }
0x416: {  	v52 =	vld [tilespmem:s10+$0xFFFFFFE0];
	_ =	sdelay $0x2  }
0x417: {  	s13 =	sadd.s32 $0xFFFFFFB0, s4  }
0x418: {  	v53 =	vor.u32 s13, v0;
	v9 =	vshll.u32 v9, $0x12;
	v10 =	vshll.u32 v10, $0x12  }
0x419: {  	vm11 =	veq.s32 v52, $0x0;
	v9 =	vadd.s32 v53, v9;
	v10 =	vadd.s32 v53, v10  }
0x41a: {  	v10 =	vsel vm11, v9, v10  }
0x41b: {  	[tilespmem:s7+$0xFFFFFFE0] =	vst v10  }
0x41c: {  	[tilespmem:s8+$0xFFFFFFE0] =	vst v9  }
0x41d: {  	v9 =	vld [tilespmem:s29+$0xFFFFFFF0]  }
0x41e: {  	v10 =	vld [tilespmem:s14+$0xFFFFFFF0]  }
0x41f: {  	v54 =	vld [tilespmem:s10+$0xFFFFFFF0];
	_ =	sdelay $0x2  }
0x420: {  	s15 =	sadd.s32 $0xFFFFFFC0, s4  }
0x421: {  	v55 =	vor.u32 s15, v0;
	v9 =	vshll.u32 v9, $0x12;
	v10 =	vshll.u32 v10, $0x12  }
0x422: {  	vm12 =	veq.s32 v54, $0x0;
	v9 =	vadd.s32 v55, v9;
	v10 =	vadd.s32 v55, v10  }
0x423: {  	v10 =	vsel vm12, v9, v10  }
0x424: {  	[tilespmem:s7+$0xFFFFFFF0] =	vst v10  }
0x425: {  	[tilespmem:s8+$0xFFFFFFF0] =	vst v9  }
0x426: {  	v9 =	vld [tilespmem:s29+$0x0]  }
0x427: {  	v10 =	vld [tilespmem:s14+$0x0]  }
0x428: {  	v56 =	vld [tilespmem:s10+$0x0];
	_ =	sdelay $0x2  }
0x429: {  	s16 =	sadd.s32 $0xFFFFFFD0, s4  }
0x42a: {  	v57 =	vor.u32 s16, v0;
	v9 =	vshll.u32 v9, $0x12;
	v10 =	vshll.u32 v10, $0x12  }
0x42b: {  	vm13 =	veq.s32 v56, $0x0;
	v9 =	vadd.s32 v57, v9;
	v10 =	vadd.s32 v57, v10  }
0x42c: {  	v10 =	vsel vm13, v9, v10  }
0x42d: {  	[tilespmem:s7+$0x0] =	vst v10  }
0x42e: {  	[tilespmem:s8+$0x0] =	vst v9  }
0x42f: {  	v9 =	vld [tilespmem:s14+$0x10]  }
0x430: {  	v10 =	vld [tilespmem:s29+$0x10]  }
0x431: {  	v58 =	vld [tilespmem:s10+$0x10];
	_ =	sdelay $0x2  }
0x432: {  	s18 =	sadd.s32 $0xFFFFFFE0, s4  }
0x433: {  	v59 =	vor.u32 s18, v0;
	v9 =	vshll.u32 v9, $0x12;
	v10 =	vshll.u32 v10, $0x12  }
0x434: {  	vm14 =	veq.s32 v58, $0x0;
	v10 =	vadd.s32 v59, v10;
	v9 =	vadd.s32 v59, v9  }
0x435: {  	v9 =	vsel vm14, v10, v9  }
0x436: {  	[tilespmem:s7+$0x10] =	vst v9  }
0x437: {  	[tilespmem:s8+$0x10] =	vst v10  }
0x438: {  	v9 =	vld [tilespmem:s29+$0x20]  }
0x439: {  	v10 =	vld [tilespmem:s14+$0x20]  }
0x43a: {  	v60 =	vld [tilespmem:s10+$0x20];
	_ =	sdelay $0x2  }
0x43b: {  	v7 =	vadd.f32 v8, v7;
	v5 =	vsub.f32 v5, v6;
	s20 =	sadd.s32 $0xFFFFFFF0, s4  }
0x43c: {  	v62 =	vor.u32 s20, v0;
	v61 =	vshll.u32 v9, $0x12;
	v63 =	vshll.u32 v10, $0x12  }
0x43d: {  	vm15 =	veq.s32 v60, $0x0;
	v6 =	vadd.s32 v62, v61;
	v8 =	vadd.s32 v62, v63  }
0x43e: {  	v5 =	vadd.f32 v5, v7;
	v1 =	vsub.f32 v1, v3;
	v3 =	vsel vm15, v6, v8  }
0x43f: {  	[tilespmem:s7+$0x20] =	vst v3  }
0x440: {  	s31 =	smov.u32 s4;
	v1 =	vadd.f32 v1, v5;
	v3 =	vsub.f32 v2, v4;
	[tilespmem:s8+$0x20] =	vst v6  }
0x441: {  	s11 =	simm.s32 $0x0;
	s13 =	simm.s32 $0x120C0;
	s15 =	simm.s32 $0xA0C0;
	v2 =	vld [tilespmem:s29+$0x30]  }
0x442: {  	s16 =	simm.s32 $0xE0C0;
	s18 =	smov.u32 s4;
	v1 =	vadd.f32 v3, v1;
	v3 =	vld [tilespmem:s14+$0x30];
	s14 =	simm.s32 $0x20C0  }
.LBB2_20:
0x443: {  	s11 =	sadd.s32 $0x8, s11;
	v4 =	vld [tilespmem:s10+$0x30];
	s18 =	sadd.s32 $0x80, s18;
	s29 =	sadd.s32 $0x80, s29  }
0x444: {  	s10 =	smov.u32 s15;
	p0 =	slt.u32 s11, $0x1F8;
	_ =	sdelay $0x1  }
0x445: {  	v2 =	vshll.u32 v2, $0x12  }
0x446: {  	v5 =	vor.u32 s31, v0;
	s31 =	smov.u32 s18;
	v3 =	vshll.u32 v3, $0x12  }
0x447: {  	v2 =	vadd.s32 v5, v2;
	v3 =	vadd.s32 v5, v3;
	vm0 =	veq.s32 v4, $0x0  }
0x448: {  	v3 =	vsel vm0, v2, v3  }
0x449: {  	[tilespmem:s7+$0x30] =	vst v3;
	s7 =	smov.u32 s16  }
0x44a: {  	[tilespmem:s8+$0x30] =	vst v2;
	s8 =	smov.u32 s13  }
0x44b: {  	v2 =	vld [tilespmem:s15+$0xFFFFFFC0]  }
0x44c: {  	v3 =	vld [tilespmem:s29+$0xFFFFFFC0]  }
0x44d: {  	v4 =	vld [tilespmem:s14+$0xFFFFFFC0];
	_ =	sdelay $0x2  }
0x44e: {  	s20 =	sadd.s32 $0xFFFFFF90, s18  }
0x44f: {  	v5 =	vor.u32 s20, v0;
	v3 =	vshll.u32 v3, $0x12  }
0x450: {  	vm0 =	veq.s32 v2, $0x0;
	v3 =	vadd.s32 v5, v3;
	v4 =	vshll.u32 v4, $0x12  }
0x451: {  	v2 =	vadd.s32 v5, v4  }
0x452: {  	v2 =	vsel vm0, v3, v2  }
0x453: {  	[tilespmem:s16+$0xFFFFFFC0] =	vst v2  }
0x454: {  	[tilespmem:s13+$0xFFFFFFC0] =	vst v3  }
0x455: {  	v2 =	vld [tilespmem:s29+$0xFFFFFFD0]  }
0x456: {  	v3 =	vld [tilespmem:s14+$0xFFFFFFD0]  }
0x457: {  	v4 =	vld [tilespmem:s15+$0xFFFFFFD0];
	_ =	sdelay $0x2  }
0x458: {  	s20 =	sadd.s32 $0xFFFFFFA0, s18;
	v2 =	vshll.u32 v2, $0x12  }
0x459: {  	v5 =	vor.u32 s20, v0;
	v3 =	vshll.u32 v3, $0x12  }
0x45a: {  	v2 =	vadd.s32 v5, v2;
	v3 =	vadd.s32 v5, v3;
	vm0 =	veq.s32 v4, $0x0  }
0x45b: {  	v3 =	vsel vm0, v2, v3  }
0x45c: {  	[tilespmem:s16+$0xFFFFFFD0] =	vst v3  }
0x45d: {  	[tilespmem:s13+$0xFFFFFFD0] =	vst v2  }
0x45e: {  	v2 =	vld [tilespmem:s29+$0xFFFFFFE0]  }
0x45f: {  	v3 =	vld [tilespmem:s14+$0xFFFFFFE0]  }
0x460: {  	v4 =	vld [tilespmem:s15+$0xFFFFFFE0];
	_ =	sdelay $0x2  }
0x461: {  	s20 =	sadd.s32 $0xFFFFFFB0, s18;
	v2 =	vshll.u32 v2, $0x12  }
0x462: {  	v5 =	vor.u32 s20, v0;
	v3 =	vshll.u32 v3, $0x12  }
0x463: {  	v2 =	vadd.s32 v5, v2;
	v3 =	vadd.s32 v5, v3;
	vm0 =	veq.s32 v4, $0x0  }
0x464: {  	v3 =	vsel vm0, v2, v3  }
0x465: {  	[tilespmem:s16+$0xFFFFFFE0] =	vst v3  }
0x466: {  	[tilespmem:s13+$0xFFFFFFE0] =	vst v2  }
0x467: {  	v2 =	vld [tilespmem:s29+$0xFFFFFFF0]  }
0x468: {  	v3 =	vld [tilespmem:s14+$0xFFFFFFF0]  }
0x469: {  	v4 =	vld [tilespmem:s15+$0xFFFFFFF0];
	_ =	sdelay $0x2  }
0x46a: {  	s20 =	sadd.s32 $0xFFFFFFC0, s18;
	v2 =	vshll.u32 v2, $0x12  }
0x46b: {  	v5 =	vor.u32 s20, v0;
	v3 =	vshll.u32 v3, $0x12  }
0x46c: {  	v2 =	vadd.s32 v5, v2;
	v3 =	vadd.s32 v5, v3;
	vm0 =	veq.s32 v4, $0x0  }
0x46d: {  	v3 =	vsel vm0, v2, v3  }
0x46e: {  	[tilespmem:s16+$0xFFFFFFF0] =	vst v3  }
0x46f: {  	[tilespmem:s13+$0xFFFFFFF0] =	vst v2  }
0x470: {  	v2 =	vld [tilespmem:s29+$0x0]  }
0x471: {  	v3 =	vld [tilespmem:s14+$0x0]  }
0x472: {  	v4 =	vld [tilespmem:s15+$0x0];
	_ =	sdelay $0x2  }
0x473: {  	s20 =	sadd.s32 $0xFFFFFFD0, s18;
	v2 =	vshll.u32 v2, $0x12  }
0x474: {  	v5 =	vor.u32 s20, v0;
	v3 =	vshll.u32 v3, $0x12  }
0x475: {  	v2 =	vadd.s32 v5, v2;
	v3 =	vadd.s32 v5, v3;
	vm0 =	veq.s32 v4, $0x0  }
0x476: {  	v3 =	vsel vm0, v2, v3  }
0x477: {  	[tilespmem:s16+$0x0] =	vst v3  }
0x478: {  	[tilespmem:s13+$0x0] =	vst v2  }
0x479: {  	v2 =	vld [tilespmem:s14+$0x10]  }
0x47a: {  	v3 =	vld [tilespmem:s29+$0x10]  }
0x47b: {  	v4 =	vld [tilespmem:s15+$0x10];
	_ =	sdelay $0x2  }
0x47c: {  	s20 =	sadd.s32 $0xFFFFFFE0, s18;
	v2 =	vshll.u32 v2, $0x12  }
0x47d: {  	v5 =	vor.u32 s20, v0;
	v3 =	vshll.u32 v3, $0x12  }
0x47e: {  	v2 =	vadd.s32 v5, v2;
	v3 =	vadd.s32 v5, v3;
	vm0 =	veq.s32 v4, $0x0  }
0x47f: {  	v2 =	vsel vm0, v3, v2  }
0x480: {  	[tilespmem:s16+$0x10] =	vst v2  }
0x481: {  	[tilespmem:s13+$0x10] =	vst v3  }
0x482: {  	v2 =	vld [tilespmem:s29+$0x20]  }
0x483: {  	v3 =	vld [tilespmem:s14+$0x20]  }
0x484: {  	v4 =	vld [tilespmem:s15+$0x20];
	_ =	sdelay $0x2  }
0x485: {  	s20 =	sadd.s32 $0xFFFFFFF0, s18;
	v2 =	vshll.u32 v2, $0x12  }
0x486: {  	v5 =	vor.u32 s20, v0;
	v3 =	vshll.u32 v3, $0x12  }
0x487: {  	v2 =	vadd.s32 v5, v2;
	v3 =	vadd.s32 v5, v3;
	vm0 =	veq.s32 v4, $0x0  }
.Ltmp9:
0x488: {  	v3 =	vsel vm0, v2, v3;
	(pc) =	sbr.rel @p0 .LBB2_20-.Ltmp9, $4  }
0x489: {  	[tilespmem:s16+$0x20] =	vst v3  }
0x48a: {  	[tilespmem:s13+$0x20] =	vst v2  }
0x48b: {  	s13 =	sadd.s32 $0x80, s13;
	v2 =	vld [tilespmem:s29+$0x30]  }
0x48c: {  	s15 =	sadd.s32 $0x80, s15;
	s16 =	sadd.s32 $0x80, s16;
	v3 =	vld [tilespmem:s14+$0x30];
	s14 =	sadd.s32 $0x80, s14  }
0x48d: {  	v4 =	vld [tilespmem:s10+$0x30];
	_ =	sdelay $0x3  }
0x48e: {  	v5 =	vor.u32 s31, v0;
	v2 =	vshll.u32 v2, $0x12;
	v3 =	vshll.u32 v3, $0x12  }
0x48f: {  	v2 =	vadd.s32 v5, v2;
	v3 =	vadd.s32 v5, v3;
	vm0 =	veq.s32 v4, $0x0  }
0x490: {  	v3 =	vsel vm0, v2, v3  }
0x491: {  	[tilespmem:s7+$0x30] =	vst v3  }
0x492: {  	s11 =	simm.s32 $0xE000;
	s13 =	simm.s32 $0x16000;
	[tilespmem:s8+$0x30] =	vst v2  }
0x493: {  	[tilespmem:s13], [sflag:$0x4] =	stream.indirect.gather [hbm4b:s26+s9], $0x1, s11, s9, $0xb8;
	[tilespmem:$0x1C080] =	vst v63  }
0x494: {  	s14 =	simm.s32 $0x12000  }
0x495: {  	[tilespmem:s21], [sflag:$0x6] =	stream.indirect.gather [hbm4b:s26+s9], $0x1, s14, s9, $0xb8;
	[tilespmem:$0x1C080] =	vst v63  }
0x496: {  	s15 =	rddreg [dreg:$0x1a]  }
0x497: {  	[tilespmem:s9], [sflag:$0x2] =	stream.linear.gather [hbm4b:s15+s1], $0x2000, $0x38;
	[tilespmem:$0x1C080] =	vst v63  }
0x498: {  	s16 =	rddreg [dreg:$0x1b];
	s18 =	simm.s32 $0x6000  }
0x499: {  	[tilespmem:s18], [sflag:$0x2] =	stream.linear.gather [hbm4b:s16+s1], $0x2000, $0x38;
	[tilespmem:$0x1C080] =	vst v63  }
0x49a: {  	s20 =	rddreg [dreg:$0x1c];
	s29 =	simm.s32 $0xA000  }
0x49b: {  	[tilespmem:s29], [sflag:$0x2] =	stream.linear.gather [hbm4b:s20+s1], $0x2000, $0x38;
	[tilespmem:$0x1C080] =	vst v63  }
0x49c: {  	_ =	swait.ge [sflag:s22], $0x2000  }
0x49d: {  	[sflag:s22] =	ssyncset.done $0x0  }
0x49e: {  	[sflag:s22] =	ssyncadd.s32 $0xFFFFE000  }
0x49f: {  	_ =	swait.ge [sflag:s24], $0x2000  }
0x4a0: {  	[sflag:s24] =	ssyncset.done $0x0  }
0x4a1: {  	s31 =	simm.s32 $0x14040;
	[sflag:s24] =	ssyncadd.s32 $0xFFFFE000  }
0x4a2: {  	s7 =	simm.s32 $0x18040;
	v2 =	vld [tilespmem:s31+$0xFFFFFFC0]  }
0x4a3: {  	v3 =	vld [tilespmem:s7+$0xFFFFFFC0]  }
0x4a4: {  	v4 =	vld [tilespmem:s31+$0xFFFFFFD0]  }
0x4a5: {  	v5 =	vld [tilespmem:s7+$0xFFFFFFD0]  }
0x4a6: {  	v6 =	vld [tilespmem:s31+$0xFFFFFFE0]  }
0x4a7: {  	v7 =	vld [tilespmem:s7+$0xFFFFFFE0]  }
0x4a8: {  	v8 =	vld [tilespmem:s31+$0xFFFFFFF0];
	v2 =	vsub.f32 v2, v3  }
0x4a9: {  	v3 =	vld [tilespmem:s7+$0xFFFFFFF0]  }
0x4aa: {  	v9 =	vld [tilespmem:s31+$0x0];
	v1 =	vadd.f32 v2, v1;
	v2 =	vsub.f32 v4, v5  }
0x4ab: {  	v4 =	vld [tilespmem:s7+$0x0]  }
0x4ac: {  	v7 =	vsub.f32 v6, v7;
	v6 =	vld [tilespmem:s7+$0x10];
	v2 =	vadd.f32 v2, v1  }
0x4ad: {  	v5 =	vld [tilespmem:s31+$0x10]  }
0x4ae: {  	v1 =	vld [tilespmem:s31+$0x20];
	v8 =	vsub.f32 v8, v3;
	v7 =	vadd.f32 v7, v2  }
0x4af: {  	v3 =	vld [tilespmem:s7+$0x20]  }
0x4b0: {  	v2 =	vld [tilespmem:s31+$0x30];
	v7 =	vadd.f32 v8, v7;
	v8 =	vsub.f32 v9, v4  }
0x4b1: {  	s10 =	simm.s32 $0x140C0;
	s8 =	simm.s32 $0x0;
	v4 =	vld [tilespmem:s7+$0x30]  }
.LBB2_22:
0x4b2: {  	v9 =	vld [tilespmem:s10+$0xFFFFFFC0];
	v7 =	vadd.f32 v8, v7;
	v5 =	vsub.f32 v5, v6;
	s7 =	sadd.s32 $0x80, s7  }
0x4b3: {  	s8 =	sadd.s32 $0x8, s8;
	v6 =	vld [tilespmem:s7+$0xFFFFFFC0]  }
0x4b4: {  	p0 =	slt.u32 s8, $0x1F8;
	v8 =	vld [tilespmem:s10+$0xFFFFFFD0];
	v5 =	vadd.f32 v5, v7;
	v1 =	vsub.f32 v1, v3  }
0x4b5: {  	v3 =	vld [tilespmem:s7+$0xFFFFFFD0]  }
0x4b6: {  	v7 =	vld [tilespmem:s10+$0xFFFFFFE0];
	v1 =	vadd.f32 v1, v5;
	v2 =	vsub.f32 v2, v4  }
0x4b7: {  	v4 =	vld [tilespmem:s7+$0xFFFFFFE0]  }
0x4b8: {  	v5 =	vsub.f32 v9, v6;
	v9 =	vld [tilespmem:s10+$0xFFFFFFF0];
	v1 =	vadd.f32 v2, v1  }
0x4b9: {  	v2 =	vld [tilespmem:s7+$0xFFFFFFF0]  }
0x4ba: {  	v1 =	vadd.f32 v5, v1;
	v3 =	vsub.f32 v8, v3;
	v8 =	vld [tilespmem:s10+$0x0]  }
0x4bb: {  	v10 =	vld [tilespmem:s7+$0x0]  }
0x4bc: {  	v1 =	vadd.f32 v3, v1;
	v3 =	vsub.f32 v7, v4;
	v5 =	vld [tilespmem:s10+$0x10]  }
.Ltmp10:
0x4bd: {  	v6 =	vld [tilespmem:s7+$0x10];
	(pc) =	sbr.rel @p0 .LBB2_22-.Ltmp10, $4  }
0x4be: {  	v4 =	vadd.f32 v3, v1;
	v2 =	vsub.f32 v9, v2;
	v1 =	vld [tilespmem:s10+$0x20]  }
0x4bf: {  	v3 =	vld [tilespmem:s7+$0x20]  }
0x4c0: {  	v7 =	vadd.f32 v2, v4;
	v8 =	vsub.f32 v8, v10;
	v2 =	vld [tilespmem:s10+$0x30]  }
0x4c1: {  	s10 =	sadd.s32 $0x80, s10;
	v4 =	vld [tilespmem:s7+$0x30]  }
0x4c2: {  	_ =	swait.ge [sflag:s12], $0x2000  }
0x4c3: {  	[sflag:s12] =	ssyncset.done $0x0  }
0x4c4: {  	[sflag:s12] =	ssyncadd.s32 $0xFFFFE000  }
0x4c5: {  	_ =	swait.ge [sflag:s12], $0x2000  }
0x4c6: {  	[sflag:s12] =	ssyncset.done $0x0  }
0x4c7: {  	[sflag:s12] =	ssyncadd.s32 $0xFFFFE000  }
0x4c8: {  	_ =	swait.ge [sflag:s12], $0x2000  }
0x4c9: {  	[sflag:s12] =	ssyncset.done $0x0  }
0x4ca: {  	s29 =	simm.s32 $0x4040;
	[sflag:s12] =	ssyncadd.s32 $0xFFFFE000  }
0x4cb: {  	s14 =	simm.s32 $0x40;
	v9 =	vld [tilespmem:s29+$0xFFFFFFC0]  }
0x4cc: {  	s10 =	simm.s32 $0x8040;
	v10 =	vld [tilespmem:s14+$0xFFFFFFC0]  }
0x4cd: {  	v11 =	vld [tilespmem:s10+$0xFFFFFFC0];
	_ =	sdelay $0x2  }
0x4ce: {  	s7 =	sadd.s32 $0xFFFFFF90, s5  }
0x4cf: {  	v12 =	vor.u32 s7, v0;
	v9 =	vshll.u32 v9, $0x12;
	v10 =	vshll.u32 v10, $0x12  }
0x4d0: {  	vm0 =	veq.s32 v11, $0x0;
	v9 =	vadd.s32 v12, v9;
	v10 =	vadd.s32 v12, v10  }
0x4d1: {  	s7 =	simm.s32 $0xC040;
	v10 =	vsel vm0, v9, v10  }
0x4d2: {  	s8 =	simm.s32 $0x10040;
	[tilespmem:s7+$0xFFFFFFC0] =	vst v10  }
0x4d3: {  	[tilespmem:s8+$0xFFFFFFC0] =	vst v9  }
0x4d4: {  	v9 =	vld [tilespmem:s29+$0xFFFFFFD0]  }
0x4d5: {  	v10 =	vld [tilespmem:s14+$0xFFFFFFD0]  }
0x4d6: {  	v50 =	vld [tilespmem:s10+$0xFFFFFFD0];
	_ =	sdelay $0x2  }
0x4d7: {  	s11 =	sadd.s32 $0xFFFFFFA0, s5  }
0x4d8: {  	v51 =	vor.u32 s11, v0;
	v9 =	vshll.u32 v9, $0x12;
	v10 =	vshll.u32 v10, $0x12  }
0x4d9: {  	vm10 =	veq.s32 v50, $0x0;
	v9 =	vadd.s32 v51, v9;
	v10 =	vadd.s32 v51, v10  }
0x4da: {  	v10 =	vsel vm10, v9, v10  }
0x4db: {  	[tilespmem:s7+$0xFFFFFFD0] =	vst v10  }
0x4dc: {  	[tilespmem:s8+$0xFFFFFFD0] =	vst v9  }
0x4dd: {  	v9 =	vld [tilespmem:s29+$0xFFFFFFE0]  }
0x4de: {  	v10 =	vld [tilespmem:s14+$0xFFFFFFE0]  }
0x4df: {  	v52 =	vld [tilespmem:s10+$0xFFFFFFE0];
	_ =	sdelay $0x2  }
0x4e0: {  	s13 =	sadd.s32 $0xFFFFFFB0, s5  }
0x4e1: {  	v53 =	vor.u32 s13, v0;
	v9 =	vshll.u32 v9, $0x12;
	v10 =	vshll.u32 v10, $0x12  }
0x4e2: {  	vm11 =	veq.s32 v52, $0x0;
	v9 =	vadd.s32 v53, v9;
	v10 =	vadd.s32 v53, v10  }
0x4e3: {  	v10 =	vsel vm11, v9, v10  }
0x4e4: {  	[tilespmem:s7+$0xFFFFFFE0] =	vst v10  }
0x4e5: {  	[tilespmem:s8+$0xFFFFFFE0] =	vst v9  }
0x4e6: {  	v9 =	vld [tilespmem:s29+$0xFFFFFFF0]  }
0x4e7: {  	v10 =	vld [tilespmem:s14+$0xFFFFFFF0]  }
0x4e8: {  	v54 =	vld [tilespmem:s10+$0xFFFFFFF0];
	_ =	sdelay $0x2  }
0x4e9: {  	s15 =	sadd.s32 $0xFFFFFFC0, s5  }
0x4ea: {  	v55 =	vor.u32 s15, v0;
	v9 =	vshll.u32 v9, $0x12;
	v10 =	vshll.u32 v10, $0x12  }
0x4eb: {  	vm12 =	veq.s32 v54, $0x0;
	v9 =	vadd.s32 v55, v9;
	v10 =	vadd.s32 v55, v10  }
0x4ec: {  	v10 =	vsel vm12, v9, v10  }
0x4ed: {  	[tilespmem:s7+$0xFFFFFFF0] =	vst v10  }
0x4ee: {  	[tilespmem:s8+$0xFFFFFFF0] =	vst v9  }
0x4ef: {  	v9 =	vld [tilespmem:s29+$0x0]  }
0x4f0: {  	v10 =	vld [tilespmem:s14+$0x0]  }
0x4f1: {  	v56 =	vld [tilespmem:s10+$0x0];
	_ =	sdelay $0x2  }
0x4f2: {  	s16 =	sadd.s32 $0xFFFFFFD0, s5  }
0x4f3: {  	v57 =	vor.u32 s16, v0;
	v9 =	vshll.u32 v9, $0x12;
	v10 =	vshll.u32 v10, $0x12  }
0x4f4: {  	vm13 =	veq.s32 v56, $0x0;
	v9 =	vadd.s32 v57, v9;
	v10 =	vadd.s32 v57, v10  }
0x4f5: {  	v10 =	vsel vm13, v9, v10  }
0x4f6: {  	[tilespmem:s7+$0x0] =	vst v10  }
0x4f7: {  	[tilespmem:s8+$0x0] =	vst v9  }
0x4f8: {  	v9 =	vld [tilespmem:s14+$0x10]  }
0x4f9: {  	v10 =	vld [tilespmem:s29+$0x10]  }
0x4fa: {  	v58 =	vld [tilespmem:s10+$0x10];
	_ =	sdelay $0x2  }
0x4fb: {  	s18 =	sadd.s32 $0xFFFFFFE0, s5  }
0x4fc: {  	v59 =	vor.u32 s18, v0;
	v9 =	vshll.u32 v9, $0x12;
	v10 =	vshll.u32 v10, $0x12  }
0x4fd: {  	vm14 =	veq.s32 v58, $0x0;
	v10 =	vadd.s32 v59, v10;
	v9 =	vadd.s32 v59, v9  }
0x4fe: {  	v9 =	vsel vm14, v10, v9  }
0x4ff: {  	[tilespmem:s7+$0x10] =	vst v9  }
0x500: {  	[tilespmem:s8+$0x10] =	vst v10  }
0x501: {  	v9 =	vld [tilespmem:s29+$0x20]  }
0x502: {  	v10 =	vld [tilespmem:s14+$0x20]  }
0x503: {  	v60 =	vld [tilespmem:s10+$0x20];
	_ =	sdelay $0x2  }
0x504: {  	v7 =	vadd.f32 v8, v7;
	v5 =	vsub.f32 v5, v6;
	s20 =	sadd.s32 $0xFFFFFFF0, s5  }
0x505: {  	v62 =	vor.u32 s20, v0;
	v61 =	vshll.u32 v9, $0x12;
	v63 =	vshll.u32 v10, $0x12  }
0x506: {  	vm15 =	veq.s32 v60, $0x0;
	v6 =	vadd.s32 v62, v61;
	v8 =	vadd.s32 v62, v63  }
0x507: {  	v5 =	vadd.f32 v5, v7;
	v1 =	vsub.f32 v1, v3;
	v3 =	vsel vm15, v6, v8  }
0x508: {  	[tilespmem:s7+$0x20] =	vst v3  }
0x509: {  	s31 =	smov.u32 s5;
	v1 =	vadd.f32 v1, v5;
	v3 =	vsub.f32 v2, v4;
	[tilespmem:s8+$0x20] =	vst v6  }
0x50a: {  	s11 =	simm.s32 $0x0;
	s13 =	simm.s32 $0x100C0;
	s15 =	simm.s32 $0x80C0;
	v2 =	vld [tilespmem:s29+$0x30]  }
0x50b: {  	s16 =	simm.s32 $0xC0C0;
	s18 =	smov.u32 s5;
	v1 =	vadd.f32 v3, v1;
	v3 =	vld [tilespmem:s14+$0x30];
	s14 =	simm.s32 $0xC0  }
.LBB2_24:
0x50c: {  	s11 =	sadd.s32 $0x8, s11;
	v4 =	vld [tilespmem:s10+$0x30];
	s18 =	sadd.s32 $0x80, s18;
	s29 =	sadd.s32 $0x80, s29  }
0x50d: {  	s10 =	smov.u32 s15;
	p0 =	slt.u32 s11, $0x1F8;
	_ =	sdelay $0x1  }
0x50e: {  	v2 =	vshll.u32 v2, $0x12  }
0x50f: {  	v5 =	vor.u32 s31, v0;
	s31 =	smov.u32 s18;
	v3 =	vshll.u32 v3, $0x12  }
0x510: {  	v2 =	vadd.s32 v5, v2;
	v3 =	vadd.s32 v5, v3;
	vm0 =	veq.s32 v4, $0x0  }
0x511: {  	v3 =	vsel vm0, v2, v3  }
0x512: {  	[tilespmem:s7+$0x30] =	vst v3;
	s7 =	smov.u32 s16  }
0x513: {  	[tilespmem:s8+$0x30] =	vst v2;
	s8 =	smov.u32 s13  }
0x514: {  	v2 =	vld [tilespmem:s15+$0xFFFFFFC0]  }
0x515: {  	v3 =	vld [tilespmem:s29+$0xFFFFFFC0]  }
0x516: {  	v4 =	vld [tilespmem:s14+$0xFFFFFFC0];
	_ =	sdelay $0x2  }
0x517: {  	s20 =	sadd.s32 $0xFFFFFF90, s18  }
0x518: {  	v5 =	vor.u32 s20, v0;
	v3 =	vshll.u32 v3, $0x12  }
0x519: {  	vm0 =	veq.s32 v2, $0x0;
	v3 =	vadd.s32 v5, v3;
	v4 =	vshll.u32 v4, $0x12  }
0x51a: {  	v2 =	vadd.s32 v5, v4  }
0x51b: {  	v2 =	vsel vm0, v3, v2  }
0x51c: {  	[tilespmem:s16+$0xFFFFFFC0] =	vst v2  }
0x51d: {  	[tilespmem:s13+$0xFFFFFFC0] =	vst v3  }
0x51e: {  	v2 =	vld [tilespmem:s29+$0xFFFFFFD0]  }
0x51f: {  	v3 =	vld [tilespmem:s14+$0xFFFFFFD0]  }
0x520: {  	v4 =	vld [tilespmem:s15+$0xFFFFFFD0];
	_ =	sdelay $0x2  }
0x521: {  	s20 =	sadd.s32 $0xFFFFFFA0, s18;
	v2 =	vshll.u32 v2, $0x12  }
0x522: {  	v5 =	vor.u32 s20, v0;
	v3 =	vshll.u32 v3, $0x12  }
0x523: {  	v2 =	vadd.s32 v5, v2;
	v3 =	vadd.s32 v5, v3;
	vm0 =	veq.s32 v4, $0x0  }
0x524: {  	v3 =	vsel vm0, v2, v3  }
0x525: {  	[tilespmem:s16+$0xFFFFFFD0] =	vst v3  }
0x526: {  	[tilespmem:s13+$0xFFFFFFD0] =	vst v2  }
0x527: {  	v2 =	vld [tilespmem:s29+$0xFFFFFFE0]  }
0x528: {  	v3 =	vld [tilespmem:s14+$0xFFFFFFE0]  }
0x529: {  	v4 =	vld [tilespmem:s15+$0xFFFFFFE0];
	_ =	sdelay $0x2  }
0x52a: {  	s20 =	sadd.s32 $0xFFFFFFB0, s18;
	v2 =	vshll.u32 v2, $0x12  }
0x52b: {  	v5 =	vor.u32 s20, v0;
	v3 =	vshll.u32 v3, $0x12  }
0x52c: {  	v2 =	vadd.s32 v5, v2;
	v3 =	vadd.s32 v5, v3;
	vm0 =	veq.s32 v4, $0x0  }
0x52d: {  	v3 =	vsel vm0, v2, v3  }
0x52e: {  	[tilespmem:s16+$0xFFFFFFE0] =	vst v3  }
0x52f: {  	[tilespmem:s13+$0xFFFFFFE0] =	vst v2  }
0x530: {  	v2 =	vld [tilespmem:s29+$0xFFFFFFF0]  }
0x531: {  	v3 =	vld [tilespmem:s14+$0xFFFFFFF0]  }
0x532: {  	v4 =	vld [tilespmem:s15+$0xFFFFFFF0];
	_ =	sdelay $0x2  }
0x533: {  	s20 =	sadd.s32 $0xFFFFFFC0, s18;
	v2 =	vshll.u32 v2, $0x12  }
0x534: {  	v5 =	vor.u32 s20, v0;
	v3 =	vshll.u32 v3, $0x12  }
0x535: {  	v2 =	vadd.s32 v5, v2;
	v3 =	vadd.s32 v5, v3;
	vm0 =	veq.s32 v4, $0x0  }
0x536: {  	v3 =	vsel vm0, v2, v3  }
0x537: {  	[tilespmem:s16+$0xFFFFFFF0] =	vst v3  }
0x538: {  	[tilespmem:s13+$0xFFFFFFF0] =	vst v2  }
0x539: {  	v2 =	vld [tilespmem:s29+$0x0]  }
0x53a: {  	v3 =	vld [tilespmem:s14+$0x0]  }
0x53b: {  	v4 =	vld [tilespmem:s15+$0x0];
	_ =	sdelay $0x2  }
0x53c: {  	s20 =	sadd.s32 $0xFFFFFFD0, s18;
	v2 =	vshll.u32 v2, $0x12  }
0x53d: {  	v5 =	vor.u32 s20, v0;
	v3 =	vshll.u32 v3, $0x12  }
0x53e: {  	v2 =	vadd.s32 v5, v2;
	v3 =	vadd.s32 v5, v3;
	vm0 =	veq.s32 v4, $0x0  }
0x53f: {  	v3 =	vsel vm0, v2, v3  }
0x540: {  	[tilespmem:s16+$0x0] =	vst v3  }
0x541: {  	[tilespmem:s13+$0x0] =	vst v2  }
0x542: {  	v2 =	vld [tilespmem:s14+$0x10]  }
0x543: {  	v3 =	vld [tilespmem:s29+$0x10]  }
0x544: {  	v4 =	vld [tilespmem:s15+$0x10];
	_ =	sdelay $0x2  }
0x545: {  	s20 =	sadd.s32 $0xFFFFFFE0, s18;
	v2 =	vshll.u32 v2, $0x12  }
0x546: {  	v5 =	vor.u32 s20, v0;
	v3 =	vshll.u32 v3, $0x12  }
0x547: {  	v2 =	vadd.s32 v5, v2;
	v3 =	vadd.s32 v5, v3;
	vm0 =	veq.s32 v4, $0x0  }
0x548: {  	v2 =	vsel vm0, v3, v2  }
0x549: {  	[tilespmem:s16+$0x10] =	vst v2  }
0x54a: {  	[tilespmem:s13+$0x10] =	vst v3  }
0x54b: {  	v2 =	vld [tilespmem:s29+$0x20]  }
0x54c: {  	v3 =	vld [tilespmem:s14+$0x20]  }
0x54d: {  	v4 =	vld [tilespmem:s15+$0x20];
	_ =	sdelay $0x2  }
0x54e: {  	s20 =	sadd.s32 $0xFFFFFFF0, s18;
	v2 =	vshll.u32 v2, $0x12  }
0x54f: {  	v5 =	vor.u32 s20, v0;
	v3 =	vshll.u32 v3, $0x12  }
0x550: {  	v2 =	vadd.s32 v5, v2;
	v3 =	vadd.s32 v5, v3;
	vm0 =	veq.s32 v4, $0x0  }
.Ltmp11:
0x551: {  	v3 =	vsel vm0, v2, v3;
	(pc) =	sbr.rel @p0 .LBB2_24-.Ltmp11, $4  }
0x552: {  	[tilespmem:s16+$0x20] =	vst v3  }
0x553: {  	[tilespmem:s13+$0x20] =	vst v2  }
0x554: {  	s13 =	sadd.s32 $0x80, s13;
	v2 =	vld [tilespmem:s29+$0x30]  }
0x555: {  	s15 =	sadd.s32 $0x80, s15;
	s16 =	sadd.s32 $0x80, s16;
	v3 =	vld [tilespmem:s14+$0x30];
	s14 =	sadd.s32 $0x80, s14  }
0x556: {  	v4 =	vld [tilespmem:s10+$0x30];
	_ =	sdelay $0x3  }
0x557: {  	v5 =	vor.u32 s31, v0;
	v2 =	vshll.u32 v2, $0x12;
	v3 =	vshll.u32 v3, $0x12  }
0x558: {  	v2 =	vadd.s32 v5, v2;
	v3 =	vadd.s32 v5, v3;
	vm0 =	veq.s32 v4, $0x0  }
0x559: {  	v3 =	vsel vm0, v2, v3  }
0x55a: {  	[tilespmem:s7+$0x30] =	vst v3  }
0x55b: {  	s16 =	simm.s32 $0xC000;
	s18 =	simm.s32 $0x14000;
	[tilespmem:s8+$0x30] =	vst v2  }
0x55c: {  	[tilespmem:s18], [sflag:$0x3] =	stream.indirect.gather [hbm4b:s26+s9], $0x1, s16, s9, $0xb8;
	[tilespmem:$0x1C080] =	vst v63  }
0x55d: {  	s20 =	simm.s32 $0x10000;
	s29 =	simm.s32 $0x18000  }
0x55e: {  	[tilespmem:s29], [sflag:$0x5] =	stream.indirect.gather [hbm4b:s26+s9], $0x1, s20, s9, $0xb8;
	[tilespmem:$0x1C080] =	vst v63  }
0x55f: {  	_ =	swait.ge [sflag:s25], $0x2000  }
0x560: {  	[sflag:s25] =	ssyncset.done $0x0  }
0x561: {  	[sflag:s25] =	ssyncadd.s32 $0xFFFFE000  }
0x562: {  	_ =	swait.ge [sflag:s28], $0x2000  }
0x563: {  	[sflag:s28] =	ssyncset.done $0x0  }
0x564: {  	s31 =	simm.s32 $0x16040;
	[sflag:s28] =	ssyncadd.s32 $0xFFFFE000  }
0x565: {  	s7 =	simm.s32 $0x1A040;
	v2 =	vld [tilespmem:s31+$0xFFFFFFC0]  }
0x566: {  	v3 =	vld [tilespmem:s7+$0xFFFFFFC0]  }
0x567: {  	v4 =	vld [tilespmem:s31+$0xFFFFFFD0]  }
0x568: {  	v5 =	vld [tilespmem:s7+$0xFFFFFFD0]  }
0x569: {  	v6 =	vld [tilespmem:s31+$0xFFFFFFE0]  }
0x56a: {  	v7 =	vld [tilespmem:s7+$0xFFFFFFE0]  }
0x56b: {  	v8 =	vld [tilespmem:s31+$0xFFFFFFF0];
	v2 =	vsub.f32 v2, v3  }
0x56c: {  	v3 =	vld [tilespmem:s7+$0xFFFFFFF0]  }
0x56d: {  	v9 =	vld [tilespmem:s31+$0x0];
	v1 =	vadd.f32 v2, v1;
	v2 =	vsub.f32 v4, v5  }
0x56e: {  	v4 =	vld [tilespmem:s7+$0x0]  }
0x56f: {  	v7 =	vsub.f32 v6, v7;
	v6 =	vld [tilespmem:s7+$0x10];
	v2 =	vadd.f32 v2, v1  }
0x570: {  	v5 =	vld [tilespmem:s31+$0x10]  }
0x571: {  	v1 =	vld [tilespmem:s31+$0x20];
	v8 =	vsub.f32 v8, v3;
	v7 =	vadd.f32 v7, v2  }
0x572: {  	v3 =	vld [tilespmem:s7+$0x20]  }
0x573: {  	v2 =	vld [tilespmem:s31+$0x30];
	v7 =	vadd.f32 v8, v7;
	v8 =	vsub.f32 v9, v4  }
0x574: {  	s10 =	simm.s32 $0x160C0;
	s8 =	simm.s32 $0x0;
	v4 =	vld [tilespmem:s7+$0x30]  }
.LBB2_26:
0x575: {  	v9 =	vld [tilespmem:s10+$0xFFFFFFC0];
	v7 =	vadd.f32 v8, v7;
	v5 =	vsub.f32 v5, v6;
	s7 =	sadd.s32 $0x80, s7  }
0x576: {  	s8 =	sadd.s32 $0x8, s8;
	v6 =	vld [tilespmem:s7+$0xFFFFFFC0]  }
0x577: {  	p0 =	slt.u32 s8, $0x1F8;
	v8 =	vld [tilespmem:s10+$0xFFFFFFD0];
	v5 =	vadd.f32 v5, v7;
	v1 =	vsub.f32 v1, v3  }
0x578: {  	v3 =	vld [tilespmem:s7+$0xFFFFFFD0]  }
0x579: {  	v7 =	vld [tilespmem:s10+$0xFFFFFFE0];
	v1 =	vadd.f32 v1, v5;
	v2 =	vsub.f32 v2, v4  }
0x57a: {  	v4 =	vld [tilespmem:s7+$0xFFFFFFE0]  }
0x57b: {  	v5 =	vsub.f32 v9, v6;
	v9 =	vld [tilespmem:s10+$0xFFFFFFF0];
	v1 =	vadd.f32 v2, v1  }
0x57c: {  	v2 =	vld [tilespmem:s7+$0xFFFFFFF0]  }
0x57d: {  	v1 =	vadd.f32 v5, v1;
	v3 =	vsub.f32 v8, v3;
	v8 =	vld [tilespmem:s10+$0x0]  }
0x57e: {  	v10 =	vld [tilespmem:s7+$0x0]  }
0x57f: {  	v1 =	vadd.f32 v3, v1;
	v3 =	vsub.f32 v7, v4;
	v5 =	vld [tilespmem:s10+$0x10]  }
.Ltmp12:
0x580: {  	v6 =	vld [tilespmem:s7+$0x10];
	(pc) =	sbr.rel @p0 .LBB2_26-.Ltmp12, $4  }
0x581: {  	v4 =	vadd.f32 v3, v1;
	v2 =	vsub.f32 v9, v2;
	v1 =	vld [tilespmem:s10+$0x20]  }
0x582: {  	v3 =	vld [tilespmem:s7+$0x20]  }
0x583: {  	v7 =	vadd.f32 v2, v4;
	v8 =	vsub.f32 v8, v10;
	v2 =	vld [tilespmem:s10+$0x30]  }
0x584: {  	s10 =	sadd.s32 $0x80, s10;
	v4 =	vld [tilespmem:s7+$0x30]  }
0x585: {  	_ =	swait.ge [sflag:s17], $0x2000  }
0x586: {  	[sflag:s17] =	ssyncset.done $0x0  }
0x587: {  	[sflag:s17] =	ssyncadd.s32 $0xFFFFE000  }
0x588: {  	_ =	swait.ge [sflag:s17], $0x2000  }
0x589: {  	[sflag:s17] =	ssyncset.done $0x0  }
0x58a: {  	[sflag:s17] =	ssyncadd.s32 $0xFFFFE000  }
0x58b: {  	_ =	swait.ge [sflag:s17], $0x2000  }
0x58c: {  	[sflag:s17] =	ssyncset.done $0x0  }
0x58d: {  	s29 =	simm.s32 $0x6040;
	[sflag:s17] =	ssyncadd.s32 $0xFFFFE000  }
0x58e: {  	s14 =	simm.s32 $0x2040;
	v9 =	vld [tilespmem:s29+$0xFFFFFFC0]  }
0x58f: {  	s10 =	simm.s32 $0xA040;
	v10 =	vld [tilespmem:s14+$0xFFFFFFC0]  }
0x590: {  	v11 =	vld [tilespmem:s10+$0xFFFFFFC0];
	_ =	sdelay $0x2  }
0x591: {  	s7 =	sadd.s32 $0xFFFFFF90, s6  }
0x592: {  	v12 =	vor.u32 s7, v0;
	v9 =	vshll.u32 v9, $0x12;
	v10 =	vshll.u32 v10, $0x12  }
0x593: {  	vm0 =	veq.s32 v11, $0x0;
	v9 =	vadd.s32 v12, v9;
	v10 =	vadd.s32 v12, v10  }
0x594: {  	s7 =	simm.s32 $0xE040;
	v10 =	vsel vm0, v9, v10  }
0x595: {  	s8 =	simm.s32 $0x12040;
	[tilespmem:s7+$0xFFFFFFC0] =	vst v10  }
0x596: {  	[tilespmem:s8+$0xFFFFFFC0] =	vst v9  }
0x597: {  	v9 =	vld [tilespmem:s29+$0xFFFFFFD0]  }
0x598: {  	v10 =	vld [tilespmem:s14+$0xFFFFFFD0]  }
0x599: {  	v50 =	vld [tilespmem:s10+$0xFFFFFFD0];
	_ =	sdelay $0x2  }
0x59a: {  	s11 =	sadd.s32 $0xFFFFFFA0, s6  }
0x59b: {  	v51 =	vor.u32 s11, v0;
	v9 =	vshll.u32 v9, $0x12;
	v10 =	vshll.u32 v10, $0x12  }
0x59c: {  	vm10 =	veq.s32 v50, $0x0;
	v9 =	vadd.s32 v51, v9;
	v10 =	vadd.s32 v51, v10  }
0x59d: {  	v10 =	vsel vm10, v9, v10  }
0x59e: {  	[tilespmem:s7+$0xFFFFFFD0] =	vst v10  }
0x59f: {  	[tilespmem:s8+$0xFFFFFFD0] =	vst v9  }
0x5a0: {  	v9 =	vld [tilespmem:s29+$0xFFFFFFE0]  }
0x5a1: {  	v10 =	vld [tilespmem:s14+$0xFFFFFFE0]  }
0x5a2: {  	v52 =	vld [tilespmem:s10+$0xFFFFFFE0];
	_ =	sdelay $0x2  }
0x5a3: {  	s13 =	sadd.s32 $0xFFFFFFB0, s6  }
0x5a4: {  	v53 =	vor.u32 s13, v0;
	v9 =	vshll.u32 v9, $0x12;
	v10 =	vshll.u32 v10, $0x12  }
0x5a5: {  	vm11 =	veq.s32 v52, $0x0;
	v9 =	vadd.s32 v53, v9;
	v10 =	vadd.s32 v53, v10  }
0x5a6: {  	v10 =	vsel vm11, v9, v10  }
0x5a7: {  	[tilespmem:s7+$0xFFFFFFE0] =	vst v10  }
0x5a8: {  	[tilespmem:s8+$0xFFFFFFE0] =	vst v9  }
0x5a9: {  	v9 =	vld [tilespmem:s29+$0xFFFFFFF0]  }
0x5aa: {  	v10 =	vld [tilespmem:s14+$0xFFFFFFF0]  }
0x5ab: {  	v54 =	vld [tilespmem:s10+$0xFFFFFFF0];
	_ =	sdelay $0x2  }
0x5ac: {  	s15 =	sadd.s32 $0xFFFFFFC0, s6  }
0x5ad: {  	v55 =	vor.u32 s15, v0;
	v9 =	vshll.u32 v9, $0x12;
	v10 =	vshll.u32 v10, $0x12  }
0x5ae: {  	vm12 =	veq.s32 v54, $0x0;
	v9 =	vadd.s32 v55, v9;
	v10 =	vadd.s32 v55, v10  }
0x5af: {  	v10 =	vsel vm12, v9, v10  }
0x5b0: {  	[tilespmem:s7+$0xFFFFFFF0] =	vst v10  }
0x5b1: {  	[tilespmem:s8+$0xFFFFFFF0] =	vst v9  }
0x5b2: {  	v9 =	vld [tilespmem:s29+$0x0]  }
0x5b3: {  	v10 =	vld [tilespmem:s14+$0x0]  }
0x5b4: {  	v56 =	vld [tilespmem:s10+$0x0];
	_ =	sdelay $0x2  }
0x5b5: {  	s16 =	sadd.s32 $0xFFFFFFD0, s6  }
0x5b6: {  	v57 =	vor.u32 s16, v0;
	v9 =	vshll.u32 v9, $0x12;
	v10 =	vshll.u32 v10, $0x12  }
0x5b7: {  	vm13 =	veq.s32 v56, $0x0;
	v9 =	vadd.s32 v57, v9;
	v10 =	vadd.s32 v57, v10  }
0x5b8: {  	v10 =	vsel vm13, v9, v10  }
0x5b9: {  	[tilespmem:s7+$0x0] =	vst v10  }
0x5ba: {  	[tilespmem:s8+$0x0] =	vst v9  }
0x5bb: {  	v9 =	vld [tilespmem:s14+$0x10]  }
0x5bc: {  	v10 =	vld [tilespmem:s29+$0x10]  }
0x5bd: {  	v58 =	vld [tilespmem:s10+$0x10];
	_ =	sdelay $0x2  }
0x5be: {  	s18 =	sadd.s32 $0xFFFFFFE0, s6  }
0x5bf: {  	v59 =	vor.u32 s18, v0;
	v9 =	vshll.u32 v9, $0x12;
	v10 =	vshll.u32 v10, $0x12  }
0x5c0: {  	vm14 =	veq.s32 v58, $0x0;
	v10 =	vadd.s32 v59, v10;
	v9 =	vadd.s32 v59, v9  }
0x5c1: {  	v9 =	vsel vm14, v10, v9  }
0x5c2: {  	[tilespmem:s7+$0x10] =	vst v9  }
0x5c3: {  	[tilespmem:s8+$0x10] =	vst v10  }
0x5c4: {  	v9 =	vld [tilespmem:s29+$0x20]  }
0x5c5: {  	v10 =	vld [tilespmem:s14+$0x20]  }
0x5c6: {  	v60 =	vld [tilespmem:s10+$0x20];
	_ =	sdelay $0x2  }
0x5c7: {  	v7 =	vadd.f32 v8, v7;
	v5 =	vsub.f32 v5, v6;
	s20 =	sadd.s32 $0xFFFFFFF0, s6  }
0x5c8: {  	v62 =	vor.u32 s20, v0;
	v61 =	vshll.u32 v9, $0x12;
	v63 =	vshll.u32 v10, $0x12  }
0x5c9: {  	vm15 =	veq.s32 v60, $0x0;
	v6 =	vadd.s32 v62, v61;
	v8 =	vadd.s32 v62, v63  }
0x5ca: {  	v5 =	vadd.f32 v5, v7;
	v1 =	vsub.f32 v1, v3;
	v3 =	vsel vm15, v6, v8  }
0x5cb: {  	[tilespmem:s7+$0x20] =	vst v3  }
0x5cc: {  	s31 =	smov.u32 s6;
	v1 =	vadd.f32 v1, v5;
	v3 =	vsub.f32 v2, v4;
	[tilespmem:s8+$0x20] =	vst v6  }
0x5cd: {  	s11 =	simm.s32 $0x0;
	s13 =	simm.s32 $0x120C0;
	s15 =	simm.s32 $0xA0C0;
	v2 =	vld [tilespmem:s29+$0x30]  }
0x5ce: {  	s16 =	simm.s32 $0xE0C0;
	s18 =	smov.u32 s6;
	v1 =	vadd.f32 v3, v1;
	v3 =	vld [tilespmem:s14+$0x30];
	s14 =	simm.s32 $0x20C0  }
.LBB2_28:
0x5cf: {  	s11 =	sadd.s32 $0x8, s11;
	v4 =	vld [tilespmem:s10+$0x30];
	s18 =	sadd.s32 $0x80, s18;
	s29 =	sadd.s32 $0x80, s29  }
0x5d0: {  	s10 =	smov.u32 s15;
	p0 =	slt.u32 s11, $0x1F8;
	_ =	sdelay $0x1  }
0x5d1: {  	v2 =	vshll.u32 v2, $0x12  }
0x5d2: {  	v5 =	vor.u32 s31, v0;
	s31 =	smov.u32 s18;
	v3 =	vshll.u32 v3, $0x12  }
0x5d3: {  	v2 =	vadd.s32 v5, v2;
	v3 =	vadd.s32 v5, v3;
	vm0 =	veq.s32 v4, $0x0  }
0x5d4: {  	v3 =	vsel vm0, v2, v3  }
0x5d5: {  	[tilespmem:s7+$0x30] =	vst v3;
	s7 =	smov.u32 s16  }
0x5d6: {  	[tilespmem:s8+$0x30] =	vst v2;
	s8 =	smov.u32 s13  }
0x5d7: {  	v2 =	vld [tilespmem:s15+$0xFFFFFFC0]  }
0x5d8: {  	v3 =	vld [tilespmem:s29+$0xFFFFFFC0]  }
0x5d9: {  	v4 =	vld [tilespmem:s14+$0xFFFFFFC0];
	_ =	sdelay $0x2  }
0x5da: {  	s20 =	sadd.s32 $0xFFFFFF90, s18  }
0x5db: {  	v5 =	vor.u32 s20, v0;
	v3 =	vshll.u32 v3, $0x12  }
0x5dc: {  	vm0 =	veq.s32 v2, $0x0;
	v3 =	vadd.s32 v5, v3;
	v4 =	vshll.u32 v4, $0x12  }
0x5dd: {  	v2 =	vadd.s32 v5, v4  }
0x5de: {  	v2 =	vsel vm0, v3, v2  }
0x5df: {  	[tilespmem:s16+$0xFFFFFFC0] =	vst v2  }
0x5e0: {  	[tilespmem:s13+$0xFFFFFFC0] =	vst v3  }
0x5e1: {  	v2 =	vld [tilespmem:s29+$0xFFFFFFD0]  }
0x5e2: {  	v3 =	vld [tilespmem:s14+$0xFFFFFFD0]  }
0x5e3: {  	v4 =	vld [tilespmem:s15+$0xFFFFFFD0];
	_ =	sdelay $0x2  }
0x5e4: {  	s20 =	sadd.s32 $0xFFFFFFA0, s18;
	v2 =	vshll.u32 v2, $0x12  }
0x5e5: {  	v5 =	vor.u32 s20, v0;
	v3 =	vshll.u32 v3, $0x12  }
0x5e6: {  	v2 =	vadd.s32 v5, v2;
	v3 =	vadd.s32 v5, v3;
	vm0 =	veq.s32 v4, $0x0  }
0x5e7: {  	v3 =	vsel vm0, v2, v3  }
0x5e8: {  	[tilespmem:s16+$0xFFFFFFD0] =	vst v3  }
0x5e9: {  	[tilespmem:s13+$0xFFFFFFD0] =	vst v2  }
0x5ea: {  	v2 =	vld [tilespmem:s29+$0xFFFFFFE0]  }
0x5eb: {  	v3 =	vld [tilespmem:s14+$0xFFFFFFE0]  }
0x5ec: {  	v4 =	vld [tilespmem:s15+$0xFFFFFFE0];
	_ =	sdelay $0x2  }
0x5ed: {  	s20 =	sadd.s32 $0xFFFFFFB0, s18;
	v2 =	vshll.u32 v2, $0x12  }
0x5ee: {  	v5 =	vor.u32 s20, v0;
	v3 =	vshll.u32 v3, $0x12  }
0x5ef: {  	v2 =	vadd.s32 v5, v2;
	v3 =	vadd.s32 v5, v3;
	vm0 =	veq.s32 v4, $0x0  }
0x5f0: {  	v3 =	vsel vm0, v2, v3  }
0x5f1: {  	[tilespmem:s16+$0xFFFFFFE0] =	vst v3  }
0x5f2: {  	[tilespmem:s13+$0xFFFFFFE0] =	vst v2  }
0x5f3: {  	v2 =	vld [tilespmem:s29+$0xFFFFFFF0]  }
0x5f4: {  	v3 =	vld [tilespmem:s14+$0xFFFFFFF0]  }
0x5f5: {  	v4 =	vld [tilespmem:s15+$0xFFFFFFF0];
	_ =	sdelay $0x2  }
0x5f6: {  	s20 =	sadd.s32 $0xFFFFFFC0, s18;
	v2 =	vshll.u32 v2, $0x12  }
0x5f7: {  	v5 =	vor.u32 s20, v0;
	v3 =	vshll.u32 v3, $0x12  }
0x5f8: {  	v2 =	vadd.s32 v5, v2;
	v3 =	vadd.s32 v5, v3;
	vm0 =	veq.s32 v4, $0x0  }
0x5f9: {  	v3 =	vsel vm0, v2, v3  }
0x5fa: {  	[tilespmem:s16+$0xFFFFFFF0] =	vst v3  }
0x5fb: {  	[tilespmem:s13+$0xFFFFFFF0] =	vst v2  }
0x5fc: {  	v2 =	vld [tilespmem:s29+$0x0]  }
0x5fd: {  	v3 =	vld [tilespmem:s14+$0x0]  }
0x5fe: {  	v4 =	vld [tilespmem:s15+$0x0];
	_ =	sdelay $0x2  }
0x5ff: {  	s20 =	sadd.s32 $0xFFFFFFD0, s18;
	v2 =	vshll.u32 v2, $0x12  }
0x600: {  	v5 =	vor.u32 s20, v0;
	v3 =	vshll.u32 v3, $0x12  }
0x601: {  	v2 =	vadd.s32 v5, v2;
	v3 =	vadd.s32 v5, v3;
	vm0 =	veq.s32 v4, $0x0  }
0x602: {  	v3 =	vsel vm0, v2, v3  }
0x603: {  	[tilespmem:s16+$0x0] =	vst v3  }
0x604: {  	[tilespmem:s13+$0x0] =	vst v2  }
0x605: {  	v2 =	vld [tilespmem:s14+$0x10]  }
0x606: {  	v3 =	vld [tilespmem:s29+$0x10]  }
0x607: {  	v4 =	vld [tilespmem:s15+$0x10];
	_ =	sdelay $0x2  }
0x608: {  	s20 =	sadd.s32 $0xFFFFFFE0, s18;
	v2 =	vshll.u32 v2, $0x12  }
0x609: {  	v5 =	vor.u32 s20, v0;
	v3 =	vshll.u32 v3, $0x12  }
0x60a: {  	v2 =	vadd.s32 v5, v2;
	v3 =	vadd.s32 v5, v3;
	vm0 =	veq.s32 v4, $0x0  }
0x60b: {  	v2 =	vsel vm0, v3, v2  }
0x60c: {  	[tilespmem:s16+$0x10] =	vst v2  }
0x60d: {  	[tilespmem:s13+$0x10] =	vst v3  }
0x60e: {  	v2 =	vld [tilespmem:s29+$0x20]  }
0x60f: {  	v3 =	vld [tilespmem:s14+$0x20]  }
0x610: {  	v4 =	vld [tilespmem:s15+$0x20];
	_ =	sdelay $0x2  }
0x611: {  	s20 =	sadd.s32 $0xFFFFFFF0, s18;
	v2 =	vshll.u32 v2, $0x12  }
0x612: {  	v5 =	vor.u32 s20, v0;
	v3 =	vshll.u32 v3, $0x12  }
0x613: {  	v2 =	vadd.s32 v5, v2;
	v3 =	vadd.s32 v5, v3;
	vm0 =	veq.s32 v4, $0x0  }
.Ltmp13:
0x614: {  	v3 =	vsel vm0, v2, v3;
	(pc) =	sbr.rel @p0 .LBB2_28-.Ltmp13, $4  }
0x615: {  	[tilespmem:s16+$0x20] =	vst v3  }
0x616: {  	[tilespmem:s13+$0x20] =	vst v2  }
0x617: {  	s13 =	sadd.s32 $0x80, s13;
	v2 =	vld [tilespmem:s29+$0x30]  }
0x618: {  	s15 =	sadd.s32 $0x80, s15;
	s16 =	sadd.s32 $0x80, s16;
	v3 =	vld [tilespmem:s14+$0x30];
	s14 =	sadd.s32 $0x80, s14  }
0x619: {  	v4 =	vld [tilespmem:s10+$0x30];
	_ =	sdelay $0x3  }
0x61a: {  	v5 =	vor.u32 s31, v0;
	v2 =	vshll.u32 v2, $0x12;
	v3 =	vshll.u32 v3, $0x12  }
0x61b: {  	v2 =	vadd.s32 v5, v2;
	v3 =	vadd.s32 v5, v3;
	vm0 =	veq.s32 v4, $0x0  }
0x61c: {  	v3 =	vsel vm0, v2, v3  }
0x61d: {  	[tilespmem:s7+$0x30] =	vst v3  }
0x61e: {  	s18 =	simm.s32 $0xE000;
	s20 =	simm.s32 $0x16000;
	[tilespmem:s8+$0x30] =	vst v2  }
0x61f: {  	[tilespmem:s20], [sflag:$0x4] =	stream.indirect.gather [hbm4b:s26+s9], $0x1, s18, s9, $0xb8;
	[tilespmem:$0x1C080] =	vst v63  }
0x620: {  	s29 =	simm.s32 $0x12000  }
0x621: {  	[tilespmem:s21], [sflag:$0x6] =	stream.indirect.gather [hbm4b:s26+s9], $0x1, s29, s9, $0xb8;
	[tilespmem:$0x1C080] =	vst v63  }
0x622: {  	_ =	swait.ge [sflag:s22], $0x2000  }
0x623: {  	[sflag:s22] =	ssyncset.done $0x0  }
0x624: {  	[sflag:s22] =	ssyncadd.s32 $0xFFFFE000  }
0x625: {  	_ =	swait.ge [sflag:s24], $0x2000  }
0x626: {  	[sflag:s24] =	ssyncset.done $0x0  }
0x627: {  	s31 =	simm.s32 $0x14040;
	[sflag:s24] =	ssyncadd.s32 $0xFFFFE000  }
0x628: {  	s7 =	simm.s32 $0x18040;
	v2 =	vld [tilespmem:s31+$0xFFFFFFC0]  }
0x629: {  	v3 =	vld [tilespmem:s7+$0xFFFFFFC0]  }
0x62a: {  	v4 =	vld [tilespmem:s31+$0xFFFFFFD0]  }
0x62b: {  	v5 =	vld [tilespmem:s7+$0xFFFFFFD0]  }
0x62c: {  	v6 =	vld [tilespmem:s31+$0xFFFFFFE0]  }
0x62d: {  	v7 =	vld [tilespmem:s7+$0xFFFFFFE0]  }
0x62e: {  	v8 =	vld [tilespmem:s31+$0xFFFFFFF0];
	v2 =	vsub.f32 v2, v3  }
0x62f: {  	v9 =	vld [tilespmem:s7+$0xFFFFFFF0]  }
0x630: {  	v10 =	vld [tilespmem:s31+$0x0];
	v1 =	vadd.f32 v2, v1;
	v2 =	vsub.f32 v4, v5  }
0x631: {  	v5 =	vld [tilespmem:s7+$0x0]  }
0x632: {  	v3 =	vld [tilespmem:s31+$0x10];
	v4 =	vsub.f32 v6, v7;
	v2 =	vadd.f32 v2, v1  }
0x633: {  	v6 =	vld [tilespmem:s7+$0x10]  }
0x634: {  	v8 =	vsub.f32 v8, v9;
	v1 =	vld [tilespmem:s31+$0x20];
	v7 =	vadd.f32 v4, v2  }
0x635: {  	v4 =	vld [tilespmem:s7+$0x20]  }
0x636: {  	v2 =	vld [tilespmem:s31+$0x30];
	v7 =	vadd.f32 v8, v7;
	v8 =	vsub.f32 v10, v5  }
0x637: {  	s10 =	simm.s32 $0x140C0;
	s8 =	simm.s32 $0x0;
	v5 =	vld [tilespmem:s7+$0x30]  }
.LBB2_30:
0x638: {  	v9 =	vld [tilespmem:s10+$0xFFFFFFC0];
	v7 =	vadd.f32 v8, v7;
	v3 =	vsub.f32 v3, v6;
	s7 =	sadd.s32 $0x80, s7  }
0x639: {  	s8 =	sadd.s32 $0x8, s8;
	v6 =	vld [tilespmem:s7+$0xFFFFFFC0]  }
0x63a: {  	p0 =	slt.u32 s8, $0x1F8;
	v8 =	vld [tilespmem:s10+$0xFFFFFFD0];
	v3 =	vadd.f32 v3, v7;
	v1 =	vsub.f32 v1, v4  }
0x63b: {  	v4 =	vld [tilespmem:s7+$0xFFFFFFD0]  }
0x63c: {  	v7 =	vld [tilespmem:s10+$0xFFFFFFE0];
	v1 =	vadd.f32 v1, v3;
	v2 =	vsub.f32 v2, v5  }
0x63d: {  	v3 =	vld [tilespmem:s7+$0xFFFFFFE0]  }
0x63e: {  	v5 =	vsub.f32 v9, v6;
	v9 =	vld [tilespmem:s10+$0xFFFFFFF0];
	v1 =	vadd.f32 v2, v1  }
0x63f: {  	v2 =	vld [tilespmem:s7+$0xFFFFFFF0]  }
0x640: {  	v1 =	vadd.f32 v5, v1;
	v4 =	vsub.f32 v8, v4;
	v5 =	vld [tilespmem:s10+$0x0]  }
0x641: {  	v8 =	vld [tilespmem:s7+$0x0]  }
0x642: {  	v1 =	vadd.f32 v4, v1;
	v4 =	vsub.f32 v7, v3;
	v3 =	vld [tilespmem:s10+$0x10]  }
.Ltmp14:
0x643: {  	v6 =	vld [tilespmem:s7+$0x10];
	(pc) =	sbr.rel @p0 .LBB2_30-.Ltmp14, $4  }
0x644: {  	v7 =	vadd.f32 v4, v1;
	v2 =	vsub.f32 v9, v2;
	v1 =	vld [tilespmem:s10+$0x20]  }
0x645: {  	v4 =	vld [tilespmem:s7+$0x20]  }
0x646: {  	v7 =	vadd.f32 v2, v7;
	v8 =	vsub.f32 v5, v8;
	v2 =	vld [tilespmem:s10+$0x30]  }
0x647: {  	s10 =	sadd.s32 $0x80, s10;
	v5 =	vld [tilespmem:s7+$0x30]  }
0x648: {  	_ =	swait.ge [sflag:s25], $0x2000  }
0x649: {  	[sflag:s25] =	ssyncset.done $0x0  }
0x64a: {  	[sflag:s25] =	ssyncadd.s32 $0xFFFFE000  }
0x64b: {  	_ =	swait.ge [sflag:s28], $0x2000  }
0x64c: {  	[sflag:s28] =	ssyncset.done $0x0  }
0x64d: {  	s8 =	simm.s32 $0x16040;
	[sflag:s28] =	ssyncadd.s32 $0xFFFFE000  }
0x64e: {  	s7 =	simm.s32 $0x1A040;
	v7 =	vadd.f32 v8, v7;
	v3 =	vsub.f32 v3, v6;
	v9 =	vld [tilespmem:s8+$0xFFFFFFC0]  }
0x64f: {  	v6 =	vld [tilespmem:s7+$0xFFFFFFC0]  }
0x650: {  	v3 =	vadd.f32 v3, v7;
	v1 =	vsub.f32 v1, v4;
	v8 =	vld [tilespmem:s8+$0xFFFFFFD0]  }
0x651: {  	v4 =	vld [tilespmem:s7+$0xFFFFFFD0]  }
0x652: {  	v1 =	vadd.f32 v1, v3;
	v2 =	vsub.f32 v2, v5;
	v7 =	vld [tilespmem:s8+$0xFFFFFFE0]  }
0x653: {  	v3 =	vld [tilespmem:s7+$0xFFFFFFE0]  }
0x654: {  	v10 =	vld [tilespmem:s8+$0xFFFFFFF0];
	v1 =	vadd.f32 v2, v1;
	v2 =	vsub.f32 v9, v6  }
0x655: {  	v6 =	vld [tilespmem:s7+$0xFFFFFFF0]  }
0x656: {  	v9 =	vld [tilespmem:s8+$0x0];
	v4 =	vsub.f32 v8, v4;
	v1 =	vadd.f32 v2, v1  }
0x657: {  	v8 =	vld [tilespmem:s7+$0x0]  }
0x658: {  	v5 =	vld [tilespmem:s7+$0x10];
	v3 =	vsub.f32 v7, v3;
	v4 =	vadd.f32 v4, v1  }
0x659: {  	v2 =	vld [tilespmem:s8+$0x10]  }
0x65a: {  	v1 =	vld [tilespmem:s8+$0x20];
	v6 =	vsub.f32 v10, v6;
	v7 =	vadd.f32 v3, v4  }
0x65b: {  	v4 =	vld [tilespmem:s7+$0x20]  }
0x65c: {  	v8 =	vsub.f32 v9, v8;
	v3 =	vld [tilespmem:s8+$0x30];
	v7 =	vadd.f32 v6, v7  }
0x65d: {  	s10 =	simm.s32 $0x160C0;
	s8 =	simm.s32 $0x0;
	v6 =	vld [tilespmem:s7+$0x30]  }
.LBB2_32:
0x65e: {  	v9 =	vld [tilespmem:s10+$0xFFFFFFC0];
	v7 =	vadd.f32 v8, v7;
	v2 =	vsub.f32 v2, v5;
	s7 =	sadd.s32 $0x80, s7  }
0x65f: {  	s8 =	sadd.s32 $0x8, s8;
	v5 =	vld [tilespmem:s7+$0xFFFFFFC0]  }
0x660: {  	p0 =	slt.u32 s8, $0x1F8;
	v8 =	vld [tilespmem:s10+$0xFFFFFFD0];
	v2 =	vadd.f32 v2, v7;
	v1 =	vsub.f32 v1, v4  }
0x661: {  	v4 =	vld [tilespmem:s7+$0xFFFFFFD0]  }
0x662: {  	v7 =	vld [tilespmem:s10+$0xFFFFFFE0];
	v1 =	vadd.f32 v1, v2;
	v2 =	vsub.f32 v3, v6  }
0x663: {  	v3 =	vld [tilespmem:s7+$0xFFFFFFE0]  }
0x664: {  	v5 =	vsub.f32 v9, v5;
	v6 =	vld [tilespmem:s10+$0xFFFFFFF0];
	v1 =	vadd.f32 v2, v1  }
0x665: {  	v9 =	vld [tilespmem:s7+$0xFFFFFFF0]  }
0x666: {  	v1 =	vadd.f32 v5, v1;
	v2 =	vsub.f32 v8, v4;
	v8 =	vld [tilespmem:s10+$0x0]  }
0x667: {  	v10 =	vld [tilespmem:s7+$0x0]  }
0x668: {  	v1 =	vadd.f32 v2, v1;
	v3 =	vsub.f32 v7, v3;
	v2 =	vld [tilespmem:s10+$0x10]  }
.Ltmp15:
0x669: {  	v5 =	vld [tilespmem:s7+$0x10];
	(pc) =	sbr.rel @p0 .LBB2_32-.Ltmp15, $4  }
0x66a: {  	v3 =	vadd.f32 v3, v1;
	v6 =	vsub.f32 v6, v9;
	v1 =	vld [tilespmem:s10+$0x20]  }
0x66b: {  	v4 =	vld [tilespmem:s7+$0x20]  }
0x66c: {  	v7 =	vadd.f32 v6, v3;
	v8 =	vsub.f32 v8, v10;
	v3 =	vld [tilespmem:s10+$0x30]  }
0x66d: {  	s10 =	sadd.s32 $0x80, s10;
	v6 =	vld [tilespmem:s7+$0x30]  }
0x66e: {  	v7 =	vadd.f32 v8, v7;
	v2 =	vsub.f32 v2, v5;
	_ =	sdelay $0x1  }
0x66f: {  	v2 =	vadd.f32 v2, v7;
	v1 =	vsub.f32 v1, v4;
	_ =	sdelay $0x1  }
0x670: {  	v1 =	vadd.f32 v1, v2;
	v2 =	vsub.f32 v3, v6;
	_ =	sdelay $0x1  }
0x671: {  	v1 =	vadd.f32 v2, v1;
	_ =	sdelay $0x1  }
0x672: {  	s7 =	rddreg [dreg:$0x1d];
	s8 =	simm.s32 $0x1C000;
	s29 =	simm.s32 $0x7;
	[tilespmem:$0x1C000] =	vst v1  }
0x673: {  	[hbm4b:s7+s1] =	stream.linear.scatter [tilespmem:s8], [sflag:$0x7], $0x80, $0x38;
	[tilespmem:$0x1C080] =	vst v63  }
0x674: {  	_ =	swait.ge [sflag:s29], $0x80  }
0x675: {  	s30 =	sadd.s32 $0x1, s30;
	s31 =	rddreg [dreg:$0x1e]  }
0x676: {  	p0 =	sne.s32 s30, s31  }
.Ltmp16:
0x677: {  	_ = 	snop;
	(pc) =	sbr.rel @p0 .LBB2_1-.Ltmp16, $3  }
0x678: {  	_ =	sdelay $0x1  }
0x679: {  	[sflag:s29] =	ssyncset.done $0x0  }
0x67a: {  	[sflag:s29] =	ssyncadd.s32 $0xFFFFFF80  }
0x67b: {  	_ =	sfence.sel $0x180000  }
0x67c: {  	[bflag:$0x0] =	sbarrier.arrive $0xFFFF  }
0x67d: {  	_ =	strace $0x90000047  }
0x67e: {  	s0 =	stileid.u32;
	[bflag:$0x2] =	sbarrier.arrive $0xFFFF  }
0x67f: {  	p0 =	sne.s32 s0, $0x0;
	s0 =	rddreg [dreg:$0x4]  }
0x680: {  	s0 =	sadd.s32 @!p0 $0x100000, s0  }
0x681: {  	[sflag:s0] =	ssyncadd.tile.s32 @!p0 $0x1;
	_ =	shalt  }
.Lfunc_end2:
_tile_overlayer_lowered:
.L_overlay_start_2:
0x682: {  	(tag) =	ssettag $0x2  }
0x683: {  	s0 =	rddreg [dreg:$0x0];
	s2 =	stileid.u32  }
0x684: {  	s1 =	rddreg [dreg:$0x1];
	p0 =	sne.s32 s2, $0x0  }
0x685: {  	s3 =	rddreg [dreg:$0x2];
	[bflag:$0x3] =	sbarrier.arrive $0xFFFF;
	s2 =	simm.s32 @!p0 $0x1C07  }
0x686: {  	[timem:s3], [sflag:s2] =	dma.local @!p0 [hbm:s0], s1  }
0x687: {  	s0 =	simm.s32 @!p0 $0x7  }
0x688: {  	_ =	swait.ge @!p0 [sflag:s0], s1  }
0x689: {  	s1 =	ssub.s32 @!p0 $0x0, s1;
	[sflag:s0] =	ssyncset.done @!p0 $0x0  }
0x68a: {  	[sflag:s0] =	ssyncadd.s32 @!p0 s1  }
0x68b: {  	[bflag:$0x3] =	sbarrier.arrive $0xFFFF  }
0x68c: {  	_ =	shalt  }

</sc_bundles>
